<compile_context>
chip_gen: v7x
topology: tpu7x:2x2x1
jax: 0.10.2.dev20260603
libtpu: 0.0.44.dev20260713+nightly
codegen_flags: <defaults>
</compile_context>

<pallas_src>
import functools

import jax
import jax.numpy as jnp
from jax import lax
from jax.experimental import pallas as pl
from jax.experimental.pallas import tpu as pltpu
from jax.experimental.pallas import tpu_sc as plsc

NUM_CLASSES = 80
K = 300
KPAD = 384
CH = 128
NCHUNK = 12500
HALFR = 6250
HPAD = 6272
NCPAD = 2 * HPAD
WIN = 16384
NWIN = 48
TROWS = HALFR - NWIN * 128
MSEL = 512
CCAP = 640
NSUP = NCPAD // 16
C2CAP = 320
NQ = 20000
NEG_INF = float("-inf")
IMIN = -0x80000000


def _iota16():
    return lax.broadcasted_iota(jnp.int32, (16,), 0)


def _splat_i(x):
    return jnp.zeros((16,), jnp.int32) + x


def _splat_f(x):
    return jnp.zeros((16,), jnp.float32) + x


def _float_of_key(k):
    b = jnp.where(k < 0, k ^ jnp.int32(0x7FFFFFFF), k)
    return lax.bitcast_convert_type(b, jnp.float32)


def _sc_body(logits1_hbm, logits_hbm, bx_hbm, by_hbm, bw_hbm, bh_hbm,
             labels_hbm, oboxes_hbm, scores_hbm,
             win_v, maxloc_v, maxful_v, sup_v, ids_v, gath_v,
             candv_v, candi_v, c2v_v, c2i_v, outv_v, outi_v,
             labels_v, scores_v, qrow_v, bgx_v, bgy_v, bgw_v, bgh_v, obox_v,
             shared_max, sem):
    cid_ = lax.axis_index("c")
    sid = lax.axis_index("s")
    b = cid_ * 8 + lax.rem(sid, 8)
    h = sid // 8
    base_el = b * (NCHUNK * CH) + h * (HALFR * CH)
    lanes = _iota16()
    ninf16 = jnp.full((16,), NEG_INF, jnp.float32)

    def block_max(rbase):
        def j_body(j, accs):
            a0, a1, a2, a3 = accs
            jb = j * 8
            a0 = jnp.maximum(a0, plsc.load_gather(win_v, [rbase + jb]))
            a1 = jnp.maximum(a1, plsc.load_gather(win_v, [rbase + jb + 1]))
            a2 = jnp.maximum(a2, plsc.load_gather(win_v, [rbase + jb + 2]))
            a3 = jnp.maximum(a3, plsc.load_gather(win_v, [rbase + jb + 3]))
            a0 = jnp.maximum(a0, plsc.load_gather(win_v, [rbase + jb + 4]))
            a1 = jnp.maximum(a1, plsc.load_gather(win_v, [rbase + jb + 5]))
            a2 = jnp.maximum(a2, plsc.load_gather(win_v, [rbase + jb + 6]))
            a3 = jnp.maximum(a3, plsc.load_gather(win_v, [rbase + jb + 7]))
            return (a0, a1, a2, a3)

        a0, a1, a2, a3 = lax.fori_loop(0, CH // 8, j_body,
                                       (ninf16, ninf16, ninf16, ninf16))
        return jnp.maximum(jnp.maximum(a0, a1), jnp.maximum(a2, a3))

    def win_body(w, _):
        pltpu.sync_copy(logits1_hbm.at[pl.ds(base_el + w * WIN, WIN)], win_v)

        def blk_body(rb, _):
            acc = block_max((rb * 16 + lanes) * CH)
            maxloc_v[pl.ds(w * 128 + rb * 16, 16)] = acc
            return 0

        lax.fori_loop(0, 8, blk_body, 0)
        return 0

    lax.fori_loop(0, NWIN, win_body, 0)

    pltpu.sync_copy(logits1_hbm.at[pl.ds(base_el + NWIN * WIN, TROWS * CH)],
                    win_v.at[pl.ds(0, TROWS * CH)])
    for rb in range(8):
        if rb == 7:
            acc = ninf16
        else:
            rl = rb * 16 + lanes
            acc = block_max(jnp.minimum(rl, TROWS - 1) * CH)
            if rb == 6:
                acc = jnp.where(rl < TROWS, acc, ninf16)
        maxloc_v[pl.ds(NWIN * 128 + rb * 16, 16)] = acc

    srow = lax.rem(sid, 8) * NCPAD
    pltpu.sync_copy(maxloc_v, shared_max.at[pl.ds(srow + h * HPAD, HPAD)])
    plsc.subcore_barrier()

    @pl.when(h == 0)
    def _phase2():
        pltpu.sync_copy(shared_max.at[pl.ds(srow, NCPAD)], maxful_v)

        def sup_body(i, _):
            sbase = (i * 16 + lanes) * 16
            a0, a1 = ninf16, ninf16
            for j in range(0, 16, 2):
                a0 = jnp.maximum(a0, plsc.load_gather(maxful_v, [sbase + j]))
                a1 = jnp.maximum(a1, plsc.load_gather(maxful_v, [sbase + j + 1]))
            sup_v[pl.ds(i * 16, 16)] = jnp.maximum(a0, a1)
            return 0

        lax.fori_loop(0, NSUP // 16, sup_body, 0)

        def count_sup(tf):
            cvec = jnp.zeros((16,), jnp.int32)
            for i in range(NSUP // 16):
                m = sup_v[pl.ds(i * 16, 16)]
                cvec = cvec + jnp.where(m >= tf, 1, 0).astype(jnp.int32)
            return jnp.sum(cvec)

        def bs_body(_, carry):
            lo, hi = carry
            mid = (lo >> 1) + (hi >> 1) + (lo & hi & 1)
            big = count_sup(_float_of_key(mid)) >= K
            return (jnp.where(big, mid, lo), jnp.where(big, hi, mid))

        lo0 = jnp.int32(-0x7F800001)
        hi0 = jnp.int32(0x7F800000)
        t_key, _ = lax.fori_loop(0, 32, bs_body, (lo0, hi0))
        t_f = _float_of_key(t_key)

        def fill_ids(i, _):
            ids_v[pl.ds(i * 16, 16)] = b * NCHUNK + i * 16 + lanes
            return 0

        lax.fori_loop(0, MSEL // 16, fill_ids, 0)

        def cmp_body(i, off):
            m = maxful_v[pl.ds(i * 16, 16)]
            selm = m >= t_f
            e = i * 16 + lanes
            c = jnp.where(e < HPAD, e, e - (HPAD - HALFR))
            gid = b * NCHUNK + c
            plsc.store_compressed(ids_v.at[pl.ds(off, 16)], gid, mask=selm)
            return off + jnp.sum(jnp.where(selm, 1, 0).astype(jnp.int32))

        s_cnt = lax.fori_loop(0, NCPAD // 16, cmp_body, jnp.int32(0))
        s_use = jnp.minimum(s_cnt, MSEL)

        for g in range(MSEL // 128):
            pltpu.async_copy(
                logits_hbm.at[ids_v.at[pl.ds(g * 128, 128)]],
                gath_v.at[pl.ds(g * 128, 128)], sem).wait()

        def fill_cand(i, _):
            candv_v[pl.ds(i * 16, 16)] = ninf16
            candi_v[pl.ds(i * 16, 16)] = jnp.zeros((16,), jnp.int32)
            return 0

        lax.fori_loop(0, (CCAP + 16) // 16, fill_cand, 0)

        def cand_body(p, ce):
            idvec = ids_v[pl.ds((p // 16) * 16, 16)]
            cid = jnp.max(jnp.where(lanes == lax.rem(p, 16), idvec, IMIN))
            chunk_off = (cid - b * NCHUNK) * CH
            row = gath_v.at[p]
            for c0 in range(0, CH, 16):
                v = row[pl.ds(c0, 16)]
                selm = (v >= t_f) & (ce < CCAP)
                fidx = chunk_off + c0 + lanes
                plsc.store_compressed(candv_v.at[pl.ds(ce, 16)], v, mask=selm)
                plsc.store_compressed(candi_v.at[pl.ds(ce, 16)], fidx,
                                      mask=selm)
                ce = ce + jnp.sum(jnp.where(selm, 1, 0).astype(jnp.int32))
            return ce

        ce_cnt = lax.fori_loop(0, s_use, cand_body, jnp.int32(0))
        n_cvr = (jnp.minimum(ce_cnt, CCAP) + 15) // 16

        def count_cand(tf):
            def cc_body(i, c):
                v = candv_v[pl.ds(i * 16, 16)]
                return c + jnp.where(v >= tf, 1, 0).astype(jnp.int32)

            return jnp.sum(lax.fori_loop(0, n_cvr, cc_body,
                                         jnp.zeros((16,), jnp.int32)))

        def bs2_body(_, carry):
            lo, hi = carry
            mid = (lo >> 1) + (hi >> 1) + (lo & hi & 1)
            big = count_cand(_float_of_key(mid)) >= K
            return (jnp.where(big, mid, lo), jnp.where(big, hi, mid))

        t2_key, _ = lax.fori_loop(0, 32, bs2_body, (lo0, hi0))
        t2_f = _float_of_key(t2_key)

        def fill_c2(i, _):
            c2v_v[pl.ds(i * 16, 16)] = ninf16
            c2i_v[pl.ds(i * 16, 16)] = jnp.zeros((16,), jnp.int32)
            return 0

        lax.fori_loop(0, (C2CAP + 16) // 16, fill_c2, 0)

        def rc_body(i, ce2):
            v = candv_v[pl.ds(i * 16, 16)]
            ix = candi_v[pl.ds(i * 16, 16)]
            selm = (v >= t2_f) & (ce2 < C2CAP)
            plsc.store_compressed(c2v_v.at[pl.ds(ce2, 16)], v, mask=selm)
            plsc.store_compressed(c2i_v.at[pl.ds(ce2, 16)], ix, mask=selm)
            return ce2 + jnp.sum(jnp.where(selm, 1, 0).astype(jnp.int32))

        ce2_cnt = lax.fori_loop(0, n_cvr, rc_body, jnp.int32(0))
        n2_cvr = (jnp.minimum(ce2_cnt, C2CAP) + 15) // 16

        def fill_out(i, _):
            outv_v[pl.ds(i * 16, 16)] = jnp.zeros((16,), jnp.float32)
            outi_v[pl.ds(i * 16, 16)] = jnp.zeros((16,), jnp.int32)
            return 0

        lax.fori_loop(0, KPAD // 16, fill_out, 0)

        def rank_blk(ib, _):
            vals = c2v_v[pl.ds(ib * 16, 16)]
            idxs = c2i_v[pl.ds(ib * 16, 16)]

            def rank_lane(l, _):
                lsel = lanes == l
                sv = jnp.max(jnp.where(lsel, vals, NEG_INF))
                si = jnp.max(jnp.where(lsel, idxs, IMIN))

                def cnt_body(jb, c):
                    vj = c2v_v[pl.ds(jb * 16, 16)]
                    ij = c2i_v[pl.ds(jb * 16, 16)]
                    beat = (vj > sv) | ((vj == sv) & (ij < si))
                    return c + jnp.where(beat, 1, 0).astype(jnp.int32)

                rank = jnp.sum(lax.fori_loop(0, n2_cvr, cnt_body,
                                             jnp.zeros((16,), jnp.int32)))
                okm = lsel & (rank < K) & (sv > NEG_INF)
                ridx = _splat_i(rank)
                plsc.store_scatter(outv_v, [ridx], _splat_f(sv), mask=okm)
                plsc.store_scatter(outi_v, [ridx], _splat_i(si), mask=okm)
                return 0

            lax.fori_loop(0, 16, rank_lane, 0)
            return 0

        lax.fori_loop(0, n2_cvr, rank_blk, 0)

        def dec_body(i, _):
            r = i * 16 + lanes
            fl = outi_v[pl.ds(i * 16, 16)]
            q = fl // NUM_CLASSES
            labels_v[pl.ds(i * 16, 16)] = fl - q * NUM_CLASSES
            qrow_v[pl.ds(i * 16, 16)] = b * NQ + q
            sv = outv_v[pl.ds(i * 16, 16)]
            scores_v[pl.ds(i * 16, 16)] = 1.0 / (1.0 + jnp.exp(-sv))
            return 0

        lax.fori_loop(0, KPAD // 16, dec_body, 0)

        pltpu.async_copy(bx_hbm.at[qrow_v], bgx_v, sem).wait()
        pltpu.async_copy(by_hbm.at[qrow_v], bgy_v, sem).wait()
        pltpu.async_copy(bw_hbm.at[qrow_v], bgw_v, sem).wait()
        pltpu.async_copy(bh_hbm.at[qrow_v], bgh_v, sem).wait()

        def box_body(i, _):
            r4 = (i * 16 + lanes) * 4
            cx = bgx_v[pl.ds(i * 16, 16)] * 640.0
            cy = bgy_v[pl.ds(i * 16, 16)] * 640.0
            w_ = bgw_v[pl.ds(i * 16, 16)] * 640.0
            h_ = bgh_v[pl.ds(i * 16, 16)] * 640.0
            plsc.store_scatter(obox_v, [r4], cx - 0.5 * w_)
            plsc.store_scatter(obox_v, [r4 + 1], cy - 0.5 * h_)
            plsc.store_scatter(obox_v, [r4 + 2], cx + 0.5 * w_)
            plsc.store_scatter(obox_v, [r4 + 3], cy + 0.5 * h_)
            return 0

        lax.fori_loop(0, KPAD // 16, box_body, 0)

        pltpu.sync_copy(labels_v, labels_hbm.at[b])
        pltpu.sync_copy(obox_v, oboxes_hbm.at[b])
        pltpu.sync_copy(scores_v, scores_hbm.at[b])


def kernel(samples, pred_logits, pred_boxes):
    B = pred_logits.shape[0]
    logits1d = pred_logits.reshape(B * NCHUNK * CH)
    logits2d = pred_logits.reshape(B * NCHUNK, CH)
    bcomp = [pred_boxes[:, :, i].reshape(B * NQ) for i in range(4)]

    mesh = plsc.VectorSubcoreMesh(core_axis_name="c", subcore_axis_name="s")
    run = functools.partial(
        pl.kernel, mesh=mesh,
        out_type=[
            jax.ShapeDtypeStruct((B, KPAD), jnp.int32),
            jax.ShapeDtypeStruct((B, KPAD * 4), jnp.float32),
            jax.ShapeDtypeStruct((B, KPAD), jnp.float32),
        ],
        scratch_types=[
            pltpu.VMEM((WIN,), jnp.float32),
            pltpu.VMEM((HPAD,), jnp.float32),
            pltpu.VMEM((NCPAD,), jnp.float32),
            pltpu.VMEM((NSUP,), jnp.float32),
            pltpu.VMEM((NCPAD + 16,), jnp.int32),
            pltpu.VMEM((MSEL, CH), jnp.float32),
            pltpu.VMEM((CCAP + 16,), jnp.float32),
            pltpu.VMEM((CCAP + 16,), jnp.int32),
            pltpu.VMEM((C2CAP + 16,), jnp.float32),
            pltpu.VMEM((C2CAP + 16,), jnp.int32),
            pltpu.VMEM((KPAD,), jnp.float32),
            pltpu.VMEM((KPAD,), jnp.int32),
            pltpu.VMEM((KPAD,), jnp.int32),
            pltpu.VMEM((KPAD,), jnp.float32),
            pltpu.VMEM((KPAD,), jnp.int32),
            pltpu.VMEM((KPAD,), jnp.float32),
            pltpu.VMEM((KPAD,), jnp.float32),
            pltpu.VMEM((KPAD,), jnp.float32),
            pltpu.VMEM((KPAD,), jnp.float32),
            pltpu.VMEM((KPAD * 4,), jnp.float32),
            pltpu.VMEM_SHARED((8 * NCPAD,), jnp.float32),
            pltpu.SemaphoreType.DMA,
        ],
        compiler_params=pltpu.CompilerParams(needs_layout_passes=False),
    )(_sc_body)
    labels, oboxes, scores = run(logits1d, logits2d,
                                 bcomp[0], bcomp[1], bcomp[2], bcomp[3])
    return (labels[:, :K],
            oboxes.reshape(B, KPAD, 4)[:, :K],
            scores[:, :K])

# --- scband reference (transcript-rebuilt; emitter-appended) ---
"""Pipeline reference for scband-dfinepost-processor-33311766347795 (READ-ONLY COPY).

The authoritative reference and input builder live on the scoring server;
editing this copy changes nothing except your own understanding.
"""

import jax, jax.numpy as jnp
import numpy as np

NUM_CLASSES = 80
NUM_TOP_QUERIES = 300


def setup_inputs(seed: int = 0) -> dict:
    key = jax.random.key(seed)
    k1, k2, k3 = jax.random.split(key, 3)
    samples = jax.random.uniform(k1, (16, 3, 640, 640), dtype=jnp.float32)
    pred_logits = jax.random.normal(k2, (16, 20000, 80), dtype=jnp.float32)
    pred_boxes = jax.random.uniform(k3, (16, 20000, 4), dtype=jnp.float32)
    return {"samples": samples, "pred_logits": pred_logits, "pred_boxes": pred_boxes}


def _denormalize_boxes(pred_boxes, H, W):
    # boxes are CXCYWH normalized to canvas (1,1); resize to (H, W) then convert to XYXY
    cx = pred_boxes[..., 0] * W
    cy = pred_boxes[..., 1] * H
    w = pred_boxes[..., 2] * W
    h = pred_boxes[..., 3] * H
    x1 = cx - 0.5 * w
    y1 = cy - 0.5 * h
    x2 = cx + 0.5 * w
    y2 = cy + 0.5 * h
    return jnp.stack([x1, y1, x2, y2], axis=-1)


def reference(samples, pred_logits, pred_boxes):
    B = samples.shape[0]
    H = samples.shape[2]
    W = samples.shape[3]
    boxes = _denormalize_boxes(pred_boxes, H, W)
    # focal-loss branch: sigmoid scores, top-k over flattened (query, class) axis
    scores = jax.nn.sigmoid(pred_logits)
    flat = scores.reshape(B, -1)
    top_scores, index = jax.lax.top_k(flat, NUM_TOP_QUERIES)
    # mod(a, b) = a - a // b * b
    qidx = index // NUM_CLASSES
    labels = index - qidx * NUM_CLASSES
    sel_boxes = jnp.take_along_axis(boxes, qidx[..., None], axis=1)
    return (labels, sel_boxes, top_scores)

if __name__ == "__main__":
    import jax
    _d = setup_inputs()
    print(jax.jit(kernel)(*tuple(_d.values())))

</pallas_src>

<mosaic_0001>
#map = affine_map<(d0, d1) -> (0)>
#map1 = affine_map<(d0, d1) -> (0, 0)>
module attributes {stable_mosaic.version = 14 : i64} {
  func.func @_sc_body(%arg0: i32, %arg1: i32, %arg2: memref<25600000xf32, #tpu.memory_space<hbm>>, %arg3: memref<200000x128xf32, #tpu.memory_space<hbm>>, %arg4: memref<320000xf32, #tpu.memory_space<hbm>>, %arg5: memref<320000xf32, #tpu.memory_space<hbm>>, %arg6: memref<320000xf32, #tpu.memory_space<hbm>>, %arg7: memref<320000xf32, #tpu.memory_space<hbm>>, %arg8: memref<16x384xi32, #tpu.memory_space<hbm>>, %arg9: memref<16x1536xf32, #tpu.memory_space<hbm>>, %arg10: memref<16x384xf32, #tpu.memory_space<hbm>>, %arg11: memref<16384xf32, #tpu.memory_space<vmem>>, %arg12: memref<6272xf32, #tpu.memory_space<vmem>>, %arg13: memref<12544xf32, #tpu.memory_space<vmem>>, %arg14: memref<784xf32, #tpu.memory_space<vmem>>, %arg15: memref<12560xi32, #tpu.memory_space<vmem>>, %arg16: memref<512x128xf32, #tpu.memory_space<vmem>>, %arg17: memref<656xf32, #tpu.memory_space<vmem>>, %arg18: memref<656xi32, #tpu.memory_space<vmem>>, %arg19: memref<336xf32, #tpu.memory_space<vmem>>, %arg20: memref<336xi32, #tpu.memory_space<vmem>>, %arg21: memref<384xf32, #tpu.memory_space<vmem>>, %arg22: memref<384xi32, #tpu.memory_space<vmem>>, %arg23: memref<384xi32, #tpu.memory_space<vmem>>, %arg24: memref<384xf32, #tpu.memory_space<vmem>>, %arg25: memref<384xi32, #tpu.memory_space<vmem>>, %arg26: memref<384xf32, #tpu.memory_space<vmem>>, %arg27: memref<384xf32, #tpu.memory_space<vmem>>, %arg28: memref<384xf32, #tpu.memory_space<vmem>>, %arg29: memref<384xf32, #tpu.memory_space<vmem>>, %arg30: memref<1536xf32, #tpu.memory_space<vmem>>, %arg31: memref<100352xf32, #tpu.memory_space<vmem_shared>>, %arg32: memref<!tpu.dma_semaphore, #tpu.memory_space<semaphore_mem>>) attributes {dimension_semantics = [#tpu.dimension_semantics<core_parallel>, #tpu.dimension_semantics<subcore_parallel>], iteration_bounds = array<i64: 2, 16>, scalar_prefetch = 0 : i64, scratch_operands = 22 : i64, tpu.core_type = #tpu.core_type<sc_vector_subcore>, window_params = [{transform_indices = #map}, {transform_indices = #map1}, {transform_indices = #map}, {transform_indices = #map}, {transform_indices = #map}, {transform_indices = #map}, {transform_indices = #map1}, {transform_indices = #map1}, {transform_indices = #map1}]} {
    %mul3A = arith.constant 8 : i32
    %mul3A_0 = arith.muli %arg0, %mul3A : i32
    %rem3A = arith.constant 8 : i32
    %rem3A_1 = arith.remsi %arg1, %rem3A : i32
    %add3A = arith.addi %mul3A_0, %rem3A_1 : i32
    %jit3A = arith.constant 8 : i32
    %div3A = arith.divsi %arg1, %jit3A : i32
    %sign3A = arith.constant 0 : i32
    %sign3A_2 = arith.cmpi sgt, %arg1, %sign3A : i32
    %sign3A_3 = arith.extui %sign3A_2 : i1 to i32
    %sign3A_4 = arith.constant 0 : i32
    %sign3A_5 = arith.cmpi slt, %arg1, %sign3A_4 : i32
    %sign3A_6 = arith.extui %sign3A_5 : i1 to i32
    %sign3A_7 = arith.subi %sign3A_3, %sign3A_6 : i32
    %sign3A_8 = arith.constant 0 : i32
    %sign3A_9 = arith.cmpi sgt, %jit3A, %sign3A_8 : i32
    %sign3A_10 = arith.extui %sign3A_9 : i1 to i32
    %sign3A_11 = arith.constant 0 : i32
    %sign3A_12 = arith.cmpi slt, %jit3A, %sign3A_11 : i32
    %sign3A_13 = arith.extui %sign3A_12 : i1 to i32
    %sign3A_14 = arith.subi %sign3A_10, %sign3A_13 : i32
    %ne3A = arith.cmpi ne, %sign3A_7, %sign3A_14 : i32
    %rem3A_15 = arith.remsi %arg1, %jit3A : i32
    %ne3A_16 = arith.constant 0 : i32
    %ne3A_17 = arith.cmpi ne, %rem3A_15, %ne3A_16 : i32
    %and3A = arith.andi %ne3A, %ne3A_17 : i1
    %sub3A = arith.constant 1 : i32
    %sub3A_18 = arith.subi %div3A, %sub3A : i32
    %select_n3A = arith.select %and3A, %sub3A_18, %div3A : i32
    %mul3A_19 = arith.constant 1600000 : i32
    %mul3A_20 = arith.muli %add3A, %mul3A_19 : i32
    %mul3A_21 = arith.constant 800000 : i32
    %mul3A_22 = arith.muli %select_n3A, %mul3A_21 : i32
    %add3A_23 = arith.addi %mul3A_20, %mul3A_22 : i32
    %iota3A = tpu.iota {dimensions = array<i32: 0>} : vector<16xi32>
    %broadcast_in_dim3A = arith.constant 0xFF800000 : f32
    %broadcast_in_dim3A_24 = vector.broadcast %broadcast_in_dim3A : f32 to vector<16xf32>
    %scan3A = arith.constant 0 : i32
    %scan3A_25 = arith.constant 0 : i32
    %scan3A_26 = arith.constant 48 : i32
    %scan3A_27 = arith.addi %scan3A_25, %scan3A_26 : i32
    %scan3A_28 = arith.constant 1 : i32
    %scan3A_29 = scf.for %scan3A_184 = %scan3A_25 to %scan3A_27 step %scan3A_28 iter_args(%scan3A_185 = %scan3A) -> (i32)  : i32 {
      %mul3A_186 = arith.constant 16384 : i32
      %mul3A_187 = arith.muli %scan3A_184, %mul3A_186 : i32
      %add3A_188 = arith.addi %add3A_23, %mul3A_187 : i32
      "tpu.region"() ({
        %run_scoped3A = tpu.sem_alloc : memref<!tpu.dma_semaphore, #tpu.memory_space<semaphore_mem>>
        %dma_start3A = tpu.memref_slice %arg2[%add3A_188] : memref<25600000xf32, #tpu.memory_space<hbm>> -> memref<16384xf32, #tpu.memory_space<hbm>>
        %dma_start3A_197 = tpu.memref_slice %arg2[%add3A_188] : memref<25600000xf32, #tpu.memory_space<hbm>> -> memref<16384xf32, #tpu.memory_space<hbm>>
        tpu.enqueue_dma source(%dma_start3A_197 : memref<16384xf32, #tpu.memory_space<hbm>>) target(%arg11 : memref<16384xf32, #tpu.memory_space<vmem>>) target_semaphore(%run_scoped3A : memref<!tpu.dma_semaphore, #tpu.memory_space<semaphore_mem>>)
        %dma_wait3A = tpu.memref_slice %arg2[%add3A_188] : memref<25600000xf32, #tpu.memory_space<hbm>> -> memref<16384xf32, #tpu.memory_space<hbm>>
        %dma_wait3A_198 = tpu.memref_slice %arg2[%add3A_188] : memref<25600000xf32, #tpu.memory_space<hbm>> -> memref<16384xf32, #tpu.memory_space<hbm>>
        tpu.wait_dma2 semaphore(%run_scoped3A : memref<!tpu.dma_semaphore, #tpu.memory_space<semaphore_mem>>) src(%dma_wait3A_198 : memref<16384xf32, #tpu.memory_space<hbm>>) dst(%arg11 : memref<16384xf32, #tpu.memory_space<vmem>>)
        tpu.yield
      }) : () -> ()
      %scan3A_189 = arith.constant 0 : i32
      %scan3A_190 = arith.constant 0 : i32
      %scan3A_191 = arith.constant 8 : i32
      %scan3A_192 = arith.addi %scan3A_190, %scan3A_191 : i32
      %scan3A_193 = arith.constant 1 : i32
      %scan3A_194 = scf.for %scan3A_197 = %scan3A_190 to %scan3A_192 step %scan3A_193 iter_args(%scan3A_198 = %scan3A_189) -> (i32)  : i32 {
        %mul3A_199 = arith.constant 16 : i32
        %mul3A_200 = arith.muli %scan3A_197, %mul3A_199 : i32
        %add3A_201 = vector.broadcast %mul3A_200 : i32 to vector<16xi32>
        %add3A_202 = arith.addi %add3A_201, %iota3A : vector<16xi32>
        %mul3A_203 = arith.constant 128 : i32
        %mul3A_204 = vector.broadcast %mul3A_203 : i32 to vector<16xi32>
        %mul3A_205 = arith.muli %add3A_202, %mul3A_204 : vector<16xi32>
        %scan3A_206 = arith.constant 0 : i32
        %scan3A_207 = arith.constant 16 : i32
        %scan3A_208 = arith.addi %scan3A_206, %scan3A_207 : i32
        %scan3A_209 = arith.constant 1 : i32
        %scan3A_210:4 = scf.for %scan3A_223 = %scan3A_206 to %scan3A_208 step %scan3A_209 iter_args(%scan3A_224 = %broadcast_in_dim3A_24, %scan3A_225 = %broadcast_in_dim3A_24, %scan3A_226 = %broadcast_in_dim3A_24, %scan3A_227 = %broadcast_in_dim3A_24) -> (vector<16xf32>, vector<16xf32>, vector<16xf32>, vector<16xf32>)  : i32 {
          %mul3A_228 = arith.constant 8 : i32
          %mul3A_229 = arith.muli %scan3A_223, %mul3A_228 : i32
          %add3A_230 = vector.broadcast %mul3A_229 : i32 to vector<16xi32>
          %add3A_231 = arith.addi %mul3A_205, %add3A_230 : vector<16xi32>
          %gather3A = tpu.vector_load_idx %arg11[%add3A_231] : memref<16384xf32, #tpu.memory_space<vmem>>[vector<16xi32>], vector<16xf32>,
          %max3A_232 = arith.maximumf %scan3A_224, %gather3A : vector<16xf32>
          %add3A_233 = vector.broadcast %mul3A_229 : i32 to vector<16xi32>
          %add3A_234 = arith.addi %mul3A_205, %add3A_233 : vector<16xi32>
          %add3A_235 = arith.constant 1 : i32
          %add3A_236 = vector.broadcast %add3A_235 : i32 to vector<16xi32>
          %add3A_237 = arith.addi %add3A_234, %add3A_236 : vector<16xi32>
          %gather3A_238 = tpu.vector_load_idx %arg11[%add3A_237] : memref<16384xf32, #tpu.memory_space<vmem>>[vector<16xi32>], vector<16xf32>,
          %max3A_239 = arith.maximumf %scan3A_225, %gather3A_238 : vector<16xf32>
          %add3A_240 = vector.broadcast %mul3A_229 : i32 to vector<16xi32>
          %add3A_241 = arith.addi %mul3A_205, %add3A_240 : vector<16xi32>
          %add3A_242 = arith.constant 2 : i32
          %add3A_243 = vector.broadcast %add3A_242 : i32 to vector<16xi32>
          %add3A_244 = arith.addi %add3A_241, %add3A_243 : vector<16xi32>
          %gather3A_245 = tpu.vector_load_idx %arg11[%add3A_244] : memref<16384xf32, #tpu.memory_space<vmem>>[vector<16xi32>], vector<16xf32>,
          %max3A_246 = arith.maximumf %scan3A_226, %gather3A_245 : vector<16xf32>
          %add3A_247 = vector.broadcast %mul3A_229 : i32 to vector<16xi32>
          %add3A_248 = arith.addi %mul3A_205, %add3A_247 : vector<16xi32>
          %add3A_249 = arith.constant 3 : i32
          %add3A_250 = vector.broadcast %add3A_249 : i32 to vector<16xi32>
          %add3A_251 = arith.addi %add3A_248, %add3A_250 : vector<16xi32>
          %gather3A_252 = tpu.vector_load_idx %arg11[%add3A_251] : memref<16384xf32, #tpu.memory_space<vmem>>[vector<16xi32>], vector<16xf32>,
          %max3A_253 = arith.maximumf %scan3A_227, %gather3A_252 : vector<16xf32>
          %add3A_254 = vector.broadcast %mul3A_229 : i32 to vector<16xi32>
          %add3A_255 = arith.addi %mul3A_205, %add3A_254 : vector<16xi32>
          %add3A_256 = arith.constant 4 : i32
          %add3A_257 = vector.broadcast %add3A_256 : i32 to vector<16xi32>
          %add3A_258 = arith.addi %add3A_255, %add3A_257 : vector<16xi32>
          %gather3A_259 = tpu.vector_load_idx %arg11[%add3A_258] : memref<16384xf32, #tpu.memory_space<vmem>>[vector<16xi32>], vector<16xf32>,
          %max3A_260 = arith.maximumf %max3A_232, %gather3A_259 : vector<16xf32>
          %add3A_261 = vector.broadcast %mul3A_229 : i32 to vector<16xi32>
          %add3A_262 = arith.addi %mul3A_205, %add3A_261 : vector<16xi32>
          %add3A_263 = arith.constant 5 : i32
          %add3A_264 = vector.broadcast %add3A_263 : i32 to vector<16xi32>
          %add3A_265 = arith.addi %add3A_262, %add3A_264 : vector<16xi32>
          %gather3A_266 = tpu.vector_load_idx %arg11[%add3A_265] : memref<16384xf32, #tpu.memory_space<vmem>>[vector<16xi32>], vector<16xf32>,
          %max3A_267 = arith.maximumf %max3A_239, %gather3A_266 : vector<16xf32>
          %add3A_268 = vector.broadcast %mul3A_229 : i32 to vector<16xi32>
          %add3A_269 = arith.addi %mul3A_205, %add3A_268 : vector<16xi32>
          %add3A_270 = arith.constant 6 : i32
          %add3A_271 = vector.broadcast %add3A_270 : i32 to vector<16xi32>
          %add3A_272 = arith.addi %add3A_269, %add3A_271 : vector<16xi32>
          %gather3A_273 = tpu.vector_load_idx %arg11[%add3A_272] : memref<16384xf32, #tpu.memory_space<vmem>>[vector<16xi32>], vector<16xf32>,
          %max3A_274 = arith.maximumf %max3A_246, %gather3A_273 : vector<16xf32>
          %add3A_275 = vector.broadcast %mul3A_229 : i32 to vector<16xi32>
          %add3A_276 = arith.addi %mul3A_205, %add3A_275 : vector<16xi32>
          %add3A_277 = arith.constant 7 : i32
          %add3A_278 = vector.broadcast %add3A_277 : i32 to vector<16xi32>
          %add3A_279 = arith.addi %add3A_276, %add3A_278 : vector<16xi32>
          %gather3A_280 = tpu.vector_load_idx %arg11[%add3A_279] : memref<16384xf32, #tpu.memory_space<vmem>>[vector<16xi32>], vector<16xf32>,
          %max3A_281 = arith.maximumf %max3A_253, %gather3A_280 : vector<16xf32>
          scf.yield %max3A_260, %max3A_267, %max3A_274, %max3A_281 : vector<16xf32>, vector<16xf32>, vector<16xf32>, vector<16xf32>
        }
        %scan3A_211 = arith.constant 16 : i32
        %max3A_212 = arith.maximumf %scan3A_210#0, %scan3A_210#1 : vector<16xf32>
        %max3A_213 = arith.maximumf %scan3A_210#2, %scan3A_210#3 : vector<16xf32>
        %max3A_214 = arith.maximumf %max3A_212, %max3A_213 : vector<16xf32>
        %mul3A_215 = arith.constant 128 : i32
        %mul3A_216 = arith.muli %scan3A_184, %mul3A_215 : i32
        %mul3A_217 = arith.constant 16 : i32
        %mul3A_218 = arith.muli %scan3A_197, %mul3A_217 : i32
        %add3A_219 = arith.addi %mul3A_216, %mul3A_218 : i32
        %swap3A_220 = arith.index_cast %add3A_219 : i32 to index
        %swap3A_221 = tpu.vector_load %arg12[%swap3A_220] {strides = array<i32>} : memref<6272xf32, #tpu.memory_space<vmem>>, vector<16xf32>,
        tpu.vector_store %arg12[%swap3A_220], %max3A_214 {strides = array<i32>} : memref<6272xf32, #tpu.memory_space<vmem>>, vector<16xf32>,
        %scan3A_222 = arith.constant 0 : i32
        scf.yield %scan3A_222 : i32
      }
      %scan3A_195 = arith.constant 8 : i32
      %scan3A_196 = arith.constant 0 : i32
      scf.yield %scan3A_196 : i32
    }
    %scan3A_30 = arith.constant 48 : i32
    %add3A_31 = arith.constant 786432 : i32
    %add3A_32 = arith.addi %add3A_23, %add3A_31 : i32
    "tpu.region"() ({
      %run_scoped3A = tpu.sem_alloc : memref<!tpu.dma_semaphore, #tpu.memory_space<semaphore_mem>>
      %dma_start3A = arith.constant 0 : i32
      %dma_start3A_184 = tpu.memref_slice %arg11[%dma_start3A] : memref<16384xf32, #tpu.memory_space<vmem>> -> memref<13568xf32, #tpu.memory_space<vmem>>
      %dma_start3A_185 = tpu.memref_slice %arg2[%add3A_32] : memref<25600000xf32, #tpu.memory_space<hbm>> -> memref<13568xf32, #tpu.memory_space<hbm>>
      %dma_start3A_186 = arith.constant 0 : i32
      %dma_start3A_187 = tpu.memref_slice %arg11[%dma_start3A_186] : memref<16384xf32, #tpu.memory_space<vmem>> -> memref<13568xf32, #tpu.memory_space<vmem>>
      %dma_start3A_188 = tpu.memref_slice %arg2[%add3A_32] : memref<25600000xf32, #tpu.memory_space<hbm>> -> memref<13568xf32, #tpu.memory_space<hbm>>
      tpu.enqueue_dma source(%dma_start3A_188 : memref<13568xf32, #tpu.memory_space<hbm>>) target(%dma_start3A_187 : memref<13568xf32, #tpu.memory_space<vmem>>) target_semaphore(%run_scoped3A : memref<!tpu.dma_semaphore, #tpu.memory_space<semaphore_mem>>)
      %dma_wait3A = arith.constant 0 : i32
      %dma_wait3A_189 = tpu.memref_slice %arg11[%dma_wait3A] : memref<16384xf32, #tpu.memory_space<vmem>> -> memref<13568xf32, #tpu.memory_space<vmem>>
      %dma_wait3A_190 = tpu.memref_slice %arg2[%add3A_32] : memref<25600000xf32, #tpu.memory_space<hbm>> -> memref<13568xf32, #tpu.memory_space<hbm>>
      %dma_wait3A_191 = arith.constant 0 : i32
      %dma_wait3A_192 = tpu.memref_slice %arg11[%dma_wait3A_191] : memref<16384xf32, #tpu.memory_space<vmem>> -> memref<13568xf32, #tpu.memory_space<vmem>>
      %dma_wait3A_193 = tpu.memref_slice %arg2[%add3A_32] : memref<25600000xf32, #tpu.memory_space<hbm>> -> memref<13568xf32, #tpu.memory_space<hbm>>
      tpu.wait_dma2 semaphore(%run_scoped3A : memref<!tpu.dma_semaphore, #tpu.memory_space<semaphore_mem>>) src(%dma_wait3A_193 : memref<13568xf32, #tpu.memory_space<hbm>>) dst(%dma_wait3A_192 : memref<13568xf32, #tpu.memory_space<vmem>>)
      tpu.yield
    }) : () -> ()
    %add3A_33 = arith.constant 0 : i32
    %add3A_34 = vector.broadcast %add3A_33 : i32 to vector<16xi32>
    %add3A_35 = arith.addi %add3A_34, %iota3A : vector<16xi32>
    %min3A = arith.constant 105 : i32
    %min3A_36 = vector.broadcast %min3A : i32 to vector<16xi32>
    %min3A_37 = arith.minsi %add3A_35, %min3A_36 : vector<16xi32>
    %mul3A_38 = arith.constant 128 : i32
    %mul3A_39 = vector.broadcast %mul3A_38 : i32 to vector<16xi32>
    %mul3A_40 = arith.muli %min3A_37, %mul3A_39 : vector<16xi32>
    %scan3A_41 = arith.constant 0 : i32
    %scan3A_42 = arith.constant 16 : i32
    %scan3A_43 = arith.addi %scan3A_41, %scan3A_42 : i32
    %scan3A_44 = arith.constant 1 : i32
    %scan3A_45:4 = scf.for %scan3A_184 = %scan3A_41 to %scan3A_43 step %scan3A_44 iter_args(%scan3A_185 = %broadcast_in_dim3A_24, %scan3A_186 = %broadcast_in_dim3A_24, %scan3A_187 = %broadcast_in_dim3A_24, %scan3A_188 = %broadcast_in_dim3A_24) -> (vector<16xf32>, vector<16xf32>, vector<16xf32>, vector<16xf32>)  : i32 {
      %mul3A_189 = arith.constant 8 : i32
      %mul3A_190 = arith.muli %scan3A_184, %mul3A_189 : i32
      %add3A_191 = vector.broadcast %mul3A_190 : i32 to vector<16xi32>
      %add3A_192 = arith.addi %mul3A_40, %add3A_191 : vector<16xi32>
      %gather3A = tpu.vector_load_idx %arg11[%add3A_192] : memref<16384xf32, #tpu.memory_space<vmem>>[vector<16xi32>], vector<16xf32>,
      %max3A_193 = arith.maximumf %scan3A_185, %gather3A : vector<16xf32>
      %add3A_194 = vector.broadcast %mul3A_190 : i32 to vector<16xi32>
      %add3A_195 = arith.addi %mul3A_40, %add3A_194 : vector<16xi32>
      %add3A_196 = arith.constant 1 : i32
      %add3A_197 = vector.broadcast %add3A_196 : i32 to vector<16xi32>
      %add3A_198 = arith.addi %add3A_195, %add3A_197 : vector<16xi32>
      %gather3A_199 = tpu.vector_load_idx %arg11[%add3A_198] : memref<16384xf32, #tpu.memory_space<vmem>>[vector<16xi32>], vector<16xf32>,
      %max3A_200 = arith.maximumf %scan3A_186, %gather3A_199 : vector<16xf32>
      %add3A_201 = vector.broadcast %mul3A_190 : i32 to vector<16xi32>
      %add3A_202 = arith.addi %mul3A_40, %add3A_201 : vector<16xi32>
      %add3A_203 = arith.constant 2 : i32
      %add3A_204 = vector.broadcast %add3A_203 : i32 to vector<16xi32>
      %add3A_205 = arith.addi %add3A_202, %add3A_204 : vector<16xi32>
      %gather3A_206 = tpu.vector_load_idx %arg11[%add3A_205] : memref<16384xf32, #tpu.memory_space<vmem>>[vector<16xi32>], vector<16xf32>,
      %max3A_207 = arith.maximumf %scan3A_187, %gather3A_206 : vector<16xf32>
      %add3A_208 = vector.broadcast %mul3A_190 : i32 to vector<16xi32>
      %add3A_209 = arith.addi %mul3A_40, %add3A_208 : vector<16xi32>
      %add3A_210 = arith.constant 3 : i32
      %add3A_211 = vector.broadcast %add3A_210 : i32 to vector<16xi32>
      %add3A_212 = arith.addi %add3A_209, %add3A_211 : vector<16xi32>
      %gather3A_213 = tpu.vector_load_idx %arg11[%add3A_212] : memref<16384xf32, #tpu.memory_space<vmem>>[vector<16xi32>], vector<16xf32>,
      %max3A_214 = arith.maximumf %scan3A_188, %gather3A_213 : vector<16xf32>
      %add3A_215 = vector.broadcast %mul3A_190 : i32 to vector<16xi32>
      %add3A_216 = arith.addi %mul3A_40, %add3A_215 : vector<16xi32>
      %add3A_217 = arith.constant 4 : i32
      %add3A_218 = vector.broadcast %add3A_217 : i32 to vector<16xi32>
      %add3A_219 = arith.addi %add3A_216, %add3A_218 : vector<16xi32>
      %gather3A_220 = tpu.vector_load_idx %arg11[%add3A_219] : memref<16384xf32, #tpu.memory_space<vmem>>[vector<16xi32>], vector<16xf32>,
      %max3A_221 = arith.maximumf %max3A_193, %gather3A_220 : vector<16xf32>
      %add3A_222 = vector.broadcast %mul3A_190 : i32 to vector<16xi32>
      %add3A_223 = arith.addi %mul3A_40, %add3A_222 : vector<16xi32>
      %add3A_224 = arith.constant 5 : i32
      %add3A_225 = vector.broadcast %add3A_224 : i32 to vector<16xi32>
      %add3A_226 = arith.addi %add3A_223, %add3A_225 : vector<16xi32>
      %gather3A_227 = tpu.vector_load_idx %arg11[%add3A_226] : memref<16384xf32, #tpu.memory_space<vmem>>[vector<16xi32>], vector<16xf32>,
      %max3A_228 = arith.maximumf %max3A_200, %gather3A_227 : vector<16xf32>
      %add3A_229 = vector.broadcast %mul3A_190 : i32 to vector<16xi32>
      %add3A_230 = arith.addi %mul3A_40, %add3A_229 : vector<16xi32>
      %add3A_231 = arith.constant 6 : i32
      %add3A_232 = vector.broadcast %add3A_231 : i32 to vector<16xi32>
      %add3A_233 = arith.addi %add3A_230, %add3A_232 : vector<16xi32>
      %gather3A_234 = tpu.vector_load_idx %arg11[%add3A_233] : memref<16384xf32, #tpu.memory_space<vmem>>[vector<16xi32>], vector<16xf32>,
      %max3A_235 = arith.maximumf %max3A_207, %gather3A_234 : vector<16xf32>
      %add3A_236 = vector.broadcast %mul3A_190 : i32 to vector<16xi32>
      %add3A_237 = arith.addi %mul3A_40, %add3A_236 : vector<16xi32>
      %add3A_238 = arith.constant 7 : i32
      %add3A_239 = vector.broadcast %add3A_238 : i32 to vector<16xi32>
      %add3A_240 = arith.addi %add3A_237, %add3A_239 : vector<16xi32>
      %gather3A_241 = tpu.vector_load_idx %arg11[%add3A_240] : memref<16384xf32, #tpu.memory_space<vmem>>[vector<16xi32>], vector<16xf32>,
      %max3A_242 = arith.maximumf %max3A_214, %gather3A_241 : vector<16xf32>
      scf.yield %max3A_221, %max3A_228, %max3A_235, %max3A_242 : vector<16xf32>, vector<16xf32>, vector<16xf32>, vector<16xf32>
    }
    %scan3A_46 = arith.constant 16 : i32
    %max3A = arith.maximumf %scan3A_45#0, %scan3A_45#1 : vector<16xf32>
    %max3A_47 = arith.maximumf %scan3A_45#2, %scan3A_45#3 : vector<16xf32>
    %max3A_48 = arith.maximumf %max3A, %max3A_47 : vector<16xf32>
    %swap3A = arith.constant 6144 : index
    %swap3A_49 = tpu.vector_load %arg12[%swap3A] {strides = array<i32>} : memref<6272xf32, #tpu.memory_space<vmem>>, vector<16xf32>,
    tpu.vector_store %arg12[%swap3A], %max3A_48 {strides = array<i32>} : memref<6272xf32, #tpu.memory_space<vmem>>, vector<16xf32>,
    %add3A_50 = arith.constant 16 : i32
    %add3A_51 = vector.broadcast %add3A_50 : i32 to vector<16xi32>
    %add3A_52 = arith.addi %add3A_51, %iota3A : vector<16xi32>
    %min3A_53 = arith.constant 105 : i32
    %min3A_54 = vector.broadcast %min3A_53 : i32 to vector<16xi32>
    %min3A_55 = arith.minsi %add3A_52, %min3A_54 : vector<16xi32>
    %mul3A_56 = arith.constant 128 : i32
    %mul3A_57 = vector.broadcast %mul3A_56 : i32 to vector<16xi32>
    %mul3A_58 = arith.muli %min3A_55, %mul3A_57 : vector<16xi32>
    %scan3A_59 = arith.constant 0 : i32
    %scan3A_60 = arith.constant 16 : i32
    %scan3A_61 = arith.addi %scan3A_59, %scan3A_60 : i32
    %scan3A_62 = arith.constant 1 : i32
    %scan3A_63:4 = scf.for %scan3A_184 = %scan3A_59 to %scan3A_61 step %scan3A_62 iter_args(%scan3A_185 = %broadcast_in_dim3A_24, %scan3A_186 = %broadcast_in_dim3A_24, %scan3A_187 = %broadcast_in_dim3A_24, %scan3A_188 = %broadcast_in_dim3A_24) -> (vector<16xf32>, vector<16xf32>, vector<16xf32>, vector<16xf32>)  : i32 {
      %mul3A_189 = arith.constant 8 : i32
      %mul3A_190 = arith.muli %scan3A_184, %mul3A_189 : i32
      %add3A_191 = vector.broadcast %mul3A_190 : i32 to vector<16xi32>
      %add3A_192 = arith.addi %mul3A_58, %add3A_191 : vector<16xi32>
      %gather3A = tpu.vector_load_idx %arg11[%add3A_192] : memref<16384xf32, #tpu.memory_space<vmem>>[vector<16xi32>], vector<16xf32>,
      %max3A_193 = arith.maximumf %scan3A_185, %gather3A : vector<16xf32>
      %add3A_194 = vector.broadcast %mul3A_190 : i32 to vector<16xi32>
      %add3A_195 = arith.addi %mul3A_58, %add3A_194 : vector<16xi32>
      %add3A_196 = arith.constant 1 : i32
      %add3A_197 = vector.broadcast %add3A_196 : i32 to vector<16xi32>
      %add3A_198 = arith.addi %add3A_195, %add3A_197 : vector<16xi32>
      %gather3A_199 = tpu.vector_load_idx %arg11[%add3A_198] : memref<16384xf32, #tpu.memory_space<vmem>>[vector<16xi32>], vector<16xf32>,
      %max3A_200 = arith.maximumf %scan3A_186, %gather3A_199 : vector<16xf32>
      %add3A_201 = vector.broadcast %mul3A_190 : i32 to vector<16xi32>
      %add3A_202 = arith.addi %mul3A_58, %add3A_201 : vector<16xi32>
      %add3A_203 = arith.constant 2 : i32
      %add3A_204 = vector.broadcast %add3A_203 : i32 to vector<16xi32>
      %add3A_205 = arith.addi %add3A_202, %add3A_204 : vector<16xi32>
      %gather3A_206 = tpu.vector_load_idx %arg11[%add3A_205] : memref<16384xf32, #tpu.memory_space<vmem>>[vector<16xi32>], vector<16xf32>,
      %max3A_207 = arith.maximumf %scan3A_187, %gather3A_206 : vector<16xf32>
      %add3A_208 = vector.broadcast %mul3A_190 : i32 to vector<16xi32>
      %add3A_209 = arith.addi %mul3A_58, %add3A_208 : vector<16xi32>
      %add3A_210 = arith.constant 3 : i32
      %add3A_211 = vector.broadcast %add3A_210 : i32 to vector<16xi32>
      %add3A_212 = arith.addi %add3A_209, %add3A_211 : vector<16xi32>
      %gather3A_213 = tpu.vector_load_idx %arg11[%add3A_212] : memref<16384xf32, #tpu.memory_space<vmem>>[vector<16xi32>], vector<16xf32>,
      %max3A_214 = arith.maximumf %scan3A_188, %gather3A_213 : vector<16xf32>
      %add3A_215 = vector.broadcast %mul3A_190 : i32 to vector<16xi32>
      %add3A_216 = arith.addi %mul3A_58, %add3A_215 : vector<16xi32>
      %add3A_217 = arith.constant 4 : i32
      %add3A_218 = vector.broadcast %add3A_217 : i32 to vector<16xi32>
      %add3A_219 = arith.addi %add3A_216, %add3A_218 : vector<16xi32>
      %gather3A_220 = tpu.vector_load_idx %arg11[%add3A_219] : memref<16384xf32, #tpu.memory_space<vmem>>[vector<16xi32>], vector<16xf32>,
      %max3A_221 = arith.maximumf %max3A_193, %gather3A_220 : vector<16xf32>
      %add3A_222 = vector.broadcast %mul3A_190 : i32 to vector<16xi32>
      %add3A_223 = arith.addi %mul3A_58, %add3A_222 : vector<16xi32>
      %add3A_224 = arith.constant 5 : i32
      %add3A_225 = vector.broadcast %add3A_224 : i32 to vector<16xi32>
      %add3A_226 = arith.addi %add3A_223, %add3A_225 : vector<16xi32>
      %gather3A_227 = tpu.vector_load_idx %arg11[%add3A_226] : memref<16384xf32, #tpu.memory_space<vmem>>[vector<16xi32>], vector<16xf32>,
      %max3A_228 = arith.maximumf %max3A_200, %gather3A_227 : vector<16xf32>
      %add3A_229 = vector.broadcast %mul3A_190 : i32 to vector<16xi32>
      %add3A_230 = arith.addi %mul3A_58, %add3A_229 : vector<16xi32>
      %add3A_231 = arith.constant 6 : i32
      %add3A_232 = vector.broadcast %add3A_231 : i32 to vector<16xi32>
      %add3A_233 = arith.addi %add3A_230, %add3A_232 : vector<16xi32>
      %gather3A_234 = tpu.vector_load_idx %arg11[%add3A_233] : memref<16384xf32, #tpu.memory_space<vmem>>[vector<16xi32>], vector<16xf32>,
      %max3A_235 = arith.maximumf %max3A_207, %gather3A_234 : vector<16xf32>
      %add3A_236 = vector.broadcast %mul3A_190 : i32 to vector<16xi32>
      %add3A_237 = arith.addi %mul3A_58, %add3A_236 : vector<16xi32>
      %add3A_238 = arith.constant 7 : i32
      %add3A_239 = vector.broadcast %add3A_238 : i32 to vector<16xi32>
      %add3A_240 = arith.addi %add3A_237, %add3A_239 : vector<16xi32>
      %gather3A_241 = tpu.vector_load_idx %arg11[%add3A_240] : memref<16384xf32, #tpu.memory_space<vmem>>[vector<16xi32>], vector<16xf32>,
      %max3A_242 = arith.maximumf %max3A_214, %gather3A_241 : vector<16xf32>
      scf.yield %max3A_221, %max3A_228, %max3A_235, %max3A_242 : vector<16xf32>, vector<16xf32>, vector<16xf32>, vector<16xf32>
    }
    %scan3A_64 = arith.constant 16 : i32
    %max3A_65 = arith.maximumf %scan3A_63#0, %scan3A_63#1 : vector<16xf32>
    %max3A_66 = arith.maximumf %scan3A_63#2, %scan3A_63#3 : vector<16xf32>
    %max3A_67 = arith.maximumf %max3A_65, %max3A_66 : vector<16xf32>
    %swap3A_68 = arith.constant 6160 : index
    %swap3A_69 = tpu.vector_load %arg12[%swap3A_68] {strides = array<i32>} : memref<6272xf32, #tpu.memory_space<vmem>>, vector<16xf32>,
    tpu.vector_store %arg12[%swap3A_68], %max3A_67 {strides = array<i32>} : memref<6272xf32, #tpu.memory_space<vmem>>, vector<16xf32>,
    %add3A_70 = arith.constant 32 : i32
    %add3A_71 = vector.broadcast %add3A_70 : i32 to vector<16xi32>
    %add3A_72 = arith.addi %add3A_71, %iota3A : vector<16xi32>
    %min3A_73 = arith.constant 105 : i32
    %min3A_74 = vector.broadcast %min3A_73 : i32 to vector<16xi32>
    %min3A_75 = arith.minsi %add3A_72, %min3A_74 : vector<16xi32>
    %mul3A_76 = arith.constant 128 : i32
    %mul3A_77 = vector.broadcast %mul3A_76 : i32 to vector<16xi32>
    %mul3A_78 = arith.muli %min3A_75, %mul3A_77 : vector<16xi32>
    %scan3A_79 = arith.constant 0 : i32
    %scan3A_80 = arith.constant 16 : i32
    %scan3A_81 = arith.addi %scan3A_79, %scan3A_80 : i32
    %scan3A_82 = arith.constant 1 : i32
    %scan3A_83:4 = scf.for %scan3A_184 = %scan3A_79 to %scan3A_81 step %scan3A_82 iter_args(%scan3A_185 = %broadcast_in_dim3A_24, %scan3A_186 = %broadcast_in_dim3A_24, %scan3A_187 = %broadcast_in_dim3A_24, %scan3A_188 = %broadcast_in_dim3A_24) -> (vector<16xf32>, vector<16xf32>, vector<16xf32>, vector<16xf32>)  : i32 {
      %mul3A_189 = arith.constant 8 : i32
      %mul3A_190 = arith.muli %scan3A_184, %mul3A_189 : i32
      %add3A_191 = vector.broadcast %mul3A_190 : i32 to vector<16xi32>
      %add3A_192 = arith.addi %mul3A_78, %add3A_191 : vector<16xi32>
      %gather3A = tpu.vector_load_idx %arg11[%add3A_192] : memref<16384xf32, #tpu.memory_space<vmem>>[vector<16xi32>], vector<16xf32>,
      %max3A_193 = arith.maximumf %scan3A_185, %gather3A : vector<16xf32>
      %add3A_194 = vector.broadcast %mul3A_190 : i32 to vector<16xi32>
      %add3A_195 = arith.addi %mul3A_78, %add3A_194 : vector<16xi32>
      %add3A_196 = arith.constant 1 : i32
      %add3A_197 = vector.broadcast %add3A_196 : i32 to vector<16xi32>
      %add3A_198 = arith.addi %add3A_195, %add3A_197 : vector<16xi32>
      %gather3A_199 = tpu.vector_load_idx %arg11[%add3A_198] : memref<16384xf32, #tpu.memory_space<vmem>>[vector<16xi32>], vector<16xf32>,
      %max3A_200 = arith.maximumf %scan3A_186, %gather3A_199 : vector<16xf32>
      %add3A_201 = vector.broadcast %mul3A_190 : i32 to vector<16xi32>
      %add3A_202 = arith.addi %mul3A_78, %add3A_201 : vector<16xi32>
      %add3A_203 = arith.constant 2 : i32
      %add3A_204 = vector.broadcast %add3A_203 : i32 to vector<16xi32>
      %add3A_205 = arith.addi %add3A_202, %add3A_204 : vector<16xi32>
      %gather3A_206 = tpu.vector_load_idx %arg11[%add3A_205] : memref<16384xf32, #tpu.memory_space<vmem>>[vector<16xi32>], vector<16xf32>,
      %max3A_207 = arith.maximumf %scan3A_187, %gather3A_206 : vector<16xf32>
      %add3A_208 = vector.broadcast %mul3A_190 : i32 to vector<16xi32>
      %add3A_209 = arith.addi %mul3A_78, %add3A_208 : vector<16xi32>
      %add3A_210 = arith.constant 3 : i32
      %add3A_211 = vector.broadcast %add3A_210 : i32 to vector<16xi32>
      %add3A_212 = arith.addi %add3A_209, %add3A_211 : vector<16xi32>
      %gather3A_213 = tpu.vector_load_idx %arg11[%add3A_212] : memref<16384xf32, #tpu.memory_space<vmem>>[vector<16xi32>], vector<16xf32>,
      %max3A_214 = arith.maximumf %scan3A_188, %gather3A_213 : vector<16xf32>
      %add3A_215 = vector.broadcast %mul3A_190 : i32 to vector<16xi32>
      %add3A_216 = arith.addi %mul3A_78, %add3A_215 : vector<16xi32>
      %add3A_217 = arith.constant 4 : i32
      %add3A_218 = vector.broadcast %add3A_217 : i32 to vector<16xi32>
      %add3A_219 = arith.addi %add3A_216, %add3A_218 : vector<16xi32>
      %gather3A_220 = tpu.vector_load_idx %arg11[%add3A_219] : memref<16384xf32, #tpu.memory_space<vmem>>[vector<16xi32>], vector<16xf32>,
      %max3A_221 = arith.maximumf %max3A_193, %gather3A_220 : vector<16xf32>
      %add3A_222 = vector.broadcast %mul3A_190 : i32 to vector<16xi32>
      %add3A_223 = arith.addi %mul3A_78, %add3A_222 : vector<16xi32>
      %add3A_224 = arith.constant 5 : i32
      %add3A_225 = vector.broadcast %add3A_224 : i32 to vector<16xi32>
      %add3A_226 = arith.addi %add3A_223, %add3A_225 : vector<16xi32>
      %gather3A_227 = tpu.vector_load_idx %arg11[%add3A_226] : memref<16384xf32, #tpu.memory_space<vmem>>[vector<16xi32>], vector<16xf32>,
      %max3A_228 = arith.maximumf %max3A_200, %gather3A_227 : vector<16xf32>
      %add3A_229 = vector.broadcast %mul3A_190 : i32 to vector<16xi32>
      %add3A_230 = arith.addi %mul3A_78, %add3A_229 : vector<16xi32>
      %add3A_231 = arith.constant 6 : i32
      %add3A_232 = vector.broadcast %add3A_231 : i32 to vector<16xi32>
      %add3A_233 = arith.addi %add3A_230, %add3A_232 : vector<16xi32>
      %gather3A_234 = tpu.vector_load_idx %arg11[%add3A_233] : memref<16384xf32, #tpu.memory_space<vmem>>[vector<16xi32>], vector<16xf32>,
      %max3A_235 = arith.maximumf %max3A_207, %gather3A_234 : vector<16xf32>
      %add3A_236 = vector.broadcast %mul3A_190 : i32 to vector<16xi32>
      %add3A_237 = arith.addi %mul3A_78, %add3A_236 : vector<16xi32>
      %add3A_238 = arith.constant 7 : i32
      %add3A_239 = vector.broadcast %add3A_238 : i32 to vector<16xi32>
      %add3A_240 = arith.addi %add3A_237, %add3A_239 : vector<16xi32>
      %gather3A_241 = tpu.vector_load_idx %arg11[%add3A_240] : memref<16384xf32, #tpu.memory_space<vmem>>[vector<16xi32>], vector<16xf32>,
      %max3A_242 = arith.maximumf %max3A_214, %gather3A_241 : vector<16xf32>
      scf.yield %max3A_221, %max3A_228, %max3A_235, %max3A_242 : vector<16xf32>, vector<16xf32>, vector<16xf32>, vector<16xf32>
    }
    %scan3A_84 = arith.constant 16 : i32
    %max3A_85 = arith.maximumf %scan3A_83#0, %scan3A_83#1 : vector<16xf32>
    %max3A_86 = arith.maximumf %scan3A_83#2, %scan3A_83#3 : vector<16xf32>
    %max3A_87 = arith.maximumf %max3A_85, %max3A_86 : vector<16xf32>
    %swap3A_88 = arith.constant 6176 : index
    %swap3A_89 = tpu.vector_load %arg12[%swap3A_88] {strides = array<i32>} : memref<6272xf32, #tpu.memory_space<vmem>>, vector<16xf32>,
    tpu.vector_store %arg12[%swap3A_88], %max3A_87 {strides = array<i32>} : memref<6272xf32, #tpu.memory_space<vmem>>, vector<16xf32>,
    %add3A_90 = arith.constant 48 : i32
    %add3A_91 = vector.broadcast %add3A_90 : i32 to vector<16xi32>
    %add3A_92 = arith.addi %add3A_91, %iota3A : vector<16xi32>
    %min3A_93 = arith.constant 105 : i32
    %min3A_94 = vector.broadcast %min3A_93 : i32 to vector<16xi32>
    %min3A_95 = arith.minsi %add3A_92, %min3A_94 : vector<16xi32>
    %mul3A_96 = arith.constant 128 : i32
    %mul3A_97 = vector.broadcast %mul3A_96 : i32 to vector<16xi32>
    %mul3A_98 = arith.muli %min3A_95, %mul3A_97 : vector<16xi32>
    %scan3A_99 = arith.constant 0 : i32
    %scan3A_100 = arith.constant 16 : i32
    %scan3A_101 = arith.addi %scan3A_99, %scan3A_100 : i32
    %scan3A_102 = arith.constant 1 : i32
    %scan3A_103:4 = scf.for %scan3A_184 = %scan3A_99 to %scan3A_101 step %scan3A_102 iter_args(%scan3A_185 = %broadcast_in_dim3A_24, %scan3A_186 = %broadcast_in_dim3A_24, %scan3A_187 = %broadcast_in_dim3A_24, %scan3A_188 = %broadcast_in_dim3A_24) -> (vector<16xf32>, vector<16xf32>, vector<16xf32>, vector<16xf32>)  : i32 {
      %mul3A_189 = arith.constant 8 : i32
      %mul3A_190 = arith.muli %scan3A_184, %mul3A_189 : i32
      %add3A_191 = vector.broadcast %mul3A_190 : i32 to vector<16xi32>
      %add3A_192 = arith.addi %mul3A_98, %add3A_191 : vector<16xi32>
      %gather3A = tpu.vector_load_idx %arg11[%add3A_192] : memref<16384xf32, #tpu.memory_space<vmem>>[vector<16xi32>], vector<16xf32>,
      %max3A_193 = arith.maximumf %scan3A_185, %gather3A : vector<16xf32>
      %add3A_194 = vector.broadcast %mul3A_190 : i32 to vector<16xi32>
      %add3A_195 = arith.addi %mul3A_98, %add3A_194 : vector<16xi32>
      %add3A_196 = arith.constant 1 : i32
      %add3A_197 = vector.broadcast %add3A_196 : i32 to vector<16xi32>
      %add3A_198 = arith.addi %add3A_195, %add3A_197 : vector<16xi32>
      %gather3A_199 = tpu.vector_load_idx %arg11[%add3A_198] : memref<16384xf32, #tpu.memory_space<vmem>>[vector<16xi32>], vector<16xf32>,
      %max3A_200 = arith.maximumf %scan3A_186, %gather3A_199 : vector<16xf32>
      %add3A_201 = vector.broadcast %mul3A_190 : i32 to vector<16xi32>
      %add3A_202 = arith.addi %mul3A_98, %add3A_201 : vector<16xi32>
      %add3A_203 = arith.constant 2 : i32
      %add3A_204 = vector.broadcast %add3A_203 : i32 to vector<16xi32>
      %add3A_205 = arith.addi %add3A_202, %add3A_204 : vector<16xi32>
      %gather3A_206 = tpu.vector_load_idx %arg11[%add3A_205] : memref<16384xf32, #tpu.memory_space<vmem>>[vector<16xi32>], vector<16xf32>,
      %max3A_207 = arith.maximumf %scan3A_187, %gather3A_206 : vector<16xf32>
      %add3A_208 = vector.broadcast %mul3A_190 : i32 to vector<16xi32>
      %add3A_209 = arith.addi %mul3A_98, %add3A_208 : vector<16xi32>
      %add3A_210 = arith.constant 3 : i32
      %add3A_211 = vector.broadcast %add3A_210 : i32 to vector<16xi32>
      %add3A_212 = arith.addi %add3A_209, %add3A_211 : vector<16xi32>
      %gather3A_213 = tpu.vector_load_idx %arg11[%add3A_212] : memref<16384xf32, #tpu.memory_space<vmem>>[vector<16xi32>], vector<16xf32>,
      %max3A_214 = arith.maximumf %scan3A_188, %gather3A_213 : vector<16xf32>
      %add3A_215 = vector.broadcast %mul3A_190 : i32 to vector<16xi32>
      %add3A_216 = arith.addi %mul3A_98, %add3A_215 : vector<16xi32>
      %add3A_217 = arith.constant 4 : i32
      %add3A_218 = vector.broadcast %add3A_217 : i32 to vector<16xi32>
      %add3A_219 = arith.addi %add3A_216, %add3A_218 : vector<16xi32>
      %gather3A_220 = tpu.vector_load_idx %arg11[%add3A_219] : memref<16384xf32, #tpu.memory_space<vmem>>[vector<16xi32>], vector<16xf32>,
      %max3A_221 = arith.maximumf %max3A_193, %gather3A_220 : vector<16xf32>
      %add3A_222 = vector.broadcast %mul3A_190 : i32 to vector<16xi32>
      %add3A_223 = arith.addi %mul3A_98, %add3A_222 : vector<16xi32>
      %add3A_224 = arith.constant 5 : i32
      %add3A_225 = vector.broadcast %add3A_224 : i32 to vector<16xi32>
      %add3A_226 = arith.addi %add3A_223, %add3A_225 : vector<16xi32>
      %gather3A_227 = tpu.vector_load_idx %arg11[%add3A_226] : memref<16384xf32, #tpu.memory_space<vmem>>[vector<16xi32>], vector<16xf32>,
      %max3A_228 = arith.maximumf %max3A_200, %gather3A_227 : vector<16xf32>
      %add3A_229 = vector.broadcast %mul3A_190 : i32 to vector<16xi32>
      %add3A_230 = arith.addi %mul3A_98, %add3A_229 : vector<16xi32>
      %add3A_231 = arith.constant 6 : i32
      %add3A_232 = vector.broadcast %add3A_231 : i32 to vector<16xi32>
      %add3A_233 = arith.addi %add3A_230, %add3A_232 : vector<16xi32>
      %gather3A_234 = tpu.vector_load_idx %arg11[%add3A_233] : memref<16384xf32, #tpu.memory_space<vmem>>[vector<16xi32>], vector<16xf32>,
      %max3A_235 = arith.maximumf %max3A_207, %gather3A_234 : vector<16xf32>
      %add3A_236 = vector.broadcast %mul3A_190 : i32 to vector<16xi32>
      %add3A_237 = arith.addi %mul3A_98, %add3A_236 : vector<16xi32>
      %add3A_238 = arith.constant 7 : i32
      %add3A_239 = vector.broadcast %add3A_238 : i32 to vector<16xi32>
      %add3A_240 = arith.addi %add3A_237, %add3A_239 : vector<16xi32>
      %gather3A_241 = tpu.vector_load_idx %arg11[%add3A_240] : memref<16384xf32, #tpu.memory_space<vmem>>[vector<16xi32>], vector<16xf32>,
      %max3A_242 = arith.maximumf %max3A_214, %gather3A_241 : vector<16xf32>
      scf.yield %max3A_221, %max3A_228, %max3A_235, %max3A_242 : vector<16xf32>, vector<16xf32>, vector<16xf32>, vector<16xf32>
    }
    %scan3A_104 = arith.constant 16 : i32
    %max3A_105 = arith.maximumf %scan3A_103#0, %scan3A_103#1 : vector<16xf32>
    %max3A_106 = arith.maximumf %scan3A_103#2, %scan3A_103#3 : vector<16xf32>
    %max3A_107 = arith.maximumf %max3A_105, %max3A_106 : vector<16xf32>
    %swap3A_108 = arith.constant 6192 : index
    %swap3A_109 = tpu.vector_load %arg12[%swap3A_108] {strides = array<i32>} : memref<6272xf32, #tpu.memory_space<vmem>>, vector<16xf32>,
    tpu.vector_store %arg12[%swap3A_108], %max3A_107 {strides = array<i32>} : memref<6272xf32, #tpu.memory_space<vmem>>, vector<16xf32>,
    %add3A_110 = arith.constant 64 : i32
    %add3A_111 = vector.broadcast %add3A_110 : i32 to vector<16xi32>
    %add3A_112 = arith.addi %add3A_111, %iota3A : vector<16xi32>
    %min3A_113 = arith.constant 105 : i32
    %min3A_114 = vector.broadcast %min3A_113 : i32 to vector<16xi32>
    %min3A_115 = arith.minsi %add3A_112, %min3A_114 : vector<16xi32>
    %mul3A_116 = arith.constant 128 : i32
    %mul3A_117 = vector.broadcast %mul3A_116 : i32 to vector<16xi32>
    %mul3A_118 = arith.muli %min3A_115, %mul3A_117 : vector<16xi32>
    %scan3A_119 = arith.constant 0 : i32
    %scan3A_120 = arith.constant 16 : i32
    %scan3A_121 = arith.addi %scan3A_119, %scan3A_120 : i32
    %scan3A_122 = arith.constant 1 : i32
    %scan3A_123:4 = scf.for %scan3A_184 = %scan3A_119 to %scan3A_121 step %scan3A_122 iter_args(%scan3A_185 = %broadcast_in_dim3A_24, %scan3A_186 = %broadcast_in_dim3A_24, %scan3A_187 = %broadcast_in_dim3A_24, %scan3A_188 = %broadcast_in_dim3A_24) -> (vector<16xf32>, vector<16xf32>, vector<16xf32>, vector<16xf32>)  : i32 {
      %mul3A_189 = arith.constant 8 : i32
      %mul3A_190 = arith.muli %scan3A_184, %mul3A_189 : i32
      %add3A_191 = vector.broadcast %mul3A_190 : i32 to vector<16xi32>
      %add3A_192 = arith.addi %mul3A_118, %add3A_191 : vector<16xi32>
      %gather3A = tpu.vector_load_idx %arg11[%add3A_192] : memref<16384xf32, #tpu.memory_space<vmem>>[vector<16xi32>], vector<16xf32>,
      %max3A_193 = arith.maximumf %scan3A_185, %gather3A : vector<16xf32>
      %add3A_194 = vector.broadcast %mul3A_190 : i32 to vector<16xi32>
      %add3A_195 = arith.addi %mul3A_118, %add3A_194 : vector<16xi32>
      %add3A_196 = arith.constant 1 : i32
      %add3A_197 = vector.broadcast %add3A_196 : i32 to vector<16xi32>
      %add3A_198 = arith.addi %add3A_195, %add3A_197 : vector<16xi32>
      %gather3A_199 = tpu.vector_load_idx %arg11[%add3A_198] : memref<16384xf32, #tpu.memory_space<vmem>>[vector<16xi32>], vector<16xf32>,
      %max3A_200 = arith.maximumf %scan3A_186, %gather3A_199 : vector<16xf32>
      %add3A_201 = vector.broadcast %mul3A_190 : i32 to vector<16xi32>
      %add3A_202 = arith.addi %mul3A_118, %add3A_201 : vector<16xi32>
      %add3A_203 = arith.constant 2 : i32
      %add3A_204 = vector.broadcast %add3A_203 : i32 to vector<16xi32>
      %add3A_205 = arith.addi %add3A_202, %add3A_204 : vector<16xi32>
      %gather3A_206 = tpu.vector_load_idx %arg11[%add3A_205] : memref<16384xf32, #tpu.memory_space<vmem>>[vector<16xi32>], vector<16xf32>,
      %max3A_207 = arith.maximumf %scan3A_187, %gather3A_206 : vector<16xf32>
      %add3A_208 = vector.broadcast %mul3A_190 : i32 to vector<16xi32>
      %add3A_209 = arith.addi %mul3A_118, %add3A_208 : vector<16xi32>
      %add3A_210 = arith.constant 3 : i32
      %add3A_211 = vector.broadcast %add3A_210 : i32 to vector<16xi32>
      %add3A_212 = arith.addi %add3A_209, %add3A_211 : vector<16xi32>
      %gather3A_213 = tpu.vector_load_idx %arg11[%add3A_212] : memref<16384xf32, #tpu.memory_space<vmem>>[vector<16xi32>], vector<16xf32>,
      %max3A_214 = arith.maximumf %scan3A_188, %gather3A_213 : vector<16xf32>
      %add3A_215 = vector.broadcast %mul3A_190 : i32 to vector<16xi32>
      %add3A_216 = arith.addi %mul3A_118, %add3A_215 : vector<16xi32>
      %add3A_217 = arith.constant 4 : i32
      %add3A_218 = vector.broadcast %add3A_217 : i32 to vector<16xi32>
      %add3A_219 = arith.addi %add3A_216, %add3A_218 : vector<16xi32>
      %gather3A_220 = tpu.vector_load_idx %arg11[%add3A_219] : memref<16384xf32, #tpu.memory_space<vmem>>[vector<16xi32>], vector<16xf32>,
      %max3A_221 = arith.maximumf %max3A_193, %gather3A_220 : vector<16xf32>
      %add3A_222 = vector.broadcast %mul3A_190 : i32 to vector<16xi32>
      %add3A_223 = arith.addi %mul3A_118, %add3A_222 : vector<16xi32>
      %add3A_224 = arith.constant 5 : i32
      %add3A_225 = vector.broadcast %add3A_224 : i32 to vector<16xi32>
      %add3A_226 = arith.addi %add3A_223, %add3A_225 : vector<16xi32>
      %gather3A_227 = tpu.vector_load_idx %arg11[%add3A_226] : memref<16384xf32, #tpu.memory_space<vmem>>[vector<16xi32>], vector<16xf32>,
      %max3A_228 = arith.maximumf %max3A_200, %gather3A_227 : vector<16xf32>
      %add3A_229 = vector.broadcast %mul3A_190 : i32 to vector<16xi32>
      %add3A_230 = arith.addi %mul3A_118, %add3A_229 : vector<16xi32>
      %add3A_231 = arith.constant 6 : i32
      %add3A_232 = vector.broadcast %add3A_231 : i32 to vector<16xi32>
      %add3A_233 = arith.addi %add3A_230, %add3A_232 : vector<16xi32>
      %gather3A_234 = tpu.vector_load_idx %arg11[%add3A_233] : memref<16384xf32, #tpu.memory_space<vmem>>[vector<16xi32>], vector<16xf32>,
      %max3A_235 = arith.maximumf %max3A_207, %gather3A_234 : vector<16xf32>
      %add3A_236 = vector.broadcast %mul3A_190 : i32 to vector<16xi32>
      %add3A_237 = arith.addi %mul3A_118, %add3A_236 : vector<16xi32>
      %add3A_238 = arith.constant 7 : i32
      %add3A_239 = vector.broadcast %add3A_238 : i32 to vector<16xi32>
      %add3A_240 = arith.addi %add3A_237, %add3A_239 : vector<16xi32>
      %gather3A_241 = tpu.vector_load_idx %arg11[%add3A_240] : memref<16384xf32, #tpu.memory_space<vmem>>[vector<16xi32>], vector<16xf32>,
      %max3A_242 = arith.maximumf %max3A_214, %gather3A_241 : vector<16xf32>
      scf.yield %max3A_221, %max3A_228, %max3A_235, %max3A_242 : vector<16xf32>, vector<16xf32>, vector<16xf32>, vector<16xf32>
    }
    %scan3A_124 = arith.constant 16 : i32
    %max3A_125 = arith.maximumf %scan3A_123#0, %scan3A_123#1 : vector<16xf32>
    %max3A_126 = arith.maximumf %scan3A_123#2, %scan3A_123#3 : vector<16xf32>
    %max3A_127 = arith.maximumf %max3A_125, %max3A_126 : vector<16xf32>
    %swap3A_128 = arith.constant 6208 : index
    %swap3A_129 = tpu.vector_load %arg12[%swap3A_128] {strides = array<i32>} : memref<6272xf32, #tpu.memory_space<vmem>>, vector<16xf32>,
    tpu.vector_store %arg12[%swap3A_128], %max3A_127 {strides = array<i32>} : memref<6272xf32, #tpu.memory_space<vmem>>, vector<16xf32>,
    %add3A_130 = arith.constant 80 : i32
    %add3A_131 = vector.broadcast %add3A_130 : i32 to vector<16xi32>
    %add3A_132 = arith.addi %add3A_131, %iota3A : vector<16xi32>
    %min3A_133 = arith.constant 105 : i32
    %min3A_134 = vector.broadcast %min3A_133 : i32 to vector<16xi32>
    %min3A_135 = arith.minsi %add3A_132, %min3A_134 : vector<16xi32>
    %mul3A_136 = arith.constant 128 : i32
    %mul3A_137 = vector.broadcast %mul3A_136 : i32 to vector<16xi32>
    %mul3A_138 = arith.muli %min3A_135, %mul3A_137 : vector<16xi32>
    %scan3A_139 = arith.constant 0 : i32
    %scan3A_140 = arith.constant 16 : i32
    %scan3A_141 = arith.addi %scan3A_139, %scan3A_140 : i32
    %scan3A_142 = arith.constant 1 : i32
    %scan3A_143:4 = scf.for %scan3A_184 = %scan3A_139 to %scan3A_141 step %scan3A_142 iter_args(%scan3A_185 = %broadcast_in_dim3A_24, %scan3A_186 = %broadcast_in_dim3A_24, %scan3A_187 = %broadcast_in_dim3A_24, %scan3A_188 = %broadcast_in_dim3A_24) -> (vector<16xf32>, vector<16xf32>, vector<16xf32>, vector<16xf32>)  : i32 {
      %mul3A_189 = arith.constant 8 : i32
      %mul3A_190 = arith.muli %scan3A_184, %mul3A_189 : i32
      %add3A_191 = vector.broadcast %mul3A_190 : i32 to vector<16xi32>
      %add3A_192 = arith.addi %mul3A_138, %add3A_191 : vector<16xi32>
      %gather3A = tpu.vector_load_idx %arg11[%add3A_192] : memref<16384xf32, #tpu.memory_space<vmem>>[vector<16xi32>], vector<16xf32>,
      %max3A_193 = arith.maximumf %scan3A_185, %gather3A : vector<16xf32>
      %add3A_194 = vector.broadcast %mul3A_190 : i32 to vector<16xi32>
      %add3A_195 = arith.addi %mul3A_138, %add3A_194 : vector<16xi32>
      %add3A_196 = arith.constant 1 : i32
      %add3A_197 = vector.broadcast %add3A_196 : i32 to vector<16xi32>
      %add3A_198 = arith.addi %add3A_195, %add3A_197 : vector<16xi32>
      %gather3A_199 = tpu.vector_load_idx %arg11[%add3A_198] : memref<16384xf32, #tpu.memory_space<vmem>>[vector<16xi32>], vector<16xf32>,
      %max3A_200 = arith.maximumf %scan3A_186, %gather3A_199 : vector<16xf32>
      %add3A_201 = vector.broadcast %mul3A_190 : i32 to vector<16xi32>
      %add3A_202 = arith.addi %mul3A_138, %add3A_201 : vector<16xi32>
      %add3A_203 = arith.constant 2 : i32
      %add3A_204 = vector.broadcast %add3A_203 : i32 to vector<16xi32>
      %add3A_205 = arith.addi %add3A_202, %add3A_204 : vector<16xi32>
      %gather3A_206 = tpu.vector_load_idx %arg11[%add3A_205] : memref<16384xf32, #tpu.memory_space<vmem>>[vector<16xi32>], vector<16xf32>,
      %max3A_207 = arith.maximumf %scan3A_187, %gather3A_206 : vector<16xf32>
      %add3A_208 = vector.broadcast %mul3A_190 : i32 to vector<16xi32>
      %add3A_209 = arith.addi %mul3A_138, %add3A_208 : vector<16xi32>
      %add3A_210 = arith.constant 3 : i32
      %add3A_211 = vector.broadcast %add3A_210 : i32 to vector<16xi32>
      %add3A_212 = arith.addi %add3A_209, %add3A_211 : vector<16xi32>
      %gather3A_213 = tpu.vector_load_idx %arg11[%add3A_212] : memref<16384xf32, #tpu.memory_space<vmem>>[vector<16xi32>], vector<16xf32>,
      %max3A_214 = arith.maximumf %scan3A_188, %gather3A_213 : vector<16xf32>
      %add3A_215 = vector.broadcast %mul3A_190 : i32 to vector<16xi32>
      %add3A_216 = arith.addi %mul3A_138, %add3A_215 : vector<16xi32>
      %add3A_217 = arith.constant 4 : i32
      %add3A_218 = vector.broadcast %add3A_217 : i32 to vector<16xi32>
      %add3A_219 = arith.addi %add3A_216, %add3A_218 : vector<16xi32>
      %gather3A_220 = tpu.vector_load_idx %arg11[%add3A_219] : memref<16384xf32, #tpu.memory_space<vmem>>[vector<16xi32>], vector<16xf32>,
      %max3A_221 = arith.maximumf %max3A_193, %gather3A_220 : vector<16xf32>
      %add3A_222 = vector.broadcast %mul3A_190 : i32 to vector<16xi32>
      %add3A_223 = arith.addi %mul3A_138, %add3A_222 : vector<16xi32>
      %add3A_224 = arith.constant 5 : i32
      %add3A_225 = vector.broadcast %add3A_224 : i32 to vector<16xi32>
      %add3A_226 = arith.addi %add3A_223, %add3A_225 : vector<16xi32>
      %gather3A_227 = tpu.vector_load_idx %arg11[%add3A_226] : memref<16384xf32, #tpu.memory_space<vmem>>[vector<16xi32>], vector<16xf32>,
      %max3A_228 = arith.maximumf %max3A_200, %gather3A_227 : vector<16xf32>
      %add3A_229 = vector.broadcast %mul3A_190 : i32 to vector<16xi32>
      %add3A_230 = arith.addi %mul3A_138, %add3A_229 : vector<16xi32>
      %add3A_231 = arith.constant 6 : i32
      %add3A_232 = vector.broadcast %add3A_231 : i32 to vector<16xi32>
      %add3A_233 = arith.addi %add3A_230, %add3A_232 : vector<16xi32>
      %gather3A_234 = tpu.vector_load_idx %arg11[%add3A_233] : memref<16384xf32, #tpu.memory_space<vmem>>[vector<16xi32>], vector<16xf32>,
      %max3A_235 = arith.maximumf %max3A_207, %gather3A_234 : vector<16xf32>
      %add3A_236 = vector.broadcast %mul3A_190 : i32 to vector<16xi32>
      %add3A_237 = arith.addi %mul3A_138, %add3A_236 : vector<16xi32>
      %add3A_238 = arith.constant 7 : i32
      %add3A_239 = vector.broadcast %add3A_238 : i32 to vector<16xi32>
      %add3A_240 = arith.addi %add3A_237, %add3A_239 : vector<16xi32>
      %gather3A_241 = tpu.vector_load_idx %arg11[%add3A_240] : memref<16384xf32, #tpu.memory_space<vmem>>[vector<16xi32>], vector<16xf32>,
      %max3A_242 = arith.maximumf %max3A_214, %gather3A_241 : vector<16xf32>
      scf.yield %max3A_221, %max3A_228, %max3A_235, %max3A_242 : vector<16xf32>, vector<16xf32>, vector<16xf32>, vector<16xf32>
    }
    %scan3A_144 = arith.constant 16 : i32
    %max3A_145 = arith.maximumf %scan3A_143#0, %scan3A_143#1 : vector<16xf32>
    %max3A_146 = arith.maximumf %scan3A_143#2, %scan3A_143#3 : vector<16xf32>
    %max3A_147 = arith.maximumf %max3A_145, %max3A_146 : vector<16xf32>
    %swap3A_148 = arith.constant 6224 : index
    %swap3A_149 = tpu.vector_load %arg12[%swap3A_148] {strides = array<i32>} : memref<6272xf32, #tpu.memory_space<vmem>>, vector<16xf32>,
    tpu.vector_store %arg12[%swap3A_148], %max3A_147 {strides = array<i32>} : memref<6272xf32, #tpu.memory_space<vmem>>, vector<16xf32>,
    %add3A_150 = arith.constant 96 : i32
    %add3A_151 = vector.broadcast %add3A_150 : i32 to vector<16xi32>
    %add3A_152 = arith.addi %add3A_151, %iota3A : vector<16xi32>
    %min3A_153 = arith.constant 105 : i32
    %min3A_154 = vector.broadcast %min3A_153 : i32 to vector<16xi32>
    %min3A_155 = arith.minsi %add3A_152, %min3A_154 : vector<16xi32>
    %mul3A_156 = arith.constant 128 : i32
    %mul3A_157 = vector.broadcast %mul3A_156 : i32 to vector<16xi32>
    %mul3A_158 = arith.muli %min3A_155, %mul3A_157 : vector<16xi32>
    %scan3A_159 = arith.constant 0 : i32
    %scan3A_160 = arith.constant 16 : i32
    %scan3A_161 = arith.addi %scan3A_159, %scan3A_160 : i32
    %scan3A_162 = arith.constant 1 : i32
    %scan3A_163:4 = scf.for %scan3A_184 = %scan3A_159 to %scan3A_161 step %scan3A_162 iter_args(%scan3A_185 = %broadcast_in_dim3A_24, %scan3A_186 = %broadcast_in_dim3A_24, %scan3A_187 = %broadcast_in_dim3A_24, %scan3A_188 = %broadcast_in_dim3A_24) -> (vector<16xf32>, vector<16xf32>, vector<16xf32>, vector<16xf32>)  : i32 {
      %mul3A_189 = arith.constant 8 : i32
      %mul3A_190 = arith.muli %scan3A_184, %mul3A_189 : i32
      %add3A_191 = vector.broadcast %mul3A_190 : i32 to vector<16xi32>
      %add3A_192 = arith.addi %mul3A_158, %add3A_191 : vector<16xi32>
      %gather3A = tpu.vector_load_idx %arg11[%add3A_192] : memref<16384xf32, #tpu.memory_space<vmem>>[vector<16xi32>], vector<16xf32>,
      %max3A_193 = arith.maximumf %scan3A_185, %gather3A : vector<16xf32>
      %add3A_194 = vector.broadcast %mul3A_190 : i32 to vector<16xi32>
      %add3A_195 = arith.addi %mul3A_158, %add3A_194 : vector<16xi32>
      %add3A_196 = arith.constant 1 : i32
      %add3A_197 = vector.broadcast %add3A_196 : i32 to vector<16xi32>
      %add3A_198 = arith.addi %add3A_195, %add3A_197 : vector<16xi32>
      %gather3A_199 = tpu.vector_load_idx %arg11[%add3A_198] : memref<16384xf32, #tpu.memory_space<vmem>>[vector<16xi32>], vector<16xf32>,
      %max3A_200 = arith.maximumf %scan3A_186, %gather3A_199 : vector<16xf32>
      %add3A_201 = vector.broadcast %mul3A_190 : i32 to vector<16xi32>
      %add3A_202 = arith.addi %mul3A_158, %add3A_201 : vector<16xi32>
      %add3A_203 = arith.constant 2 : i32
      %add3A_204 = vector.broadcast %add3A_203 : i32 to vector<16xi32>
      %add3A_205 = arith.addi %add3A_202, %add3A_204 : vector<16xi32>
      %gather3A_206 = tpu.vector_load_idx %arg11[%add3A_205] : memref<16384xf32, #tpu.memory_space<vmem>>[vector<16xi32>], vector<16xf32>,
      %max3A_207 = arith.maximumf %scan3A_187, %gather3A_206 : vector<16xf32>
      %add3A_208 = vector.broadcast %mul3A_190 : i32 to vector<16xi32>
      %add3A_209 = arith.addi %mul3A_158, %add3A_208 : vector<16xi32>
      %add3A_210 = arith.constant 3 : i32
      %add3A_211 = vector.broadcast %add3A_210 : i32 to vector<16xi32>
      %add3A_212 = arith.addi %add3A_209, %add3A_211 : vector<16xi32>
      %gather3A_213 = tpu.vector_load_idx %arg11[%add3A_212] : memref<16384xf32, #tpu.memory_space<vmem>>[vector<16xi32>], vector<16xf32>,
      %max3A_214 = arith.maximumf %scan3A_188, %gather3A_213 : vector<16xf32>
      %add3A_215 = vector.broadcast %mul3A_190 : i32 to vector<16xi32>
      %add3A_216 = arith.addi %mul3A_158, %add3A_215 : vector<16xi32>
      %add3A_217 = arith.constant 4 : i32
      %add3A_218 = vector.broadcast %add3A_217 : i32 to vector<16xi32>
      %add3A_219 = arith.addi %add3A_216, %add3A_218 : vector<16xi32>
      %gather3A_220 = tpu.vector_load_idx %arg11[%add3A_219] : memref<16384xf32, #tpu.memory_space<vmem>>[vector<16xi32>], vector<16xf32>,
      %max3A_221 = arith.maximumf %max3A_193, %gather3A_220 : vector<16xf32>
      %add3A_222 = vector.broadcast %mul3A_190 : i32 to vector<16xi32>
      %add3A_223 = arith.addi %mul3A_158, %add3A_222 : vector<16xi32>
      %add3A_224 = arith.constant 5 : i32
      %add3A_225 = vector.broadcast %add3A_224 : i32 to vector<16xi32>
      %add3A_226 = arith.addi %add3A_223, %add3A_225 : vector<16xi32>
      %gather3A_227 = tpu.vector_load_idx %arg11[%add3A_226] : memref<16384xf32, #tpu.memory_space<vmem>>[vector<16xi32>], vector<16xf32>,
      %max3A_228 = arith.maximumf %max3A_200, %gather3A_227 : vector<16xf32>
      %add3A_229 = vector.broadcast %mul3A_190 : i32 to vector<16xi32>
      %add3A_230 = arith.addi %mul3A_158, %add3A_229 : vector<16xi32>
      %add3A_231 = arith.constant 6 : i32
      %add3A_232 = vector.broadcast %add3A_231 : i32 to vector<16xi32>
      %add3A_233 = arith.addi %add3A_230, %add3A_232 : vector<16xi32>
      %gather3A_234 = tpu.vector_load_idx %arg11[%add3A_233] : memref<16384xf32, #tpu.memory_space<vmem>>[vector<16xi32>], vector<16xf32>,
      %max3A_235 = arith.maximumf %max3A_207, %gather3A_234 : vector<16xf32>
      %add3A_236 = vector.broadcast %mul3A_190 : i32 to vector<16xi32>
      %add3A_237 = arith.addi %mul3A_158, %add3A_236 : vector<16xi32>
      %add3A_238 = arith.constant 7 : i32
      %add3A_239 = vector.broadcast %add3A_238 : i32 to vector<16xi32>
      %add3A_240 = arith.addi %add3A_237, %add3A_239 : vector<16xi32>
      %gather3A_241 = tpu.vector_load_idx %arg11[%add3A_240] : memref<16384xf32, #tpu.memory_space<vmem>>[vector<16xi32>], vector<16xf32>,
      %max3A_242 = arith.maximumf %max3A_214, %gather3A_241 : vector<16xf32>
      scf.yield %max3A_221, %max3A_228, %max3A_235, %max3A_242 : vector<16xf32>, vector<16xf32>, vector<16xf32>, vector<16xf32>
    }
    %scan3A_164 = arith.constant 16 : i32
    %max3A_165 = arith.maximumf %scan3A_163#0, %scan3A_163#1 : vector<16xf32>
    %max3A_166 = arith.maximumf %scan3A_163#2, %scan3A_163#3 : vector<16xf32>
    %max3A_167 = arith.maximumf %max3A_165, %max3A_166 : vector<16xf32>
    %lt3A = arith.constant 106 : i32
    %lt3A_168 = vector.broadcast %lt3A : i32 to vector<16xi32>
    %lt3A_169 = arith.cmpi slt, %add3A_152, %lt3A_168 : vector<16xi32>
    %select_n3A_170 = arith.select %lt3A_169, %max3A_167, %broadcast_in_dim3A_24 : vector<16xi1>, vector<16xf32>
    %swap3A_171 = arith.constant 6240 : index
    %swap3A_172 = tpu.vector_load %arg12[%swap3A_171] {strides = array<i32>} : memref<6272xf32, #tpu.memory_space<vmem>>, vector<16xf32>,
    tpu.vector_store %arg12[%swap3A_171], %select_n3A_170 {strides = array<i32>} : memref<6272xf32, #tpu.memory_space<vmem>>, vector<16xf32>,
    %swap3A_173 = arith.constant 6256 : index
    %swap3A_174 = tpu.vector_load %arg12[%swap3A_173] {strides = array<i32>} : memref<6272xf32, #tpu.memory_space<vmem>>, vector<16xf32>,
    tpu.vector_store %arg12[%swap3A_173], %broadcast_in_dim3A_24 {strides = array<i32>} : memref<6272xf32, #tpu.memory_space<vmem>>, vector<16xf32>,
    %rem3A_175 = arith.constant 8 : i32
    %rem3A_176 = arith.remsi %arg1, %rem3A_175 : i32
    %mul3A_177 = arith.constant 12544 : i32
    %mul3A_178 = arith.muli %rem3A_176, %mul3A_177 : i32
    %mul3A_179 = arith.constant 6272 : i32
    %mul3A_180 = arith.muli %select_n3A, %mul3A_179 : i32
    %add3A_181 = arith.addi %mul3A_178, %mul3A_180 : i32
    "tpu.region"() ({
      %run_scoped3A = tpu.sem_alloc : memref<!tpu.dma_semaphore, #tpu.memory_space<semaphore_mem>>
      %dma_start3A = tpu.memref_slice %arg31[%add3A_181] : memref<100352xf32, #tpu.memory_space<vmem_shared>> -> memref<6272xf32, #tpu.memory_space<vmem_shared>>
      %dma_start3A_184 = tpu.memref_slice %arg31[%add3A_181] : memref<100352xf32, #tpu.memory_space<vmem_shared>> -> memref<6272xf32, #tpu.memory_space<vmem_shared>>
      tpu.enqueue_dma source(%arg12 : memref<6272xf32, #tpu.memory_space<vmem>>) target(%dma_start3A_184 : memref<6272xf32, #tpu.memory_space<vmem_shared>>) target_semaphore(%run_scoped3A : memref<!tpu.dma_semaphore, #tpu.memory_space<semaphore_mem>>)
      %dma_wait3A = tpu.memref_slice %arg31[%add3A_181] : memref<100352xf32, #tpu.memory_space<vmem_shared>> -> memref<6272xf32, #tpu.memory_space<vmem_shared>>
      %dma_wait3A_185 = tpu.memref_slice %arg31[%add3A_181] : memref<100352xf32, #tpu.memory_space<vmem_shared>> -> memref<6272xf32, #tpu.memory_space<vmem_shared>>
      tpu.wait_dma2 semaphore(%run_scoped3A : memref<!tpu.dma_semaphore, #tpu.memory_space<semaphore_mem>>) src(%arg12 : memref<6272xf32, #tpu.memory_space<vmem>>) dst(%dma_wait3A_185 : memref<6272xf32, #tpu.memory_space<vmem_shared>>)
      tpu.yield
    }) : () -> ()
    %barrier3A = arith.constant 0 : index
    tpu.barrier barrier_id(%barrier3A)
    %eq3A = arith.constant 0 : i32
    %eq3A_182 = arith.cmpi eq, %select_n3A, %eq3A : i32
    %convert_element_type3A = arith.extui %eq3A_182 : i1 to i32
    %cond3A = arith.constant 0 : i32
    %cond3A_183 = arith.cmpi ne, %convert_element_type3A, %cond3A : i32
    scf.if %cond3A_183 {
      "tpu.region"() ({
        %run_scoped3A = tpu.sem_alloc : memref<!tpu.dma_semaphore, #tpu.memory_space<semaphore_mem>>
        %dma_start3A_437 = tpu.memref_slice %arg31[%mul3A_178] : memref<100352xf32, #tpu.memory_space<vmem_shared>> -> memref<12544xf32, #tpu.memory_space<vmem_shared>>
        %dma_start3A_438 = tpu.memref_slice %arg31[%mul3A_178] : memref<100352xf32, #tpu.memory_space<vmem_shared>> -> memref<12544xf32, #tpu.memory_space<vmem_shared>>
        tpu.enqueue_dma source(%dma_start3A_438 : memref<12544xf32, #tpu.memory_space<vmem_shared>>) target(%arg13 : memref<12544xf32, #tpu.memory_space<vmem>>) target_semaphore(%run_scoped3A : memref<!tpu.dma_semaphore, #tpu.memory_space<semaphore_mem>>)
        %dma_wait3A_439 = tpu.memref_slice %arg31[%mul3A_178] : memref<100352xf32, #tpu.memory_space<vmem_shared>> -> memref<12544xf32, #tpu.memory_space<vmem_shared>>
        %dma_wait3A_440 = tpu.memref_slice %arg31[%mul3A_178] : memref<100352xf32, #tpu.memory_space<vmem_shared>> -> memref<12544xf32, #tpu.memory_space<vmem_shared>>
        tpu.wait_dma2 semaphore(%run_scoped3A : memref<!tpu.dma_semaphore, #tpu.memory_space<semaphore_mem>>) src(%dma_wait3A_440 : memref<12544xf32, #tpu.memory_space<vmem_shared>>) dst(%arg13 : memref<12544xf32, #tpu.memory_space<vmem>>)
        tpu.yield
      }) : () -> ()
      %scan3A_184 = arith.constant 0 : i32
      %scan3A_185 = arith.constant 0 : i32
      %scan3A_186 = arith.constant 49 : i32
      %scan3A_187 = arith.addi %scan3A_185, %scan3A_186 : i32
      %scan3A_188 = arith.constant 1 : i32
      %scan3A_189 = scf.for %scan3A_437 = %scan3A_185 to %scan3A_187 step %scan3A_188 iter_args(%scan3A_438 = %scan3A_184) -> (i32)  : i32 {
        %mul3A_439 = arith.constant 16 : i32
        %mul3A_440 = arith.muli %scan3A_437, %mul3A_439 : i32
        %add3A_441 = vector.broadcast %mul3A_440 : i32 to vector<16xi32>
        %add3A_442 = arith.addi %add3A_441, %iota3A : vector<16xi32>
        %mul3A_443 = arith.constant 16 : i32
        %mul3A_444 = vector.broadcast %mul3A_443 : i32 to vector<16xi32>
        %mul3A_445 = arith.muli %add3A_442, %mul3A_444 : vector<16xi32>
        %add3A_446 = arith.constant 0 : i32
        %add3A_447 = vector.broadcast %add3A_446 : i32 to vector<16xi32>
        %add3A_448 = arith.addi %mul3A_445, %add3A_447 : vector<16xi32>
        %gather3A = tpu.vector_load_idx %arg13[%add3A_448] : memref<12544xf32, #tpu.memory_space<vmem>>[vector<16xi32>], vector<16xf32>,
        %max3A_449 = arith.maximumf %broadcast_in_dim3A_24, %gather3A : vector<16xf32>
        %add3A_450 = arith.constant 0 : i32
        %add3A_451 = vector.broadcast %add3A_450 : i32 to vector<16xi32>
        %add3A_452 = arith.addi %mul3A_445, %add3A_451 : vector<16xi32>
        %add3A_453 = arith.constant 1 : i32
        %add3A_454 = vector.broadcast %add3A_453 : i32 to vector<16xi32>
        %add3A_455 = arith.addi %add3A_452, %add3A_454 : vector<16xi32>
        %gather3A_456 = tpu.vector_load_idx %arg13[%add3A_455] : memref<12544xf32, #tpu.memory_space<vmem>>[vector<16xi32>], vector<16xf32>,
        %max3A_457 = arith.maximumf %broadcast_in_dim3A_24, %gather3A_456 : vector<16xf32>
        %add3A_458 = arith.constant 2 : i32
        %add3A_459 = vector.broadcast %add3A_458 : i32 to vector<16xi32>
        %add3A_460 = arith.addi %mul3A_445, %add3A_459 : vector<16xi32>
        %gather3A_461 = tpu.vector_load_idx %arg13[%add3A_460] : memref<12544xf32, #tpu.memory_space<vmem>>[vector<16xi32>], vector<16xf32>,
        %max3A_462 = arith.maximumf %max3A_449, %gather3A_461 : vector<16xf32>
        %add3A_463 = arith.constant 2 : i32
        %add3A_464 = vector.broadcast %add3A_463 : i32 to vector<16xi32>
        %add3A_465 = arith.addi %mul3A_445, %add3A_464 : vector<16xi32>
        %add3A_466 = arith.constant 1 : i32
        %add3A_467 = vector.broadcast %add3A_466 : i32 to vector<16xi32>
        %add3A_468 = arith.addi %add3A_465, %add3A_467 : vector<16xi32>
        %gather3A_469 = tpu.vector_load_idx %arg13[%add3A_468] : memref<12544xf32, #tpu.memory_space<vmem>>[vector<16xi32>], vector<16xf32>,
        %max3A_470 = arith.maximumf %max3A_457, %gather3A_469 : vector<16xf32>
        %add3A_471 = arith.constant 4 : i32
        %add3A_472 = vector.broadcast %add3A_471 : i32 to vector<16xi32>
        %add3A_473 = arith.addi %mul3A_445, %add3A_472 : vector<16xi32>
        %gather3A_474 = tpu.vector_load_idx %arg13[%add3A_473] : memref<12544xf32, #tpu.memory_space<vmem>>[vector<16xi32>], vector<16xf32>,
        %max3A_475 = arith.maximumf %max3A_462, %gather3A_474 : vector<16xf32>
        %add3A_476 = arith.constant 4 : i32
        %add3A_477 = vector.broadcast %add3A_476 : i32 to vector<16xi32>
        %add3A_478 = arith.addi %mul3A_445, %add3A_477 : vector<16xi32>
        %add3A_479 = arith.constant 1 : i32
        %add3A_480 = vector.broadcast %add3A_479 : i32 to vector<16xi32>
        %add3A_481 = arith.addi %add3A_478, %add3A_480 : vector<16xi32>
        %gather3A_482 = tpu.vector_load_idx %arg13[%add3A_481] : memref<12544xf32, #tpu.memory_space<vmem>>[vector<16xi32>], vector<16xf32>,
        %max3A_483 = arith.maximumf %max3A_470, %gather3A_482 : vector<16xf32>
        %add3A_484 = arith.constant 6 : i32
        %add3A_485 = vector.broadcast %add3A_484 : i32 to vector<16xi32>
        %add3A_486 = arith.addi %mul3A_445, %add3A_485 : vector<16xi32>
        %gather3A_487 = tpu.vector_load_idx %arg13[%add3A_486] : memref<12544xf32, #tpu.memory_space<vmem>>[vector<16xi32>], vector<16xf32>,
        %max3A_488 = arith.maximumf %max3A_475, %gather3A_487 : vector<16xf32>
        %add3A_489 = arith.constant 6 : i32
        %add3A_490 = vector.broadcast %add3A_489 : i32 to vector<16xi32>
        %add3A_491 = arith.addi %mul3A_445, %add3A_490 : vector<16xi32>
        %add3A_492 = arith.constant 1 : i32
        %add3A_493 = vector.broadcast %add3A_492 : i32 to vector<16xi32>
        %add3A_494 = arith.addi %add3A_491, %add3A_493 : vector<16xi32>
        %gather3A_495 = tpu.vector_load_idx %arg13[%add3A_494] : memref<12544xf32, #tpu.memory_space<vmem>>[vector<16xi32>], vector<16xf32>,
        %max3A_496 = arith.maximumf %max3A_483, %gather3A_495 : vector<16xf32>
        %add3A_497 = arith.constant 8 : i32
        %add3A_498 = vector.broadcast %add3A_497 : i32 to vector<16xi32>
        %add3A_499 = arith.addi %mul3A_445, %add3A_498 : vector<16xi32>
        %gather3A_500 = tpu.vector_load_idx %arg13[%add3A_499] : memref<12544xf32, #tpu.memory_space<vmem>>[vector<16xi32>], vector<16xf32>,
        %max3A_501 = arith.maximumf %max3A_488, %gather3A_500 : vector<16xf32>
        %add3A_502 = arith.constant 8 : i32
        %add3A_503 = vector.broadcast %add3A_502 : i32 to vector<16xi32>
        %add3A_504 = arith.addi %mul3A_445, %add3A_503 : vector<16xi32>
        %add3A_505 = arith.constant 1 : i32
        %add3A_506 = vector.broadcast %add3A_505 : i32 to vector<16xi32>
        %add3A_507 = arith.addi %add3A_504, %add3A_506 : vector<16xi32>
        %gather3A_508 = tpu.vector_load_idx %arg13[%add3A_507] : memref<12544xf32, #tpu.memory_space<vmem>>[vector<16xi32>], vector<16xf32>,
        %max3A_509 = arith.maximumf %max3A_496, %gather3A_508 : vector<16xf32>
        %add3A_510 = arith.constant 10 : i32
        %add3A_511 = vector.broadcast %add3A_510 : i32 to vector<16xi32>
        %add3A_512 = arith.addi %mul3A_445, %add3A_511 : vector<16xi32>
        %gather3A_513 = tpu.vector_load_idx %arg13[%add3A_512] : memref<12544xf32, #tpu.memory_space<vmem>>[vector<16xi32>], vector<16xf32>,
        %max3A_514 = arith.maximumf %max3A_501, %gather3A_513 : vector<16xf32>
        %add3A_515 = arith.constant 10 : i32
        %add3A_516 = vector.broadcast %add3A_515 : i32 to vector<16xi32>
        %add3A_517 = arith.addi %mul3A_445, %add3A_516 : vector<16xi32>
        %add3A_518 = arith.constant 1 : i32
        %add3A_519 = vector.broadcast %add3A_518 : i32 to vector<16xi32>
        %add3A_520 = arith.addi %add3A_517, %add3A_519 : vector<16xi32>
        %gather3A_521 = tpu.vector_load_idx %arg13[%add3A_520] : memref<12544xf32, #tpu.memory_space<vmem>>[vector<16xi32>], vector<16xf32>,
        %max3A_522 = arith.maximumf %max3A_509, %gather3A_521 : vector<16xf32>
        %add3A_523 = arith.constant 12 : i32
        %add3A_524 = vector.broadcast %add3A_523 : i32 to vector<16xi32>
        %add3A_525 = arith.addi %mul3A_445, %add3A_524 : vector<16xi32>
        %gather3A_526 = tpu.vector_load_idx %arg13[%add3A_525] : memref<12544xf32, #tpu.memory_space<vmem>>[vector<16xi32>], vector<16xf32>,
        %max3A_527 = arith.maximumf %max3A_514, %gather3A_526 : vector<16xf32>
        %add3A_528 = arith.constant 12 : i32
        %add3A_529 = vector.broadcast %add3A_528 : i32 to vector<16xi32>
        %add3A_530 = arith.addi %mul3A_445, %add3A_529 : vector<16xi32>
        %add3A_531 = arith.constant 1 : i32
        %add3A_532 = vector.broadcast %add3A_531 : i32 to vector<16xi32>
        %add3A_533 = arith.addi %add3A_530, %add3A_532 : vector<16xi32>
        %gather3A_534 = tpu.vector_load_idx %arg13[%add3A_533] : memref<12544xf32, #tpu.memory_space<vmem>>[vector<16xi32>], vector<16xf32>,
        %max3A_535 = arith.maximumf %max3A_522, %gather3A_534 : vector<16xf32>
        %add3A_536 = arith.constant 14 : i32
        %add3A_537 = vector.broadcast %add3A_536 : i32 to vector<16xi32>
        %add3A_538 = arith.addi %mul3A_445, %add3A_537 : vector<16xi32>
        %gather3A_539 = tpu.vector_load_idx %arg13[%add3A_538] : memref<12544xf32, #tpu.memory_space<vmem>>[vector<16xi32>], vector<16xf32>,
        %max3A_540 = arith.maximumf %max3A_527, %gather3A_539 : vector<16xf32>
        %add3A_541 = arith.constant 14 : i32
        %add3A_542 = vector.broadcast %add3A_541 : i32 to vector<16xi32>
        %add3A_543 = arith.addi %mul3A_445, %add3A_542 : vector<16xi32>
        %add3A_544 = arith.constant 1 : i32
        %add3A_545 = vector.broadcast %add3A_544 : i32 to vector<16xi32>
        %add3A_546 = arith.addi %add3A_543, %add3A_545 : vector<16xi32>
        %gather3A_547 = tpu.vector_load_idx %arg13[%add3A_546] : memref<12544xf32, #tpu.memory_space<vmem>>[vector<16xi32>], vector<16xf32>,
        %max3A_548 = arith.maximumf %max3A_535, %gather3A_547 : vector<16xf32>
        %max3A_549 = arith.maximumf %max3A_540, %max3A_548 : vector<16xf32>
        %mul3A_550 = arith.constant 16 : i32
        %mul3A_551 = arith.muli %scan3A_437, %mul3A_550 : i32
        %swap3A_552 = arith.index_cast %mul3A_551 : i32 to index
        %swap3A_553 = tpu.vector_load %arg14[%swap3A_552] {strides = array<i32>} : memref<784xf32, #tpu.memory_space<vmem>>, vector<16xf32>,
        tpu.vector_store %arg14[%swap3A_552], %max3A_549 {strides = array<i32>} : memref<784xf32, #tpu.memory_space<vmem>>, vector<16xf32>,
        %scan3A_554 = arith.constant 0 : i32
        scf.yield %scan3A_554 : i32
      }
      %scan3A_190 = arith.constant 49 : i32
      %scan3A_191 = arith.constant -2139095041 : i32
      %scan3A_192 = arith.constant 2139095040 : i32
      %scan3A_193 = arith.constant 0 : i32
      %scan3A_194 = arith.constant 32 : i32
      %scan3A_195 = arith.addi %scan3A_193, %scan3A_194 : i32
      %scan3A_196 = arith.constant 1 : i32
      %scan3A_197:2 = scf.for %scan3A_437 = %scan3A_193 to %scan3A_195 step %scan3A_196 iter_args(%scan3A_438 = %scan3A_191, %scan3A_439 = %scan3A_192) -> (i32, i32)  : i32 {
        %shift_right_arithmetic3A = arith.constant 1 : i32
        %shift_right_arithmetic3A_440 = arith.shrsi %scan3A_438, %shift_right_arithmetic3A : i32
        %shift_right_arithmetic3A_441 = arith.constant 1 : i32
        %shift_right_arithmetic3A_442 = arith.shrsi %scan3A_439, %shift_right_arithmetic3A_441 : i32
        %add3A_443 = arith.addi %shift_right_arithmetic3A_440, %shift_right_arithmetic3A_442 : i32
        %and3A_444 = arith.andi %scan3A_438, %scan3A_439 : i32
        %and3A_445 = arith.constant 1 : i32
        %and3A_446 = arith.andi %and3A_444, %and3A_445 : i32
        %add3A_447 = arith.addi %add3A_443, %and3A_446 : i32
        %lt3A_448 = arith.constant 0 : i32
        %lt3A_449 = arith.cmpi slt, %add3A_447, %lt3A_448 : i32
        %xor3A_450 = arith.constant 2147483647 : i32
        %xor3A_451 = arith.xori %add3A_447, %xor3A_450 : i32
        %select_n3A_452 = arith.select %lt3A_449, %xor3A_451, %add3A_447 : i32
        %bitcast_convert_type3A_453 = arith.bitcast %select_n3A_452 : i32 to f32
        %broadcast_in_dim3A_454 = arith.constant 0 : i32
        %broadcast_in_dim3A_455 = vector.broadcast %broadcast_in_dim3A_454 : i32 to vector<16xi32>
        %get3A = arith.constant 0 : index
        %get3A_456 = tpu.vector_load %arg14[%get3A] {strides = array<i32>} : memref<784xf32, #tpu.memory_space<vmem>>, vector<16xf32>,
        %ge3A = vector.broadcast %bitcast_convert_type3A_453 : f32 to vector<16xf32>
        %ge3A_457 = arith.cmpf oge, %get3A_456, %ge3A : vector<16xf32>
        %jit3A_458 = arith.constant 1 : i32
        %jit3A_459 = arith.constant 0 : i32
        %broadcast_in_dim3A_460 = vector.broadcast %jit3A_458 : i32 to vector<16xi32>
        %broadcast_in_dim3A_461 = vector.broadcast %jit3A_459 : i32 to vector<16xi32>
        %select_n3A_462 = arith.select %ge3A_457, %broadcast_in_dim3A_460, %broadcast_in_dim3A_461 : vector<16xi1>, vector<16xi32>
        %add3A_463 = arith.addi %broadcast_in_dim3A_455, %select_n3A_462 : vector<16xi32>
        %get3A_464 = arith.constant 16 : index
        %get3A_465 = tpu.vector_load %arg14[%get3A_464] {strides = array<i32>} : memref<784xf32, #tpu.memory_space<vmem>>, vector<16xf32>,
        %ge3A_466 = vector.broadcast %bitcast_convert_type3A_453 : f32 to vector<16xf32>
        %ge3A_467 = arith.cmpf oge, %get3A_465, %ge3A_466 : vector<16xf32>
        %jit3A_468 = arith.constant 1 : i32
        %jit3A_469 = arith.constant 0 : i32
        %broadcast_in_dim3A_470 = vector.broadcast %jit3A_468 : i32 to vector<16xi32>
        %broadcast_in_dim3A_471 = vector.broadcast %jit3A_469 : i32 to vector<16xi32>
        %select_n3A_472 = arith.select %ge3A_467, %broadcast_in_dim3A_470, %broadcast_in_dim3A_471 : vector<16xi1>, vector<16xi32>
        %add3A_473 = arith.addi %add3A_463, %select_n3A_472 : vector<16xi32>
        %get3A_474 = arith.constant 32 : index
        %get3A_475 = tpu.vector_load %arg14[%get3A_474] {strides = array<i32>} : memref<784xf32, #tpu.memory_space<vmem>>, vector<16xf32>,
        %ge3A_476 = vector.broadcast %bitcast_convert_type3A_453 : f32 to vector<16xf32>
        %ge3A_477 = arith.cmpf oge, %get3A_475, %ge3A_476 : vector<16xf32>
        %jit3A_478 = arith.constant 1 : i32
        %jit3A_479 = arith.constant 0 : i32
        %broadcast_in_dim3A_480 = vector.broadcast %jit3A_478 : i32 to vector<16xi32>
        %broadcast_in_dim3A_481 = vector.broadcast %jit3A_479 : i32 to vector<16xi32>
        %select_n3A_482 = arith.select %ge3A_477, %broadcast_in_dim3A_480, %broadcast_in_dim3A_481 : vector<16xi1>, vector<16xi32>
        %add3A_483 = arith.addi %add3A_473, %select_n3A_482 : vector<16xi32>
        %get3A_484 = arith.constant 48 : index
        %get3A_485 = tpu.vector_load %arg14[%get3A_484] {strides = array<i32>} : memref<784xf32, #tpu.memory_space<vmem>>, vector<16xf32>,
        %ge3A_486 = vector.broadcast %bitcast_convert_type3A_453 : f32 to vector<16xf32>
        %ge3A_487 = arith.cmpf oge, %get3A_485, %ge3A_486 : vector<16xf32>
        %jit3A_488 = arith.constant 1 : i32
        %jit3A_489 = arith.constant 0 : i32
        %broadcast_in_dim3A_490 = vector.broadcast %jit3A_488 : i32 to vector<16xi32>
        %broadcast_in_dim3A_491 = vector.broadcast %jit3A_489 : i32 to vector<16xi32>
        %select_n3A_492 = arith.select %ge3A_487, %broadcast_in_dim3A_490, %broadcast_in_dim3A_491 : vector<16xi1>, vector<16xi32>
        %add3A_493 = arith.addi %add3A_483, %select_n3A_492 : vector<16xi32>
        %get3A_494 = arith.constant 64 : index
        %get3A_495 = tpu.vector_load %arg14[%get3A_494] {strides = array<i32>} : memref<784xf32, #tpu.memory_space<vmem>>, vector<16xf32>,
        %ge3A_496 = vector.broadcast %bitcast_convert_type3A_453 : f32 to vector<16xf32>
        %ge3A_497 = arith.cmpf oge, %get3A_495, %ge3A_496 : vector<16xf32>
        %jit3A_498 = arith.constant 1 : i32
        %jit3A_499 = arith.constant 0 : i32
        %broadcast_in_dim3A_500 = vector.broadcast %jit3A_498 : i32 to vector<16xi32>
        %broadcast_in_dim3A_501 = vector.broadcast %jit3A_499 : i32 to vector<16xi32>
        %select_n3A_502 = arith.select %ge3A_497, %broadcast_in_dim3A_500, %broadcast_in_dim3A_501 : vector<16xi1>, vector<16xi32>
        %add3A_503 = arith.addi %add3A_493, %select_n3A_502 : vector<16xi32>
        %get3A_504 = arith.constant 80 : index
        %get3A_505 = tpu.vector_load %arg14[%get3A_504] {strides = array<i32>} : memref<784xf32, #tpu.memory_space<vmem>>, vector<16xf32>,
        %ge3A_506 = vector.broadcast %bitcast_convert_type3A_453 : f32 to vector<16xf32>
        %ge3A_507 = arith.cmpf oge, %get3A_505, %ge3A_506 : vector<16xf32>
        %jit3A_508 = arith.constant 1 : i32
        %jit3A_509 = arith.constant 0 : i32
        %broadcast_in_dim3A_510 = vector.broadcast %jit3A_508 : i32 to vector<16xi32>
        %broadcast_in_dim3A_511 = vector.broadcast %jit3A_509 : i32 to vector<16xi32>
        %select_n3A_512 = arith.select %ge3A_507, %broadcast_in_dim3A_510, %broadcast_in_dim3A_511 : vector<16xi1>, vector<16xi32>
        %add3A_513 = arith.addi %add3A_503, %select_n3A_512 : vector<16xi32>
        %get3A_514 = arith.constant 96 : index
        %get3A_515 = tpu.vector_load %arg14[%get3A_514] {strides = array<i32>} : memref<784xf32, #tpu.memory_space<vmem>>, vector<16xf32>,
        %ge3A_516 = vector.broadcast %bitcast_convert_type3A_453 : f32 to vector<16xf32>
        %ge3A_517 = arith.cmpf oge, %get3A_515, %ge3A_516 : vector<16xf32>
        %jit3A_518 = arith.constant 1 : i32
        %jit3A_519 = arith.constant 0 : i32
        %broadcast_in_dim3A_520 = vector.broadcast %jit3A_518 : i32 to vector<16xi32>
        %broadcast_in_dim3A_521 = vector.broadcast %jit3A_519 : i32 to vector<16xi32>
        %select_n3A_522 = arith.select %ge3A_517, %broadcast_in_dim3A_520, %broadcast_in_dim3A_521 : vector<16xi1>, vector<16xi32>
        %add3A_523 = arith.addi %add3A_513, %select_n3A_522 : vector<16xi32>
        %get3A_524 = arith.constant 112 : index
        %get3A_525 = tpu.vector_load %arg14[%get3A_524] {strides = array<i32>} : memref<784xf32, #tpu.memory_space<vmem>>, vector<16xf32>,
        %ge3A_526 = vector.broadcast %bitcast_convert_type3A_453 : f32 to vector<16xf32>
        %ge3A_527 = arith.cmpf oge, %get3A_525, %ge3A_526 : vector<16xf32>
        %jit3A_528 = arith.constant 1 : i32
        %jit3A_529 = arith.constant 0 : i32
        %broadcast_in_dim3A_530 = vector.broadcast %jit3A_528 : i32 to vector<16xi32>
        %broadcast_in_dim3A_531 = vector.broadcast %jit3A_529 : i32 to vector<16xi32>
        %select_n3A_532 = arith.select %ge3A_527, %broadcast_in_dim3A_530, %broadcast_in_dim3A_531 : vector<16xi1>, vector<16xi32>
        %add3A_533 = arith.addi %add3A_523, %select_n3A_532 : vector<16xi32>
        %get3A_534 = arith.constant 128 : index
        %get3A_535 = tpu.vector_load %arg14[%get3A_534] {strides = array<i32>} : memref<784xf32, #tpu.memory_space<vmem>>, vector<16xf32>,
        %ge3A_536 = vector.broadcast %bitcast_convert_type3A_453 : f32 to vector<16xf32>
        %ge3A_537 = arith.cmpf oge, %get3A_535, %ge3A_536 : vector<16xf32>
        %jit3A_538 = arith.constant 1 : i32
        %jit3A_539 = arith.constant 0 : i32
        %broadcast_in_dim3A_540 = vector.broadcast %jit3A_538 : i32 to vector<16xi32>
        %broadcast_in_dim3A_541 = vector.broadcast %jit3A_539 : i32 to vector<16xi32>
        %select_n3A_542 = arith.select %ge3A_537, %broadcast_in_dim3A_540, %broadcast_in_dim3A_541 : vector<16xi1>, vector<16xi32>
        %add3A_543 = arith.addi %add3A_533, %select_n3A_542 : vector<16xi32>
        %get3A_544 = arith.constant 144 : index
        %get3A_545 = tpu.vector_load %arg14[%get3A_544] {strides = array<i32>} : memref<784xf32, #tpu.memory_space<vmem>>, vector<16xf32>,
        %ge3A_546 = vector.broadcast %bitcast_convert_type3A_453 : f32 to vector<16xf32>
        %ge3A_547 = arith.cmpf oge, %get3A_545, %ge3A_546 : vector<16xf32>
        %jit3A_548 = arith.constant 1 : i32
        %jit3A_549 = arith.constant 0 : i32
        %broadcast_in_dim3A_550 = vector.broadcast %jit3A_548 : i32 to vector<16xi32>
        %broadcast_in_dim3A_551 = vector.broadcast %jit3A_549 : i32 to vector<16xi32>
        %select_n3A_552 = arith.select %ge3A_547, %broadcast_in_dim3A_550, %broadcast_in_dim3A_551 : vector<16xi1>, vector<16xi32>
        %add3A_553 = arith.addi %add3A_543, %select_n3A_552 : vector<16xi32>
        %get3A_554 = arith.constant 160 : index
        %get3A_555 = tpu.vector_load %arg14[%get3A_554] {strides = array<i32>} : memref<784xf32, #tpu.memory_space<vmem>>, vector<16xf32>,
        %ge3A_556 = vector.broadcast %bitcast_convert_type3A_453 : f32 to vector<16xf32>
        %ge3A_557 = arith.cmpf oge, %get3A_555, %ge3A_556 : vector<16xf32>
        %jit3A_558 = arith.constant 1 : i32
        %jit3A_559 = arith.constant 0 : i32
        %broadcast_in_dim3A_560 = vector.broadcast %jit3A_558 : i32 to vector<16xi32>
        %broadcast_in_dim3A_561 = vector.broadcast %jit3A_559 : i32 to vector<16xi32>
        %select_n3A_562 = arith.select %ge3A_557, %broadcast_in_dim3A_560, %broadcast_in_dim3A_561 : vector<16xi1>, vector<16xi32>
        %add3A_563 = arith.addi %add3A_553, %select_n3A_562 : vector<16xi32>
        %get3A_564 = arith.constant 176 : index
        %get3A_565 = tpu.vector_load %arg14[%get3A_564] {strides = array<i32>} : memref<784xf32, #tpu.memory_space<vmem>>, vector<16xf32>,
        %ge3A_566 = vector.broadcast %bitcast_convert_type3A_453 : f32 to vector<16xf32>
        %ge3A_567 = arith.cmpf oge, %get3A_565, %ge3A_566 : vector<16xf32>
        %jit3A_568 = arith.constant 1 : i32
        %jit3A_569 = arith.constant 0 : i32
        %broadcast_in_dim3A_570 = vector.broadcast %jit3A_568 : i32 to vector<16xi32>
        %broadcast_in_dim3A_571 = vector.broadcast %jit3A_569 : i32 to vector<16xi32>
        %select_n3A_572 = arith.select %ge3A_567, %broadcast_in_dim3A_570, %broadcast_in_dim3A_571 : vector<16xi1>, vector<16xi32>
        %add3A_573 = arith.addi %add3A_563, %select_n3A_572 : vector<16xi32>
        %get3A_574 = arith.constant 192 : index
        %get3A_575 = tpu.vector_load %arg14[%get3A_574] {strides = array<i32>} : memref<784xf32, #tpu.memory_space<vmem>>, vector<16xf32>,
        %ge3A_576 = vector.broadcast %bitcast_convert_type3A_453 : f32 to vector<16xf32>
        %ge3A_577 = arith.cmpf oge, %get3A_575, %ge3A_576 : vector<16xf32>
        %jit3A_578 = arith.constant 1 : i32
        %jit3A_579 = arith.constant 0 : i32
        %broadcast_in_dim3A_580 = vector.broadcast %jit3A_578 : i32 to vector<16xi32>
        %broadcast_in_dim3A_581 = vector.broadcast %jit3A_579 : i32 to vector<16xi32>
        %select_n3A_582 = arith.select %ge3A_577, %broadcast_in_dim3A_580, %broadcast_in_dim3A_581 : vector<16xi1>, vector<16xi32>
        %add3A_583 = arith.addi %add3A_573, %select_n3A_582 : vector<16xi32>
        %get3A_584 = arith.constant 208 : index
        %get3A_585 = tpu.vector_load %arg14[%get3A_584] {strides = array<i32>} : memref<784xf32, #tpu.memory_space<vmem>>, vector<16xf32>,
        %ge3A_586 = vector.broadcast %bitcast_convert_type3A_453 : f32 to vector<16xf32>
        %ge3A_587 = arith.cmpf oge, %get3A_585, %ge3A_586 : vector<16xf32>
        %jit3A_588 = arith.constant 1 : i32
        %jit3A_589 = arith.constant 0 : i32
        %broadcast_in_dim3A_590 = vector.broadcast %jit3A_588 : i32 to vector<16xi32>
        %broadcast_in_dim3A_591 = vector.broadcast %jit3A_589 : i32 to vector<16xi32>
        %select_n3A_592 = arith.select %ge3A_587, %broadcast_in_dim3A_590, %broadcast_in_dim3A_591 : vector<16xi1>, vector<16xi32>
        %add3A_593 = arith.addi %add3A_583, %select_n3A_592 : vector<16xi32>
        %get3A_594 = arith.constant 224 : index
        %get3A_595 = tpu.vector_load %arg14[%get3A_594] {strides = array<i32>} : memref<784xf32, #tpu.memory_space<vmem>>, vector<16xf32>,
        %ge3A_596 = vector.broadcast %bitcast_convert_type3A_453 : f32 to vector<16xf32>
        %ge3A_597 = arith.cmpf oge, %get3A_595, %ge3A_596 : vector<16xf32>
        %jit3A_598 = arith.constant 1 : i32
        %jit3A_599 = arith.constant 0 : i32
        %broadcast_in_dim3A_600 = vector.broadcast %jit3A_598 : i32 to vector<16xi32>
        %broadcast_in_dim3A_601 = vector.broadcast %jit3A_599 : i32 to vector<16xi32>
        %select_n3A_602 = arith.select %ge3A_597, %broadcast_in_dim3A_600, %broadcast_in_dim3A_601 : vector<16xi1>, vector<16xi32>
        %add3A_603 = arith.addi %add3A_593, %select_n3A_602 : vector<16xi32>
        %get3A_604 = arith.constant 240 : index
        %get3A_605 = tpu.vector_load %arg14[%get3A_604] {strides = array<i32>} : memref<784xf32, #tpu.memory_space<vmem>>, vector<16xf32>,
        %ge3A_606 = vector.broadcast %bitcast_convert_type3A_453 : f32 to vector<16xf32>
        %ge3A_607 = arith.cmpf oge, %get3A_605, %ge3A_606 : vector<16xf32>
        %jit3A_608 = arith.constant 1 : i32
        %jit3A_609 = arith.constant 0 : i32
        %broadcast_in_dim3A_610 = vector.broadcast %jit3A_608 : i32 to vector<16xi32>
        %broadcast_in_dim3A_611 = vector.broadcast %jit3A_609 : i32 to vector<16xi32>
        %select_n3A_612 = arith.select %ge3A_607, %broadcast_in_dim3A_610, %broadcast_in_dim3A_611 : vector<16xi1>, vector<16xi32>
        %add3A_613 = arith.addi %add3A_603, %select_n3A_612 : vector<16xi32>
        %get3A_614 = arith.constant 256 : index
        %get3A_615 = tpu.vector_load %arg14[%get3A_614] {strides = array<i32>} : memref<784xf32, #tpu.memory_space<vmem>>, vector<16xf32>,
        %ge3A_616 = vector.broadcast %bitcast_convert_type3A_453 : f32 to vector<16xf32>
        %ge3A_617 = arith.cmpf oge, %get3A_615, %ge3A_616 : vector<16xf32>
        %jit3A_618 = arith.constant 1 : i32
        %jit3A_619 = arith.constant 0 : i32
        %broadcast_in_dim3A_620 = vector.broadcast %jit3A_618 : i32 to vector<16xi32>
        %broadcast_in_dim3A_621 = vector.broadcast %jit3A_619 : i32 to vector<16xi32>
        %select_n3A_622 = arith.select %ge3A_617, %broadcast_in_dim3A_620, %broadcast_in_dim3A_621 : vector<16xi1>, vector<16xi32>
        %add3A_623 = arith.addi %add3A_613, %select_n3A_622 : vector<16xi32>
        %get3A_624 = arith.constant 272 : index
        %get3A_625 = tpu.vector_load %arg14[%get3A_624] {strides = array<i32>} : memref<784xf32, #tpu.memory_space<vmem>>, vector<16xf32>,
        %ge3A_626 = vector.broadcast %bitcast_convert_type3A_453 : f32 to vector<16xf32>
        %ge3A_627 = arith.cmpf oge, %get3A_625, %ge3A_626 : vector<16xf32>
        %jit3A_628 = arith.constant 1 : i32
        %jit3A_629 = arith.constant 0 : i32
        %broadcast_in_dim3A_630 = vector.broadcast %jit3A_628 : i32 to vector<16xi32>
        %broadcast_in_dim3A_631 = vector.broadcast %jit3A_629 : i32 to vector<16xi32>
        %select_n3A_632 = arith.select %ge3A_627, %broadcast_in_dim3A_630, %broadcast_in_dim3A_631 : vector<16xi1>, vector<16xi32>
        %add3A_633 = arith.addi %add3A_623, %select_n3A_632 : vector<16xi32>
        %get3A_634 = arith.constant 288 : index
        %get3A_635 = tpu.vector_load %arg14[%get3A_634] {strides = array<i32>} : memref<784xf32, #tpu.memory_space<vmem>>, vector<16xf32>,
        %ge3A_636 = vector.broadcast %bitcast_convert_type3A_453 : f32 to vector<16xf32>
        %ge3A_637 = arith.cmpf oge, %get3A_635, %ge3A_636 : vector<16xf32>
        %jit3A_638 = arith.constant 1 : i32
        %jit3A_639 = arith.constant 0 : i32
        %broadcast_in_dim3A_640 = vector.broadcast %jit3A_638 : i32 to vector<16xi32>
        %broadcast_in_dim3A_641 = vector.broadcast %jit3A_639 : i32 to vector<16xi32>
        %select_n3A_642 = arith.select %ge3A_637, %broadcast_in_dim3A_640, %broadcast_in_dim3A_641 : vector<16xi1>, vector<16xi32>
        %add3A_643 = arith.addi %add3A_633, %select_n3A_642 : vector<16xi32>
        %get3A_644 = arith.constant 304 : index
        %get3A_645 = tpu.vector_load %arg14[%get3A_644] {strides = array<i32>} : memref<784xf32, #tpu.memory_space<vmem>>, vector<16xf32>,
        %ge3A_646 = vector.broadcast %bitcast_convert_type3A_453 : f32 to vector<16xf32>
        %ge3A_647 = arith.cmpf oge, %get3A_645, %ge3A_646 : vector<16xf32>
        %jit3A_648 = arith.constant 1 : i32
        %jit3A_649 = arith.constant 0 : i32
        %broadcast_in_dim3A_650 = vector.broadcast %jit3A_648 : i32 to vector<16xi32>
        %broadcast_in_dim3A_651 = vector.broadcast %jit3A_649 : i32 to vector<16xi32>
        %select_n3A_652 = arith.select %ge3A_647, %broadcast_in_dim3A_650, %broadcast_in_dim3A_651 : vector<16xi1>, vector<16xi32>
        %add3A_653 = arith.addi %add3A_643, %select_n3A_652 : vector<16xi32>
        %get3A_654 = arith.constant 320 : index
        %get3A_655 = tpu.vector_load %arg14[%get3A_654] {strides = array<i32>} : memref<784xf32, #tpu.memory_space<vmem>>, vector<16xf32>,
        %ge3A_656 = vector.broadcast %bitcast_convert_type3A_453 : f32 to vector<16xf32>
        %ge3A_657 = arith.cmpf oge, %get3A_655, %ge3A_656 : vector<16xf32>
        %jit3A_658 = arith.constant 1 : i32
        %jit3A_659 = arith.constant 0 : i32
        %broadcast_in_dim3A_660 = vector.broadcast %jit3A_658 : i32 to vector<16xi32>
        %broadcast_in_dim3A_661 = vector.broadcast %jit3A_659 : i32 to vector<16xi32>
        %select_n3A_662 = arith.select %ge3A_657, %broadcast_in_dim3A_660, %broadcast_in_dim3A_661 : vector<16xi1>, vector<16xi32>
        %add3A_663 = arith.addi %add3A_653, %select_n3A_662 : vector<16xi32>
        %get3A_664 = arith.constant 336 : index
        %get3A_665 = tpu.vector_load %arg14[%get3A_664] {strides = array<i32>} : memref<784xf32, #tpu.memory_space<vmem>>, vector<16xf32>,
        %ge3A_666 = vector.broadcast %bitcast_convert_type3A_453 : f32 to vector<16xf32>
        %ge3A_667 = arith.cmpf oge, %get3A_665, %ge3A_666 : vector<16xf32>
        %jit3A_668 = arith.constant 1 : i32
        %jit3A_669 = arith.constant 0 : i32
        %broadcast_in_dim3A_670 = vector.broadcast %jit3A_668 : i32 to vector<16xi32>
        %broadcast_in_dim3A_671 = vector.broadcast %jit3A_669 : i32 to vector<16xi32>
        %select_n3A_672 = arith.select %ge3A_667, %broadcast_in_dim3A_670, %broadcast_in_dim3A_671 : vector<16xi1>, vector<16xi32>
        %add3A_673 = arith.addi %add3A_663, %select_n3A_672 : vector<16xi32>
        %get3A_674 = arith.constant 352 : index
        %get3A_675 = tpu.vector_load %arg14[%get3A_674] {strides = array<i32>} : memref<784xf32, #tpu.memory_space<vmem>>, vector<16xf32>,
        %ge3A_676 = vector.broadcast %bitcast_convert_type3A_453 : f32 to vector<16xf32>
        %ge3A_677 = arith.cmpf oge, %get3A_675, %ge3A_676 : vector<16xf32>
        %jit3A_678 = arith.constant 1 : i32
        %jit3A_679 = arith.constant 0 : i32
        %broadcast_in_dim3A_680 = vector.broadcast %jit3A_678 : i32 to vector<16xi32>
        %broadcast_in_dim3A_681 = vector.broadcast %jit3A_679 : i32 to vector<16xi32>
        %select_n3A_682 = arith.select %ge3A_677, %broadcast_in_dim3A_680, %broadcast_in_dim3A_681 : vector<16xi1>, vector<16xi32>
        %add3A_683 = arith.addi %add3A_673, %select_n3A_682 : vector<16xi32>
        %get3A_684 = arith.constant 368 : index
        %get3A_685 = tpu.vector_load %arg14[%get3A_684] {strides = array<i32>} : memref<784xf32, #tpu.memory_space<vmem>>, vector<16xf32>,
        %ge3A_686 = vector.broadcast %bitcast_convert_type3A_453 : f32 to vector<16xf32>
        %ge3A_687 = arith.cmpf oge, %get3A_685, %ge3A_686 : vector<16xf32>
        %jit3A_688 = arith.constant 1 : i32
        %jit3A_689 = arith.constant 0 : i32
        %broadcast_in_dim3A_690 = vector.broadcast %jit3A_688 : i32 to vector<16xi32>
        %broadcast_in_dim3A_691 = vector.broadcast %jit3A_689 : i32 to vector<16xi32>
        %select_n3A_692 = arith.select %ge3A_687, %broadcast_in_dim3A_690, %broadcast_in_dim3A_691 : vector<16xi1>, vector<16xi32>
        %add3A_693 = arith.addi %add3A_683, %select_n3A_692 : vector<16xi32>
        %get3A_694 = arith.constant 384 : index
        %get3A_695 = tpu.vector_load %arg14[%get3A_694] {strides = array<i32>} : memref<784xf32, #tpu.memory_space<vmem>>, vector<16xf32>,
        %ge3A_696 = vector.broadcast %bitcast_convert_type3A_453 : f32 to vector<16xf32>
        %ge3A_697 = arith.cmpf oge, %get3A_695, %ge3A_696 : vector<16xf32>
        %jit3A_698 = arith.constant 1 : i32
        %jit3A_699 = arith.constant 0 : i32
        %broadcast_in_dim3A_700 = vector.broadcast %jit3A_698 : i32 to vector<16xi32>
        %broadcast_in_dim3A_701 = vector.broadcast %jit3A_699 : i32 to vector<16xi32>
        %select_n3A_702 = arith.select %ge3A_697, %broadcast_in_dim3A_700, %broadcast_in_dim3A_701 : vector<16xi1>, vector<16xi32>
        %add3A_703 = arith.addi %add3A_693, %select_n3A_702 : vector<16xi32>
        %get3A_704 = arith.constant 400 : index
        %get3A_705 = tpu.vector_load %arg14[%get3A_704] {strides = array<i32>} : memref<784xf32, #tpu.memory_space<vmem>>, vector<16xf32>,
        %ge3A_706 = vector.broadcast %bitcast_convert_type3A_453 : f32 to vector<16xf32>
        %ge3A_707 = arith.cmpf oge, %get3A_705, %ge3A_706 : vector<16xf32>
        %jit3A_708 = arith.constant 1 : i32
        %jit3A_709 = arith.constant 0 : i32
        %broadcast_in_dim3A_710 = vector.broadcast %jit3A_708 : i32 to vector<16xi32>
        %broadcast_in_dim3A_711 = vector.broadcast %jit3A_709 : i32 to vector<16xi32>
        %select_n3A_712 = arith.select %ge3A_707, %broadcast_in_dim3A_710, %broadcast_in_dim3A_711 : vector<16xi1>, vector<16xi32>
        %add3A_713 = arith.addi %add3A_703, %select_n3A_712 : vector<16xi32>
        %get3A_714 = arith.constant 416 : index
        %get3A_715 = tpu.vector_load %arg14[%get3A_714] {strides = array<i32>} : memref<784xf32, #tpu.memory_space<vmem>>, vector<16xf32>,
        %ge3A_716 = vector.broadcast %bitcast_convert_type3A_453 : f32 to vector<16xf32>
        %ge3A_717 = arith.cmpf oge, %get3A_715, %ge3A_716 : vector<16xf32>
        %jit3A_718 = arith.constant 1 : i32
        %jit3A_719 = arith.constant 0 : i32
        %broadcast_in_dim3A_720 = vector.broadcast %jit3A_718 : i32 to vector<16xi32>
        %broadcast_in_dim3A_721 = vector.broadcast %jit3A_719 : i32 to vector<16xi32>
        %select_n3A_722 = arith.select %ge3A_717, %broadcast_in_dim3A_720, %broadcast_in_dim3A_721 : vector<16xi1>, vector<16xi32>
        %add3A_723 = arith.addi %add3A_713, %select_n3A_722 : vector<16xi32>
        %get3A_724 = arith.constant 432 : index
        %get3A_725 = tpu.vector_load %arg14[%get3A_724] {strides = array<i32>} : memref<784xf32, #tpu.memory_space<vmem>>, vector<16xf32>,
        %ge3A_726 = vector.broadcast %bitcast_convert_type3A_453 : f32 to vector<16xf32>
        %ge3A_727 = arith.cmpf oge, %get3A_725, %ge3A_726 : vector<16xf32>
        %jit3A_728 = arith.constant 1 : i32
        %jit3A_729 = arith.constant 0 : i32
        %broadcast_in_dim3A_730 = vector.broadcast %jit3A_728 : i32 to vector<16xi32>
        %broadcast_in_dim3A_731 = vector.broadcast %jit3A_729 : i32 to vector<16xi32>
        %select_n3A_732 = arith.select %ge3A_727, %broadcast_in_dim3A_730, %broadcast_in_dim3A_731 : vector<16xi1>, vector<16xi32>
        %add3A_733 = arith.addi %add3A_723, %select_n3A_732 : vector<16xi32>
        %get3A_734 = arith.constant 448 : index
        %get3A_735 = tpu.vector_load %arg14[%get3A_734] {strides = array<i32>} : memref<784xf32, #tpu.memory_space<vmem>>, vector<16xf32>,
        %ge3A_736 = vector.broadcast %bitcast_convert_type3A_453 : f32 to vector<16xf32>
        %ge3A_737 = arith.cmpf oge, %get3A_735, %ge3A_736 : vector<16xf32>
        %jit3A_738 = arith.constant 1 : i32
        %jit3A_739 = arith.constant 0 : i32
        %broadcast_in_dim3A_740 = vector.broadcast %jit3A_738 : i32 to vector<16xi32>
        %broadcast_in_dim3A_741 = vector.broadcast %jit3A_739 : i32 to vector<16xi32>
        %select_n3A_742 = arith.select %ge3A_737, %broadcast_in_dim3A_740, %broadcast_in_dim3A_741 : vector<16xi1>, vector<16xi32>
        %add3A_743 = arith.addi %add3A_733, %select_n3A_742 : vector<16xi32>
        %get3A_744 = arith.constant 464 : index
        %get3A_745 = tpu.vector_load %arg14[%get3A_744] {strides = array<i32>} : memref<784xf32, #tpu.memory_space<vmem>>, vector<16xf32>,
        %ge3A_746 = vector.broadcast %bitcast_convert_type3A_453 : f32 to vector<16xf32>
        %ge3A_747 = arith.cmpf oge, %get3A_745, %ge3A_746 : vector<16xf32>
        %jit3A_748 = arith.constant 1 : i32
        %jit3A_749 = arith.constant 0 : i32
        %broadcast_in_dim3A_750 = vector.broadcast %jit3A_748 : i32 to vector<16xi32>
        %broadcast_in_dim3A_751 = vector.broadcast %jit3A_749 : i32 to vector<16xi32>
        %select_n3A_752 = arith.select %ge3A_747, %broadcast_in_dim3A_750, %broadcast_in_dim3A_751 : vector<16xi1>, vector<16xi32>
        %add3A_753 = arith.addi %add3A_743, %select_n3A_752 : vector<16xi32>
        %get3A_754 = arith.constant 480 : index
        %get3A_755 = tpu.vector_load %arg14[%get3A_754] {strides = array<i32>} : memref<784xf32, #tpu.memory_space<vmem>>, vector<16xf32>,
        %ge3A_756 = vector.broadcast %bitcast_convert_type3A_453 : f32 to vector<16xf32>
        %ge3A_757 = arith.cmpf oge, %get3A_755, %ge3A_756 : vector<16xf32>
        %jit3A_758 = arith.constant 1 : i32
        %jit3A_759 = arith.constant 0 : i32
        %broadcast_in_dim3A_760 = vector.broadcast %jit3A_758 : i32 to vector<16xi32>
        %broadcast_in_dim3A_761 = vector.broadcast %jit3A_759 : i32 to vector<16xi32>
        %select_n3A_762 = arith.select %ge3A_757, %broadcast_in_dim3A_760, %broadcast_in_dim3A_761 : vector<16xi1>, vector<16xi32>
        %add3A_763 = arith.addi %add3A_753, %select_n3A_762 : vector<16xi32>
        %get3A_764 = arith.constant 496 : index
        %get3A_765 = tpu.vector_load %arg14[%get3A_764] {strides = array<i32>} : memref<784xf32, #tpu.memory_space<vmem>>, vector<16xf32>,
        %ge3A_766 = vector.broadcast %bitcast_convert_type3A_453 : f32 to vector<16xf32>
        %ge3A_767 = arith.cmpf oge, %get3A_765, %ge3A_766 : vector<16xf32>
        %jit3A_768 = arith.constant 1 : i32
        %jit3A_769 = arith.constant 0 : i32
        %broadcast_in_dim3A_770 = vector.broadcast %jit3A_768 : i32 to vector<16xi32>
        %broadcast_in_dim3A_771 = vector.broadcast %jit3A_769 : i32 to vector<16xi32>
        %select_n3A_772 = arith.select %ge3A_767, %broadcast_in_dim3A_770, %broadcast_in_dim3A_771 : vector<16xi1>, vector<16xi32>
        %add3A_773 = arith.addi %add3A_763, %select_n3A_772 : vector<16xi32>
        %get3A_774 = arith.constant 512 : index
        %get3A_775 = tpu.vector_load %arg14[%get3A_774] {strides = array<i32>} : memref<784xf32, #tpu.memory_space<vmem>>, vector<16xf32>,
        %ge3A_776 = vector.broadcast %bitcast_convert_type3A_453 : f32 to vector<16xf32>
        %ge3A_777 = arith.cmpf oge, %get3A_775, %ge3A_776 : vector<16xf32>
        %jit3A_778 = arith.constant 1 : i32
        %jit3A_779 = arith.constant 0 : i32
        %broadcast_in_dim3A_780 = vector.broadcast %jit3A_778 : i32 to vector<16xi32>
        %broadcast_in_dim3A_781 = vector.broadcast %jit3A_779 : i32 to vector<16xi32>
        %select_n3A_782 = arith.select %ge3A_777, %broadcast_in_dim3A_780, %broadcast_in_dim3A_781 : vector<16xi1>, vector<16xi32>
        %add3A_783 = arith.addi %add3A_773, %select_n3A_782 : vector<16xi32>
        %get3A_784 = arith.constant 528 : index
        %get3A_785 = tpu.vector_load %arg14[%get3A_784] {strides = array<i32>} : memref<784xf32, #tpu.memory_space<vmem>>, vector<16xf32>,
        %ge3A_786 = vector.broadcast %bitcast_convert_type3A_453 : f32 to vector<16xf32>
        %ge3A_787 = arith.cmpf oge, %get3A_785, %ge3A_786 : vector<16xf32>
        %jit3A_788 = arith.constant 1 : i32
        %jit3A_789 = arith.constant 0 : i32
        %broadcast_in_dim3A_790 = vector.broadcast %jit3A_788 : i32 to vector<16xi32>
        %broadcast_in_dim3A_791 = vector.broadcast %jit3A_789 : i32 to vector<16xi32>
        %select_n3A_792 = arith.select %ge3A_787, %broadcast_in_dim3A_790, %broadcast_in_dim3A_791 : vector<16xi1>, vector<16xi32>
        %add3A_793 = arith.addi %add3A_783, %select_n3A_792 : vector<16xi32>
        %get3A_794 = arith.constant 544 : index
        %get3A_795 = tpu.vector_load %arg14[%get3A_794] {strides = array<i32>} : memref<784xf32, #tpu.memory_space<vmem>>, vector<16xf32>,
        %ge3A_796 = vector.broadcast %bitcast_convert_type3A_453 : f32 to vector<16xf32>
        %ge3A_797 = arith.cmpf oge, %get3A_795, %ge3A_796 : vector<16xf32>
        %jit3A_798 = arith.constant 1 : i32
        %jit3A_799 = arith.constant 0 : i32
        %broadcast_in_dim3A_800 = vector.broadcast %jit3A_798 : i32 to vector<16xi32>
        %broadcast_in_dim3A_801 = vector.broadcast %jit3A_799 : i32 to vector<16xi32>
        %select_n3A_802 = arith.select %ge3A_797, %broadcast_in_dim3A_800, %broadcast_in_dim3A_801 : vector<16xi1>, vector<16xi32>
        %add3A_803 = arith.addi %add3A_793, %select_n3A_802 : vector<16xi32>
        %get3A_804 = arith.constant 560 : index
        %get3A_805 = tpu.vector_load %arg14[%get3A_804] {strides = array<i32>} : memref<784xf32, #tpu.memory_space<vmem>>, vector<16xf32>,
        %ge3A_806 = vector.broadcast %bitcast_convert_type3A_453 : f32 to vector<16xf32>
        %ge3A_807 = arith.cmpf oge, %get3A_805, %ge3A_806 : vector<16xf32>
        %jit3A_808 = arith.constant 1 : i32
        %jit3A_809 = arith.constant 0 : i32
        %broadcast_in_dim3A_810 = vector.broadcast %jit3A_808 : i32 to vector<16xi32>
        %broadcast_in_dim3A_811 = vector.broadcast %jit3A_809 : i32 to vector<16xi32>
        %select_n3A_812 = arith.select %ge3A_807, %broadcast_in_dim3A_810, %broadcast_in_dim3A_811 : vector<16xi1>, vector<16xi32>
        %add3A_813 = arith.addi %add3A_803, %select_n3A_812 : vector<16xi32>
        %get3A_814 = arith.constant 576 : index
        %get3A_815 = tpu.vector_load %arg14[%get3A_814] {strides = array<i32>} : memref<784xf32, #tpu.memory_space<vmem>>, vector<16xf32>,
        %ge3A_816 = vector.broadcast %bitcast_convert_type3A_453 : f32 to vector<16xf32>
        %ge3A_817 = arith.cmpf oge, %get3A_815, %ge3A_816 : vector<16xf32>
        %jit3A_818 = arith.constant 1 : i32
        %jit3A_819 = arith.constant 0 : i32
        %broadcast_in_dim3A_820 = vector.broadcast %jit3A_818 : i32 to vector<16xi32>
        %broadcast_in_dim3A_821 = vector.broadcast %jit3A_819 : i32 to vector<16xi32>
        %select_n3A_822 = arith.select %ge3A_817, %broadcast_in_dim3A_820, %broadcast_in_dim3A_821 : vector<16xi1>, vector<16xi32>
        %add3A_823 = arith.addi %add3A_813, %select_n3A_822 : vector<16xi32>
        %get3A_824 = arith.constant 592 : index
        %get3A_825 = tpu.vector_load %arg14[%get3A_824] {strides = array<i32>} : memref<784xf32, #tpu.memory_space<vmem>>, vector<16xf32>,
        %ge3A_826 = vector.broadcast %bitcast_convert_type3A_453 : f32 to vector<16xf32>
        %ge3A_827 = arith.cmpf oge, %get3A_825, %ge3A_826 : vector<16xf32>
        %jit3A_828 = arith.constant 1 : i32
        %jit3A_829 = arith.constant 0 : i32
        %broadcast_in_dim3A_830 = vector.broadcast %jit3A_828 : i32 to vector<16xi32>
        %broadcast_in_dim3A_831 = vector.broadcast %jit3A_829 : i32 to vector<16xi32>
        %select_n3A_832 = arith.select %ge3A_827, %broadcast_in_dim3A_830, %broadcast_in_dim3A_831 : vector<16xi1>, vector<16xi32>
        %add3A_833 = arith.addi %add3A_823, %select_n3A_832 : vector<16xi32>
        %get3A_834 = arith.constant 608 : index
        %get3A_835 = tpu.vector_load %arg14[%get3A_834] {strides = array<i32>} : memref<784xf32, #tpu.memory_space<vmem>>, vector<16xf32>,
        %ge3A_836 = vector.broadcast %bitcast_convert_type3A_453 : f32 to vector<16xf32>
        %ge3A_837 = arith.cmpf oge, %get3A_835, %ge3A_836 : vector<16xf32>
        %jit3A_838 = arith.constant 1 : i32
        %jit3A_839 = arith.constant 0 : i32
        %broadcast_in_dim3A_840 = vector.broadcast %jit3A_838 : i32 to vector<16xi32>
        %broadcast_in_dim3A_841 = vector.broadcast %jit3A_839 : i32 to vector<16xi32>
        %select_n3A_842 = arith.select %ge3A_837, %broadcast_in_dim3A_840, %broadcast_in_dim3A_841 : vector<16xi1>, vector<16xi32>
        %add3A_843 = arith.addi %add3A_833, %select_n3A_842 : vector<16xi32>
        %get3A_844 = arith.constant 624 : index
        %get3A_845 = tpu.vector_load %arg14[%get3A_844] {strides = array<i32>} : memref<784xf32, #tpu.memory_space<vmem>>, vector<16xf32>,
        %ge3A_846 = vector.broadcast %bitcast_convert_type3A_453 : f32 to vector<16xf32>
        %ge3A_847 = arith.cmpf oge, %get3A_845, %ge3A_846 : vector<16xf32>
        %jit3A_848 = arith.constant 1 : i32
        %jit3A_849 = arith.constant 0 : i32
        %broadcast_in_dim3A_850 = vector.broadcast %jit3A_848 : i32 to vector<16xi32>
        %broadcast_in_dim3A_851 = vector.broadcast %jit3A_849 : i32 to vector<16xi32>
        %select_n3A_852 = arith.select %ge3A_847, %broadcast_in_dim3A_850, %broadcast_in_dim3A_851 : vector<16xi1>, vector<16xi32>
        %add3A_853 = arith.addi %add3A_843, %select_n3A_852 : vector<16xi32>
        %get3A_854 = arith.constant 640 : index
        %get3A_855 = tpu.vector_load %arg14[%get3A_854] {strides = array<i32>} : memref<784xf32, #tpu.memory_space<vmem>>, vector<16xf32>,
        %ge3A_856 = vector.broadcast %bitcast_convert_type3A_453 : f32 to vector<16xf32>
        %ge3A_857 = arith.cmpf oge, %get3A_855, %ge3A_856 : vector<16xf32>
        %jit3A_858 = arith.constant 1 : i32
        %jit3A_859 = arith.constant 0 : i32
        %broadcast_in_dim3A_860 = vector.broadcast %jit3A_858 : i32 to vector<16xi32>
        %broadcast_in_dim3A_861 = vector.broadcast %jit3A_859 : i32 to vector<16xi32>
        %select_n3A_862 = arith.select %ge3A_857, %broadcast_in_dim3A_860, %broadcast_in_dim3A_861 : vector<16xi1>, vector<16xi32>
        %add3A_863 = arith.addi %add3A_853, %select_n3A_862 : vector<16xi32>
        %get3A_864 = arith.constant 656 : index
        %get3A_865 = tpu.vector_load %arg14[%get3A_864] {strides = array<i32>} : memref<784xf32, #tpu.memory_space<vmem>>, vector<16xf32>,
        %ge3A_866 = vector.broadcast %bitcast_convert_type3A_453 : f32 to vector<16xf32>
        %ge3A_867 = arith.cmpf oge, %get3A_865, %ge3A_866 : vector<16xf32>
        %jit3A_868 = arith.constant 1 : i32
        %jit3A_869 = arith.constant 0 : i32
        %broadcast_in_dim3A_870 = vector.broadcast %jit3A_868 : i32 to vector<16xi32>
        %broadcast_in_dim3A_871 = vector.broadcast %jit3A_869 : i32 to vector<16xi32>
        %select_n3A_872 = arith.select %ge3A_867, %broadcast_in_dim3A_870, %broadcast_in_dim3A_871 : vector<16xi1>, vector<16xi32>
        %add3A_873 = arith.addi %add3A_863, %select_n3A_872 : vector<16xi32>
        %get3A_874 = arith.constant 672 : index
        %get3A_875 = tpu.vector_load %arg14[%get3A_874] {strides = array<i32>} : memref<784xf32, #tpu.memory_space<vmem>>, vector<16xf32>,
        %ge3A_876 = vector.broadcast %bitcast_convert_type3A_453 : f32 to vector<16xf32>
        %ge3A_877 = arith.cmpf oge, %get3A_875, %ge3A_876 : vector<16xf32>
        %jit3A_878 = arith.constant 1 : i32
        %jit3A_879 = arith.constant 0 : i32
        %broadcast_in_dim3A_880 = vector.broadcast %jit3A_878 : i32 to vector<16xi32>
        %broadcast_in_dim3A_881 = vector.broadcast %jit3A_879 : i32 to vector<16xi32>
        %select_n3A_882 = arith.select %ge3A_877, %broadcast_in_dim3A_880, %broadcast_in_dim3A_881 : vector<16xi1>, vector<16xi32>
        %add3A_883 = arith.addi %add3A_873, %select_n3A_882 : vector<16xi32>
        %get3A_884 = arith.constant 688 : index
        %get3A_885 = tpu.vector_load %arg14[%get3A_884] {strides = array<i32>} : memref<784xf32, #tpu.memory_space<vmem>>, vector<16xf32>,
        %ge3A_886 = vector.broadcast %bitcast_convert_type3A_453 : f32 to vector<16xf32>
        %ge3A_887 = arith.cmpf oge, %get3A_885, %ge3A_886 : vector<16xf32>
        %jit3A_888 = arith.constant 1 : i32
        %jit3A_889 = arith.constant 0 : i32
        %broadcast_in_dim3A_890 = vector.broadcast %jit3A_888 : i32 to vector<16xi32>
        %broadcast_in_dim3A_891 = vector.broadcast %jit3A_889 : i32 to vector<16xi32>
        %select_n3A_892 = arith.select %ge3A_887, %broadcast_in_dim3A_890, %broadcast_in_dim3A_891 : vector<16xi1>, vector<16xi32>
        %add3A_893 = arith.addi %add3A_883, %select_n3A_892 : vector<16xi32>
        %get3A_894 = arith.constant 704 : index
        %get3A_895 = tpu.vector_load %arg14[%get3A_894] {strides = array<i32>} : memref<784xf32, #tpu.memory_space<vmem>>, vector<16xf32>,
        %ge3A_896 = vector.broadcast %bitcast_convert_type3A_453 : f32 to vector<16xf32>
        %ge3A_897 = arith.cmpf oge, %get3A_895, %ge3A_896 : vector<16xf32>
        %jit3A_898 = arith.constant 1 : i32
        %jit3A_899 = arith.constant 0 : i32
        %broadcast_in_dim3A_900 = vector.broadcast %jit3A_898 : i32 to vector<16xi32>
        %broadcast_in_dim3A_901 = vector.broadcast %jit3A_899 : i32 to vector<16xi32>
        %select_n3A_902 = arith.select %ge3A_897, %broadcast_in_dim3A_900, %broadcast_in_dim3A_901 : vector<16xi1>, vector<16xi32>
        %add3A_903 = arith.addi %add3A_893, %select_n3A_902 : vector<16xi32>
        %get3A_904 = arith.constant 720 : index
        %get3A_905 = tpu.vector_load %arg14[%get3A_904] {strides = array<i32>} : memref<784xf32, #tpu.memory_space<vmem>>, vector<16xf32>,
        %ge3A_906 = vector.broadcast %bitcast_convert_type3A_453 : f32 to vector<16xf32>
        %ge3A_907 = arith.cmpf oge, %get3A_905, %ge3A_906 : vector<16xf32>
        %jit3A_908 = arith.constant 1 : i32
        %jit3A_909 = arith.constant 0 : i32
        %broadcast_in_dim3A_910 = vector.broadcast %jit3A_908 : i32 to vector<16xi32>
        %broadcast_in_dim3A_911 = vector.broadcast %jit3A_909 : i32 to vector<16xi32>
        %select_n3A_912 = arith.select %ge3A_907, %broadcast_in_dim3A_910, %broadcast_in_dim3A_911 : vector<16xi1>, vector<16xi32>
        %add3A_913 = arith.addi %add3A_903, %select_n3A_912 : vector<16xi32>
        %get3A_914 = arith.constant 736 : index
        %get3A_915 = tpu.vector_load %arg14[%get3A_914] {strides = array<i32>} : memref<784xf32, #tpu.memory_space<vmem>>, vector<16xf32>,
        %ge3A_916 = vector.broadcast %bitcast_convert_type3A_453 : f32 to vector<16xf32>
        %ge3A_917 = arith.cmpf oge, %get3A_915, %ge3A_916 : vector<16xf32>
        %jit3A_918 = arith.constant 1 : i32
        %jit3A_919 = arith.constant 0 : i32
        %broadcast_in_dim3A_920 = vector.broadcast %jit3A_918 : i32 to vector<16xi32>
        %broadcast_in_dim3A_921 = vector.broadcast %jit3A_919 : i32 to vector<16xi32>
        %select_n3A_922 = arith.select %ge3A_917, %broadcast_in_dim3A_920, %broadcast_in_dim3A_921 : vector<16xi1>, vector<16xi32>
        %add3A_923 = arith.addi %add3A_913, %select_n3A_922 : vector<16xi32>
        %get3A_924 = arith.constant 752 : index
        %get3A_925 = tpu.vector_load %arg14[%get3A_924] {strides = array<i32>} : memref<784xf32, #tpu.memory_space<vmem>>, vector<16xf32>,
        %ge3A_926 = vector.broadcast %bitcast_convert_type3A_453 : f32 to vector<16xf32>
        %ge3A_927 = arith.cmpf oge, %get3A_925, %ge3A_926 : vector<16xf32>
        %jit3A_928 = arith.constant 1 : i32
        %jit3A_929 = arith.constant 0 : i32
        %broadcast_in_dim3A_930 = vector.broadcast %jit3A_928 : i32 to vector<16xi32>
        %broadcast_in_dim3A_931 = vector.broadcast %jit3A_929 : i32 to vector<16xi32>
        %select_n3A_932 = arith.select %ge3A_927, %broadcast_in_dim3A_930, %broadcast_in_dim3A_931 : vector<16xi1>, vector<16xi32>
        %add3A_933 = arith.addi %add3A_923, %select_n3A_932 : vector<16xi32>
        %get3A_934 = arith.constant 768 : index
        %get3A_935 = tpu.vector_load %arg14[%get3A_934] {strides = array<i32>} : memref<784xf32, #tpu.memory_space<vmem>>, vector<16xf32>,
        %ge3A_936 = vector.broadcast %bitcast_convert_type3A_453 : f32 to vector<16xf32>
        %ge3A_937 = arith.cmpf oge, %get3A_935, %ge3A_936 : vector<16xf32>
        %jit3A_938 = arith.constant 1 : i32
        %jit3A_939 = arith.constant 0 : i32
        %broadcast_in_dim3A_940 = vector.broadcast %jit3A_938 : i32 to vector<16xi32>
        %broadcast_in_dim3A_941 = vector.broadcast %jit3A_939 : i32 to vector<16xi32>
        %select_n3A_942 = arith.select %ge3A_937, %broadcast_in_dim3A_940, %broadcast_in_dim3A_941 : vector<16xi1>, vector<16xi32>
        %add3A_943 = arith.addi %add3A_933, %select_n3A_942 : vector<16xi32>
        %reduce_sum3A = arith.constant true
        %reduce_sum3A_944 = vector.broadcast %reduce_sum3A : i1 to vector<16xi1>
        %reduce_sum3A_945 = tpu.scan <sum>, %add3A_943 masked %reduce_sum3A_944 : vector<16xi32>, vector<16xi1> -> vector<16xi32>
        %reduce_sum3A_946 = vector.extract %reduce_sum3A_945[15] : i32 from vector<16xi32>
        %ge3A_947 = arith.constant 300 : i32
        %ge3A_948 = arith.cmpi sge, %reduce_sum3A_946, %ge3A_947 : i32
        %select_n3A_949 = arith.select %ge3A_948, %add3A_447, %scan3A_438 : i32
        %select_n3A_950 = arith.select %ge3A_948, %scan3A_439, %add3A_447 : i32
        scf.yield %select_n3A_949, %select_n3A_950 : i32, i32
      }
      %scan3A_198 = arith.constant 32 : i32
      %lt3A_199 = arith.constant 0 : i32
      %lt3A_200 = arith.cmpi slt, %scan3A_197#0, %lt3A_199 : i32
      %xor3A = arith.constant 2147483647 : i32
      %xor3A_201 = arith.xori %scan3A_197#0, %xor3A : i32
      %select_n3A_202 = arith.select %lt3A_200, %xor3A_201, %scan3A_197#0 : i32
      %bitcast_convert_type3A = arith.bitcast %select_n3A_202 : i32 to f32
      %scan3A_203 = arith.constant 0 : i32
      %scan3A_204 = arith.constant 0 : i32
      %scan3A_205 = arith.constant 32 : i32
      %scan3A_206 = arith.addi %scan3A_204, %scan3A_205 : i32
      %scan3A_207 = arith.constant 1 : i32
      %scan3A_208 = scf.for %scan3A_437 = %scan3A_204 to %scan3A_206 step %scan3A_207 iter_args(%scan3A_438 = %scan3A_203) -> (i32)  : i32 {
        %mul3A_439 = arith.constant 12500 : i32
        %mul3A_440 = arith.muli %add3A, %mul3A_439 : i32
        %mul3A_441 = arith.constant 16 : i32
        %mul3A_442 = arith.muli %scan3A_437, %mul3A_441 : i32
        %add3A_443 = arith.addi %mul3A_440, %mul3A_442 : i32
        %add3A_444 = vector.broadcast %add3A_443 : i32 to vector<16xi32>
        %add3A_445 = arith.addi %add3A_444, %iota3A : vector<16xi32>
        %mul3A_446 = arith.constant 16 : i32
        %mul3A_447 = arith.muli %scan3A_437, %mul3A_446 : i32
        %swap3A_448 = arith.index_cast %mul3A_447 : i32 to index
        %swap3A_449 = tpu.vector_load %arg15[%swap3A_448] {strides = array<i32>} : memref<12560xi32, #tpu.memory_space<vmem>>, vector<16xi32>,
        tpu.vector_store %arg15[%swap3A_448], %add3A_445 {strides = array<i32>} : memref<12560xi32, #tpu.memory_space<vmem>>, vector<16xi32>,
        %scan3A_450 = arith.constant 0 : i32
        scf.yield %scan3A_450 : i32
      }
      %scan3A_209 = arith.constant 32 : i32
      %scan3A_210 = arith.constant 0 : i32
      %scan3A_211 = arith.constant 0 : i32
      %scan3A_212 = arith.constant 784 : i32
      %scan3A_213 = arith.addi %scan3A_211, %scan3A_212 : i32
      %scan3A_214 = arith.constant 1 : i32
      %scan3A_215 = scf.for %scan3A_437 = %scan3A_211 to %scan3A_213 step %scan3A_214 iter_args(%scan3A_438 = %scan3A_210) -> (i32)  : i32 {
        %mul3A_439 = arith.constant 16 : i32
        %mul3A_440 = arith.muli %scan3A_437, %mul3A_439 : i32
        %get3A = arith.index_cast %mul3A_440 : i32 to index
        %get3A_441 = tpu.vector_load %arg13[%get3A] {strides = array<i32>} : memref<12544xf32, #tpu.memory_space<vmem>>, vector<16xf32>,
        %ge3A = vector.broadcast %bitcast_convert_type3A : f32 to vector<16xf32>
        %ge3A_442 = arith.cmpf oge, %get3A_441, %ge3A : vector<16xf32>
        %mul3A_443 = arith.constant 16 : i32
        %mul3A_444 = arith.muli %scan3A_437, %mul3A_443 : i32
        %add3A_445 = vector.broadcast %mul3A_444 : i32 to vector<16xi32>
        %add3A_446 = arith.addi %add3A_445, %iota3A : vector<16xi32>
        %lt3A_447 = arith.constant 6272 : i32
        %lt3A_448 = vector.broadcast %lt3A_447 : i32 to vector<16xi32>
        %lt3A_449 = arith.cmpi slt, %add3A_446, %lt3A_448 : vector<16xi32>
        %sub3A_450 = arith.constant 22 : i32
        %sub3A_451 = vector.broadcast %sub3A_450 : i32 to vector<16xi32>
        %sub3A_452 = arith.subi %add3A_446, %sub3A_451 : vector<16xi32>
        %select_n3A_453 = arith.select %lt3A_449, %add3A_446, %sub3A_452 : vector<16xi1>, vector<16xi32>
        %mul3A_454 = arith.constant 12500 : i32
        %mul3A_455 = arith.muli %add3A, %mul3A_454 : i32
        %add3A_456 = vector.broadcast %mul3A_455 : i32 to vector<16xi32>
        %add3A_457 = arith.addi %add3A_456, %select_n3A_453 : vector<16xi32>
        %swap3A_458 = arith.index_cast %scan3A_438 : i32 to index
        %swap3A_459 = tpu.vector_load %arg15[%swap3A_458] masked %ge3A_442 {strides = array<i32>} : memref<12560xi32, #tpu.memory_space<vmem>>, vector<16xi32>, vector<16xi1>
        tpu.vector_store %arg15[%swap3A_458], %add3A_457 masked %ge3A_442 {strides = array<i32>} : memref<12560xi32, #tpu.memory_space<vmem>>, vector<16xi32>, vector<16xi1>
        %jit3A_460 = arith.constant 1 : i32
        %jit3A_461 = arith.constant 0 : i32
        %broadcast_in_dim3A_462 = vector.broadcast %jit3A_460 : i32 to vector<16xi32>
        %broadcast_in_dim3A_463 = vector.broadcast %jit3A_461 : i32 to vector<16xi32>
        %select_n3A_464 = arith.select %ge3A_442, %broadcast_in_dim3A_462, %broadcast_in_dim3A_463 : vector<16xi1>, vector<16xi32>
        %reduce_sum3A = arith.constant true
        %reduce_sum3A_465 = vector.broadcast %reduce_sum3A : i1 to vector<16xi1>
        %reduce_sum3A_466 = tpu.scan <sum>, %select_n3A_464 masked %reduce_sum3A_465 : vector<16xi32>, vector<16xi1> -> vector<16xi32>
        %reduce_sum3A_467 = vector.extract %reduce_sum3A_466[15] : i32 from vector<16xi32>
        %add3A_468 = arith.addi %scan3A_438, %reduce_sum3A_467 : i32
        scf.yield %add3A_468 : i32
      }
      %scan3A_216 = arith.constant 784 : i32
      %min3A_217 = arith.constant 512 : i32
      %min3A_218 = arith.minsi %scan3A_215, %min3A_217 : i32
      %dma_start3A = arith.constant 0 : i32
      %dma_start3A_219 = arith.constant 0 : i32
      %dma_start3A_220 = tpu.memref_slice %arg16[%dma_start3A, %dma_start3A_219] : memref<512x128xf32, #tpu.memory_space<vmem>> -> memref<128x128xf32, #tpu.memory_space<vmem>>
      %dma_start3A_221 = arith.constant 0 : i32
      %dma_start3A_222 = tpu.memref_slice %arg15[%dma_start3A_221] : memref<12560xi32, #tpu.memory_space<vmem>> -> memref<128xi32, #tpu.memory_space<vmem>>
      %dma_start3A_223 = arith.constant 0 : i32
      %dma_start3A_224 = arith.constant 0 : i32
      %dma_start3A_225 = tpu.memref_slice %arg3[%dma_start3A_223, %dma_start3A_224] : memref<200000x128xf32, #tpu.memory_space<hbm>> -> memref<200000x128xf32, #tpu.memory_space<hbm>>
      tpu.enqueue_indirect_dma source(%dma_start3A_225 : memref<200000x128xf32, #tpu.memory_space<hbm>>) target(%dma_start3A_220 : memref<128x128xf32, #tpu.memory_space<vmem>>) offsets(%dma_start3A_222 : memref<128xi32, #tpu.memory_space<vmem>>) semaphore(%arg32 : memref<!tpu.dma_semaphore, #tpu.memory_space<semaphore_mem>>)
      %dma_wait3A = arith.constant 0 : i32
      %dma_wait3A_226 = arith.constant 0 : i32
      %dma_wait3A_227 = tpu.memref_slice %arg16[%dma_wait3A, %dma_wait3A_226] : memref<512x128xf32, #tpu.memory_space<vmem>> -> memref<128x128xf32, #tpu.memory_space<vmem>>
      %dma_wait3A_228 = arith.constant 0 : i32
      %dma_wait3A_229 = tpu.memref_slice %arg15[%dma_wait3A_228] : memref<12560xi32, #tpu.memory_space<vmem>> -> memref<128xi32, #tpu.memory_space<vmem>>
      %dma_wait3A_230 = arith.constant 0 : i32
      %dma_wait3A_231 = arith.constant 0 : i32
      %dma_wait3A_232 = tpu.memref_slice %arg3[%dma_wait3A_230, %dma_wait3A_231] : memref<200000x128xf32, #tpu.memory_space<hbm>> -> memref<200000x128xf32, #tpu.memory_space<hbm>>
      tpu.wait_indirect_dma semaphore(%arg32 : memref<!tpu.dma_semaphore, #tpu.memory_space<semaphore_mem>>) src(%dma_wait3A_232 : memref<200000x128xf32, #tpu.memory_space<hbm>>) dst(%dma_wait3A_227 : memref<128x128xf32, #tpu.memory_space<vmem>>)
      %dma_start3A_233 = arith.constant 128 : i32
      %dma_start3A_234 = arith.constant 0 : i32
      %dma_start3A_235 = tpu.memref_slice %arg16[%dma_start3A_233, %dma_start3A_234] : memref<512x128xf32, #tpu.memory_space<vmem>> -> memref<128x128xf32, #tpu.memory_space<vmem>>
      %dma_start3A_236 = arith.constant 128 : i32
      %dma_start3A_237 = tpu.memref_slice %arg15[%dma_start3A_236] : memref<12560xi32, #tpu.memory_space<vmem>> -> memref<128xi32, #tpu.memory_space<vmem>>
      %dma_start3A_238 = arith.constant 0 : i32
      %dma_start3A_239 = arith.constant 0 : i32
      %dma_start3A_240 = tpu.memref_slice %arg3[%dma_start3A_238, %dma_start3A_239] : memref<200000x128xf32, #tpu.memory_space<hbm>> -> memref<200000x128xf32, #tpu.memory_space<hbm>>
      tpu.enqueue_indirect_dma source(%dma_start3A_240 : memref<200000x128xf32, #tpu.memory_space<hbm>>) target(%dma_start3A_235 : memref<128x128xf32, #tpu.memory_space<vmem>>) offsets(%dma_start3A_237 : memref<128xi32, #tpu.memory_space<vmem>>) semaphore(%arg32 : memref<!tpu.dma_semaphore, #tpu.memory_space<semaphore_mem>>)
      %dma_wait3A_241 = arith.constant 128 : i32
      %dma_wait3A_242 = arith.constant 0 : i32
      %dma_wait3A_243 = tpu.memref_slice %arg16[%dma_wait3A_241, %dma_wait3A_242] : memref<512x128xf32, #tpu.memory_space<vmem>> -> memref<128x128xf32, #tpu.memory_space<vmem>>
      %dma_wait3A_244 = arith.constant 128 : i32
      %dma_wait3A_245 = tpu.memref_slice %arg15[%dma_wait3A_244] : memref<12560xi32, #tpu.memory_space<vmem>> -> memref<128xi32, #tpu.memory_space<vmem>>
      %dma_wait3A_246 = arith.constant 0 : i32
      %dma_wait3A_247 = arith.constant 0 : i32
      %dma_wait3A_248 = tpu.memref_slice %arg3[%dma_wait3A_246, %dma_wait3A_247] : memref<200000x128xf32, #tpu.memory_space<hbm>> -> memref<200000x128xf32, #tpu.memory_space<hbm>>
      tpu.wait_indirect_dma semaphore(%arg32 : memref<!tpu.dma_semaphore, #tpu.memory_space<semaphore_mem>>) src(%dma_wait3A_248 : memref<200000x128xf32, #tpu.memory_space<hbm>>) dst(%dma_wait3A_243 : memref<128x128xf32, #tpu.memory_space<vmem>>)
      %dma_start3A_249 = arith.constant 256 : i32
      %dma_start3A_250 = arith.constant 0 : i32
      %dma_start3A_251 = tpu.memref_slice %arg16[%dma_start3A_249, %dma_start3A_250] : memref<512x128xf32, #tpu.memory_space<vmem>> -> memref<128x128xf32, #tpu.memory_space<vmem>>
      %dma_start3A_252 = arith.constant 256 : i32
      %dma_start3A_253 = tpu.memref_slice %arg15[%dma_start3A_252] : memref<12560xi32, #tpu.memory_space<vmem>> -> memref<128xi32, #tpu.memory_space<vmem>>
      %dma_start3A_254 = arith.constant 0 : i32
      %dma_start3A_255 = arith.constant 0 : i32
      %dma_start3A_256 = tpu.memref_slice %arg3[%dma_start3A_254, %dma_start3A_255] : memref<200000x128xf32, #tpu.memory_space<hbm>> -> memref<200000x128xf32, #tpu.memory_space<hbm>>
      tpu.enqueue_indirect_dma source(%dma_start3A_256 : memref<200000x128xf32, #tpu.memory_space<hbm>>) target(%dma_start3A_251 : memref<128x128xf32, #tpu.memory_space<vmem>>) offsets(%dma_start3A_253 : memref<128xi32, #tpu.memory_space<vmem>>) semaphore(%arg32 : memref<!tpu.dma_semaphore, #tpu.memory_space<semaphore_mem>>)
      %dma_wait3A_257 = arith.constant 256 : i32
      %dma_wait3A_258 = arith.constant 0 : i32
      %dma_wait3A_259 = tpu.memref_slice %arg16[%dma_wait3A_257, %dma_wait3A_258] : memref<512x128xf32, #tpu.memory_space<vmem>> -> memref<128x128xf32, #tpu.memory_space<vmem>>
      %dma_wait3A_260 = arith.constant 256 : i32
      %dma_wait3A_261 = tpu.memref_slice %arg15[%dma_wait3A_260] : memref<12560xi32, #tpu.memory_space<vmem>> -> memref<128xi32, #tpu.memory_space<vmem>>
      %dma_wait3A_262 = arith.constant 0 : i32
      %dma_wait3A_263 = arith.constant 0 : i32
      %dma_wait3A_264 = tpu.memref_slice %arg3[%dma_wait3A_262, %dma_wait3A_263] : memref<200000x128xf32, #tpu.memory_space<hbm>> -> memref<200000x128xf32, #tpu.memory_space<hbm>>
      tpu.wait_indirect_dma semaphore(%arg32 : memref<!tpu.dma_semaphore, #tpu.memory_space<semaphore_mem>>) src(%dma_wait3A_264 : memref<200000x128xf32, #tpu.memory_space<hbm>>) dst(%dma_wait3A_259 : memref<128x128xf32, #tpu.memory_space<vmem>>)
      %dma_start3A_265 = arith.constant 384 : i32
      %dma_start3A_266 = arith.constant 0 : i32
      %dma_start3A_267 = tpu.memref_slice %arg16[%dma_start3A_265, %dma_start3A_266] : memref<512x128xf32, #tpu.memory_space<vmem>> -> memref<128x128xf32, #tpu.memory_space<vmem>>
      %dma_start3A_268 = arith.constant 384 : i32
      %dma_start3A_269 = tpu.memref_slice %arg15[%dma_start3A_268] : memref<12560xi32, #tpu.memory_space<vmem>> -> memref<128xi32, #tpu.memory_space<vmem>>
      %dma_start3A_270 = arith.constant 0 : i32
      %dma_start3A_271 = arith.constant 0 : i32
      %dma_start3A_272 = tpu.memref_slice %arg3[%dma_start3A_270, %dma_start3A_271] : memref<200000x128xf32, #tpu.memory_space<hbm>> -> memref<200000x128xf32, #tpu.memory_space<hbm>>
      tpu.enqueue_indirect_dma source(%dma_start3A_272 : memref<200000x128xf32, #tpu.memory_space<hbm>>) target(%dma_start3A_267 : memref<128x128xf32, #tpu.memory_space<vmem>>) offsets(%dma_start3A_269 : memref<128xi32, #tpu.memory_space<vmem>>) semaphore(%arg32 : memref<!tpu.dma_semaphore, #tpu.memory_space<semaphore_mem>>)
      %dma_wait3A_273 = arith.constant 384 : i32
      %dma_wait3A_274 = arith.constant 0 : i32
      %dma_wait3A_275 = tpu.memref_slice %arg16[%dma_wait3A_273, %dma_wait3A_274] : memref<512x128xf32, #tpu.memory_space<vmem>> -> memref<128x128xf32, #tpu.memory_space<vmem>>
      %dma_wait3A_276 = arith.constant 384 : i32
      %dma_wait3A_277 = tpu.memref_slice %arg15[%dma_wait3A_276] : memref<12560xi32, #tpu.memory_space<vmem>> -> memref<128xi32, #tpu.memory_space<vmem>>
      %dma_wait3A_278 = arith.constant 0 : i32
      %dma_wait3A_279 = arith.constant 0 : i32
      %dma_wait3A_280 = tpu.memref_slice %arg3[%dma_wait3A_278, %dma_wait3A_279] : memref<200000x128xf32, #tpu.memory_space<hbm>> -> memref<200000x128xf32, #tpu.memory_space<hbm>>
      tpu.wait_indirect_dma semaphore(%arg32 : memref<!tpu.dma_semaphore, #tpu.memory_space<semaphore_mem>>) src(%dma_wait3A_280 : memref<200000x128xf32, #tpu.memory_space<hbm>>) dst(%dma_wait3A_275 : memref<128x128xf32, #tpu.memory_space<vmem>>)
      %scan3A_281 = arith.constant 0 : i32
      %scan3A_282 = arith.constant 0 : i32
      %scan3A_283 = arith.constant 41 : i32
      %scan3A_284 = arith.addi %scan3A_282, %scan3A_283 : i32
      %scan3A_285 = arith.constant 1 : i32
      %scan3A_286 = scf.for %scan3A_437 = %scan3A_282 to %scan3A_284 step %scan3A_285 iter_args(%scan3A_438 = %scan3A_281) -> (i32)  : i32 {
        %mul3A_439 = arith.constant 16 : i32
        %mul3A_440 = arith.muli %scan3A_437, %mul3A_439 : i32
        %swap3A_441 = arith.index_cast %mul3A_440 : i32 to index
        %swap3A_442 = tpu.vector_load %arg17[%swap3A_441] {strides = array<i32>} : memref<656xf32, #tpu.memory_space<vmem>>, vector<16xf32>,
        tpu.vector_store %arg17[%swap3A_441], %broadcast_in_dim3A_24 {strides = array<i32>} : memref<656xf32, #tpu.memory_space<vmem>>, vector<16xf32>,
        %broadcast_in_dim3A_443 = arith.constant 0 : i32
        %broadcast_in_dim3A_444 = vector.broadcast %broadcast_in_dim3A_443 : i32 to vector<16xi32>
        %mul3A_445 = arith.constant 16 : i32
        %mul3A_446 = arith.muli %scan3A_437, %mul3A_445 : i32
        %swap3A_447 = arith.index_cast %mul3A_446 : i32 to index
        %swap3A_448 = tpu.vector_load %arg18[%swap3A_447] {strides = array<i32>} : memref<656xi32, #tpu.memory_space<vmem>>, vector<16xi32>,
        tpu.vector_store %arg18[%swap3A_447], %broadcast_in_dim3A_444 {strides = array<i32>} : memref<656xi32, #tpu.memory_space<vmem>>, vector<16xi32>,
        %scan3A_449 = arith.constant 0 : i32
        scf.yield %scan3A_449 : i32
      }
      %scan3A_287 = arith.constant 41 : i32
      %while3A = arith.constant 0 : i32
      %while3A_288 = arith.constant 0 : i32
      %while3A_289 = arith.subi %min3A_218, %while3A : i32
      %while3A_290 = arith.addi %while3A, %while3A_289 : i32
      %while3A_291 = arith.constant 1 : i32
      %while3A_292 = arith.divsi %while3A_289, %while3A_291 : i32
      %while3A_293 = arith.muli %while3A_292, %while3A_291 : i32
      %while3A_294 = arith.addi %while3A, %while3A_293 : i32
      %while3A_295 = arith.constant 1 : i32
      %while3A_296 = scf.for %while3A_437 = %while3A to %while3A_294 step %while3A_295 iter_args(%while3A_438 = %while3A_288) -> (i32)  : i32 {
        %jit3A_439 = arith.constant 16 : i32
        %div3A_440 = arith.divsi %while3A_437, %jit3A_439 : i32
        %sign3A_441 = arith.constant 0 : i32
        %sign3A_442 = arith.cmpi sgt, %while3A_437, %sign3A_441 : i32
        %sign3A_443 = arith.extui %sign3A_442 : i1 to i32
        %sign3A_444 = arith.constant 0 : i32
        %sign3A_445 = arith.cmpi slt, %while3A_437, %sign3A_444 : i32
        %sign3A_446 = arith.extui %sign3A_445 : i1 to i32
        %sign3A_447 = arith.subi %sign3A_443, %sign3A_446 : i32
        %sign3A_448 = arith.constant 0 : i32
        %sign3A_449 = arith.cmpi sgt, %jit3A_439, %sign3A_448 : i32
        %sign3A_450 = arith.extui %sign3A_449 : i1 to i32
        %sign3A_451 = arith.constant 0 : i32
        %sign3A_452 = arith.cmpi slt, %jit3A_439, %sign3A_451 : i32
        %sign3A_453 = arith.extui %sign3A_452 : i1 to i32
        %sign3A_454 = arith.subi %sign3A_450, %sign3A_453 : i32
        %ne3A_455 = arith.cmpi ne, %sign3A_447, %sign3A_454 : i32
        %rem3A_456 = arith.remsi %while3A_437, %jit3A_439 : i32
        %ne3A_457 = arith.constant 0 : i32
        %ne3A_458 = arith.cmpi ne, %rem3A_456, %ne3A_457 : i32
        %and3A_459 = arith.andi %ne3A_455, %ne3A_458 : i1
        %sub3A_460 = arith.constant 1 : i32
        %sub3A_461 = arith.subi %div3A_440, %sub3A_460 : i32
        %select_n3A_462 = arith.select %and3A_459, %sub3A_461, %div3A_440 : i32
        %mul3A_463 = arith.constant 16 : i32
        %mul3A_464 = arith.muli %select_n3A_462, %mul3A_463 : i32
        %get3A = arith.index_cast %mul3A_464 : i32 to index
        %get3A_465 = tpu.vector_load %arg15[%get3A] {strides = array<i32>} : memref<12560xi32, #tpu.memory_space<vmem>>, vector<16xi32>,
        %rem3A_466 = arith.constant 16 : i32
        %rem3A_467 = arith.remsi %while3A_437, %rem3A_466 : i32
        %eq3A_468 = vector.broadcast %rem3A_467 : i32 to vector<16xi32>
        %eq3A_469 = arith.cmpi eq, %iota3A, %eq3A_468 : vector<16xi32>
        %jit3A_470 = arith.constant -2147483648 : i32
        %broadcast_in_dim3A_471 = vector.broadcast %jit3A_470 : i32 to vector<16xi32>
        %select_n3A_472 = arith.select %eq3A_469, %get3A_465, %broadcast_in_dim3A_471 : vector<16xi1>, vector<16xi32>
        %reduce_max3A = arith.constant true
        %reduce_max3A_473 = vector.broadcast %reduce_max3A : i1 to vector<16xi1>
        %reduce_max3A_474 = arith.constant -2147483648 : i32
        %reduce_max3A_475 = vector.broadcast %reduce_max3A_474 : i32 to vector<16xi32>
        %reduce_max3A_476 = arith.xori %select_n3A_472, %reduce_max3A_475 : vector<16xi32>
        %reduce_max3A_477 = tpu.scan <max>, %reduce_max3A_476 masked %reduce_max3A_473 : vector<16xi32>, vector<16xi1> -> vector<16xi32>
        %reduce_max3A_478 = arith.xori %reduce_max3A_477, %reduce_max3A_475 : vector<16xi32>
        %reduce_max3A_479 = vector.extract %reduce_max3A_478[15] : i32 from vector<16xi32>
        %mul3A_480 = arith.constant 12500 : i32
        %mul3A_481 = arith.muli %add3A, %mul3A_480 : i32
        %sub3A_482 = arith.subi %reduce_max3A_479, %mul3A_481 : i32
        %mul3A_483 = arith.constant 128 : i32
        %mul3A_484 = arith.muli %sub3A_482, %mul3A_483 : i32
        %get3A_485 = arith.constant 0 : i32
        %get3A_486 = tpu.memref_slice %arg16[%while3A_437, %get3A_485] : memref<512x128xf32, #tpu.memory_space<vmem>> -> memref<1x128xf32, #tpu.memory_space<vmem>>
        %get3A_487 = tpu.memref_squeeze %get3A_486 : memref<1x128xf32, #tpu.memory_space<vmem>> -> memref<128xf32, #tpu.memory_space<vmem>>
        %get3A_488 = arith.constant 0 : index
        %get3A_489 = tpu.vector_load %get3A_487[%get3A_488] {strides = array<i32>} : memref<128xf32, #tpu.memory_space<vmem>>, vector<16xf32>,
        %ge3A = vector.broadcast %bitcast_convert_type3A : f32 to vector<16xf32>
        %ge3A_490 = arith.cmpf oge, %get3A_489, %ge3A : vector<16xf32>
        %lt3A_491 = arith.constant 640 : i32
        %lt3A_492 = arith.cmpi slt, %while3A_438, %lt3A_491 : i32
        %and3A_493 = vector.broadcast %lt3A_492 : i1 to vector<16xi1>
        %and3A_494 = arith.andi %ge3A_490, %and3A_493 : vector<16xi1>
        %add3A_495 = arith.constant 0 : i32
        %add3A_496 = arith.addi %mul3A_484, %add3A_495 : i32
        %add3A_497 = vector.broadcast %add3A_496 : i32 to vector<16xi32>
        %add3A_498 = arith.addi %add3A_497, %iota3A : vector<16xi32>
        %swap3A_499 = arith.index_cast %while3A_438 : i32 to index
        %swap3A_500 = tpu.vector_load %arg17[%swap3A_499] masked %and3A_494 {strides = array<i32>} : memref<656xf32, #tpu.memory_space<vmem>>, vector<16xf32>, vector<16xi1>
        tpu.vector_store %arg17[%swap3A_499], %get3A_489 masked %and3A_494 {strides = array<i32>} : memref<656xf32, #tpu.memory_space<vmem>>, vector<16xf32>, vector<16xi1>
        %swap3A_501 = arith.index_cast %while3A_438 : i32 to index
        %swap3A_502 = tpu.vector_load %arg18[%swap3A_501] masked %and3A_494 {strides = array<i32>} : memref<656xi32, #tpu.memory_space<vmem>>, vector<16xi32>, vector<16xi1>
        tpu.vector_store %arg18[%swap3A_501], %add3A_498 masked %and3A_494 {strides = array<i32>} : memref<656xi32, #tpu.memory_space<vmem>>, vector<16xi32>, vector<16xi1>
        %jit3A_503 = arith.constant 1 : i32
        %jit3A_504 = arith.constant 0 : i32
        %broadcast_in_dim3A_505 = vector.broadcast %jit3A_503 : i32 to vector<16xi32>
        %broadcast_in_dim3A_506 = vector.broadcast %jit3A_504 : i32 to vector<16xi32>
        %select_n3A_507 = arith.select %and3A_494, %broadcast_in_dim3A_505, %broadcast_in_dim3A_506 : vector<16xi1>, vector<16xi32>
        %reduce_sum3A = arith.constant true
        %reduce_sum3A_508 = vector.broadcast %reduce_sum3A : i1 to vector<16xi1>
        %reduce_sum3A_509 = tpu.scan <sum>, %select_n3A_507 masked %reduce_sum3A_508 : vector<16xi32>, vector<16xi1> -> vector<16xi32>
        %reduce_sum3A_510 = vector.extract %reduce_sum3A_509[15] : i32 from vector<16xi32>
        %add3A_511 = arith.addi %while3A_438, %reduce_sum3A_510 : i32
        %get3A_512 = arith.constant 0 : i32
        %get3A_513 = tpu.memref_slice %arg16[%while3A_437, %get3A_512] : memref<512x128xf32, #tpu.memory_space<vmem>> -> memref<1x128xf32, #tpu.memory_space<vmem>>
        %get3A_514 = tpu.memref_squeeze %get3A_513 : memref<1x128xf32, #tpu.memory_space<vmem>> -> memref<128xf32, #tpu.memory_space<vmem>>
        %get3A_515 = arith.constant 16 : index
        %get3A_516 = tpu.vector_load %get3A_514[%get3A_515] {strides = array<i32>} : memref<128xf32, #tpu.memory_space<vmem>>, vector<16xf32>,
        %ge3A_517 = vector.broadcast %bitcast_convert_type3A : f32 to vector<16xf32>
        %ge3A_518 = arith.cmpf oge, %get3A_516, %ge3A_517 : vector<16xf32>
        %lt3A_519 = arith.constant 640 : i32
        %lt3A_520 = arith.cmpi slt, %add3A_511, %lt3A_519 : i32
        %and3A_521 = vector.broadcast %lt3A_520 : i1 to vector<16xi1>
        %and3A_522 = arith.andi %ge3A_518, %and3A_521 : vector<16xi1>
        %add3A_523 = arith.constant 16 : i32
        %add3A_524 = arith.addi %mul3A_484, %add3A_523 : i32
        %add3A_525 = vector.broadcast %add3A_524 : i32 to vector<16xi32>
        %add3A_526 = arith.addi %add3A_525, %iota3A : vector<16xi32>
        %swap3A_527 = arith.index_cast %add3A_511 : i32 to index
        %swap3A_528 = tpu.vector_load %arg17[%swap3A_527] masked %and3A_522 {strides = array<i32>} : memref<656xf32, #tpu.memory_space<vmem>>, vector<16xf32>, vector<16xi1>
        tpu.vector_store %arg17[%swap3A_527], %get3A_516 masked %and3A_522 {strides = array<i32>} : memref<656xf32, #tpu.memory_space<vmem>>, vector<16xf32>, vector<16xi1>
        %swap3A_529 = arith.index_cast %add3A_511 : i32 to index
        %swap3A_530 = tpu.vector_load %arg18[%swap3A_529] masked %and3A_522 {strides = array<i32>} : memref<656xi32, #tpu.memory_space<vmem>>, vector<16xi32>, vector<16xi1>
        tpu.vector_store %arg18[%swap3A_529], %add3A_526 masked %and3A_522 {strides = array<i32>} : memref<656xi32, #tpu.memory_space<vmem>>, vector<16xi32>, vector<16xi1>
        %jit3A_531 = arith.constant 1 : i32
        %jit3A_532 = arith.constant 0 : i32
        %broadcast_in_dim3A_533 = vector.broadcast %jit3A_531 : i32 to vector<16xi32>
        %broadcast_in_dim3A_534 = vector.broadcast %jit3A_532 : i32 to vector<16xi32>
        %select_n3A_535 = arith.select %and3A_522, %broadcast_in_dim3A_533, %broadcast_in_dim3A_534 : vector<16xi1>, vector<16xi32>
        %reduce_sum3A_536 = arith.constant true
        %reduce_sum3A_537 = vector.broadcast %reduce_sum3A_536 : i1 to vector<16xi1>
        %reduce_sum3A_538 = tpu.scan <sum>, %select_n3A_535 masked %reduce_sum3A_537 : vector<16xi32>, vector<16xi1> -> vector<16xi32>
        %reduce_sum3A_539 = vector.extract %reduce_sum3A_538[15] : i32 from vector<16xi32>
        %add3A_540 = arith.addi %add3A_511, %reduce_sum3A_539 : i32
        %get3A_541 = arith.constant 0 : i32
        %get3A_542 = tpu.memref_slice %arg16[%while3A_437, %get3A_541] : memref<512x128xf32, #tpu.memory_space<vmem>> -> memref<1x128xf32, #tpu.memory_space<vmem>>
        %get3A_543 = tpu.memref_squeeze %get3A_542 : memref<1x128xf32, #tpu.memory_space<vmem>> -> memref<128xf32, #tpu.memory_space<vmem>>
        %get3A_544 = arith.constant 32 : index
        %get3A_545 = tpu.vector_load %get3A_543[%get3A_544] {strides = array<i32>} : memref<128xf32, #tpu.memory_space<vmem>>, vector<16xf32>,
        %ge3A_546 = vector.broadcast %bitcast_convert_type3A : f32 to vector<16xf32>
        %ge3A_547 = arith.cmpf oge, %get3A_545, %ge3A_546 : vector<16xf32>
        %lt3A_548 = arith.constant 640 : i32
        %lt3A_549 = arith.cmpi slt, %add3A_540, %lt3A_548 : i32
        %and3A_550 = vector.broadcast %lt3A_549 : i1 to vector<16xi1>
        %and3A_551 = arith.andi %ge3A_547, %and3A_550 : vector<16xi1>
        %add3A_552 = arith.constant 32 : i32
        %add3A_553 = arith.addi %mul3A_484, %add3A_552 : i32
        %add3A_554 = vector.broadcast %add3A_553 : i32 to vector<16xi32>
        %add3A_555 = arith.addi %add3A_554, %iota3A : vector<16xi32>
        %swap3A_556 = arith.index_cast %add3A_540 : i32 to index
        %swap3A_557 = tpu.vector_load %arg17[%swap3A_556] masked %and3A_551 {strides = array<i32>} : memref<656xf32, #tpu.memory_space<vmem>>, vector<16xf32>, vector<16xi1>
        tpu.vector_store %arg17[%swap3A_556], %get3A_545 masked %and3A_551 {strides = array<i32>} : memref<656xf32, #tpu.memory_space<vmem>>, vector<16xf32>, vector<16xi1>
        %swap3A_558 = arith.index_cast %add3A_540 : i32 to index
        %swap3A_559 = tpu.vector_load %arg18[%swap3A_558] masked %and3A_551 {strides = array<i32>} : memref<656xi32, #tpu.memory_space<vmem>>, vector<16xi32>, vector<16xi1>
        tpu.vector_store %arg18[%swap3A_558], %add3A_555 masked %and3A_551 {strides = array<i32>} : memref<656xi32, #tpu.memory_space<vmem>>, vector<16xi32>, vector<16xi1>
        %jit3A_560 = arith.constant 1 : i32
        %jit3A_561 = arith.constant 0 : i32
        %broadcast_in_dim3A_562 = vector.broadcast %jit3A_560 : i32 to vector<16xi32>
        %broadcast_in_dim3A_563 = vector.broadcast %jit3A_561 : i32 to vector<16xi32>
        %select_n3A_564 = arith.select %and3A_551, %broadcast_in_dim3A_562, %broadcast_in_dim3A_563 : vector<16xi1>, vector<16xi32>
        %reduce_sum3A_565 = arith.constant true
        %reduce_sum3A_566 = vector.broadcast %reduce_sum3A_565 : i1 to vector<16xi1>
        %reduce_sum3A_567 = tpu.scan <sum>, %select_n3A_564 masked %reduce_sum3A_566 : vector<16xi32>, vector<16xi1> -> vector<16xi32>
        %reduce_sum3A_568 = vector.extract %reduce_sum3A_567[15] : i32 from vector<16xi32>
        %add3A_569 = arith.addi %add3A_540, %reduce_sum3A_568 : i32
        %get3A_570 = arith.constant 0 : i32
        %get3A_571 = tpu.memref_slice %arg16[%while3A_437, %get3A_570] : memref<512x128xf32, #tpu.memory_space<vmem>> -> memref<1x128xf32, #tpu.memory_space<vmem>>
        %get3A_572 = tpu.memref_squeeze %get3A_571 : memref<1x128xf32, #tpu.memory_space<vmem>> -> memref<128xf32, #tpu.memory_space<vmem>>
        %get3A_573 = arith.constant 48 : index
        %get3A_574 = tpu.vector_load %get3A_572[%get3A_573] {strides = array<i32>} : memref<128xf32, #tpu.memory_space<vmem>>, vector<16xf32>,
        %ge3A_575 = vector.broadcast %bitcast_convert_type3A : f32 to vector<16xf32>
        %ge3A_576 = arith.cmpf oge, %get3A_574, %ge3A_575 : vector<16xf32>
        %lt3A_577 = arith.constant 640 : i32
        %lt3A_578 = arith.cmpi slt, %add3A_569, %lt3A_577 : i32
        %and3A_579 = vector.broadcast %lt3A_578 : i1 to vector<16xi1>
        %and3A_580 = arith.andi %ge3A_576, %and3A_579 : vector<16xi1>
        %add3A_581 = arith.constant 48 : i32
        %add3A_582 = arith.addi %mul3A_484, %add3A_581 : i32
        %add3A_583 = vector.broadcast %add3A_582 : i32 to vector<16xi32>
        %add3A_584 = arith.addi %add3A_583, %iota3A : vector<16xi32>
        %swap3A_585 = arith.index_cast %add3A_569 : i32 to index
        %swap3A_586 = tpu.vector_load %arg17[%swap3A_585] masked %and3A_580 {strides = array<i32>} : memref<656xf32, #tpu.memory_space<vmem>>, vector<16xf32>, vector<16xi1>
        tpu.vector_store %arg17[%swap3A_585], %get3A_574 masked %and3A_580 {strides = array<i32>} : memref<656xf32, #tpu.memory_space<vmem>>, vector<16xf32>, vector<16xi1>
        %swap3A_587 = arith.index_cast %add3A_569 : i32 to index
        %swap3A_588 = tpu.vector_load %arg18[%swap3A_587] masked %and3A_580 {strides = array<i32>} : memref<656xi32, #tpu.memory_space<vmem>>, vector<16xi32>, vector<16xi1>
        tpu.vector_store %arg18[%swap3A_587], %add3A_584 masked %and3A_580 {strides = array<i32>} : memref<656xi32, #tpu.memory_space<vmem>>, vector<16xi32>, vector<16xi1>
        %jit3A_589 = arith.constant 1 : i32
        %jit3A_590 = arith.constant 0 : i32
        %broadcast_in_dim3A_591 = vector.broadcast %jit3A_589 : i32 to vector<16xi32>
        %broadcast_in_dim3A_592 = vector.broadcast %jit3A_590 : i32 to vector<16xi32>
        %select_n3A_593 = arith.select %and3A_580, %broadcast_in_dim3A_591, %broadcast_in_dim3A_592 : vector<16xi1>, vector<16xi32>
        %reduce_sum3A_594 = arith.constant true
        %reduce_sum3A_595 = vector.broadcast %reduce_sum3A_594 : i1 to vector<16xi1>
        %reduce_sum3A_596 = tpu.scan <sum>, %select_n3A_593 masked %reduce_sum3A_595 : vector<16xi32>, vector<16xi1> -> vector<16xi32>
        %reduce_sum3A_597 = vector.extract %reduce_sum3A_596[15] : i32 from vector<16xi32>
        %add3A_598 = arith.addi %add3A_569, %reduce_sum3A_597 : i32
        %get3A_599 = arith.constant 0 : i32
        %get3A_600 = tpu.memref_slice %arg16[%while3A_437, %get3A_599] : memref<512x128xf32, #tpu.memory_space<vmem>> -> memref<1x128xf32, #tpu.memory_space<vmem>>
        %get3A_601 = tpu.memref_squeeze %get3A_600 : memref<1x128xf32, #tpu.memory_space<vmem>> -> memref<128xf32, #tpu.memory_space<vmem>>
        %get3A_602 = arith.constant 64 : index
        %get3A_603 = tpu.vector_load %get3A_601[%get3A_602] {strides = array<i32>} : memref<128xf32, #tpu.memory_space<vmem>>, vector<16xf32>,
        %ge3A_604 = vector.broadcast %bitcast_convert_type3A : f32 to vector<16xf32>
        %ge3A_605 = arith.cmpf oge, %get3A_603, %ge3A_604 : vector<16xf32>
        %lt3A_606 = arith.constant 640 : i32
        %lt3A_607 = arith.cmpi slt, %add3A_598, %lt3A_606 : i32
        %and3A_608 = vector.broadcast %lt3A_607 : i1 to vector<16xi1>
        %and3A_609 = arith.andi %ge3A_605, %and3A_608 : vector<16xi1>
        %add3A_610 = arith.constant 64 : i32
        %add3A_611 = arith.addi %mul3A_484, %add3A_610 : i32
        %add3A_612 = vector.broadcast %add3A_611 : i32 to vector<16xi32>
        %add3A_613 = arith.addi %add3A_612, %iota3A : vector<16xi32>
        %swap3A_614 = arith.index_cast %add3A_598 : i32 to index
        %swap3A_615 = tpu.vector_load %arg17[%swap3A_614] masked %and3A_609 {strides = array<i32>} : memref<656xf32, #tpu.memory_space<vmem>>, vector<16xf32>, vector<16xi1>
        tpu.vector_store %arg17[%swap3A_614], %get3A_603 masked %and3A_609 {strides = array<i32>} : memref<656xf32, #tpu.memory_space<vmem>>, vector<16xf32>, vector<16xi1>
        %swap3A_616 = arith.index_cast %add3A_598 : i32 to index
        %swap3A_617 = tpu.vector_load %arg18[%swap3A_616] masked %and3A_609 {strides = array<i32>} : memref<656xi32, #tpu.memory_space<vmem>>, vector<16xi32>, vector<16xi1>
        tpu.vector_store %arg18[%swap3A_616], %add3A_613 masked %and3A_609 {strides = array<i32>} : memref<656xi32, #tpu.memory_space<vmem>>, vector<16xi32>, vector<16xi1>
        %jit3A_618 = arith.constant 1 : i32
        %jit3A_619 = arith.constant 0 : i32
        %broadcast_in_dim3A_620 = vector.broadcast %jit3A_618 : i32 to vector<16xi32>
        %broadcast_in_dim3A_621 = vector.broadcast %jit3A_619 : i32 to vector<16xi32>
        %select_n3A_622 = arith.select %and3A_609, %broadcast_in_dim3A_620, %broadcast_in_dim3A_621 : vector<16xi1>, vector<16xi32>
        %reduce_sum3A_623 = arith.constant true
        %reduce_sum3A_624 = vector.broadcast %reduce_sum3A_623 : i1 to vector<16xi1>
        %reduce_sum3A_625 = tpu.scan <sum>, %select_n3A_622 masked %reduce_sum3A_624 : vector<16xi32>, vector<16xi1> -> vector<16xi32>
        %reduce_sum3A_626 = vector.extract %reduce_sum3A_625[15] : i32 from vector<16xi32>
        %add3A_627 = arith.addi %add3A_598, %reduce_sum3A_626 : i32
        %get3A_628 = arith.constant 0 : i32
        %get3A_629 = tpu.memref_slice %arg16[%while3A_437, %get3A_628] : memref<512x128xf32, #tpu.memory_space<vmem>> -> memref<1x128xf32, #tpu.memory_space<vmem>>
        %get3A_630 = tpu.memref_squeeze %get3A_629 : memref<1x128xf32, #tpu.memory_space<vmem>> -> memref<128xf32, #tpu.memory_space<vmem>>
        %get3A_631 = arith.constant 80 : index
        %get3A_632 = tpu.vector_load %get3A_630[%get3A_631] {strides = array<i32>} : memref<128xf32, #tpu.memory_space<vmem>>, vector<16xf32>,
        %ge3A_633 = vector.broadcast %bitcast_convert_type3A : f32 to vector<16xf32>
        %ge3A_634 = arith.cmpf oge, %get3A_632, %ge3A_633 : vector<16xf32>
        %lt3A_635 = arith.constant 640 : i32
        %lt3A_636 = arith.cmpi slt, %add3A_627, %lt3A_635 : i32
        %and3A_637 = vector.broadcast %lt3A_636 : i1 to vector<16xi1>
        %and3A_638 = arith.andi %ge3A_634, %and3A_637 : vector<16xi1>
        %add3A_639 = arith.constant 80 : i32
        %add3A_640 = arith.addi %mul3A_484, %add3A_639 : i32
        %add3A_641 = vector.broadcast %add3A_640 : i32 to vector<16xi32>
        %add3A_642 = arith.addi %add3A_641, %iota3A : vector<16xi32>
        %swap3A_643 = arith.index_cast %add3A_627 : i32 to index
        %swap3A_644 = tpu.vector_load %arg17[%swap3A_643] masked %and3A_638 {strides = array<i32>} : memref<656xf32, #tpu.memory_space<vmem>>, vector<16xf32>, vector<16xi1>
        tpu.vector_store %arg17[%swap3A_643], %get3A_632 masked %and3A_638 {strides = array<i32>} : memref<656xf32, #tpu.memory_space<vmem>>, vector<16xf32>, vector<16xi1>
        %swap3A_645 = arith.index_cast %add3A_627 : i32 to index
        %swap3A_646 = tpu.vector_load %arg18[%swap3A_645] masked %and3A_638 {strides = array<i32>} : memref<656xi32, #tpu.memory_space<vmem>>, vector<16xi32>, vector<16xi1>
        tpu.vector_store %arg18[%swap3A_645], %add3A_642 masked %and3A_638 {strides = array<i32>} : memref<656xi32, #tpu.memory_space<vmem>>, vector<16xi32>, vector<16xi1>
        %jit3A_647 = arith.constant 1 : i32
        %jit3A_648 = arith.constant 0 : i32
        %broadcast_in_dim3A_649 = vector.broadcast %jit3A_647 : i32 to vector<16xi32>
        %broadcast_in_dim3A_650 = vector.broadcast %jit3A_648 : i32 to vector<16xi32>
        %select_n3A_651 = arith.select %and3A_638, %broadcast_in_dim3A_649, %broadcast_in_dim3A_650 : vector<16xi1>, vector<16xi32>
        %reduce_sum3A_652 = arith.constant true
        %reduce_sum3A_653 = vector.broadcast %reduce_sum3A_652 : i1 to vector<16xi1>
        %reduce_sum3A_654 = tpu.scan <sum>, %select_n3A_651 masked %reduce_sum3A_653 : vector<16xi32>, vector<16xi1> -> vector<16xi32>
        %reduce_sum3A_655 = vector.extract %reduce_sum3A_654[15] : i32 from vector<16xi32>
        %add3A_656 = arith.addi %add3A_627, %reduce_sum3A_655 : i32
        %get3A_657 = arith.constant 0 : i32
        %get3A_658 = tpu.memref_slice %arg16[%while3A_437, %get3A_657] : memref<512x128xf32, #tpu.memory_space<vmem>> -> memref<1x128xf32, #tpu.memory_space<vmem>>
        %get3A_659 = tpu.memref_squeeze %get3A_658 : memref<1x128xf32, #tpu.memory_space<vmem>> -> memref<128xf32, #tpu.memory_space<vmem>>
        %get3A_660 = arith.constant 96 : index
        %get3A_661 = tpu.vector_load %get3A_659[%get3A_660] {strides = array<i32>} : memref<128xf32, #tpu.memory_space<vmem>>, vector<16xf32>,
        %ge3A_662 = vector.broadcast %bitcast_convert_type3A : f32 to vector<16xf32>
        %ge3A_663 = arith.cmpf oge, %get3A_661, %ge3A_662 : vector<16xf32>
        %lt3A_664 = arith.constant 640 : i32
        %lt3A_665 = arith.cmpi slt, %add3A_656, %lt3A_664 : i32
        %and3A_666 = vector.broadcast %lt3A_665 : i1 to vector<16xi1>
        %and3A_667 = arith.andi %ge3A_663, %and3A_666 : vector<16xi1>
        %add3A_668 = arith.constant 96 : i32
        %add3A_669 = arith.addi %mul3A_484, %add3A_668 : i32
        %add3A_670 = vector.broadcast %add3A_669 : i32 to vector<16xi32>
        %add3A_671 = arith.addi %add3A_670, %iota3A : vector<16xi32>
        %swap3A_672 = arith.index_cast %add3A_656 : i32 to index
        %swap3A_673 = tpu.vector_load %arg17[%swap3A_672] masked %and3A_667 {strides = array<i32>} : memref<656xf32, #tpu.memory_space<vmem>>, vector<16xf32>, vector<16xi1>
        tpu.vector_store %arg17[%swap3A_672], %get3A_661 masked %and3A_667 {strides = array<i32>} : memref<656xf32, #tpu.memory_space<vmem>>, vector<16xf32>, vector<16xi1>
        %swap3A_674 = arith.index_cast %add3A_656 : i32 to index
        %swap3A_675 = tpu.vector_load %arg18[%swap3A_674] masked %and3A_667 {strides = array<i32>} : memref<656xi32, #tpu.memory_space<vmem>>, vector<16xi32>, vector<16xi1>
        tpu.vector_store %arg18[%swap3A_674], %add3A_671 masked %and3A_667 {strides = array<i32>} : memref<656xi32, #tpu.memory_space<vmem>>, vector<16xi32>, vector<16xi1>
        %jit3A_676 = arith.constant 1 : i32
        %jit3A_677 = arith.constant 0 : i32
        %broadcast_in_dim3A_678 = vector.broadcast %jit3A_676 : i32 to vector<16xi32>
        %broadcast_in_dim3A_679 = vector.broadcast %jit3A_677 : i32 to vector<16xi32>
        %select_n3A_680 = arith.select %and3A_667, %broadcast_in_dim3A_678, %broadcast_in_dim3A_679 : vector<16xi1>, vector<16xi32>
        %reduce_sum3A_681 = arith.constant true
        %reduce_sum3A_682 = vector.broadcast %reduce_sum3A_681 : i1 to vector<16xi1>
        %reduce_sum3A_683 = tpu.scan <sum>, %select_n3A_680 masked %reduce_sum3A_682 : vector<16xi32>, vector<16xi1> -> vector<16xi32>
        %reduce_sum3A_684 = vector.extract %reduce_sum3A_683[15] : i32 from vector<16xi32>
        %add3A_685 = arith.addi %add3A_656, %reduce_sum3A_684 : i32
        %get3A_686 = arith.constant 0 : i32
        %get3A_687 = tpu.memref_slice %arg16[%while3A_437, %get3A_686] : memref<512x128xf32, #tpu.memory_space<vmem>> -> memref<1x128xf32, #tpu.memory_space<vmem>>
        %get3A_688 = tpu.memref_squeeze %get3A_687 : memref<1x128xf32, #tpu.memory_space<vmem>> -> memref<128xf32, #tpu.memory_space<vmem>>
        %get3A_689 = arith.constant 112 : index
        %get3A_690 = tpu.vector_load %get3A_688[%get3A_689] {strides = array<i32>} : memref<128xf32, #tpu.memory_space<vmem>>, vector<16xf32>,
        %ge3A_691 = vector.broadcast %bitcast_convert_type3A : f32 to vector<16xf32>
        %ge3A_692 = arith.cmpf oge, %get3A_690, %ge3A_691 : vector<16xf32>
        %lt3A_693 = arith.constant 640 : i32
        %lt3A_694 = arith.cmpi slt, %add3A_685, %lt3A_693 : i32
        %and3A_695 = vector.broadcast %lt3A_694 : i1 to vector<16xi1>
        %and3A_696 = arith.andi %ge3A_692, %and3A_695 : vector<16xi1>
        %add3A_697 = arith.constant 112 : i32
        %add3A_698 = arith.addi %mul3A_484, %add3A_697 : i32
        %add3A_699 = vector.broadcast %add3A_698 : i32 to vector<16xi32>
        %add3A_700 = arith.addi %add3A_699, %iota3A : vector<16xi32>
        %swap3A_701 = arith.index_cast %add3A_685 : i32 to index
        %swap3A_702 = tpu.vector_load %arg17[%swap3A_701] masked %and3A_696 {strides = array<i32>} : memref<656xf32, #tpu.memory_space<vmem>>, vector<16xf32>, vector<16xi1>
        tpu.vector_store %arg17[%swap3A_701], %get3A_690 masked %and3A_696 {strides = array<i32>} : memref<656xf32, #tpu.memory_space<vmem>>, vector<16xf32>, vector<16xi1>
        %swap3A_703 = arith.index_cast %add3A_685 : i32 to index
        %swap3A_704 = tpu.vector_load %arg18[%swap3A_703] masked %and3A_696 {strides = array<i32>} : memref<656xi32, #tpu.memory_space<vmem>>, vector<16xi32>, vector<16xi1>
        tpu.vector_store %arg18[%swap3A_703], %add3A_700 masked %and3A_696 {strides = array<i32>} : memref<656xi32, #tpu.memory_space<vmem>>, vector<16xi32>, vector<16xi1>
        %jit3A_705 = arith.constant 1 : i32
        %jit3A_706 = arith.constant 0 : i32
        %broadcast_in_dim3A_707 = vector.broadcast %jit3A_705 : i32 to vector<16xi32>
        %broadcast_in_dim3A_708 = vector.broadcast %jit3A_706 : i32 to vector<16xi32>
        %select_n3A_709 = arith.select %and3A_696, %broadcast_in_dim3A_707, %broadcast_in_dim3A_708 : vector<16xi1>, vector<16xi32>
        %reduce_sum3A_710 = arith.constant true
        %reduce_sum3A_711 = vector.broadcast %reduce_sum3A_710 : i1 to vector<16xi1>
        %reduce_sum3A_712 = tpu.scan <sum>, %select_n3A_709 masked %reduce_sum3A_711 : vector<16xi32>, vector<16xi1> -> vector<16xi32>
        %reduce_sum3A_713 = vector.extract %reduce_sum3A_712[15] : i32 from vector<16xi32>
        %add3A_714 = arith.addi %add3A_685, %reduce_sum3A_713 : i32
        scf.yield %add3A_714 : i32
      }
      %while3A_297 = arith.constant 1 : i32
      %while3A_298 = scf.for %while3A_437 = %while3A_294 to %while3A_290 step %while3A_297 iter_args(%while3A_438 = %while3A_296) -> (i32)  : i32 {
        %jit3A_439 = arith.constant 16 : i32
        %div3A_440 = arith.divsi %while3A_437, %jit3A_439 : i32
        %sign3A_441 = arith.constant 0 : i32
        %sign3A_442 = arith.cmpi sgt, %while3A_437, %sign3A_441 : i32
        %sign3A_443 = arith.extui %sign3A_442 : i1 to i32
        %sign3A_444 = arith.constant 0 : i32
        %sign3A_445 = arith.cmpi slt, %while3A_437, %sign3A_444 : i32
        %sign3A_446 = arith.extui %sign3A_445 : i1 to i32
        %sign3A_447 = arith.subi %sign3A_443, %sign3A_446 : i32
        %sign3A_448 = arith.constant 0 : i32
        %sign3A_449 = arith.cmpi sgt, %jit3A_439, %sign3A_448 : i32
        %sign3A_450 = arith.extui %sign3A_449 : i1 to i32
        %sign3A_451 = arith.constant 0 : i32
        %sign3A_452 = arith.cmpi slt, %jit3A_439, %sign3A_451 : i32
        %sign3A_453 = arith.extui %sign3A_452 : i1 to i32
        %sign3A_454 = arith.subi %sign3A_450, %sign3A_453 : i32
        %ne3A_455 = arith.cmpi ne, %sign3A_447, %sign3A_454 : i32
        %rem3A_456 = arith.remsi %while3A_437, %jit3A_439 : i32
        %ne3A_457 = arith.constant 0 : i32
        %ne3A_458 = arith.cmpi ne, %rem3A_456, %ne3A_457 : i32
        %and3A_459 = arith.andi %ne3A_455, %ne3A_458 : i1
        %sub3A_460 = arith.constant 1 : i32
        %sub3A_461 = arith.subi %div3A_440, %sub3A_460 : i32
        %select_n3A_462 = arith.select %and3A_459, %sub3A_461, %div3A_440 : i32
        %mul3A_463 = arith.constant 16 : i32
        %mul3A_464 = arith.muli %select_n3A_462, %mul3A_463 : i32
        %get3A = arith.index_cast %mul3A_464 : i32 to index
        %get3A_465 = tpu.vector_load %arg15[%get3A] {strides = array<i32>} : memref<12560xi32, #tpu.memory_space<vmem>>, vector<16xi32>,
        %rem3A_466 = arith.constant 16 : i32
        %rem3A_467 = arith.remsi %while3A_437, %rem3A_466 : i32
        %eq3A_468 = vector.broadcast %rem3A_467 : i32 to vector<16xi32>
        %eq3A_469 = arith.cmpi eq, %iota3A, %eq3A_468 : vector<16xi32>
        %jit3A_470 = arith.constant -2147483648 : i32
        %broadcast_in_dim3A_471 = vector.broadcast %jit3A_470 : i32 to vector<16xi32>
        %select_n3A_472 = arith.select %eq3A_469, %get3A_465, %broadcast_in_dim3A_471 : vector<16xi1>, vector<16xi32>
        %reduce_max3A = arith.constant true
        %reduce_max3A_473 = vector.broadcast %reduce_max3A : i1 to vector<16xi1>
        %reduce_max3A_474 = arith.constant -2147483648 : i32
        %reduce_max3A_475 = vector.broadcast %reduce_max3A_474 : i32 to vector<16xi32>
        %reduce_max3A_476 = arith.xori %select_n3A_472, %reduce_max3A_475 : vector<16xi32>
        %reduce_max3A_477 = tpu.scan <max>, %reduce_max3A_476 masked %reduce_max3A_473 : vector<16xi32>, vector<16xi1> -> vector<16xi32>
        %reduce_max3A_478 = arith.xori %reduce_max3A_477, %reduce_max3A_475 : vector<16xi32>
        %reduce_max3A_479 = vector.extract %reduce_max3A_478[15] : i32 from vector<16xi32>
        %mul3A_480 = arith.constant 12500 : i32
        %mul3A_481 = arith.muli %add3A, %mul3A_480 : i32
        %sub3A_482 = arith.subi %reduce_max3A_479, %mul3A_481 : i32
        %mul3A_483 = arith.constant 128 : i32
        %mul3A_484 = arith.muli %sub3A_482, %mul3A_483 : i32
        %get3A_485 = arith.constant 0 : i32
        %get3A_486 = tpu.memref_slice %arg16[%while3A_437, %get3A_485] : memref<512x128xf32, #tpu.memory_space<vmem>> -> memref<1x128xf32, #tpu.memory_space<vmem>>
        %get3A_487 = tpu.memref_squeeze %get3A_486 : memref<1x128xf32, #tpu.memory_space<vmem>> -> memref<128xf32, #tpu.memory_space<vmem>>
        %get3A_488 = arith.constant 0 : index
        %get3A_489 = tpu.vector_load %get3A_487[%get3A_488] {strides = array<i32>} : memref<128xf32, #tpu.memory_space<vmem>>, vector<16xf32>,
        %ge3A = vector.broadcast %bitcast_convert_type3A : f32 to vector<16xf32>
        %ge3A_490 = arith.cmpf oge, %get3A_489, %ge3A : vector<16xf32>
        %lt3A_491 = arith.constant 640 : i32
        %lt3A_492 = arith.cmpi slt, %while3A_438, %lt3A_491 : i32
        %and3A_493 = vector.broadcast %lt3A_492 : i1 to vector<16xi1>
        %and3A_494 = arith.andi %ge3A_490, %and3A_493 : vector<16xi1>
        %add3A_495 = arith.constant 0 : i32
        %add3A_496 = arith.addi %mul3A_484, %add3A_495 : i32
        %add3A_497 = vector.broadcast %add3A_496 : i32 to vector<16xi32>
        %add3A_498 = arith.addi %add3A_497, %iota3A : vector<16xi32>
        %swap3A_499 = arith.index_cast %while3A_438 : i32 to index
        %swap3A_500 = tpu.vector_load %arg17[%swap3A_499] masked %and3A_494 {strides = array<i32>} : memref<656xf32, #tpu.memory_space<vmem>>, vector<16xf32>, vector<16xi1>
        tpu.vector_store %arg17[%swap3A_499], %get3A_489 masked %and3A_494 {strides = array<i32>} : memref<656xf32, #tpu.memory_space<vmem>>, vector<16xf32>, vector<16xi1>
        %swap3A_501 = arith.index_cast %while3A_438 : i32 to index
        %swap3A_502 = tpu.vector_load %arg18[%swap3A_501] masked %and3A_494 {strides = array<i32>} : memref<656xi32, #tpu.memory_space<vmem>>, vector<16xi32>, vector<16xi1>
        tpu.vector_store %arg18[%swap3A_501], %add3A_498 masked %and3A_494 {strides = array<i32>} : memref<656xi32, #tpu.memory_space<vmem>>, vector<16xi32>, vector<16xi1>
        %jit3A_503 = arith.constant 1 : i32
        %jit3A_504 = arith.constant 0 : i32
        %broadcast_in_dim3A_505 = vector.broadcast %jit3A_503 : i32 to vector<16xi32>
        %broadcast_in_dim3A_506 = vector.broadcast %jit3A_504 : i32 to vector<16xi32>
        %select_n3A_507 = arith.select %and3A_494, %broadcast_in_dim3A_505, %broadcast_in_dim3A_506 : vector<16xi1>, vector<16xi32>
        %reduce_sum3A = arith.constant true
        %reduce_sum3A_508 = vector.broadcast %reduce_sum3A : i1 to vector<16xi1>
        %reduce_sum3A_509 = tpu.scan <sum>, %select_n3A_507 masked %reduce_sum3A_508 : vector<16xi32>, vector<16xi1> -> vector<16xi32>
        %reduce_sum3A_510 = vector.extract %reduce_sum3A_509[15] : i32 from vector<16xi32>
        %add3A_511 = arith.addi %while3A_438, %reduce_sum3A_510 : i32
        %get3A_512 = arith.constant 0 : i32
        %get3A_513 = tpu.memref_slice %arg16[%while3A_437, %get3A_512] : memref<512x128xf32, #tpu.memory_space<vmem>> -> memref<1x128xf32, #tpu.memory_space<vmem>>
        %get3A_514 = tpu.memref_squeeze %get3A_513 : memref<1x128xf32, #tpu.memory_space<vmem>> -> memref<128xf32, #tpu.memory_space<vmem>>
        %get3A_515 = arith.constant 16 : index
        %get3A_516 = tpu.vector_load %get3A_514[%get3A_515] {strides = array<i32>} : memref<128xf32, #tpu.memory_space<vmem>>, vector<16xf32>,
        %ge3A_517 = vector.broadcast %bitcast_convert_type3A : f32 to vector<16xf32>
        %ge3A_518 = arith.cmpf oge, %get3A_516, %ge3A_517 : vector<16xf32>
        %lt3A_519 = arith.constant 640 : i32
        %lt3A_520 = arith.cmpi slt, %add3A_511, %lt3A_519 : i32
        %and3A_521 = vector.broadcast %lt3A_520 : i1 to vector<16xi1>
        %and3A_522 = arith.andi %ge3A_518, %and3A_521 : vector<16xi1>
        %add3A_523 = arith.constant 16 : i32
        %add3A_524 = arith.addi %mul3A_484, %add3A_523 : i32
        %add3A_525 = vector.broadcast %add3A_524 : i32 to vector<16xi32>
        %add3A_526 = arith.addi %add3A_525, %iota3A : vector<16xi32>
        %swap3A_527 = arith.index_cast %add3A_511 : i32 to index
        %swap3A_528 = tpu.vector_load %arg17[%swap3A_527] masked %and3A_522 {strides = array<i32>} : memref<656xf32, #tpu.memory_space<vmem>>, vector<16xf32>, vector<16xi1>
        tpu.vector_store %arg17[%swap3A_527], %get3A_516 masked %and3A_522 {strides = array<i32>} : memref<656xf32, #tpu.memory_space<vmem>>, vector<16xf32>, vector<16xi1>
        %swap3A_529 = arith.index_cast %add3A_511 : i32 to index
        %swap3A_530 = tpu.vector_load %arg18[%swap3A_529] masked %and3A_522 {strides = array<i32>} : memref<656xi32, #tpu.memory_space<vmem>>, vector<16xi32>, vector<16xi1>
        tpu.vector_store %arg18[%swap3A_529], %add3A_526 masked %and3A_522 {strides = array<i32>} : memref<656xi32, #tpu.memory_space<vmem>>, vector<16xi32>, vector<16xi1>
        %jit3A_531 = arith.constant 1 : i32
        %jit3A_532 = arith.constant 0 : i32
        %broadcast_in_dim3A_533 = vector.broadcast %jit3A_531 : i32 to vector<16xi32>
        %broadcast_in_dim3A_534 = vector.broadcast %jit3A_532 : i32 to vector<16xi32>
        %select_n3A_535 = arith.select %and3A_522, %broadcast_in_dim3A_533, %broadcast_in_dim3A_534 : vector<16xi1>, vector<16xi32>
        %reduce_sum3A_536 = arith.constant true
        %reduce_sum3A_537 = vector.broadcast %reduce_sum3A_536 : i1 to vector<16xi1>
        %reduce_sum3A_538 = tpu.scan <sum>, %select_n3A_535 masked %reduce_sum3A_537 : vector<16xi32>, vector<16xi1> -> vector<16xi32>
        %reduce_sum3A_539 = vector.extract %reduce_sum3A_538[15] : i32 from vector<16xi32>
        %add3A_540 = arith.addi %add3A_511, %reduce_sum3A_539 : i32
        %get3A_541 = arith.constant 0 : i32
        %get3A_542 = tpu.memref_slice %arg16[%while3A_437, %get3A_541] : memref<512x128xf32, #tpu.memory_space<vmem>> -> memref<1x128xf32, #tpu.memory_space<vmem>>
        %get3A_543 = tpu.memref_squeeze %get3A_542 : memref<1x128xf32, #tpu.memory_space<vmem>> -> memref<128xf32, #tpu.memory_space<vmem>>
        %get3A_544 = arith.constant 32 : index
        %get3A_545 = tpu.vector_load %get3A_543[%get3A_544] {strides = array<i32>} : memref<128xf32, #tpu.memory_space<vmem>>, vector<16xf32>,
        %ge3A_546 = vector.broadcast %bitcast_convert_type3A : f32 to vector<16xf32>
        %ge3A_547 = arith.cmpf oge, %get3A_545, %ge3A_546 : vector<16xf32>
        %lt3A_548 = arith.constant 640 : i32
        %lt3A_549 = arith.cmpi slt, %add3A_540, %lt3A_548 : i32
        %and3A_550 = vector.broadcast %lt3A_549 : i1 to vector<16xi1>
        %and3A_551 = arith.andi %ge3A_547, %and3A_550 : vector<16xi1>
        %add3A_552 = arith.constant 32 : i32
        %add3A_553 = arith.addi %mul3A_484, %add3A_552 : i32
        %add3A_554 = vector.broadcast %add3A_553 : i32 to vector<16xi32>
        %add3A_555 = arith.addi %add3A_554, %iota3A : vector<16xi32>
        %swap3A_556 = arith.index_cast %add3A_540 : i32 to index
        %swap3A_557 = tpu.vector_load %arg17[%swap3A_556] masked %and3A_551 {strides = array<i32>} : memref<656xf32, #tpu.memory_space<vmem>>, vector<16xf32>, vector<16xi1>
        tpu.vector_store %arg17[%swap3A_556], %get3A_545 masked %and3A_551 {strides = array<i32>} : memref<656xf32, #tpu.memory_space<vmem>>, vector<16xf32>, vector<16xi1>
        %swap3A_558 = arith.index_cast %add3A_540 : i32 to index
        %swap3A_559 = tpu.vector_load %arg18[%swap3A_558] masked %and3A_551 {strides = array<i32>} : memref<656xi32, #tpu.memory_space<vmem>>, vector<16xi32>, vector<16xi1>
        tpu.vector_store %arg18[%swap3A_558], %add3A_555 masked %and3A_551 {strides = array<i32>} : memref<656xi32, #tpu.memory_space<vmem>>, vector<16xi32>, vector<16xi1>
        %jit3A_560 = arith.constant 1 : i32
        %jit3A_561 = arith.constant 0 : i32
        %broadcast_in_dim3A_562 = vector.broadcast %jit3A_560 : i32 to vector<16xi32>
        %broadcast_in_dim3A_563 = vector.broadcast %jit3A_561 : i32 to vector<16xi32>
        %select_n3A_564 = arith.select %and3A_551, %broadcast_in_dim3A_562, %broadcast_in_dim3A_563 : vector<16xi1>, vector<16xi32>
        %reduce_sum3A_565 = arith.constant true
        %reduce_sum3A_566 = vector.broadcast %reduce_sum3A_565 : i1 to vector<16xi1>
        %reduce_sum3A_567 = tpu.scan <sum>, %select_n3A_564 masked %reduce_sum3A_566 : vector<16xi32>, vector<16xi1> -> vector<16xi32>
        %reduce_sum3A_568 = vector.extract %reduce_sum3A_567[15] : i32 from vector<16xi32>
        %add3A_569 = arith.addi %add3A_540, %reduce_sum3A_568 : i32
        %get3A_570 = arith.constant 0 : i32
        %get3A_571 = tpu.memref_slice %arg16[%while3A_437, %get3A_570] : memref<512x128xf32, #tpu.memory_space<vmem>> -> memref<1x128xf32, #tpu.memory_space<vmem>>
        %get3A_572 = tpu.memref_squeeze %get3A_571 : memref<1x128xf32, #tpu.memory_space<vmem>> -> memref<128xf32, #tpu.memory_space<vmem>>
        %get3A_573 = arith.constant 48 : index
        %get3A_574 = tpu.vector_load %get3A_572[%get3A_573] {strides = array<i32>} : memref<128xf32, #tpu.memory_space<vmem>>, vector<16xf32>,
        %ge3A_575 = vector.broadcast %bitcast_convert_type3A : f32 to vector<16xf32>
        %ge3A_576 = arith.cmpf oge, %get3A_574, %ge3A_575 : vector<16xf32>
        %lt3A_577 = arith.constant 640 : i32
        %lt3A_578 = arith.cmpi slt, %add3A_569, %lt3A_577 : i32
        %and3A_579 = vector.broadcast %lt3A_578 : i1 to vector<16xi1>
        %and3A_580 = arith.andi %ge3A_576, %and3A_579 : vector<16xi1>
        %add3A_581 = arith.constant 48 : i32
        %add3A_582 = arith.addi %mul3A_484, %add3A_581 : i32
        %add3A_583 = vector.broadcast %add3A_582 : i32 to vector<16xi32>
        %add3A_584 = arith.addi %add3A_583, %iota3A : vector<16xi32>
        %swap3A_585 = arith.index_cast %add3A_569 : i32 to index
        %swap3A_586 = tpu.vector_load %arg17[%swap3A_585] masked %and3A_580 {strides = array<i32>} : memref<656xf32, #tpu.memory_space<vmem>>, vector<16xf32>, vector<16xi1>
        tpu.vector_store %arg17[%swap3A_585], %get3A_574 masked %and3A_580 {strides = array<i32>} : memref<656xf32, #tpu.memory_space<vmem>>, vector<16xf32>, vector<16xi1>
        %swap3A_587 = arith.index_cast %add3A_569 : i32 to index
        %swap3A_588 = tpu.vector_load %arg18[%swap3A_587] masked %and3A_580 {strides = array<i32>} : memref<656xi32, #tpu.memory_space<vmem>>, vector<16xi32>, vector<16xi1>
        tpu.vector_store %arg18[%swap3A_587], %add3A_584 masked %and3A_580 {strides = array<i32>} : memref<656xi32, #tpu.memory_space<vmem>>, vector<16xi32>, vector<16xi1>
        %jit3A_589 = arith.constant 1 : i32
        %jit3A_590 = arith.constant 0 : i32
        %broadcast_in_dim3A_591 = vector.broadcast %jit3A_589 : i32 to vector<16xi32>
        %broadcast_in_dim3A_592 = vector.broadcast %jit3A_590 : i32 to vector<16xi32>
        %select_n3A_593 = arith.select %and3A_580, %broadcast_in_dim3A_591, %broadcast_in_dim3A_592 : vector<16xi1>, vector<16xi32>
        %reduce_sum3A_594 = arith.constant true
        %reduce_sum3A_595 = vector.broadcast %reduce_sum3A_594 : i1 to vector<16xi1>
        %reduce_sum3A_596 = tpu.scan <sum>, %select_n3A_593 masked %reduce_sum3A_595 : vector<16xi32>, vector<16xi1> -> vector<16xi32>
        %reduce_sum3A_597 = vector.extract %reduce_sum3A_596[15] : i32 from vector<16xi32>
        %add3A_598 = arith.addi %add3A_569, %reduce_sum3A_597 : i32
        %get3A_599 = arith.constant 0 : i32
        %get3A_600 = tpu.memref_slice %arg16[%while3A_437, %get3A_599] : memref<512x128xf32, #tpu.memory_space<vmem>> -> memref<1x128xf32, #tpu.memory_space<vmem>>
        %get3A_601 = tpu.memref_squeeze %get3A_600 : memref<1x128xf32, #tpu.memory_space<vmem>> -> memref<128xf32, #tpu.memory_space<vmem>>
        %get3A_602 = arith.constant 64 : index
        %get3A_603 = tpu.vector_load %get3A_601[%get3A_602] {strides = array<i32>} : memref<128xf32, #tpu.memory_space<vmem>>, vector<16xf32>,
        %ge3A_604 = vector.broadcast %bitcast_convert_type3A : f32 to vector<16xf32>
        %ge3A_605 = arith.cmpf oge, %get3A_603, %ge3A_604 : vector<16xf32>
        %lt3A_606 = arith.constant 640 : i32
        %lt3A_607 = arith.cmpi slt, %add3A_598, %lt3A_606 : i32
        %and3A_608 = vector.broadcast %lt3A_607 : i1 to vector<16xi1>
        %and3A_609 = arith.andi %ge3A_605, %and3A_608 : vector<16xi1>
        %add3A_610 = arith.constant 64 : i32
        %add3A_611 = arith.addi %mul3A_484, %add3A_610 : i32
        %add3A_612 = vector.broadcast %add3A_611 : i32 to vector<16xi32>
        %add3A_613 = arith.addi %add3A_612, %iota3A : vector<16xi32>
        %swap3A_614 = arith.index_cast %add3A_598 : i32 to index
        %swap3A_615 = tpu.vector_load %arg17[%swap3A_614] masked %and3A_609 {strides = array<i32>} : memref<656xf32, #tpu.memory_space<vmem>>, vector<16xf32>, vector<16xi1>
        tpu.vector_store %arg17[%swap3A_614], %get3A_603 masked %and3A_609 {strides = array<i32>} : memref<656xf32, #tpu.memory_space<vmem>>, vector<16xf32>, vector<16xi1>
        %swap3A_616 = arith.index_cast %add3A_598 : i32 to index
        %swap3A_617 = tpu.vector_load %arg18[%swap3A_616] masked %and3A_609 {strides = array<i32>} : memref<656xi32, #tpu.memory_space<vmem>>, vector<16xi32>, vector<16xi1>
        tpu.vector_store %arg18[%swap3A_616], %add3A_613 masked %and3A_609 {strides = array<i32>} : memref<656xi32, #tpu.memory_space<vmem>>, vector<16xi32>, vector<16xi1>
        %jit3A_618 = arith.constant 1 : i32
        %jit3A_619 = arith.constant 0 : i32
        %broadcast_in_dim3A_620 = vector.broadcast %jit3A_618 : i32 to vector<16xi32>
        %broadcast_in_dim3A_621 = vector.broadcast %jit3A_619 : i32 to vector<16xi32>
        %select_n3A_622 = arith.select %and3A_609, %broadcast_in_dim3A_620, %broadcast_in_dim3A_621 : vector<16xi1>, vector<16xi32>
        %reduce_sum3A_623 = arith.constant true
        %reduce_sum3A_624 = vector.broadcast %reduce_sum3A_623 : i1 to vector<16xi1>
        %reduce_sum3A_625 = tpu.scan <sum>, %select_n3A_622 masked %reduce_sum3A_624 : vector<16xi32>, vector<16xi1> -> vector<16xi32>
        %reduce_sum3A_626 = vector.extract %reduce_sum3A_625[15] : i32 from vector<16xi32>
        %add3A_627 = arith.addi %add3A_598, %reduce_sum3A_626 : i32
        %get3A_628 = arith.constant 0 : i32
        %get3A_629 = tpu.memref_slice %arg16[%while3A_437, %get3A_628] : memref<512x128xf32, #tpu.memory_space<vmem>> -> memref<1x128xf32, #tpu.memory_space<vmem>>
        %get3A_630 = tpu.memref_squeeze %get3A_629 : memref<1x128xf32, #tpu.memory_space<vmem>> -> memref<128xf32, #tpu.memory_space<vmem>>
        %get3A_631 = arith.constant 80 : index
        %get3A_632 = tpu.vector_load %get3A_630[%get3A_631] {strides = array<i32>} : memref<128xf32, #tpu.memory_space<vmem>>, vector<16xf32>,
        %ge3A_633 = vector.broadcast %bitcast_convert_type3A : f32 to vector<16xf32>
        %ge3A_634 = arith.cmpf oge, %get3A_632, %ge3A_633 : vector<16xf32>
        %lt3A_635 = arith.constant 640 : i32
        %lt3A_636 = arith.cmpi slt, %add3A_627, %lt3A_635 : i32
        %and3A_637 = vector.broadcast %lt3A_636 : i1 to vector<16xi1>
        %and3A_638 = arith.andi %ge3A_634, %and3A_637 : vector<16xi1>
        %add3A_639 = arith.constant 80 : i32
        %add3A_640 = arith.addi %mul3A_484, %add3A_639 : i32
        %add3A_641 = vector.broadcast %add3A_640 : i32 to vector<16xi32>
        %add3A_642 = arith.addi %add3A_641, %iota3A : vector<16xi32>
        %swap3A_643 = arith.index_cast %add3A_627 : i32 to index
        %swap3A_644 = tpu.vector_load %arg17[%swap3A_643] masked %and3A_638 {strides = array<i32>} : memref<656xf32, #tpu.memory_space<vmem>>, vector<16xf32>, vector<16xi1>
        tpu.vector_store %arg17[%swap3A_643], %get3A_632 masked %and3A_638 {strides = array<i32>} : memref<656xf32, #tpu.memory_space<vmem>>, vector<16xf32>, vector<16xi1>
        %swap3A_645 = arith.index_cast %add3A_627 : i32 to index
        %swap3A_646 = tpu.vector_load %arg18[%swap3A_645] masked %and3A_638 {strides = array<i32>} : memref<656xi32, #tpu.memory_space<vmem>>, vector<16xi32>, vector<16xi1>
        tpu.vector_store %arg18[%swap3A_645], %add3A_642 masked %and3A_638 {strides = array<i32>} : memref<656xi32, #tpu.memory_space<vmem>>, vector<16xi32>, vector<16xi1>
        %jit3A_647 = arith.constant 1 : i32
        %jit3A_648 = arith.constant 0 : i32
        %broadcast_in_dim3A_649 = vector.broadcast %jit3A_647 : i32 to vector<16xi32>
        %broadcast_in_dim3A_650 = vector.broadcast %jit3A_648 : i32 to vector<16xi32>
        %select_n3A_651 = arith.select %and3A_638, %broadcast_in_dim3A_649, %broadcast_in_dim3A_650 : vector<16xi1>, vector<16xi32>
        %reduce_sum3A_652 = arith.constant true
        %reduce_sum3A_653 = vector.broadcast %reduce_sum3A_652 : i1 to vector<16xi1>
        %reduce_sum3A_654 = tpu.scan <sum>, %select_n3A_651 masked %reduce_sum3A_653 : vector<16xi32>, vector<16xi1> -> vector<16xi32>
        %reduce_sum3A_655 = vector.extract %reduce_sum3A_654[15] : i32 from vector<16xi32>
        %add3A_656 = arith.addi %add3A_627, %reduce_sum3A_655 : i32
        %get3A_657 = arith.constant 0 : i32
        %get3A_658 = tpu.memref_slice %arg16[%while3A_437, %get3A_657] : memref<512x128xf32, #tpu.memory_space<vmem>> -> memref<1x128xf32, #tpu.memory_space<vmem>>
        %get3A_659 = tpu.memref_squeeze %get3A_658 : memref<1x128xf32, #tpu.memory_space<vmem>> -> memref<128xf32, #tpu.memory_space<vmem>>
        %get3A_660 = arith.constant 96 : index
        %get3A_661 = tpu.vector_load %get3A_659[%get3A_660] {strides = array<i32>} : memref<128xf32, #tpu.memory_space<vmem>>, vector<16xf32>,
        %ge3A_662 = vector.broadcast %bitcast_convert_type3A : f32 to vector<16xf32>
        %ge3A_663 = arith.cmpf oge, %get3A_661, %ge3A_662 : vector<16xf32>
        %lt3A_664 = arith.constant 640 : i32
        %lt3A_665 = arith.cmpi slt, %add3A_656, %lt3A_664 : i32
        %and3A_666 = vector.broadcast %lt3A_665 : i1 to vector<16xi1>
        %and3A_667 = arith.andi %ge3A_663, %and3A_666 : vector<16xi1>
        %add3A_668 = arith.constant 96 : i32
        %add3A_669 = arith.addi %mul3A_484, %add3A_668 : i32
        %add3A_670 = vector.broadcast %add3A_669 : i32 to vector<16xi32>
        %add3A_671 = arith.addi %add3A_670, %iota3A : vector<16xi32>
        %swap3A_672 = arith.index_cast %add3A_656 : i32 to index
        %swap3A_673 = tpu.vector_load %arg17[%swap3A_672] masked %and3A_667 {strides = array<i32>} : memref<656xf32, #tpu.memory_space<vmem>>, vector<16xf32>, vector<16xi1>
        tpu.vector_store %arg17[%swap3A_672], %get3A_661 masked %and3A_667 {strides = array<i32>} : memref<656xf32, #tpu.memory_space<vmem>>, vector<16xf32>, vector<16xi1>
        %swap3A_674 = arith.index_cast %add3A_656 : i32 to index
        %swap3A_675 = tpu.vector_load %arg18[%swap3A_674] masked %and3A_667 {strides = array<i32>} : memref<656xi32, #tpu.memory_space<vmem>>, vector<16xi32>, vector<16xi1>
        tpu.vector_store %arg18[%swap3A_674], %add3A_671 masked %and3A_667 {strides = array<i32>} : memref<656xi32, #tpu.memory_space<vmem>>, vector<16xi32>, vector<16xi1>
        %jit3A_676 = arith.constant 1 : i32
        %jit3A_677 = arith.constant 0 : i32
        %broadcast_in_dim3A_678 = vector.broadcast %jit3A_676 : i32 to vector<16xi32>
        %broadcast_in_dim3A_679 = vector.broadcast %jit3A_677 : i32 to vector<16xi32>
        %select_n3A_680 = arith.select %and3A_667, %broadcast_in_dim3A_678, %broadcast_in_dim3A_679 : vector<16xi1>, vector<16xi32>
        %reduce_sum3A_681 = arith.constant true
        %reduce_sum3A_682 = vector.broadcast %reduce_sum3A_681 : i1 to vector<16xi1>
        %reduce_sum3A_683 = tpu.scan <sum>, %select_n3A_680 masked %reduce_sum3A_682 : vector<16xi32>, vector<16xi1> -> vector<16xi32>
        %reduce_sum3A_684 = vector.extract %reduce_sum3A_683[15] : i32 from vector<16xi32>
        %add3A_685 = arith.addi %add3A_656, %reduce_sum3A_684 : i32
        %get3A_686 = arith.constant 0 : i32
        %get3A_687 = tpu.memref_slice %arg16[%while3A_437, %get3A_686] : memref<512x128xf32, #tpu.memory_space<vmem>> -> memref<1x128xf32, #tpu.memory_space<vmem>>
        %get3A_688 = tpu.memref_squeeze %get3A_687 : memref<1x128xf32, #tpu.memory_space<vmem>> -> memref<128xf32, #tpu.memory_space<vmem>>
        %get3A_689 = arith.constant 112 : index
        %get3A_690 = tpu.vector_load %get3A_688[%get3A_689] {strides = array<i32>} : memref<128xf32, #tpu.memory_space<vmem>>, vector<16xf32>,
        %ge3A_691 = vector.broadcast %bitcast_convert_type3A : f32 to vector<16xf32>
        %ge3A_692 = arith.cmpf oge, %get3A_690, %ge3A_691 : vector<16xf32>
        %lt3A_693 = arith.constant 640 : i32
        %lt3A_694 = arith.cmpi slt, %add3A_685, %lt3A_693 : i32
        %and3A_695 = vector.broadcast %lt3A_694 : i1 to vector<16xi1>
        %and3A_696 = arith.andi %ge3A_692, %and3A_695 : vector<16xi1>
        %add3A_697 = arith.constant 112 : i32
        %add3A_698 = arith.addi %mul3A_484, %add3A_697 : i32
        %add3A_699 = vector.broadcast %add3A_698 : i32 to vector<16xi32>
        %add3A_700 = arith.addi %add3A_699, %iota3A : vector<16xi32>
        %swap3A_701 = arith.index_cast %add3A_685 : i32 to index
        %swap3A_702 = tpu.vector_load %arg17[%swap3A_701] masked %and3A_696 {strides = array<i32>} : memref<656xf32, #tpu.memory_space<vmem>>, vector<16xf32>, vector<16xi1>
        tpu.vector_store %arg17[%swap3A_701], %get3A_690 masked %and3A_696 {strides = array<i32>} : memref<656xf32, #tpu.memory_space<vmem>>, vector<16xf32>, vector<16xi1>
        %swap3A_703 = arith.index_cast %add3A_685 : i32 to index
        %swap3A_704 = tpu.vector_load %arg18[%swap3A_703] masked %and3A_696 {strides = array<i32>} : memref<656xi32, #tpu.memory_space<vmem>>, vector<16xi32>, vector<16xi1>
        tpu.vector_store %arg18[%swap3A_703], %add3A_700 masked %and3A_696 {strides = array<i32>} : memref<656xi32, #tpu.memory_space<vmem>>, vector<16xi32>, vector<16xi1>
        %jit3A_705 = arith.constant 1 : i32
        %jit3A_706 = arith.constant 0 : i32
        %broadcast_in_dim3A_707 = vector.broadcast %jit3A_705 : i32 to vector<16xi32>
        %broadcast_in_dim3A_708 = vector.broadcast %jit3A_706 : i32 to vector<16xi32>
        %select_n3A_709 = arith.select %and3A_696, %broadcast_in_dim3A_707, %broadcast_in_dim3A_708 : vector<16xi1>, vector<16xi32>
        %reduce_sum3A_710 = arith.constant true
        %reduce_sum3A_711 = vector.broadcast %reduce_sum3A_710 : i1 to vector<16xi1>
        %reduce_sum3A_712 = tpu.scan <sum>, %select_n3A_709 masked %reduce_sum3A_711 : vector<16xi32>, vector<16xi1> -> vector<16xi32>
        %reduce_sum3A_713 = vector.extract %reduce_sum3A_712[15] : i32 from vector<16xi32>
        %add3A_714 = arith.addi %add3A_685, %reduce_sum3A_713 : i32
        scf.yield %add3A_714 : i32
      }
      %min3A_299 = arith.constant 640 : i32
      %min3A_300 = arith.minsi %while3A_298, %min3A_299 : i32
      %add3A_301 = arith.constant 15 : i32
      %add3A_302 = arith.addi %min3A_300, %add3A_301 : i32
      %jit3A_303 = arith.constant 16 : i32
      %div3A_304 = arith.divsi %add3A_302, %jit3A_303 : i32
      %sign3A_305 = arith.constant 0 : i32
      %sign3A_306 = arith.cmpi sgt, %add3A_302, %sign3A_305 : i32
      %sign3A_307 = arith.extui %sign3A_306 : i1 to i32
      %sign3A_308 = arith.constant 0 : i32
      %sign3A_309 = arith.cmpi slt, %add3A_302, %sign3A_308 : i32
      %sign3A_310 = arith.extui %sign3A_309 : i1 to i32
      %sign3A_311 = arith.subi %sign3A_307, %sign3A_310 : i32
      %sign3A_312 = arith.constant 0 : i32
      %sign3A_313 = arith.cmpi sgt, %jit3A_303, %sign3A_312 : i32
      %sign3A_314 = arith.extui %sign3A_313 : i1 to i32
      %sign3A_315 = arith.constant 0 : i32
      %sign3A_316 = arith.cmpi slt, %jit3A_303, %sign3A_315 : i32
      %sign3A_317 = arith.extui %sign3A_316 : i1 to i32
      %sign3A_318 = arith.subi %sign3A_314, %sign3A_317 : i32
      %ne3A_319 = arith.cmpi ne, %sign3A_311, %sign3A_318 : i32
      %rem3A_320 = arith.remsi %add3A_302, %jit3A_303 : i32
      %ne3A_321 = arith.constant 0 : i32
      %ne3A_322 = arith.cmpi ne, %rem3A_320, %ne3A_321 : i32
      %and3A_323 = arith.andi %ne3A_319, %ne3A_322 : i1
      %sub3A_324 = arith.constant 1 : i32
      %sub3A_325 = arith.subi %div3A_304, %sub3A_324 : i32
      %select_n3A_326 = arith.select %and3A_323, %sub3A_325, %div3A_304 : i32
      %scan3A_327 = arith.constant -2139095041 : i32
      %scan3A_328 = arith.constant 2139095040 : i32
      %scan3A_329 = arith.constant 0 : i32
      %scan3A_330 = arith.constant 32 : i32
      %scan3A_331 = arith.addi %scan3A_329, %scan3A_330 : i32
      %scan3A_332 = arith.constant 1 : i32
      %scan3A_333:2 = scf.for %scan3A_437 = %scan3A_329 to %scan3A_331 step %scan3A_332 iter_args(%scan3A_438 = %scan3A_327, %scan3A_439 = %scan3A_328) -> (i32, i32)  : i32 {
        %shift_right_arithmetic3A = arith.constant 1 : i32
        %shift_right_arithmetic3A_440 = arith.shrsi %scan3A_438, %shift_right_arithmetic3A : i32
        %shift_right_arithmetic3A_441 = arith.constant 1 : i32
        %shift_right_arithmetic3A_442 = arith.shrsi %scan3A_439, %shift_right_arithmetic3A_441 : i32
        %add3A_443 = arith.addi %shift_right_arithmetic3A_440, %shift_right_arithmetic3A_442 : i32
        %and3A_444 = arith.andi %scan3A_438, %scan3A_439 : i32
        %and3A_445 = arith.constant 1 : i32
        %and3A_446 = arith.andi %and3A_444, %and3A_445 : i32
        %add3A_447 = arith.addi %add3A_443, %and3A_446 : i32
        %lt3A_448 = arith.constant 0 : i32
        %lt3A_449 = arith.cmpi slt, %add3A_447, %lt3A_448 : i32
        %xor3A_450 = arith.constant 2147483647 : i32
        %xor3A_451 = arith.xori %add3A_447, %xor3A_450 : i32
        %select_n3A_452 = arith.select %lt3A_449, %xor3A_451, %add3A_447 : i32
        %bitcast_convert_type3A_453 = arith.bitcast %select_n3A_452 : i32 to f32
        %broadcast_in_dim3A_454 = arith.constant 0 : i32
        %broadcast_in_dim3A_455 = vector.broadcast %broadcast_in_dim3A_454 : i32 to vector<16xi32>
        %while3A_456 = arith.constant 0 : i32
        %while3A_457 = arith.subi %select_n3A_326, %while3A_456 : i32
        %while3A_458 = arith.addi %while3A_456, %while3A_457 : i32
        %while3A_459 = arith.constant 1 : i32
        %while3A_460 = arith.divsi %while3A_457, %while3A_459 : i32
        %while3A_461 = arith.muli %while3A_460, %while3A_459 : i32
        %while3A_462 = arith.addi %while3A_456, %while3A_461 : i32
        %while3A_463 = arith.constant 1 : i32
        %while3A_464 = scf.for %while3A_473 = %while3A_456 to %while3A_462 step %while3A_463 iter_args(%while3A_474 = %broadcast_in_dim3A_455) -> (vector<16xi32>)  : i32 {
          %mul3A_475 = arith.constant 16 : i32
          %mul3A_476 = arith.muli %while3A_473, %mul3A_475 : i32
          %get3A = arith.index_cast %mul3A_476 : i32 to index
          %get3A_477 = tpu.vector_load %arg17[%get3A] {strides = array<i32>} : memref<656xf32, #tpu.memory_space<vmem>>, vector<16xf32>,
          %ge3A_478 = vector.broadcast %bitcast_convert_type3A_453 : f32 to vector<16xf32>
          %ge3A_479 = arith.cmpf oge, %get3A_477, %ge3A_478 : vector<16xf32>
          %jit3A_480 = arith.constant 1 : i32
          %jit3A_481 = arith.constant 0 : i32
          %broadcast_in_dim3A_482 = vector.broadcast %jit3A_480 : i32 to vector<16xi32>
          %broadcast_in_dim3A_483 = vector.broadcast %jit3A_481 : i32 to vector<16xi32>
          %select_n3A_484 = arith.select %ge3A_479, %broadcast_in_dim3A_482, %broadcast_in_dim3A_483 : vector<16xi1>, vector<16xi32>
          %add3A_485 = arith.addi %while3A_474, %select_n3A_484 : vector<16xi32>
          scf.yield %add3A_485 : vector<16xi32>
        }
        %while3A_465 = arith.constant 1 : i32
        %while3A_466 = scf.for %while3A_473 = %while3A_462 to %while3A_458 step %while3A_465 iter_args(%while3A_474 = %while3A_464) -> (vector<16xi32>)  : i32 {
          %mul3A_475 = arith.constant 16 : i32
          %mul3A_476 = arith.muli %while3A_473, %mul3A_475 : i32
          %get3A = arith.index_cast %mul3A_476 : i32 to index
          %get3A_477 = tpu.vector_load %arg17[%get3A] {strides = array<i32>} : memref<656xf32, #tpu.memory_space<vmem>>, vector<16xf32>,
          %ge3A_478 = vector.broadcast %bitcast_convert_type3A_453 : f32 to vector<16xf32>
          %ge3A_479 = arith.cmpf oge, %get3A_477, %ge3A_478 : vector<16xf32>
          %jit3A_480 = arith.constant 1 : i32
          %jit3A_481 = arith.constant 0 : i32
          %broadcast_in_dim3A_482 = vector.broadcast %jit3A_480 : i32 to vector<16xi32>
          %broadcast_in_dim3A_483 = vector.broadcast %jit3A_481 : i32 to vector<16xi32>
          %select_n3A_484 = arith.select %ge3A_479, %broadcast_in_dim3A_482, %broadcast_in_dim3A_483 : vector<16xi1>, vector<16xi32>
          %add3A_485 = arith.addi %while3A_474, %select_n3A_484 : vector<16xi32>
          scf.yield %add3A_485 : vector<16xi32>
        }
        %reduce_sum3A = arith.constant true
        %reduce_sum3A_467 = vector.broadcast %reduce_sum3A : i1 to vector<16xi1>
        %reduce_sum3A_468 = tpu.scan <sum>, %while3A_466 masked %reduce_sum3A_467 : vector<16xi32>, vector<16xi1> -> vector<16xi32>
        %reduce_sum3A_469 = vector.extract %reduce_sum3A_468[15] : i32 from vector<16xi32>
        %ge3A = arith.constant 300 : i32
        %ge3A_470 = arith.cmpi sge, %reduce_sum3A_469, %ge3A : i32
        %select_n3A_471 = arith.select %ge3A_470, %add3A_447, %scan3A_438 : i32
        %select_n3A_472 = arith.select %ge3A_470, %scan3A_439, %add3A_447 : i32
        scf.yield %select_n3A_471, %select_n3A_472 : i32, i32
      }
      %scan3A_334 = arith.constant 32 : i32
      %lt3A_335 = arith.constant 0 : i32
      %lt3A_336 = arith.cmpi slt, %scan3A_333#0, %lt3A_335 : i32
      %xor3A_337 = arith.constant 2147483647 : i32
      %xor3A_338 = arith.xori %scan3A_333#0, %xor3A_337 : i32
      %select_n3A_339 = arith.select %lt3A_336, %xor3A_338, %scan3A_333#0 : i32
      %bitcast_convert_type3A_340 = arith.bitcast %select_n3A_339 : i32 to f32
      %scan3A_341 = arith.constant 0 : i32
      %scan3A_342 = arith.constant 0 : i32
      %scan3A_343 = arith.constant 21 : i32
      %scan3A_344 = arith.addi %scan3A_342, %scan3A_343 : i32
      %scan3A_345 = arith.constant 1 : i32
      %scan3A_346 = scf.for %scan3A_437 = %scan3A_342 to %scan3A_344 step %scan3A_345 iter_args(%scan3A_438 = %scan3A_341) -> (i32)  : i32 {
        %mul3A_439 = arith.constant 16 : i32
        %mul3A_440 = arith.muli %scan3A_437, %mul3A_439 : i32
        %swap3A_441 = arith.index_cast %mul3A_440 : i32 to index
        %swap3A_442 = tpu.vector_load %arg19[%swap3A_441] {strides = array<i32>} : memref<336xf32, #tpu.memory_space<vmem>>, vector<16xf32>,
        tpu.vector_store %arg19[%swap3A_441], %broadcast_in_dim3A_24 {strides = array<i32>} : memref<336xf32, #tpu.memory_space<vmem>>, vector<16xf32>,
        %broadcast_in_dim3A_443 = arith.constant 0 : i32
        %broadcast_in_dim3A_444 = vector.broadcast %broadcast_in_dim3A_443 : i32 to vector<16xi32>
        %mul3A_445 = arith.constant 16 : i32
        %mul3A_446 = arith.muli %scan3A_437, %mul3A_445 : i32
        %swap3A_447 = arith.index_cast %mul3A_446 : i32 to index
        %swap3A_448 = tpu.vector_load %arg20[%swap3A_447] {strides = array<i32>} : memref<336xi32, #tpu.memory_space<vmem>>, vector<16xi32>,
        tpu.vector_store %arg20[%swap3A_447], %broadcast_in_dim3A_444 {strides = array<i32>} : memref<336xi32, #tpu.memory_space<vmem>>, vector<16xi32>,
        %scan3A_449 = arith.constant 0 : i32
        scf.yield %scan3A_449 : i32
      }
      %scan3A_347 = arith.constant 21 : i32
      %while3A_348 = arith.constant 0 : i32
      %while3A_349 = arith.constant 0 : i32
      %while3A_350 = arith.subi %select_n3A_326, %while3A_348 : i32
      %while3A_351 = arith.addi %while3A_348, %while3A_350 : i32
      %while3A_352 = arith.constant 1 : i32
      %while3A_353 = arith.divsi %while3A_350, %while3A_352 : i32
      %while3A_354 = arith.muli %while3A_353, %while3A_352 : i32
      %while3A_355 = arith.addi %while3A_348, %while3A_354 : i32
      %while3A_356 = arith.constant 1 : i32
      %while3A_357 = scf.for %while3A_437 = %while3A_348 to %while3A_355 step %while3A_356 iter_args(%while3A_438 = %while3A_349) -> (i32)  : i32 {
        %mul3A_439 = arith.constant 16 : i32
        %mul3A_440 = arith.muli %while3A_437, %mul3A_439 : i32
        %get3A = arith.index_cast %mul3A_440 : i32 to index
        %get3A_441 = tpu.vector_load %arg17[%get3A] {strides = array<i32>} : memref<656xf32, #tpu.memory_space<vmem>>, vector<16xf32>,
        %mul3A_442 = arith.constant 16 : i32
        %mul3A_443 = arith.muli %while3A_437, %mul3A_442 : i32
        %get3A_444 = arith.index_cast %mul3A_443 : i32 to index
        %get3A_445 = tpu.vector_load %arg18[%get3A_444] {strides = array<i32>} : memref<656xi32, #tpu.memory_space<vmem>>, vector<16xi32>,
        %ge3A = vector.broadcast %bitcast_convert_type3A_340 : f32 to vector<16xf32>
        %ge3A_446 = arith.cmpf oge, %get3A_441, %ge3A : vector<16xf32>
        %lt3A_447 = arith.constant 320 : i32
        %lt3A_448 = arith.cmpi slt, %while3A_438, %lt3A_447 : i32
        %and3A_449 = vector.broadcast %lt3A_448 : i1 to vector<16xi1>
        %and3A_450 = arith.andi %ge3A_446, %and3A_449 : vector<16xi1>
        %swap3A_451 = arith.index_cast %while3A_438 : i32 to index
        %swap3A_452 = tpu.vector_load %arg19[%swap3A_451] masked %and3A_450 {strides = array<i32>} : memref<336xf32, #tpu.memory_space<vmem>>, vector<16xf32>, vector<16xi1>
        tpu.vector_store %arg19[%swap3A_451], %get3A_441 masked %and3A_450 {strides = array<i32>} : memref<336xf32, #tpu.memory_space<vmem>>, vector<16xf32>, vector<16xi1>
        %swap3A_453 = arith.index_cast %while3A_438 : i32 to index
        %swap3A_454 = tpu.vector_load %arg20[%swap3A_453] masked %and3A_450 {strides = array<i32>} : memref<336xi32, #tpu.memory_space<vmem>>, vector<16xi32>, vector<16xi1>
        tpu.vector_store %arg20[%swap3A_453], %get3A_445 masked %and3A_450 {strides = array<i32>} : memref<336xi32, #tpu.memory_space<vmem>>, vector<16xi32>, vector<16xi1>
        %jit3A_455 = arith.constant 1 : i32
        %jit3A_456 = arith.constant 0 : i32
        %broadcast_in_dim3A_457 = vector.broadcast %jit3A_455 : i32 to vector<16xi32>
        %broadcast_in_dim3A_458 = vector.broadcast %jit3A_456 : i32 to vector<16xi32>
        %select_n3A_459 = arith.select %and3A_450, %broadcast_in_dim3A_457, %broadcast_in_dim3A_458 : vector<16xi1>, vector<16xi32>
        %reduce_sum3A = arith.constant true
        %reduce_sum3A_460 = vector.broadcast %reduce_sum3A : i1 to vector<16xi1>
        %reduce_sum3A_461 = tpu.scan <sum>, %select_n3A_459 masked %reduce_sum3A_460 : vector<16xi32>, vector<16xi1> -> vector<16xi32>
        %reduce_sum3A_462 = vector.extract %reduce_sum3A_461[15] : i32 from vector<16xi32>
        %add3A_463 = arith.addi %while3A_438, %reduce_sum3A_462 : i32
        scf.yield %add3A_463 : i32
      }
      %while3A_358 = arith.constant 1 : i32
      %while3A_359 = scf.for %while3A_437 = %while3A_355 to %while3A_351 step %while3A_358 iter_args(%while3A_438 = %while3A_357) -> (i32)  : i32 {
        %mul3A_439 = arith.constant 16 : i32
        %mul3A_440 = arith.muli %while3A_437, %mul3A_439 : i32
        %get3A = arith.index_cast %mul3A_440 : i32 to index
        %get3A_441 = tpu.vector_load %arg17[%get3A] {strides = array<i32>} : memref<656xf32, #tpu.memory_space<vmem>>, vector<16xf32>,
        %mul3A_442 = arith.constant 16 : i32
        %mul3A_443 = arith.muli %while3A_437, %mul3A_442 : i32
        %get3A_444 = arith.index_cast %mul3A_443 : i32 to index
        %get3A_445 = tpu.vector_load %arg18[%get3A_444] {strides = array<i32>} : memref<656xi32, #tpu.memory_space<vmem>>, vector<16xi32>,
        %ge3A = vector.broadcast %bitcast_convert_type3A_340 : f32 to vector<16xf32>
        %ge3A_446 = arith.cmpf oge, %get3A_441, %ge3A : vector<16xf32>
        %lt3A_447 = arith.constant 320 : i32
        %lt3A_448 = arith.cmpi slt, %while3A_438, %lt3A_447 : i32
        %and3A_449 = vector.broadcast %lt3A_448 : i1 to vector<16xi1>
        %and3A_450 = arith.andi %ge3A_446, %and3A_449 : vector<16xi1>
        %swap3A_451 = arith.index_cast %while3A_438 : i32 to index
        %swap3A_452 = tpu.vector_load %arg19[%swap3A_451] masked %and3A_450 {strides = array<i32>} : memref<336xf32, #tpu.memory_space<vmem>>, vector<16xf32>, vector<16xi1>
        tpu.vector_store %arg19[%swap3A_451], %get3A_441 masked %and3A_450 {strides = array<i32>} : memref<336xf32, #tpu.memory_space<vmem>>, vector<16xf32>, vector<16xi1>
        %swap3A_453 = arith.index_cast %while3A_438 : i32 to index
        %swap3A_454 = tpu.vector_load %arg20[%swap3A_453] masked %and3A_450 {strides = array<i32>} : memref<336xi32, #tpu.memory_space<vmem>>, vector<16xi32>, vector<16xi1>
        tpu.vector_store %arg20[%swap3A_453], %get3A_445 masked %and3A_450 {strides = array<i32>} : memref<336xi32, #tpu.memory_space<vmem>>, vector<16xi32>, vector<16xi1>
        %jit3A_455 = arith.constant 1 : i32
        %jit3A_456 = arith.constant 0 : i32
        %broadcast_in_dim3A_457 = vector.broadcast %jit3A_455 : i32 to vector<16xi32>
        %broadcast_in_dim3A_458 = vector.broadcast %jit3A_456 : i32 to vector<16xi32>
        %select_n3A_459 = arith.select %and3A_450, %broadcast_in_dim3A_457, %broadcast_in_dim3A_458 : vector<16xi1>, vector<16xi32>
        %reduce_sum3A = arith.constant true
        %reduce_sum3A_460 = vector.broadcast %reduce_sum3A : i1 to vector<16xi1>
        %reduce_sum3A_461 = tpu.scan <sum>, %select_n3A_459 masked %reduce_sum3A_460 : vector<16xi32>, vector<16xi1> -> vector<16xi32>
        %reduce_sum3A_462 = vector.extract %reduce_sum3A_461[15] : i32 from vector<16xi32>
        %add3A_463 = arith.addi %while3A_438, %reduce_sum3A_462 : i32
        scf.yield %add3A_463 : i32
      }
      %min3A_360 = arith.constant 320 : i32
      %min3A_361 = arith.minsi %while3A_359, %min3A_360 : i32
      %add3A_362 = arith.constant 15 : i32
      %add3A_363 = arith.addi %min3A_361, %add3A_362 : i32
      %jit3A_364 = arith.constant 16 : i32
      %div3A_365 = arith.divsi %add3A_363, %jit3A_364 : i32
      %sign3A_366 = arith.constant 0 : i32
      %sign3A_367 = arith.cmpi sgt, %add3A_363, %sign3A_366 : i32
      %sign3A_368 = arith.extui %sign3A_367 : i1 to i32
      %sign3A_369 = arith.constant 0 : i32
      %sign3A_370 = arith.cmpi slt, %add3A_363, %sign3A_369 : i32
      %sign3A_371 = arith.extui %sign3A_370 : i1 to i32
      %sign3A_372 = arith.subi %sign3A_368, %sign3A_371 : i32
      %sign3A_373 = arith.constant 0 : i32
      %sign3A_374 = arith.cmpi sgt, %jit3A_364, %sign3A_373 : i32
      %sign3A_375 = arith.extui %sign3A_374 : i1 to i32
      %sign3A_376 = arith.constant 0 : i32
      %sign3A_377 = arith.cmpi slt, %jit3A_364, %sign3A_376 : i32
      %sign3A_378 = arith.extui %sign3A_377 : i1 to i32
      %sign3A_379 = arith.subi %sign3A_375, %sign3A_378 : i32
      %ne3A_380 = arith.cmpi ne, %sign3A_372, %sign3A_379 : i32
      %rem3A_381 = arith.remsi %add3A_363, %jit3A_364 : i32
      %ne3A_382 = arith.constant 0 : i32
      %ne3A_383 = arith.cmpi ne, %rem3A_381, %ne3A_382 : i32
      %and3A_384 = arith.andi %ne3A_380, %ne3A_383 : i1
      %sub3A_385 = arith.constant 1 : i32
      %sub3A_386 = arith.subi %div3A_365, %sub3A_385 : i32
      %select_n3A_387 = arith.select %and3A_384, %sub3A_386, %div3A_365 : i32
      %scan3A_388 = arith.constant 0 : i32
      %scan3A_389 = arith.constant 0 : i32
      %scan3A_390 = arith.constant 24 : i32
      %scan3A_391 = arith.addi %scan3A_389, %scan3A_390 : i32
      %scan3A_392 = arith.constant 1 : i32
      %scan3A_393 = scf.for %scan3A_437 = %scan3A_389 to %scan3A_391 step %scan3A_392 iter_args(%scan3A_438 = %scan3A_388) -> (i32)  : i32 {
        %broadcast_in_dim3A_439 = arith.constant 0.000000e+00 : f32
        %broadcast_in_dim3A_440 = vector.broadcast %broadcast_in_dim3A_439 : f32 to vector<16xf32>
        %mul3A_441 = arith.constant 16 : i32
        %mul3A_442 = arith.muli %scan3A_437, %mul3A_441 : i32
        %swap3A_443 = arith.index_cast %mul3A_442 : i32 to index
        %swap3A_444 = tpu.vector_load %arg21[%swap3A_443] {strides = array<i32>} : memref<384xf32, #tpu.memory_space<vmem>>, vector<16xf32>,
        tpu.vector_store %arg21[%swap3A_443], %broadcast_in_dim3A_440 {strides = array<i32>} : memref<384xf32, #tpu.memory_space<vmem>>, vector<16xf32>,
        %broadcast_in_dim3A_445 = arith.constant 0 : i32
        %broadcast_in_dim3A_446 = vector.broadcast %broadcast_in_dim3A_445 : i32 to vector<16xi32>
        %mul3A_447 = arith.constant 16 : i32
        %mul3A_448 = arith.muli %scan3A_437, %mul3A_447 : i32
        %swap3A_449 = arith.index_cast %mul3A_448 : i32 to index
        %swap3A_450 = tpu.vector_load %arg22[%swap3A_449] {strides = array<i32>} : memref<384xi32, #tpu.memory_space<vmem>>, vector<16xi32>,
        tpu.vector_store %arg22[%swap3A_449], %broadcast_in_dim3A_446 {strides = array<i32>} : memref<384xi32, #tpu.memory_space<vmem>>, vector<16xi32>,
        %scan3A_451 = arith.constant 0 : i32
        scf.yield %scan3A_451 : i32
      }
      %scan3A_394 = arith.constant 24 : i32
      %while3A_395 = arith.constant 0 : i32
      %while3A_396 = arith.constant 0 : i32
      %while3A_397 = arith.subi %select_n3A_387, %while3A_395 : i32
      %while3A_398 = arith.addi %while3A_395, %while3A_397 : i32
      %while3A_399 = arith.constant 1 : i32
      %while3A_400 = arith.divsi %while3A_397, %while3A_399 : i32
      %while3A_401 = arith.muli %while3A_400, %while3A_399 : i32
      %while3A_402 = arith.addi %while3A_395, %while3A_401 : i32
      %while3A_403 = arith.constant 1 : i32
      %while3A_404 = scf.for %while3A_437 = %while3A_395 to %while3A_402 step %while3A_403 iter_args(%while3A_438 = %while3A_396) -> (i32)  : i32 {
        %mul3A_439 = arith.constant 16 : i32
        %mul3A_440 = arith.muli %while3A_437, %mul3A_439 : i32
        %get3A = arith.index_cast %mul3A_440 : i32 to index
        %get3A_441 = tpu.vector_load %arg19[%get3A] {strides = array<i32>} : memref<336xf32, #tpu.memory_space<vmem>>, vector<16xf32>,
        %mul3A_442 = arith.constant 16 : i32
        %mul3A_443 = arith.muli %while3A_437, %mul3A_442 : i32
        %get3A_444 = arith.index_cast %mul3A_443 : i32 to index
        %get3A_445 = tpu.vector_load %arg20[%get3A_444] {strides = array<i32>} : memref<336xi32, #tpu.memory_space<vmem>>, vector<16xi32>,
        %scan3A_446 = arith.constant 0 : i32
        %scan3A_447 = arith.constant 0 : i32
        %scan3A_448 = arith.constant 16 : i32
        %scan3A_449 = arith.addi %scan3A_447, %scan3A_448 : i32
        %scan3A_450 = arith.constant 1 : i32
        %scan3A_451 = scf.for %scan3A_454 = %scan3A_447 to %scan3A_449 step %scan3A_450 iter_args(%scan3A_455 = %scan3A_446) -> (i32)  : i32 {
          %eq3A_456 = vector.broadcast %scan3A_454 : i32 to vector<16xi32>
          %eq3A_457 = arith.cmpi eq, %iota3A, %eq3A_456 : vector<16xi32>
          %jit3A_458 = arith.constant 0xFF800000 : f32
          %broadcast_in_dim3A_459 = vector.broadcast %jit3A_458 : f32 to vector<16xf32>
          %select_n3A_460 = arith.select %eq3A_457, %get3A_441, %broadcast_in_dim3A_459 : vector<16xi1>, vector<16xf32>
          %reduce_max3A = arith.constant true
          %reduce_max3A_461 = vector.broadcast %reduce_max3A : i1 to vector<16xi1>
          %reduce_max3A_462 = tpu.scan <max>, %select_n3A_460 masked %reduce_max3A_461 : vector<16xf32>, vector<16xi1> -> vector<16xf32>
          %reduce_max3A_463 = vector.extract %reduce_max3A_462[15] : f32 from vector<16xf32>
          %jit3A_464 = arith.constant -2147483648 : i32
          %broadcast_in_dim3A_465 = vector.broadcast %jit3A_464 : i32 to vector<16xi32>
          %select_n3A_466 = arith.select %eq3A_457, %get3A_445, %broadcast_in_dim3A_465 : vector<16xi1>, vector<16xi32>
          %reduce_max3A_467 = arith.constant true
          %reduce_max3A_468 = vector.broadcast %reduce_max3A_467 : i1 to vector<16xi1>
          %reduce_max3A_469 = arith.constant -2147483648 : i32
          %reduce_max3A_470 = vector.broadcast %reduce_max3A_469 : i32 to vector<16xi32>
          %reduce_max3A_471 = arith.xori %select_n3A_466, %reduce_max3A_470 : vector<16xi32>
          %reduce_max3A_472 = tpu.scan <max>, %reduce_max3A_471 masked %reduce_max3A_468 : vector<16xi32>, vector<16xi1> -> vector<16xi32>
          %reduce_max3A_473 = arith.xori %reduce_max3A_472, %reduce_max3A_470 : vector<16xi32>
          %reduce_max3A_474 = vector.extract %reduce_max3A_473[15] : i32 from vector<16xi32>
          %broadcast_in_dim3A_475 = arith.constant 0 : i32
          %broadcast_in_dim3A_476 = vector.broadcast %broadcast_in_dim3A_475 : i32 to vector<16xi32>
          %while3A_477 = arith.constant 0 : i32
          %while3A_478 = arith.subi %select_n3A_387, %while3A_477 : i32
          %while3A_479 = arith.addi %while3A_477, %while3A_478 : i32
          %while3A_480 = arith.constant 1 : i32
          %while3A_481 = arith.divsi %while3A_478, %while3A_480 : i32
          %while3A_482 = arith.muli %while3A_481, %while3A_480 : i32
          %while3A_483 = arith.addi %while3A_477, %while3A_482 : i32
          %while3A_484 = arith.constant 1 : i32
          %while3A_485 = scf.for %while3A_511 = %while3A_477 to %while3A_483 step %while3A_484 iter_args(%while3A_512 = %broadcast_in_dim3A_476) -> (vector<16xi32>)  : i32 {
            %mul3A_513 = arith.constant 16 : i32
            %mul3A_514 = arith.muli %while3A_511, %mul3A_513 : i32
            %get3A_515 = arith.index_cast %mul3A_514 : i32 to index
            %get3A_516 = tpu.vector_load %arg19[%get3A_515] {strides = array<i32>} : memref<336xf32, #tpu.memory_space<vmem>>, vector<16xf32>,
            %mul3A_517 = arith.constant 16 : i32
            %mul3A_518 = arith.muli %while3A_511, %mul3A_517 : i32
            %get3A_519 = arith.index_cast %mul3A_518 : i32 to index
            %get3A_520 = tpu.vector_load %arg20[%get3A_519] {strides = array<i32>} : memref<336xi32, #tpu.memory_space<vmem>>, vector<16xi32>,
            %gt3A_521 = vector.broadcast %reduce_max3A_463 : f32 to vector<16xf32>
            %gt3A_522 = arith.cmpf ogt, %get3A_516, %gt3A_521 : vector<16xf32>
            %eq3A_523 = vector.broadcast %reduce_max3A_463 : f32 to vector<16xf32>
            %eq3A_524 = arith.cmpf oeq, %get3A_516, %eq3A_523 : vector<16xf32>
            %lt3A_525 = vector.broadcast %reduce_max3A_474 : i32 to vector<16xi32>
            %lt3A_526 = arith.cmpi slt, %get3A_520, %lt3A_525 : vector<16xi32>
            %and3A_527 = arith.andi %eq3A_524, %lt3A_526 : vector<16xi1>
            %or3A = arith.ori %gt3A_522, %and3A_527 : vector<16xi1>
            %jit3A_528 = arith.constant 1 : i32
            %jit3A_529 = arith.constant 0 : i32
            %broadcast_in_dim3A_530 = vector.broadcast %jit3A_528 : i32 to vector<16xi32>
            %broadcast_in_dim3A_531 = vector.broadcast %jit3A_529 : i32 to vector<16xi32>
            %select_n3A_532 = arith.select %or3A, %broadcast_in_dim3A_530, %broadcast_in_dim3A_531 : vector<16xi1>, vector<16xi32>
            %add3A_533 = arith.addi %while3A_512, %select_n3A_532 : vector<16xi32>
            scf.yield %add3A_533 : vector<16xi32>
          }
          %while3A_486 = arith.constant 1 : i32
          %while3A_487 = scf.for %while3A_511 = %while3A_483 to %while3A_479 step %while3A_486 iter_args(%while3A_512 = %while3A_485) -> (vector<16xi32>)  : i32 {
            %mul3A_513 = arith.constant 16 : i32
            %mul3A_514 = arith.muli %while3A_511, %mul3A_513 : i32
            %get3A_515 = arith.index_cast %mul3A_514 : i32 to index
            %get3A_516 = tpu.vector_load %arg19[%get3A_515] {strides = array<i32>} : memref<336xf32, #tpu.memory_space<vmem>>, vector<16xf32>,
            %mul3A_517 = arith.constant 16 : i32
            %mul3A_518 = arith.muli %while3A_511, %mul3A_517 : i32
            %get3A_519 = arith.index_cast %mul3A_518 : i32 to index
            %get3A_520 = tpu.vector_load %arg20[%get3A_519] {strides = array<i32>} : memref<336xi32, #tpu.memory_space<vmem>>, vector<16xi32>,
            %gt3A_521 = vector.broadcast %reduce_max3A_463 : f32 to vector<16xf32>
            %gt3A_522 = arith.cmpf ogt, %get3A_516, %gt3A_521 : vector<16xf32>
            %eq3A_523 = vector.broadcast %reduce_max3A_463 : f32 to vector<16xf32>
            %eq3A_524 = arith.cmpf oeq, %get3A_516, %eq3A_523 : vector<16xf32>
            %lt3A_525 = vector.broadcast %reduce_max3A_474 : i32 to vector<16xi32>
            %lt3A_526 = arith.cmpi slt, %get3A_520, %lt3A_525 : vector<16xi32>
            %and3A_527 = arith.andi %eq3A_524, %lt3A_526 : vector<16xi1>
            %or3A = arith.ori %gt3A_522, %and3A_527 : vector<16xi1>
            %jit3A_528 = arith.constant 1 : i32
            %jit3A_529 = arith.constant 0 : i32
            %broadcast_in_dim3A_530 = vector.broadcast %jit3A_528 : i32 to vector<16xi32>
            %broadcast_in_dim3A_531 = vector.broadcast %jit3A_529 : i32 to vector<16xi32>
            %select_n3A_532 = arith.select %or3A, %broadcast_in_dim3A_530, %broadcast_in_dim3A_531 : vector<16xi1>, vector<16xi32>
            %add3A_533 = arith.addi %while3A_512, %select_n3A_532 : vector<16xi32>
            scf.yield %add3A_533 : vector<16xi32>
          }
          %reduce_sum3A = arith.constant true
          %reduce_sum3A_488 = vector.broadcast %reduce_sum3A : i1 to vector<16xi1>
          %reduce_sum3A_489 = tpu.scan <sum>, %while3A_487 masked %reduce_sum3A_488 : vector<16xi32>, vector<16xi1> -> vector<16xi32>
          %reduce_sum3A_490 = vector.extract %reduce_sum3A_489[15] : i32 from vector<16xi32>
          %lt3A_491 = arith.constant 300 : i32
          %lt3A_492 = arith.cmpi slt, %reduce_sum3A_490, %lt3A_491 : i32
          %and3A_493 = vector.broadcast %lt3A_492 : i1 to vector<16xi1>
          %and3A_494 = arith.andi %eq3A_457, %and3A_493 : vector<16xi1>
          %gt3A = arith.constant 0xFF800000 : f32
          %gt3A_495 = arith.cmpf ogt, %reduce_max3A_463, %gt3A : f32
          %and3A_496 = vector.broadcast %gt3A_495 : i1 to vector<16xi1>
          %and3A_497 = arith.andi %and3A_494, %and3A_496 : vector<16xi1>
          %broadcast_in_dim3A_498 = arith.constant 0 : i32
          %broadcast_in_dim3A_499 = vector.broadcast %broadcast_in_dim3A_498 : i32 to vector<16xi32>
          %add3A_500 = vector.broadcast %reduce_sum3A_490 : i32 to vector<16xi32>
          %add3A_501 = arith.addi %broadcast_in_dim3A_499, %add3A_500 : vector<16xi32>
          %broadcast_in_dim3A_502 = arith.constant 0.000000e+00 : f32
          %broadcast_in_dim3A_503 = vector.broadcast %broadcast_in_dim3A_502 : f32 to vector<16xf32>
          %add3A_504 = vector.broadcast %reduce_max3A_463 : f32 to vector<16xf32>
          %add3A_505 = arith.addf %broadcast_in_dim3A_503, %add3A_504 : vector<16xf32>
          tpu.vector_store_idx %arg21[%add3A_501], %add3A_505 masked %and3A_497 : memref<384xf32, #tpu.memory_space<vmem>>[vector<16xi32>], vector<16xf32>, vector<16xi1>
          %broadcast_in_dim3A_506 = arith.constant 0 : i32
          %broadcast_in_dim3A_507 = vector.broadcast %broadcast_in_dim3A_506 : i32 to vector<16xi32>
          %add3A_508 = vector.broadcast %reduce_max3A_474 : i32 to vector<16xi32>
          %add3A_509 = arith.addi %broadcast_in_dim3A_507, %add3A_508 : vector<16xi32>
          tpu.vector_store_idx %arg22[%add3A_501], %add3A_509 masked %and3A_497 : memref<384xi32, #tpu.memory_space<vmem>>[vector<16xi32>], vector<16xi32>, vector<16xi1>
          %scan3A_510 = arith.constant 0 : i32
          scf.yield %scan3A_510 : i32
        }
        %scan3A_452 = arith.constant 16 : i32
        %while3A_453 = arith.constant 0 : i32
        scf.yield %while3A_453 : i32
      }
      %while3A_405 = arith.constant 1 : i32
      %while3A_406 = scf.for %while3A_437 = %while3A_402 to %while3A_398 step %while3A_405 iter_args(%while3A_438 = %while3A_404) -> (i32)  : i32 {
        %mul3A_439 = arith.constant 16 : i32
        %mul3A_440 = arith.muli %while3A_437, %mul3A_439 : i32
        %get3A = arith.index_cast %mul3A_440 : i32 to index
        %get3A_441 = tpu.vector_load %arg19[%get3A] {strides = array<i32>} : memref<336xf32, #tpu.memory_space<vmem>>, vector<16xf32>,
        %mul3A_442 = arith.constant 16 : i32
        %mul3A_443 = arith.muli %while3A_437, %mul3A_442 : i32
        %get3A_444 = arith.index_cast %mul3A_443 : i32 to index
        %get3A_445 = tpu.vector_load %arg20[%get3A_444] {strides = array<i32>} : memref<336xi32, #tpu.memory_space<vmem>>, vector<16xi32>,
        %scan3A_446 = arith.constant 0 : i32
        %scan3A_447 = arith.constant 0 : i32
        %scan3A_448 = arith.constant 16 : i32
        %scan3A_449 = arith.addi %scan3A_447, %scan3A_448 : i32
        %scan3A_450 = arith.constant 1 : i32
        %scan3A_451 = scf.for %scan3A_454 = %scan3A_447 to %scan3A_449 step %scan3A_450 iter_args(%scan3A_455 = %scan3A_446) -> (i32)  : i32 {
          %eq3A_456 = vector.broadcast %scan3A_454 : i32 to vector<16xi32>
          %eq3A_457 = arith.cmpi eq, %iota3A, %eq3A_456 : vector<16xi32>
          %jit3A_458 = arith.constant 0xFF800000 : f32
          %broadcast_in_dim3A_459 = vector.broadcast %jit3A_458 : f32 to vector<16xf32>
          %select_n3A_460 = arith.select %eq3A_457, %get3A_441, %broadcast_in_dim3A_459 : vector<16xi1>, vector<16xf32>
          %reduce_max3A = arith.constant true
          %reduce_max3A_461 = vector.broadcast %reduce_max3A : i1 to vector<16xi1>
          %reduce_max3A_462 = tpu.scan <max>, %select_n3A_460 masked %reduce_max3A_461 : vector<16xf32>, vector<16xi1> -> vector<16xf32>
          %reduce_max3A_463 = vector.extract %reduce_max3A_462[15] : f32 from vector<16xf32>
          %jit3A_464 = arith.constant -2147483648 : i32
          %broadcast_in_dim3A_465 = vector.broadcast %jit3A_464 : i32 to vector<16xi32>
          %select_n3A_466 = arith.select %eq3A_457, %get3A_445, %broadcast_in_dim3A_465 : vector<16xi1>, vector<16xi32>
          %reduce_max3A_467 = arith.constant true
          %reduce_max3A_468 = vector.broadcast %reduce_max3A_467 : i1 to vector<16xi1>
          %reduce_max3A_469 = arith.constant -2147483648 : i32
          %reduce_max3A_470 = vector.broadcast %reduce_max3A_469 : i32 to vector<16xi32>
          %reduce_max3A_471 = arith.xori %select_n3A_466, %reduce_max3A_470 : vector<16xi32>
          %reduce_max3A_472 = tpu.scan <max>, %reduce_max3A_471 masked %reduce_max3A_468 : vector<16xi32>, vector<16xi1> -> vector<16xi32>
          %reduce_max3A_473 = arith.xori %reduce_max3A_472, %reduce_max3A_470 : vector<16xi32>
          %reduce_max3A_474 = vector.extract %reduce_max3A_473[15] : i32 from vector<16xi32>
          %broadcast_in_dim3A_475 = arith.constant 0 : i32
          %broadcast_in_dim3A_476 = vector.broadcast %broadcast_in_dim3A_475 : i32 to vector<16xi32>
          %while3A_477 = arith.constant 0 : i32
          %while3A_478 = arith.subi %select_n3A_387, %while3A_477 : i32
          %while3A_479 = arith.addi %while3A_477, %while3A_478 : i32
          %while3A_480 = arith.constant 1 : i32
          %while3A_481 = arith.divsi %while3A_478, %while3A_480 : i32
          %while3A_482 = arith.muli %while3A_481, %while3A_480 : i32
          %while3A_483 = arith.addi %while3A_477, %while3A_482 : i32
          %while3A_484 = arith.constant 1 : i32
          %while3A_485 = scf.for %while3A_511 = %while3A_477 to %while3A_483 step %while3A_484 iter_args(%while3A_512 = %broadcast_in_dim3A_476) -> (vector<16xi32>)  : i32 {
            %mul3A_513 = arith.constant 16 : i32
            %mul3A_514 = arith.muli %while3A_511, %mul3A_513 : i32
            %get3A_515 = arith.index_cast %mul3A_514 : i32 to index
            %get3A_516 = tpu.vector_load %arg19[%get3A_515] {strides = array<i32>} : memref<336xf32, #tpu.memory_space<vmem>>, vector<16xf32>,
            %mul3A_517 = arith.constant 16 : i32
            %mul3A_518 = arith.muli %while3A_511, %mul3A_517 : i32
            %get3A_519 = arith.index_cast %mul3A_518 : i32 to index
            %get3A_520 = tpu.vector_load %arg20[%get3A_519] {strides = array<i32>} : memref<336xi32, #tpu.memory_space<vmem>>, vector<16xi32>,
            %gt3A_521 = vector.broadcast %reduce_max3A_463 : f32 to vector<16xf32>
            %gt3A_522 = arith.cmpf ogt, %get3A_516, %gt3A_521 : vector<16xf32>
            %eq3A_523 = vector.broadcast %reduce_max3A_463 : f32 to vector<16xf32>
            %eq3A_524 = arith.cmpf oeq, %get3A_516, %eq3A_523 : vector<16xf32>
            %lt3A_525 = vector.broadcast %reduce_max3A_474 : i32 to vector<16xi32>
            %lt3A_526 = arith.cmpi slt, %get3A_520, %lt3A_525 : vector<16xi32>
            %and3A_527 = arith.andi %eq3A_524, %lt3A_526 : vector<16xi1>
            %or3A = arith.ori %gt3A_522, %and3A_527 : vector<16xi1>
            %jit3A_528 = arith.constant 1 : i32
            %jit3A_529 = arith.constant 0 : i32
            %broadcast_in_dim3A_530 = vector.broadcast %jit3A_528 : i32 to vector<16xi32>
            %broadcast_in_dim3A_531 = vector.broadcast %jit3A_529 : i32 to vector<16xi32>
            %select_n3A_532 = arith.select %or3A, %broadcast_in_dim3A_530, %broadcast_in_dim3A_531 : vector<16xi1>, vector<16xi32>
            %add3A_533 = arith.addi %while3A_512, %select_n3A_532 : vector<16xi32>
            scf.yield %add3A_533 : vector<16xi32>
          }
          %while3A_486 = arith.constant 1 : i32
          %while3A_487 = scf.for %while3A_511 = %while3A_483 to %while3A_479 step %while3A_486 iter_args(%while3A_512 = %while3A_485) -> (vector<16xi32>)  : i32 {
            %mul3A_513 = arith.constant 16 : i32
            %mul3A_514 = arith.muli %while3A_511, %mul3A_513 : i32
            %get3A_515 = arith.index_cast %mul3A_514 : i32 to index
            %get3A_516 = tpu.vector_load %arg19[%get3A_515] {strides = array<i32>} : memref<336xf32, #tpu.memory_space<vmem>>, vector<16xf32>,
            %mul3A_517 = arith.constant 16 : i32
            %mul3A_518 = arith.muli %while3A_511, %mul3A_517 : i32
            %get3A_519 = arith.index_cast %mul3A_518 : i32 to index
            %get3A_520 = tpu.vector_load %arg20[%get3A_519] {strides = array<i32>} : memref<336xi32, #tpu.memory_space<vmem>>, vector<16xi32>,
            %gt3A_521 = vector.broadcast %reduce_max3A_463 : f32 to vector<16xf32>
            %gt3A_522 = arith.cmpf ogt, %get3A_516, %gt3A_521 : vector<16xf32>
            %eq3A_523 = vector.broadcast %reduce_max3A_463 : f32 to vector<16xf32>
            %eq3A_524 = arith.cmpf oeq, %get3A_516, %eq3A_523 : vector<16xf32>
            %lt3A_525 = vector.broadcast %reduce_max3A_474 : i32 to vector<16xi32>
            %lt3A_526 = arith.cmpi slt, %get3A_520, %lt3A_525 : vector<16xi32>
            %and3A_527 = arith.andi %eq3A_524, %lt3A_526 : vector<16xi1>
            %or3A = arith.ori %gt3A_522, %and3A_527 : vector<16xi1>
            %jit3A_528 = arith.constant 1 : i32
            %jit3A_529 = arith.constant 0 : i32
            %broadcast_in_dim3A_530 = vector.broadcast %jit3A_528 : i32 to vector<16xi32>
            %broadcast_in_dim3A_531 = vector.broadcast %jit3A_529 : i32 to vector<16xi32>
            %select_n3A_532 = arith.select %or3A, %broadcast_in_dim3A_530, %broadcast_in_dim3A_531 : vector<16xi1>, vector<16xi32>
            %add3A_533 = arith.addi %while3A_512, %select_n3A_532 : vector<16xi32>
            scf.yield %add3A_533 : vector<16xi32>
          }
          %reduce_sum3A = arith.constant true
          %reduce_sum3A_488 = vector.broadcast %reduce_sum3A : i1 to vector<16xi1>
          %reduce_sum3A_489 = tpu.scan <sum>, %while3A_487 masked %reduce_sum3A_488 : vector<16xi32>, vector<16xi1> -> vector<16xi32>
          %reduce_sum3A_490 = vector.extract %reduce_sum3A_489[15] : i32 from vector<16xi32>
          %lt3A_491 = arith.constant 300 : i32
          %lt3A_492 = arith.cmpi slt, %reduce_sum3A_490, %lt3A_491 : i32
          %and3A_493 = vector.broadcast %lt3A_492 : i1 to vector<16xi1>
          %and3A_494 = arith.andi %eq3A_457, %and3A_493 : vector<16xi1>
          %gt3A = arith.constant 0xFF800000 : f32
          %gt3A_495 = arith.cmpf ogt, %reduce_max3A_463, %gt3A : f32
          %and3A_496 = vector.broadcast %gt3A_495 : i1 to vector<16xi1>
          %and3A_497 = arith.andi %and3A_494, %and3A_496 : vector<16xi1>
          %broadcast_in_dim3A_498 = arith.constant 0 : i32
          %broadcast_in_dim3A_499 = vector.broadcast %broadcast_in_dim3A_498 : i32 to vector<16xi32>
          %add3A_500 = vector.broadcast %reduce_sum3A_490 : i32 to vector<16xi32>
          %add3A_501 = arith.addi %broadcast_in_dim3A_499, %add3A_500 : vector<16xi32>
          %broadcast_in_dim3A_502 = arith.constant 0.000000e+00 : f32
          %broadcast_in_dim3A_503 = vector.broadcast %broadcast_in_dim3A_502 : f32 to vector<16xf32>
          %add3A_504 = vector.broadcast %reduce_max3A_463 : f32 to vector<16xf32>
          %add3A_505 = arith.addf %broadcast_in_dim3A_503, %add3A_504 : vector<16xf32>
          tpu.vector_store_idx %arg21[%add3A_501], %add3A_505 masked %and3A_497 : memref<384xf32, #tpu.memory_space<vmem>>[vector<16xi32>], vector<16xf32>, vector<16xi1>
          %broadcast_in_dim3A_506 = arith.constant 0 : i32
          %broadcast_in_dim3A_507 = vector.broadcast %broadcast_in_dim3A_506 : i32 to vector<16xi32>
          %add3A_508 = vector.broadcast %reduce_max3A_474 : i32 to vector<16xi32>
          %add3A_509 = arith.addi %broadcast_in_dim3A_507, %add3A_508 : vector<16xi32>
          tpu.vector_store_idx %arg22[%add3A_501], %add3A_509 masked %and3A_497 : memref<384xi32, #tpu.memory_space<vmem>>[vector<16xi32>], vector<16xi32>, vector<16xi1>
          %scan3A_510 = arith.constant 0 : i32
          scf.yield %scan3A_510 : i32
        }
        %scan3A_452 = arith.constant 16 : i32
        %while3A_453 = arith.constant 0 : i32
        scf.yield %while3A_453 : i32
      }
      %scan3A_407 = arith.constant 0 : i32
      %scan3A_408 = arith.constant 0 : i32
      %scan3A_409 = arith.constant 24 : i32
      %scan3A_410 = arith.addi %scan3A_408, %scan3A_409 : i32
      %scan3A_411 = arith.constant 1 : i32
      %scan3A_412 = scf.for %scan3A_437 = %scan3A_408 to %scan3A_410 step %scan3A_411 iter_args(%scan3A_438 = %scan3A_407) -> (i32)  : i32 {
        %mul3A_439 = arith.constant 16 : i32
        %mul3A_440 = arith.muli %scan3A_437, %mul3A_439 : i32
        %add3A_441 = vector.broadcast %mul3A_440 : i32 to vector<16xi32>
        %add3A_442 = arith.addi %add3A_441, %iota3A : vector<16xi32>
        %mul3A_443 = arith.constant 16 : i32
        %mul3A_444 = arith.muli %scan3A_437, %mul3A_443 : i32
        %get3A = arith.index_cast %mul3A_444 : i32 to index
        %get3A_445 = tpu.vector_load %arg22[%get3A] {strides = array<i32>} : memref<384xi32, #tpu.memory_space<vmem>>, vector<16xi32>,
        %jit3A_446 = arith.constant 80 : i32
        %div3A_447 = vector.broadcast %jit3A_446 : i32 to vector<16xi32>
        %div3A_448 = arith.divsi %get3A_445, %div3A_447 : vector<16xi32>
        %sign3A_449 = arith.constant 0 : i32
        %sign3A_450 = vector.broadcast %sign3A_449 : i32 to vector<16xi32>
        %sign3A_451 = arith.cmpi sgt, %get3A_445, %sign3A_450 : vector<16xi32>
        %sign3A_452 = arith.extui %sign3A_451 : vector<16xi1> to vector<16xi32>
        %sign3A_453 = arith.constant 0 : i32
        %sign3A_454 = vector.broadcast %sign3A_453 : i32 to vector<16xi32>
        %sign3A_455 = arith.cmpi slt, %get3A_445, %sign3A_454 : vector<16xi32>
        %sign3A_456 = arith.extui %sign3A_455 : vector<16xi1> to vector<16xi32>
        %sign3A_457 = arith.subi %sign3A_452, %sign3A_456 : vector<16xi32>
        %sign3A_458 = arith.constant 0 : i32
        %sign3A_459 = arith.cmpi sgt, %jit3A_446, %sign3A_458 : i32
        %sign3A_460 = arith.extui %sign3A_459 : i1 to i32
        %sign3A_461 = arith.constant 0 : i32
        %sign3A_462 = arith.cmpi slt, %jit3A_446, %sign3A_461 : i32
        %sign3A_463 = arith.extui %sign3A_462 : i1 to i32
        %sign3A_464 = arith.subi %sign3A_460, %sign3A_463 : i32
        %ne3A_465 = vector.broadcast %sign3A_464 : i32 to vector<16xi32>
        %ne3A_466 = arith.cmpi ne, %sign3A_457, %ne3A_465 : vector<16xi32>
        %rem3A_467 = vector.broadcast %jit3A_446 : i32 to vector<16xi32>
        %rem3A_468 = arith.remsi %get3A_445, %rem3A_467 : vector<16xi32>
        %ne3A_469 = arith.constant 0 : i32
        %ne3A_470 = vector.broadcast %ne3A_469 : i32 to vector<16xi32>
        %ne3A_471 = arith.cmpi ne, %rem3A_468, %ne3A_470 : vector<16xi32>
        %and3A_472 = arith.andi %ne3A_466, %ne3A_471 : vector<16xi1>
        %sub3A_473 = arith.constant 1 : i32
        %sub3A_474 = vector.broadcast %sub3A_473 : i32 to vector<16xi32>
        %sub3A_475 = arith.subi %div3A_448, %sub3A_474 : vector<16xi32>
        %select_n3A_476 = arith.select %and3A_472, %sub3A_475, %div3A_448 : vector<16xi1>, vector<16xi32>
        %mul3A_477 = arith.constant 80 : i32
        %mul3A_478 = vector.broadcast %mul3A_477 : i32 to vector<16xi32>
        %mul3A_479 = arith.muli %select_n3A_476, %mul3A_478 : vector<16xi32>
        %sub3A_480 = arith.subi %get3A_445, %mul3A_479 : vector<16xi32>
        %mul3A_481 = arith.constant 16 : i32
        %mul3A_482 = arith.muli %scan3A_437, %mul3A_481 : i32
        %swap3A_483 = arith.index_cast %mul3A_482 : i32 to index
        %swap3A_484 = tpu.vector_load %arg23[%swap3A_483] {strides = array<i32>} : memref<384xi32, #tpu.memory_space<vmem>>, vector<16xi32>,
        tpu.vector_store %arg23[%swap3A_483], %sub3A_480 {strides = array<i32>} : memref<384xi32, #tpu.memory_space<vmem>>, vector<16xi32>,
        %mul3A_485 = arith.constant 20000 : i32
        %mul3A_486 = arith.muli %add3A, %mul3A_485 : i32
        %add3A_487 = vector.broadcast %mul3A_486 : i32 to vector<16xi32>
        %add3A_488 = arith.addi %add3A_487, %select_n3A_476 : vector<16xi32>
        %mul3A_489 = arith.constant 16 : i32
        %mul3A_490 = arith.muli %scan3A_437, %mul3A_489 : i32
        %swap3A_491 = arith.index_cast %mul3A_490 : i32 to index
        %swap3A_492 = tpu.vector_load %arg25[%swap3A_491] {strides = array<i32>} : memref<384xi32, #tpu.memory_space<vmem>>, vector<16xi32>,
        tpu.vector_store %arg25[%swap3A_491], %add3A_488 {strides = array<i32>} : memref<384xi32, #tpu.memory_space<vmem>>, vector<16xi32>,
        %mul3A_493 = arith.constant 16 : i32
        %mul3A_494 = arith.muli %scan3A_437, %mul3A_493 : i32
        %get3A_495 = arith.index_cast %mul3A_494 : i32 to index
        %get3A_496 = tpu.vector_load %arg21[%get3A_495] {strides = array<i32>} : memref<384xf32, #tpu.memory_space<vmem>>, vector<16xf32>,
        %neg3A = arith.constant 0.000000e+00 : f32
        %neg3A_497 = vector.broadcast %neg3A : f32 to vector<16xf32>
        %neg3A_498 = arith.subf %neg3A_497, %get3A_496 : vector<16xf32>
        %exp3A = math.exp %neg3A_498 : vector<16xf32>
        %add3A_499 = arith.constant 1.000000e+00 : f32
        %add3A_500 = vector.broadcast %add3A_499 : f32 to vector<16xf32>
        %add3A_501 = arith.addf %add3A_500, %exp3A : vector<16xf32>
        %div3A_502 = arith.constant 1.000000e+00 : f32
        %div3A_503 = vector.broadcast %div3A_502 : f32 to vector<16xf32>
        %div3A_504 = arith.divf %div3A_503, %add3A_501 : vector<16xf32>
        %mul3A_505 = arith.constant 16 : i32
        %mul3A_506 = arith.muli %scan3A_437, %mul3A_505 : i32
        %swap3A_507 = arith.index_cast %mul3A_506 : i32 to index
        %swap3A_508 = tpu.vector_load %arg24[%swap3A_507] {strides = array<i32>} : memref<384xf32, #tpu.memory_space<vmem>>, vector<16xf32>,
        tpu.vector_store %arg24[%swap3A_507], %div3A_504 {strides = array<i32>} : memref<384xf32, #tpu.memory_space<vmem>>, vector<16xf32>,
        %scan3A_509 = arith.constant 0 : i32
        scf.yield %scan3A_509 : i32
      }
      %scan3A_413 = arith.constant 24 : i32
      %dma_start3A_414 = arith.constant 0 : i32
      %dma_start3A_415 = tpu.memref_slice %arg4[%dma_start3A_414] : memref<320000xf32, #tpu.memory_space<hbm>> -> memref<320000xf32, #tpu.memory_space<hbm>>
      tpu.enqueue_indirect_dma source(%dma_start3A_415 : memref<320000xf32, #tpu.memory_space<hbm>>) target(%arg26 : memref<384xf32, #tpu.memory_space<vmem>>) offsets(%arg25 : memref<384xi32, #tpu.memory_space<vmem>>) semaphore(%arg32 : memref<!tpu.dma_semaphore, #tpu.memory_space<semaphore_mem>>)
      %dma_wait3A_416 = arith.constant 0 : i32
      %dma_wait3A_417 = tpu.memref_slice %arg4[%dma_wait3A_416] : memref<320000xf32, #tpu.memory_space<hbm>> -> memref<320000xf32, #tpu.memory_space<hbm>>
      tpu.wait_indirect_dma semaphore(%arg32 : memref<!tpu.dma_semaphore, #tpu.memory_space<semaphore_mem>>) src(%dma_wait3A_417 : memref<320000xf32, #tpu.memory_space<hbm>>) dst(%arg26 : memref<384xf32, #tpu.memory_space<vmem>>)
      %dma_start3A_418 = arith.constant 0 : i32
      %dma_start3A_419 = tpu.memref_slice %arg5[%dma_start3A_418] : memref<320000xf32, #tpu.memory_space<hbm>> -> memref<320000xf32, #tpu.memory_space<hbm>>
      tpu.enqueue_indirect_dma source(%dma_start3A_419 : memref<320000xf32, #tpu.memory_space<hbm>>) target(%arg27 : memref<384xf32, #tpu.memory_space<vmem>>) offsets(%arg25 : memref<384xi32, #tpu.memory_space<vmem>>) semaphore(%arg32 : memref<!tpu.dma_semaphore, #tpu.memory_space<semaphore_mem>>)
      %dma_wait3A_420 = arith.constant 0 : i32
      %dma_wait3A_421 = tpu.memref_slice %arg5[%dma_wait3A_420] : memref<320000xf32, #tpu.memory_space<hbm>> -> memref<320000xf32, #tpu.memory_space<hbm>>
      tpu.wait_indirect_dma semaphore(%arg32 : memref<!tpu.dma_semaphore, #tpu.memory_space<semaphore_mem>>) src(%dma_wait3A_421 : memref<320000xf32, #tpu.memory_space<hbm>>) dst(%arg27 : memref<384xf32, #tpu.memory_space<vmem>>)
      %dma_start3A_422 = arith.constant 0 : i32
      %dma_start3A_423 = tpu.memref_slice %arg6[%dma_start3A_422] : memref<320000xf32, #tpu.memory_space<hbm>> -> memref<320000xf32, #tpu.memory_space<hbm>>
      tpu.enqueue_indirect_dma source(%dma_start3A_423 : memref<320000xf32, #tpu.memory_space<hbm>>) target(%arg28 : memref<384xf32, #tpu.memory_space<vmem>>) offsets(%arg25 : memref<384xi32, #tpu.memory_space<vmem>>) semaphore(%arg32 : memref<!tpu.dma_semaphore, #tpu.memory_space<semaphore_mem>>)
      %dma_wait3A_424 = arith.constant 0 : i32
      %dma_wait3A_425 = tpu.memref_slice %arg6[%dma_wait3A_424] : memref<320000xf32, #tpu.memory_space<hbm>> -> memref<320000xf32, #tpu.memory_space<hbm>>
      tpu.wait_indirect_dma semaphore(%arg32 : memref<!tpu.dma_semaphore, #tpu.memory_space<semaphore_mem>>) src(%dma_wait3A_425 : memref<320000xf32, #tpu.memory_space<hbm>>) dst(%arg28 : memref<384xf32, #tpu.memory_space<vmem>>)
      %dma_start3A_426 = arith.constant 0 : i32
      %dma_start3A_427 = tpu.memref_slice %arg7[%dma_start3A_426] : memref<320000xf32, #tpu.memory_space<hbm>> -> memref<320000xf32, #tpu.memory_space<hbm>>
      tpu.enqueue_indirect_dma source(%dma_start3A_427 : memref<320000xf32, #tpu.memory_space<hbm>>) target(%arg29 : memref<384xf32, #tpu.memory_space<vmem>>) offsets(%arg25 : memref<384xi32, #tpu.memory_space<vmem>>) semaphore(%arg32 : memref<!tpu.dma_semaphore, #tpu.memory_space<semaphore_mem>>)
      %dma_wait3A_428 = arith.constant 0 : i32
      %dma_wait3A_429 = tpu.memref_slice %arg7[%dma_wait3A_428] : memref<320000xf32, #tpu.memory_space<hbm>> -> memref<320000xf32, #tpu.memory_space<hbm>>
      tpu.wait_indirect_dma semaphore(%arg32 : memref<!tpu.dma_semaphore, #tpu.memory_space<semaphore_mem>>) src(%dma_wait3A_429 : memref<320000xf32, #tpu.memory_space<hbm>>) dst(%arg29 : memref<384xf32, #tpu.memory_space<vmem>>)
      %scan3A_430 = arith.constant 0 : i32
      %scan3A_431 = arith.constant 0 : i32
      %scan3A_432 = arith.constant 24 : i32
      %scan3A_433 = arith.addi %scan3A_431, %scan3A_432 : i32
      %scan3A_434 = arith.constant 1 : i32
      %scan3A_435 = scf.for %scan3A_437 = %scan3A_431 to %scan3A_433 step %scan3A_434 iter_args(%scan3A_438 = %scan3A_430) -> (i32)  : i32 {
        %mul3A_439 = arith.constant 16 : i32
        %mul3A_440 = arith.muli %scan3A_437, %mul3A_439 : i32
        %add3A_441 = vector.broadcast %mul3A_440 : i32 to vector<16xi32>
        %add3A_442 = arith.addi %add3A_441, %iota3A : vector<16xi32>
        %mul3A_443 = arith.constant 4 : i32
        %mul3A_444 = vector.broadcast %mul3A_443 : i32 to vector<16xi32>
        %mul3A_445 = arith.muli %add3A_442, %mul3A_444 : vector<16xi32>
        %mul3A_446 = arith.constant 16 : i32
        %mul3A_447 = arith.muli %scan3A_437, %mul3A_446 : i32
        %get3A = arith.index_cast %mul3A_447 : i32 to index
        %get3A_448 = tpu.vector_load %arg26[%get3A] {strides = array<i32>} : memref<384xf32, #tpu.memory_space<vmem>>, vector<16xf32>,
        %mul3A_449 = arith.constant 6.400000e+02 : f32
        %mul3A_450 = vector.broadcast %mul3A_449 : f32 to vector<16xf32>
        %mul3A_451 = arith.mulf %get3A_448, %mul3A_450 : vector<16xf32>
        %mul3A_452 = arith.constant 16 : i32
        %mul3A_453 = arith.muli %scan3A_437, %mul3A_452 : i32
        %get3A_454 = arith.index_cast %mul3A_453 : i32 to index
        %get3A_455 = tpu.vector_load %arg27[%get3A_454] {strides = array<i32>} : memref<384xf32, #tpu.memory_space<vmem>>, vector<16xf32>,
        %mul3A_456 = arith.constant 6.400000e+02 : f32
        %mul3A_457 = vector.broadcast %mul3A_456 : f32 to vector<16xf32>
        %mul3A_458 = arith.mulf %get3A_455, %mul3A_457 : vector<16xf32>
        %mul3A_459 = arith.constant 16 : i32
        %mul3A_460 = arith.muli %scan3A_437, %mul3A_459 : i32
        %get3A_461 = arith.index_cast %mul3A_460 : i32 to index
        %get3A_462 = tpu.vector_load %arg28[%get3A_461] {strides = array<i32>} : memref<384xf32, #tpu.memory_space<vmem>>, vector<16xf32>,
        %mul3A_463 = arith.constant 6.400000e+02 : f32
        %mul3A_464 = vector.broadcast %mul3A_463 : f32 to vector<16xf32>
        %mul3A_465 = arith.mulf %get3A_462, %mul3A_464 : vector<16xf32>
        %mul3A_466 = arith.constant 16 : i32
        %mul3A_467 = arith.muli %scan3A_437, %mul3A_466 : i32
        %get3A_468 = arith.index_cast %mul3A_467 : i32 to index
        %get3A_469 = tpu.vector_load %arg29[%get3A_468] {strides = array<i32>} : memref<384xf32, #tpu.memory_space<vmem>>, vector<16xf32>,
        %mul3A_470 = arith.constant 6.400000e+02 : f32
        %mul3A_471 = vector.broadcast %mul3A_470 : f32 to vector<16xf32>
        %mul3A_472 = arith.mulf %get3A_469, %mul3A_471 : vector<16xf32>
        %mul3A_473 = arith.constant 5.000000e-01 : f32
        %mul3A_474 = vector.broadcast %mul3A_473 : f32 to vector<16xf32>
        %mul3A_475 = arith.mulf %mul3A_474, %mul3A_465 : vector<16xf32>
        %sub3A_476 = arith.subf %mul3A_451, %mul3A_475 : vector<16xf32>
        tpu.vector_store_idx %arg30[%mul3A_445], %sub3A_476 : memref<1536xf32, #tpu.memory_space<vmem>>[vector<16xi32>], vector<16xf32>,
        %add3A_477 = arith.constant 1 : i32
        %add3A_478 = vector.broadcast %add3A_477 : i32 to vector<16xi32>
        %add3A_479 = arith.addi %mul3A_445, %add3A_478 : vector<16xi32>
        %mul3A_480 = arith.constant 5.000000e-01 : f32
        %mul3A_481 = vector.broadcast %mul3A_480 : f32 to vector<16xf32>
        %mul3A_482 = arith.mulf %mul3A_481, %mul3A_472 : vector<16xf32>
        %sub3A_483 = arith.subf %mul3A_458, %mul3A_482 : vector<16xf32>
        tpu.vector_store_idx %arg30[%add3A_479], %sub3A_483 : memref<1536xf32, #tpu.memory_space<vmem>>[vector<16xi32>], vector<16xf32>,
        %add3A_484 = arith.constant 2 : i32
        %add3A_485 = vector.broadcast %add3A_484 : i32 to vector<16xi32>
        %add3A_486 = arith.addi %mul3A_445, %add3A_485 : vector<16xi32>
        %mul3A_487 = arith.constant 5.000000e-01 : f32
        %mul3A_488 = vector.broadcast %mul3A_487 : f32 to vector<16xf32>
        %mul3A_489 = arith.mulf %mul3A_488, %mul3A_465 : vector<16xf32>
        %add3A_490 = arith.addf %mul3A_451, %mul3A_489 : vector<16xf32>
        tpu.vector_store_idx %arg30[%add3A_486], %add3A_490 : memref<1536xf32, #tpu.memory_space<vmem>>[vector<16xi32>], vector<16xf32>,
        %add3A_491 = arith.constant 3 : i32
        %add3A_492 = vector.broadcast %add3A_491 : i32 to vector<16xi32>
        %add3A_493 = arith.addi %mul3A_445, %add3A_492 : vector<16xi32>
        %mul3A_494 = arith.constant 5.000000e-01 : f32
        %mul3A_495 = vector.broadcast %mul3A_494 : f32 to vector<16xf32>
        %mul3A_496 = arith.mulf %mul3A_495, %mul3A_472 : vector<16xf32>
        %add3A_497 = arith.addf %mul3A_458, %mul3A_496 : vector<16xf32>
        tpu.vector_store_idx %arg30[%add3A_493], %add3A_497 : memref<1536xf32, #tpu.memory_space<vmem>>[vector<16xi32>], vector<16xf32>,
        %scan3A_498 = arith.constant 0 : i32
        scf.yield %scan3A_498 : i32
      }
      %scan3A_436 = arith.constant 24 : i32
      "tpu.region"() ({
        %run_scoped3A = tpu.sem_alloc : memref<!tpu.dma_semaphore, #tpu.memory_space<semaphore_mem>>
        %dma_start3A_437 = arith.constant 0 : i32
        %dma_start3A_438 = tpu.memref_slice %arg8[%add3A, %dma_start3A_437] : memref<16x384xi32, #tpu.memory_space<hbm>> -> memref<1x384xi32, #tpu.memory_space<hbm>>
        %dma_start3A_439 = tpu.memref_squeeze %dma_start3A_438 : memref<1x384xi32, #tpu.memory_space<hbm>> -> memref<384xi32, #tpu.memory_space<hbm>>
        %dma_start3A_440 = arith.constant 0 : i32
        %dma_start3A_441 = tpu.memref_slice %arg8[%add3A, %dma_start3A_440] : memref<16x384xi32, #tpu.memory_space<hbm>> -> memref<1x384xi32, #tpu.memory_space<hbm>>
        %dma_start3A_442 = tpu.memref_squeeze %dma_start3A_441 : memref<1x384xi32, #tpu.memory_space<hbm>> -> memref<384xi32, #tpu.memory_space<hbm>>
        tpu.enqueue_dma source(%arg23 : memref<384xi32, #tpu.memory_space<vmem>>) target(%dma_start3A_442 : memref<384xi32, #tpu.memory_space<hbm>>) target_semaphore(%run_scoped3A : memref<!tpu.dma_semaphore, #tpu.memory_space<semaphore_mem>>)
        %dma_wait3A_443 = arith.constant 0 : i32
        %dma_wait3A_444 = tpu.memref_slice %arg8[%add3A, %dma_wait3A_443] : memref<16x384xi32, #tpu.memory_space<hbm>> -> memref<1x384xi32, #tpu.memory_space<hbm>>
        %dma_wait3A_445 = tpu.memref_squeeze %dma_wait3A_444 : memref<1x384xi32, #tpu.memory_space<hbm>> -> memref<384xi32, #tpu.memory_space<hbm>>
        %dma_wait3A_446 = arith.constant 0 : i32
        %dma_wait3A_447 = tpu.memref_slice %arg8[%add3A, %dma_wait3A_446] : memref<16x384xi32, #tpu.memory_space<hbm>> -> memref<1x384xi32, #tpu.memory_space<hbm>>
        %dma_wait3A_448 = tpu.memref_squeeze %dma_wait3A_447 : memref<1x384xi32, #tpu.memory_space<hbm>> -> memref<384xi32, #tpu.memory_space<hbm>>
        tpu.wait_dma2 semaphore(%run_scoped3A : memref<!tpu.dma_semaphore, #tpu.memory_space<semaphore_mem>>) src(%arg23 : memref<384xi32, #tpu.memory_space<vmem>>) dst(%dma_wait3A_448 : memref<384xi32, #tpu.memory_space<hbm>>)
        tpu.yield
      }) : () -> ()
      "tpu.region"() ({
        %run_scoped3A = tpu.sem_alloc : memref<!tpu.dma_semaphore, #tpu.memory_space<semaphore_mem>>
        %dma_start3A_437 = arith.constant 0 : i32
        %dma_start3A_438 = tpu.memref_slice %arg9[%add3A, %dma_start3A_437] : memref<16x1536xf32, #tpu.memory_space<hbm>> -> memref<1x1536xf32, #tpu.memory_space<hbm>>
        %dma_start3A_439 = tpu.memref_squeeze %dma_start3A_438 : memref<1x1536xf32, #tpu.memory_space<hbm>> -> memref<1536xf32, #tpu.memory_space<hbm>>
        %dma_start3A_440 = arith.constant 0 : i32
        %dma_start3A_441 = tpu.memref_slice %arg9[%add3A, %dma_start3A_440] : memref<16x1536xf32, #tpu.memory_space<hbm>> -> memref<1x1536xf32, #tpu.memory_space<hbm>>
        %dma_start3A_442 = tpu.memref_squeeze %dma_start3A_441 : memref<1x1536xf32, #tpu.memory_space<hbm>> -> memref<1536xf32, #tpu.memory_space<hbm>>
        tpu.enqueue_dma source(%arg30 : memref<1536xf32, #tpu.memory_space<vmem>>) target(%dma_start3A_442 : memref<1536xf32, #tpu.memory_space<hbm>>) target_semaphore(%run_scoped3A : memref<!tpu.dma_semaphore, #tpu.memory_space<semaphore_mem>>)
        %dma_wait3A_443 = arith.constant 0 : i32
        %dma_wait3A_444 = tpu.memref_slice %arg9[%add3A, %dma_wait3A_443] : memref<16x1536xf32, #tpu.memory_space<hbm>> -> memref<1x1536xf32, #tpu.memory_space<hbm>>
        %dma_wait3A_445 = tpu.memref_squeeze %dma_wait3A_444 : memref<1x1536xf32, #tpu.memory_space<hbm>> -> memref<1536xf32, #tpu.memory_space<hbm>>
        %dma_wait3A_446 = arith.constant 0 : i32
        %dma_wait3A_447 = tpu.memref_slice %arg9[%add3A, %dma_wait3A_446] : memref<16x1536xf32, #tpu.memory_space<hbm>> -> memref<1x1536xf32, #tpu.memory_space<hbm>>
        %dma_wait3A_448 = tpu.memref_squeeze %dma_wait3A_447 : memref<1x1536xf32, #tpu.memory_space<hbm>> -> memref<1536xf32, #tpu.memory_space<hbm>>
        tpu.wait_dma2 semaphore(%run_scoped3A : memref<!tpu.dma_semaphore, #tpu.memory_space<semaphore_mem>>) src(%arg30 : memref<1536xf32, #tpu.memory_space<vmem>>) dst(%dma_wait3A_448 : memref<1536xf32, #tpu.memory_space<hbm>>)
        tpu.yield
      }) : () -> ()
      "tpu.region"() ({
        %run_scoped3A = tpu.sem_alloc : memref<!tpu.dma_semaphore, #tpu.memory_space<semaphore_mem>>
        %dma_start3A_437 = arith.constant 0 : i32
        %dma_start3A_438 = tpu.memref_slice %arg10[%add3A, %dma_start3A_437] : memref<16x384xf32, #tpu.memory_space<hbm>> -> memref<1x384xf32, #tpu.memory_space<hbm>>
        %dma_start3A_439 = tpu.memref_squeeze %dma_start3A_438 : memref<1x384xf32, #tpu.memory_space<hbm>> -> memref<384xf32, #tpu.memory_space<hbm>>
        %dma_start3A_440 = arith.constant 0 : i32
        %dma_start3A_441 = tpu.memref_slice %arg10[%add3A, %dma_start3A_440] : memref<16x384xf32, #tpu.memory_space<hbm>> -> memref<1x384xf32, #tpu.memory_space<hbm>>
        %dma_start3A_442 = tpu.memref_squeeze %dma_start3A_441 : memref<1x384xf32, #tpu.memory_space<hbm>> -> memref<384xf32, #tpu.memory_space<hbm>>
        tpu.enqueue_dma source(%arg24 : memref<384xf32, #tpu.memory_space<vmem>>) target(%dma_start3A_442 : memref<384xf32, #tpu.memory_space<hbm>>) target_semaphore(%run_scoped3A : memref<!tpu.dma_semaphore, #tpu.memory_space<semaphore_mem>>)
        %dma_wait3A_443 = arith.constant 0 : i32
        %dma_wait3A_444 = tpu.memref_slice %arg10[%add3A, %dma_wait3A_443] : memref<16x384xf32, #tpu.memory_space<hbm>> -> memref<1x384xf32, #tpu.memory_space<hbm>>
        %dma_wait3A_445 = tpu.memref_squeeze %dma_wait3A_444 : memref<1x384xf32, #tpu.memory_space<hbm>> -> memref<384xf32, #tpu.memory_space<hbm>>
        %dma_wait3A_446 = arith.constant 0 : i32
        %dma_wait3A_447 = tpu.memref_slice %arg10[%add3A, %dma_wait3A_446] : memref<16x384xf32, #tpu.memory_space<hbm>> -> memref<1x384xf32, #tpu.memory_space<hbm>>
        %dma_wait3A_448 = tpu.memref_squeeze %dma_wait3A_447 : memref<1x384xf32, #tpu.memory_space<hbm>> -> memref<384xf32, #tpu.memory_space<hbm>>
        tpu.wait_dma2 semaphore(%run_scoped3A : memref<!tpu.dma_semaphore, #tpu.memory_space<semaphore_mem>>) src(%arg24 : memref<384xf32, #tpu.memory_space<vmem>>) dst(%dma_wait3A_448 : memref<384xf32, #tpu.memory_space<hbm>>)
        tpu.yield
      }) : () -> ()
    } else {
    }
    return
  }
}

</mosaic_0001>

<sc_bundles>
// kernel: kernel.3.cloned.1.call-start
scs
__scs_entry_jumppad:
0x0: {  	(pc) =	sbr.rel $0x88, $3  }
0x1: {  	(tag) =	ssettag $0x0;
	lr =	simm.s32 $0x1  }
0x2: {  	[smem:$0x3F9F] =	sst lr;
	_ =	strace $0xD0000000  }
0x3: {  	_ = 	snop  }
0x4: {  	_ = 	snop  }
0x5: {  	_ = 	snop  }
0x6: {  	_ = 	snop  }
0x7: {  	_ = 	snop  }
__scs_overlays_trampoline_lowered:
0x8: {  	[smem:$0x3FAE] =	sst s0  }
0x9: {  	[smem:$0x3FAF] =	sst s1  }
0xa: {  	[smem:$0x3FB0] =	sst s2  }
0xb: {  	[smem:$0x3FB1] =	sst s3  }
0xc: {  	[smem:$0x3FB2] =	sst s4  }
0xd: {  	[smem:$0x3FB3] =	sst s5  }
0xe: {  	[smem:$0x3FB4] =	sst s6  }
0xf: {  	[smem:$0x3FB5] =	sst s7  }
0x10: {  	[smem:$0x3FB6] =	sst s8  }
0x11: {  	[smem:$0x3FB7] =	sst s9;
	s0 =	simm.s32 @!p0 $0x0  }
0x12: {  	s1 =	sld [smem:$0x3F9D];
	s0 =	simm.s32 @p0 $0x1  }
0x13: {  	[smem:$0x3FB8] =	sst s0;
	s0 =	simm.s32 @!p1 $0x0  }
0x14: {  	s2 =	sld [smem:$0x3F9C];
	s0 =	simm.s32 @p1 $0x1  }
0x15: {  	[smem:$0x3FB9] =	sst s0;
	s0 =	simm.s32 @!p2 $0x0  }
0x16: {  	s3 =	sld [smem:$0x3FDB];
	s0 =	simm.s32 @p2 $0x1  }
0x17: {  	s4 =	simm.s32 $0x1BF5;
	[smem:$0x3FBB] =	sst s0  }
0x18: {  	s0 =	sld [smem:$0x3F9E];
	_ =	swait.ge [sflag:s4], $0x0  }
0x19: {  	s7 =	sld [smem:$0x3F9F]  }
0x1a: {  	s8 =	sadd.s32 $0xFFFFE003, lr  }
0x1b: {  	s9 =	sadd.s32 $0xFFFFFEF7, lr;
	s5 =	simm.s32 $0xFFFFFFFF;
	p2 =	slt.u32 s8, $0xFFFFF086  }
0x1c: {  	p1 =	slt.u32 s9, $0xF7A;
	s5 =	simm.s32 @!p2 $0x0  }
0x1d: {  	s5 =	simm.s32 @p1 $0x1;
	p0 =	seq.s32 s7, s2  }
0x1e: {  	s7 =	smul.u32 @!p0 $0xF7A, s2;
	p2 =	seq.s32 @!p0 s5, $0x0  }
0x1f: {  	s9 =	smul.u32 $0xF7A, s1;
	s8 =	simm.s32 @!p0 $0x1BF5;
	p2 =	por !p2, p0  }
0x20: {  	[sflag:s8] =	ssyncset.s32 @!p0 $0xFFFFF086;
	s6 =	sadd.s32 @!p0 s3, s7;
	s7 =	simm.s32 @!p0 $0x108  }
0x21: {  	s3 =	sadd.s32 s3, s9;
	s6 =	sadd.s32 @!p0 $0x88, s6;
	s7 =	simm.s32 @p2 $0x1082  }
0x22: {  	[simem:s7], [sflag:s8] =	dma.local @!p0 [hbm:s6], $0xF7A  }
0x23: {  	s9 =	sor.u32 $0xD0000000, s2;
	s6 =	simm.s32 $0x108;
	_ =	swait.ge @!p0 [sflag:s8], $0x0  }
0x24: {  	s3 =	sadd.s32 $0x88, s3;
	s6 =	simm.s32 @!p1 $0x1082;
	[sflag:s4] =	ssyncset.s32 $0xFFFFF086  }
0x25: {  	[simem:s6], [sflag:s4] =	dma.local [hbm:s3], $0xF7A  }
0x26: {  	[smem:$0x3F9F] =	sst s1;
	(tag) =	ssettag s2;
	_ =	strace s9  }
0x27: {  	s1 =	sld [smem:$0x3FAF]  }
0x28: {  	s2 =	sld [smem:$0x3FB0]  }
0x29: {  	s4 =	sld [smem:$0x3FB2]  }
0x2a: {  	p0 =	seq.s32 s5, $0x0;
	s5 =	sld [smem:$0x3FB3]  }
0x2b: {  	s6 =	sld [smem:$0x3FB4]  }
0x2c: {  	s7 =	sld [smem:$0x3FB5]  }
0x2d: {  	s3 =	simm.s32 $0x108;
	s8 =	sld [smem:$0x3FB6]  }
0x2e: {  	s3 =	simm.s32 @!p0 $0x1082;
	s9 =	sld [smem:$0x3FB7]  }
0x2f: {  	lr =	sadd.s32 s0, s3;
	s0 =	sld [smem:$0x3FAE]  }
0x30: {  	s3 =	sld [smem:$0x3FB1]  }
0x31: {  	[smem:$0x3FBA] =	sst s10  }
0x32: {  	s10 =	sld [smem:$0x3FB8];
	_ =	sdelay $0x3  }
0x33: {  	p0 =	seq.s32 s10, $0x1;
	s10 =	sld [smem:$0x3FBA];
	_ =	sdelay $0x3  }
0x34: {  	[smem:$0x3FBA] =	sst s10  }
0x35: {  	s10 =	sld [smem:$0x3FB9];
	_ =	sdelay $0x3  }
0x36: {  	p1 =	seq.s32 s10, $0x1;
	s10 =	sld [smem:$0x3FBA];
	_ =	sdelay $0x3  }
0x37: {  	[smem:$0x3FBA] =	sst s10  }
0x38: {  	s10 =	sld [smem:$0x3FBB]  }
0x39: {  	_ = 	snop;
	(pc) =	sbr.ind lr, $3  }
0x3a: {  	_ = 	snop  }
0x3b: {  	_ = 	snop  }
0x3c: {  	p2 =	seq.s32 s10, $0x1;
	s10 =	sld [smem:$0x3FBA]  }
0x3d: {  	_ =	shalt  }
0x3e: {  	_ =	shalt  }
0x3f: {  	_ =	shalt  }
0x40: {  	_ =	shalt  }
0x41: {  	_ =	shalt  }
0x42: {  	_ =	shalt  }
0x43: {  	_ =	shalt  }
0x44: {  	_ =	shalt  }
0x45: {  	_ =	shalt  }
0x46: {  	_ =	shalt  }
0x47: {  	_ =	shalt  }
0x48: {  	_ =	shalt  }
0x49: {  	_ =	shalt  }
0x4a: {  	_ =	shalt  }
0x4b: {  	_ =	shalt  }
0x4c: {  	_ =	shalt  }
0x4d: {  	_ =	shalt  }
0x4e: {  	_ =	shalt  }
0x4f: {  	_ =	shalt  }
0x50: {  	_ =	shalt  }
0x51: {  	_ =	shalt  }
0x52: {  	_ =	shalt  }
0x53: {  	_ =	shalt  }
0x54: {  	_ =	shalt  }
0x55: {  	_ =	shalt  }
0x56: {  	_ =	shalt  }
0x57: {  	_ =	shalt  }
0x58: {  	_ =	shalt  }
0x59: {  	_ =	shalt  }
0x5a: {  	_ =	shalt  }
0x5b: {  	_ =	shalt  }
0x5c: {  	_ =	shalt  }
0x5d: {  	_ =	shalt  }
0x5e: {  	_ =	shalt  }
0x5f: {  	_ =	shalt  }
0x60: {  	_ =	shalt  }
0x61: {  	_ =	shalt  }
0x62: {  	_ =	shalt  }
0x63: {  	_ =	shalt  }
0x64: {  	_ =	shalt  }
0x65: {  	_ =	shalt  }
0x66: {  	_ =	shalt  }
0x67: {  	_ =	shalt  }
0x68: {  	_ =	shalt  }
0x69: {  	_ =	shalt  }
0x6a: {  	_ =	shalt  }
0x6b: {  	_ =	shalt  }
0x6c: {  	_ =	shalt  }
0x6d: {  	_ =	shalt  }
0x6e: {  	_ =	shalt  }
0x6f: {  	_ =	shalt  }
0x70: {  	_ =	shalt  }
0x71: {  	_ =	shalt  }
0x72: {  	_ =	shalt  }
0x73: {  	_ =	shalt  }
0x74: {  	_ =	shalt  }
0x75: {  	_ =	shalt  }
0x76: {  	_ =	shalt  }
0x77: {  	_ =	shalt  }
0x78: {  	_ =	shalt  }
0x79: {  	_ =	shalt  }
0x7a: {  	_ =	shalt  }
0x7b: {  	_ =	shalt  }
0x7c: {  	_ =	shalt  }
0x7d: {  	_ =	shalt  }
0x7e: {  	_ =	shalt  }
0x7f: {  	_ =	shalt  }
0x80: {  	_ =	shalt  }
0x81: {  	_ =	shalt  }
0x82: {  	_ =	shalt  }
0x83: {  	_ =	shalt  }
0x84: {  	_ =	shalt  }
0x85: {  	_ =	shalt  }
0x86: {  	_ =	shalt  }
0x87: {  	_ =	shalt  }
.Lfunc_end0:
.L_simem_size_0:
called_computation_lowered:
.L_overlay_start_0:
0x88: {  	s2 =	sld [smem:$0x3FD9]  }
0x89: {  	s3 =	sld [smem:$0x3FFE];
	_ =	sdelay $0x1  }
0x8a: {  	s1 =	srdreg.scid  }
0x8b: {  	s0 =	sand.u32 $0x1, s1  }
0x8c: {  	s14 =	sshll.u32 s0, $0xA;
	s2 =	sadd.s32 s3, s2  }
0x8d: {  	s2 =	sadd.s32 s2, s14  }
0x8e: {  	[smem:$0x3FC6] =	sst s2  }
0x8f: {  	_ = 	snop  }
0x90: {  	s2 =	sld [smem:$0x3FD0];
	_ =	sdelay $0x2  }
0x91: {  	s15 =	simm.s32 $0xA;
	s4 =	simm.s32 $0x10  }
0x92: {  	[smem:s4], [sflag:s15] =	dma.local [hbm:s2], $0x1  }
0x93: {  	_ =	swait.eq [sflag:s15], $0x1  }
0x94: {  	s16 =	sld [smem:$0x10];
	[sflag:s15] =	ssyncset.done $0x0  }
0x95: {  	s17 =	sld [smem:$0x11];
	[sflag:s15] =	ssyncadd.s32 $0xFFFFFFFF  }
0x96: {  	s18 =	sld [smem:$0x12];
	(tm) =	ssettm $0x1  }
0x97: {  	s5 =	sld [smem:$0x3FFB];
	_ =	sdelay $0x3  }
0x98: {  	_ =	strace s5  }
0x99: {  	s5 =	sld [smem:$0x3FFC];
	_ =	sdelay $0x3  }
0x9a: {  	_ =	strace s5  }
0x9b: {  	s5 =	sld [smem:$0x3FFD];
	_ =	sdelay $0x3  }
0x9c: {  	_ =	strace s5  }
0x9d: {  	_ =	strace $0x8FFFFFFF  }
0x9e: {  	s19 =	sld [smem:$0x3FDB];
	_ =	sdelay $0x1  }
0x9f: {  	s6 =	simm.s32 $_scs_section_size  }
0xa0: {  	s7 =	simm.s32 $_size__tile_overlayer_lowered;
	s8 =	simm.s32 $_tile_overlayer_lowered  }
0xa1: {  	s22 =	simm.s32 $0x1BFF;
	s21 =	sshll.u32 s8, $0x1;
	s5 =	sadd.s32 s6, s19  }
0xa2: {  	s9 =	simm.s32 $0x0;
	s20 =	sshll.u32 s7, $0x1;
	s7 =	sadd.s32 s21, s5  }
0xa3: {  	[timem:s9], [sflag:s22] =	dma.local [hbm:s7], s20  }
0xa4: {  	_ =	swait.ge [sflag:s22], s20  }
0xa5: {  	s6 =	ssub.s32 $0x0, s20;
	[sflag:s22] =	ssyncset.done $0x0  }
0xa6: {  	[sflag:s22] =	ssyncadd.s32 s6;
	_ =	sdelay $0x1  }
0xa7: {  	s23 =	simm.s32 $0x1B8B  }
0xa8: {  	_ =	swait.ge [sflag:s23], $0x1  }
0xa9: {  	[sflag:s23] =	ssyncset.done $0x0  }
0xaa: {  	s25 =	simm.s32 $0x1B8E;
	s24 =	sld [smem:$0x3FFE];
	[sflag:s23] =	ssyncadd.s32 $0xFFFFFFFF  }
0xab: {  	s26 =	simm.s32 $execute0_lowered;
	[smem:$0x3FD2] =	sst s25  }
0xac: {  	s7 =	sshll.u32 s26, $0x1;
	_ =	strace $0x80000046;
	[dreg:$0x1] =	wrdreg $0xFFFFFFFF  }
0xad: {  	s28 =	simm.s32 $_size_execute0_lowered;
	s5 =	sadd.s32 s5, s7;
	[dreg:$0x0] =	wrdreg $0x0  }
0xae: {  	s7 =	sshll.u32 s28, $0x1;
	[dreg:$0x2] =	wrdreg s5  }
0xaf: {  	[dreg:$0x3] =	wrdreg s7  }
0xb0: {  	[dreg:$0x4] =	wrdreg $0xC0  }
0xb1: {  	_ =	task [dreg:s9], $0x5FFFF  }
0xb2: {  	[dreg:$0x1] =	wrdreg $0xFFFFFFFF  }
0xb3: {  	[dreg:$0x0] =	wrdreg $0x60  }
0xb4: {  	[dreg:$0x2] =	wrdreg s24  }
0xb5: {  	[dreg:$0x3] =	wrdreg s16  }
0xb6: {  	[dreg:$0x4] =	wrdreg s17  }
0xb7: {  	[dreg:$0x5] =	wrdreg s18  }
0xb8: {  	[dreg:$0x6] =	wrdreg $0x1DB000  }
0xb9: {  	[dreg:$0x7] =	wrdreg $0x9  }
0xba: {  	_ =	task.clear_ibuf [dreg:s9], $0x8FFFF;
	_ =	strace $0x90000046  }
0xbb: {  	s29 =	simm.s32 $0x9;
	_ =	strace $0x80000048  }
0xbc: {  	_ =	swait.ge [sflag:s29], $0x1  }
0xbd: {  	[sflag:s29] =	ssyncadd.s32 $0xFFFFFFFF  }
0xbe: {  	_ =	strace $0x90000048  }
0xbf: {  	_ =	sfence  }
0xc0: {  	s30 =	sld [smem:$0x0];
	_ =	sdelay $0x2  }
0xc1: {  	s31 =	sshll.u32 s1, $0xD;
	s1 =	sshrl.u32 s1, $0x2  }
0xc2: {  	s3 =	sand.u32 $0x4000, s31;
	s1 =	sadd.s32 s1, s30  }
0xc3: {  	s0 =	sor.u32 s3, s0;
	s1 =	sshll.u32 s1, $0x11  }
0xc4: {  	s0 =	sor.u32 s1, s0  }
0xc5: {  	s0 =	sadd.s32 $0x8F2B, s0  }
0xc6: {  	[sflag:s0] =	ssyncadd.remote.s32 $0x1  }
0xc7: {  	_ =	sfence.sel $0xFFFF  }
0xc8: {  	[dreg:$0x0] =	wrdreg $0xFFFFFFFF;
	(pc) =	sbr.abs _section_cstart, $3  }
0xc9: {  	[dreg:$0x1] =	wrdreg $0xFFFFFFFF  }
0xca: {  	_ =	task.clear_ibuf [dreg:s9], $0x2FFFF;
	_ =	strace $0x9FFFFFFF  }
0xcb: {  	(tm) =	ssettm $0x7FFFFFFF  }
tec
execute0_lowered:
.L_overlay_start_1:
0x0: {  	(tag) =	ssettag $0x1  }
0x1: {  	v0 =	vlaneseq.u32  }
0x2: {  	v1 =	vmul.u32 $0x80, v0;
	_ =	sdelay $0x1  }
0x3: {  	v2 =	vor.u32 $0x2001, v1  }
0x4: {  	vm0 =	vcmask $0x300;
	vm1 =	vcmask $0x704;
	[tilespmem:$0x1FCC0] =	vst v2;
	v2 =	vor.u32 $0x2002, v1  }
0x5: {  	s0 =	srdreg.scid;
	v3 =	vimm.s32 $0x3481;
	vm11 =	vcmask $0xB08;
	[tilespmem:$0x1FCD0] =	vst v2;
	v2 =	vor.u32 $0x2801, v1  }
0x6: {  	s5 =	stileid.u32;
	vm2 =	vcmask $0xF0C;
	vm4 =	vcmask $0x1310;
	s1 =	sand.u32 $0x1, s0;
	[tilespmem:$0x1FCF0] =	vst v2;
	v2 =	vimm.s32 $0x3480  }
0x7: {  	vm8 =	vcmask $0x1714;
	s0 =	sand.u32 $0x7, s5;
	v3 =	vsel vm0, $0x3001, v3;
	s2 =	sshll.u32 s1, $0x3;
	v2 =	vsel vm0, $0x3000, v2  }
0x8: {  	vm6 =	vcmask $0x1B18;
	v3 =	vsel vm1, $0x3081, v3;
	s2 =	sor.u32 s0, s2;
	v2 =	vsel vm1, $0x3080, v2  }
0x9: {  	vm3 =	vcmask $0x1F1C;
	v3 =	vsel vm11, $0x3101, v3;
	s3 =	smul.u32 $0x30D4, s2;
	v2 =	vsel vm11, $0x3100, v2  }
0xa: {  	vm7 =	vcmask $0x2320;
	s4 =	smul.u32 $0x4E20, s2;
	v3 =	vsel vm2, $0x3181, v3;
	v2 =	vsel vm2, $0x3180, v2  }
0xb: {  	v3 =	vsel vm4, $0x3201, v3;
	v0 =	vmov s3;
	v2 =	vsel vm4, $0x3200, v2  }
0xc: {  	s12 =	rddreg [dreg:$0x0];
	v3 =	vsel vm8, $0x3281, v3;
	[tilespmem:$0x1FC90] =	vst v0;
	v0 =	vmov s4;
	v2 =	vsel vm8, $0x3280, v2  }
0xd: {  	s7 =	rddreg [dreg:$0x1];
	v3 =	vsel vm6, $0x3301, v3;
	[tilespmem:$0x1FCA0] =	vst v0;
	v0 =	vor.u32 $0x1806, v1;
	v2 =	vsel vm6, $0x3300, v2  }
0xe: {  	s6 =	rddreg [dreg:$0x2];
	v3 =	vsel vm3, $0x3381, v3;
	[tilespmem:$0x1FCB0] =	vst v0;
	v0 =	vor.u32 $0x2005, v1;
	v2 =	vsel vm3, $0x3380, v2  }
0xf: {  	s8 =	rddreg [dreg:$0x3];
	s3 =	simm.s32 $0x0;
	[tilespmem:$0x1FCE0] =	vst v0;
	v53 =	vsel vm7, $0x3400, v2;
	v2 =	vsel vm7, $0x3401, v3  }
0x10: {  	v37 =	vor.u32 $0x1, v1;
	[smem:$0x7FF] =	sst s3;
	[tilespmem:$0x1FD00] =	vst v2  }
0x11: {  	s16 =	rddreg [dreg:$0x4];
	v38 =	vor.u32 $0x2, v1;
	_ =	strace $0x80000047;
	[tilespmem:$0x1FD40] =	vst v37  }
0x12: {  	v39 =	vor.u32 $0x3, v1;
	[tilespmem:$0x1FD50] =	vst v38  }
0x13: {  	v40 =	vor.u32 $0x4, v1;
	[tilespmem:$0x1FD60] =	vst v39  }
0x14: {  	v41 =	vor.u32 $0x5, v1;
	[tilespmem:$0x1FD70] =	vst v40  }
0x15: {  	v42 =	vor.u32 $0x6, v1;
	[tilespmem:$0x1FD80] =	vst v41  }
0x16: {  	v43 =	vor.u32 $0x7, v1;
	[tilespmem:$0x1FD90] =	vst v42  }
0x17: {  	v44 =	vor.u32 $0x800, v1;
	[tilespmem:$0x1FDA0] =	vst v43  }
0x18: {  	v45 =	vor.u32 $0x801, v1;
	[tilespmem:$0x1FDB0] =	vst v44  }
0x19: {  	v46 =	vor.u32 $0x802, v1;
	[tilespmem:$0x1FDC0] =	vst v45  }
0x1a: {  	v47 =	vor.u32 $0x803, v1;
	[tilespmem:$0x1FDD0] =	vst v46  }
0x1b: {  	v48 =	vor.u32 $0x804, v1;
	[tilespmem:$0x1FDE0] =	vst v47  }
0x1c: {  	v49 =	vor.u32 $0x805, v1;
	[tilespmem:$0x1FDF0] =	vst v48  }
0x1d: {  	v59 =	vor.u32 $0x806, v1;
	[tilespmem:$0x1FE00] =	vst v49  }
0x1e: {  	v4 =	vimm.s32 $0x3482;
	v35 =	vimm.s32 $0x3484;
	v61 =	vor.u32 $0x807, v1;
	[tilespmem:$0x1FE10] =	vst v59  }
0x1f: {  	v50 =	vimm.s32 $0x3485;
	v58 =	vimm.s32 $0x3487;
	v62 =	vor.u32 $0x1000, v1;
	[tilespmem:$0x1FE20] =	vst v61  }
0x20: {  	v60 =	vimm.s32 $0xECA86420;
	v63 =	vor.u32 $0x1001, v1;
	v26 =	vor.u32 $0x1002, v1;
	[tilespmem:$0x1FE30] =	vst v62  }
0x21: {  	v27 =	vor.u32 $0x1003, v1;
	v28 =	vor.u32 $0x1004, v1;
	v29 =	vor.u32 $0x1005, v1;
	[tilespmem:$0x1FE40] =	vst v63  }
0x22: {  	v30 =	vor.u32 $0x1006, v1;
	v31 =	vor.u32 $0x1007, v1;
	v32 =	vor.u32 $0x1800, v1;
	[tilespmem:$0x1FE50] =	vst v26  }
0x23: {  	v33 =	vor.u32 $0x1801, v1;
	v34 =	vor.u32 $0x1802, v1;
	v2 =	vsel vm0, $0x3002, v4;
	[tilespmem:$0x1FE60] =	vst v27  }
0x24: {  	v15 =	vor.u32 $0x1803, v1;
	v16 =	vor.u32 $0x1804, v1;
	v2 =	vsel vm1, $0x3082, v2;
	[tilespmem:$0x1FE70] =	vst v28  }
0x25: {  	v36 =	vor.u32 $0x1807, v1;
	v3 =	vimm.s32 $0x3483;
	[tilespmem:$0x1FE80] =	vst v29;
	v2 =	vsel vm11, $0x3102, v2  }
0x26: {  	v52 =	vor.u32 $0x2000, v1;
	v3 =	vsel vm0, $0x3003, v3;
	[tilespmem:$0x1FE90] =	vst v30;
	v2 =	vsel vm2, $0x3182, v2  }
0x27: {  	v18 =	vor.u32 $0x2003, v1;
	v3 =	vsel vm1, $0x3083, v3;
	[tilespmem:$0x1FEA0] =	vst v31;
	v2 =	vsel vm4, $0x3202, v2  }
0x28: {  	v4 =	vsel vm0, $0x3004, v35;
	[tilespmem:$0x1FEB0] =	vst v32;
	v3 =	vsel vm11, $0x3103, v3;
	v2 =	vsel vm8, $0x3282, v2  }
0x29: {  	s9 =	sadd.s32 $0x7EF400, s12;
	s10 =	sshrl.u32 s5, $0x3;
	v4 =	vsel vm1, $0x3084, v4;
	[tilespmem:$0x1FEC0] =	vst v33;
	v3 =	vsel vm2, $0x3183, v3;
	v2 =	vsel vm6, $0x3302, v2  }
0x2a: {  	s20 =	smul.u32 $0xC3500, s10;
	[tilespmem:$0x1FED0] =	vst v34;
	v4 =	vsel vm11, $0x3104, v4;
	v3 =	vsel vm4, $0x3203, v3;
	v2 =	vsel vm3, $0x3382, v2  }
0x2b: {  	s23 =	smul.u32 $0xC400, s0;
	[tilespmem:$0x1FEE0] =	vst v15;
	v4 =	vsel vm2, $0x3184, v4;
	v3 =	vsel vm8, $0x3283, v3;
	v2 =	vsel vm7, $0x3402, v2  }
0x2c: {  	s17 =	sadd.s32 $0x4E2000, s12;
	s14 =	smul.u32 $0x6200, s10;
	v19 =	vor.u32 $0x2004, v1;
	v4 =	vsel vm4, $0x3204, v4;
	[tilespmem:$0x1FD10] =	vst v2;
	v2 =	vsel vm6, $0x3303, v3  }
0x2d: {  	s11 =	sadd.s32 $0x9E00, s12;
	s25 =	smul.u32 $0xC00, s1;
	v54 =	vor.u32 $0x2006, v1;
	[tilespmem:$0x1FEF0] =	vst v16;
	v4 =	vsel vm8, $0x3284, v4;
	v2 =	vsel vm3, $0x3383, v2  }
0x2e: {  	s13 =	sadd.s32 $0x13C00, s12;
	s29 =	smul.u32 $0x3000, s1;
	v55 =	vor.u32 $0x2007, v1;
	[tilespmem:$0x1FF00] =	vst v52;
	v3 =	vsel vm6, $0x3304, v4;
	v2 =	vsel vm7, $0x3403, v2  }
0x2f: {  	s12 =	sadd.s32 $0x1DA00, s12;
	s21 =	ssub.s32 $0x2, s1;
	s1 =	smul.u32 $0x186A0, s1;
	v56 =	vor.u32 $0x2800, v1;
	v3 =	vsel vm3, $0x3384, v3;
	[tilespmem:$0x1FD20] =	vst v2;
	v2 =	vsel vm0, $0x3005, v50  }
0x30: {  	s28 =	sshll.u32 s5, $0x7;
	p0 =	sne.s32 s10, $0x0;
	s0 =	smul.u32 $0x30D4, s0;
	[tilespmem:$0x1FF10] =	vst v18;
	v24 =	vsel vm7, $0x3404, v3;
	v3 =	vimm.s32 $0x3486;
	v2 =	vsel vm1, $0x3085, v2  }
0x31: {  	v20 =	vor.u32 $0x2802, v1;
	s22 =	sshrl.u32 s21, $0x1;
	s19 =	smul.u32 $0x186A00, s2;
	[dreg:$0x9] =	wrdreg s9;
	[tilespmem:$0x1FF20] =	vst v36;
	v3 =	vsel vm0, $0x3006, v3;
	v2 =	vsel vm11, $0x3105, v2  }
0x32: {  	v21 =	vor.u32 $0x2803, v1;
	s2 =	smul.u32 $0x1FFCF2C, s2;
	s26 =	sshrl.u32 s14, $0x2;
	[dreg:$0xb] =	wrdreg s11;
	[tilespmem:$0x1FF30] =	vst v19;
	v3 =	vsel vm1, $0x3086, v3;
	v2 =	vsel vm2, $0x3185, v2  }
0x33: {  	v51 =	vor.u32 $0x2804, v1;
	s30 =	sadd.s32 s28, s25;
	s31 =	sor.u32 s28, s29;
	[dreg:$0xc] =	wrdreg s13;
	[tilespmem:$0x1FF40] =	vst v56;
	v3 =	vsel vm11, $0x3106, v3;
	v2 =	vsel vm4, $0x3205, v2  }
0x34: {  	v22 =	vor.u32 $0x2806, v1;
	s14 =	simm.s32 $0x1;
	s4 =	sshrl.u32 s31, $0x3;
	[dreg:$0xd] =	wrdreg s12;
	[tilespmem:$0x1FF50] =	vst v20;
	v3 =	vsel vm2, $0x3186, v3;
	v2 =	vsel vm8, $0x3285, v2  }
0x35: {  	s0 =	sadd.s32 s0, s1;
	s4 =	sadd.s32 s6, s4;
	[dreg:$0x6] =	wrdreg s2;
	[tilespmem:$0x1FF60] =	vst v21;
	v4 =	vsel vm0, $0x3007, v58;
	v3 =	vsel vm4, $0x3206, v3;
	v2 =	vsel vm6, $0x3305, v2  }
0x36: {  	s9 =	sadd.s32 s20, s19;
	s12 =	ssub.s32 s21, s22;
	[dreg:$0x13] =	wrdreg s4;
	[tilespmem:$0x1FF70] =	vst v51;
	v4 =	vsel vm1, $0x3087, v4;
	v3 =	vsel vm8, $0x3286, v3;
	v2 =	vsel vm3, $0x3385, v2  }
0x37: {  	s11 =	sshrl.u32 s23, $0x2;
	s2 =	sshrl.u32 s30, $0x3;
	[dreg:$0x16] =	wrdreg s0;
	[tilespmem:$0x1FF80] =	vst v22;
	v4 =	vsel vm11, $0x3107, v4;
	v58 =	vsel vm7, $0x3405, v2;
	v2 =	vsel vm6, $0x3306, v3  }
0x38: {  	v23 =	vor.u32 $0x2807, v1;
	s0 =	simm.s32 $0x4000;
	s20 =	simm.s32 $0x1C780;
	[tilespmem:$0x1FF90] =	vst v55;
	[dreg:$0xa] =	wrdreg s17;
	v4 =	vsel vm2, $0x3187, v4;
	v2 =	vsel vm3, $0x3386, v2  }
0x39: {  	s21 =	simm.s32 $0x1C900;
	[tilespmem:$0x1FFA0] =	vst v23;
	s15 =	sadd.s32 s11, s16;
	[dreg:$0xe] =	wrdreg s9;
	v4 =	vsel vm4, $0x3207, v4;
	v25 =	vsel vm7, $0x3406, v2;
	v2 =	vunpack.c.l.s4.s8 v60  }
0x3a: {  	vm9 =	vcmask $0x3734;
	vm10 =	vcmask $0x2724;
	s22 =	simm.s32 $0x0;
	[tilespmem:$0x1FFB0] =	vst v54;
	s7 =	sadd.s32 s7, s2;
	[dreg:$0x10] =	wrdreg s15;
	v4 =	vsel vm8, $0x3287, v4  }
.Ltmp0:
0x3b: {  	vm12 =	vcmask $0x2320;
	[tilespmem:$0x1FFC0] =	vst v53;
	s2 =	sadd.s32 s8, s2;
	[dreg:$0x12] =	wrdreg s7;
	v3 =	vsel vm6, $0x3307, v4;
	v0 =	vunpack.c.0.s8.s32 v2;
	(pc) =	sbr.rel .LBB2_1-.Ltmp0, $4  }
0x3c: {  	vm13 =	vcmask $0x2B28;
	vm15 =	vcmask $0x3330;
	s24 =	sshrl.u32 s9, $0x3;
	s5 =	sadd.s32 s26, s15;
	[dreg:$0x14] =	wrdreg s2;
	[tilespmem:$0x1FFD0] =	vst v24;
	v3 =	vsel vm3, $0x3387, v3  }
0x3d: {  	s13 =	sadd.s32 s17, s24;
	s2 =	smax.u32 s12, $0x1;
	[dreg:$0x11] =	wrdreg s5;
	vm1 =	vmmov $0x3ff;
	v35 =	vsel vm7, $0x3407, v3;
	[tilespmem:$0x1FD30] =	vst v0;
	v0 =	vimm.s32 $0x0  }
0x3e: {  	v17 =	vor.u32 $0x1805, v1;
	v57 =	vor.u32 $0x2805, v1;
	s11 =	simm.s32 $0x2;
	s18 =	sadd.s32 $0x18000, s13;
	[dreg:$0x15] =	wrdreg s2;
	[tilespmem:$0x1FFE0] =	vst v35;
	v0 =	vsel vm1, $0xFFFFFFFF, v0  }
0x3f: {  	s12 =	simm.s32 $0x5880;
	s13 =	simm.s32 $0x80;
	[dreg:$0xf] =	wrdreg s18;
	vm2 =	vcmask $0x2F2C;
	vm8 =	vmxor vm8, vm8;
	v60 =	vimm.s32 $0x0;
	[tilespmem:$0x1FFF0] =	vst v0  }
.LBB2_63:
0x40: {  	s22 =	sadd.s32 $0x1, s22  }
0x41: {  	p1 =	sne.s32 s22, s2  }
.Ltmp1:
0x42: {  	_ = 	snop;
	(pc) =	sbr.rel @!p1 .LBB2_64-.Ltmp1, $4  }
0x43: {  	_ = 	snop  }
0x44: {  	v36 =	vld [tilespmem:$0x1FF20]  }
0x45: {  	v54 =	vld [tilespmem:$0x1FFB0]  }
0x46: {  	v55 =	vld [tilespmem:$0x1FF90]  }
.LBB2_1:
0x47: {  	v0 =	vmov v25;
	v50 =	vmov v17;
	s1 =	simm.s32 $0x0  }
.LBB2_2:
0x48: {  	s4 =	sshll.u32 s1, $0xE  }
0x49: {  	s4 =	sadd.s32 s9, s4  }
0x4a: {  	s4 =	sshrl.u32 s4, $0x3  }
0x4b: {  	s6 =	simm.s32 $0x0;
	s31 =	sshll.u32 s1, $0x7;
	s4 =	sadd.s32 s17, s4  }
0x4c: {  	[tilespmem:s6], [sflag:$0x2] =	stream.linear.gather [hbm4b:s4+s6], $0x4000, $0x38;
	[tilespmem:$0x1F380] =	vst v63  }
0x4d: {  	s4 =	sand.u32 $0x3FFFFF80, s31;
	_ =	swait.ge [sflag:s11], $0x4000  }
0x4e: {  	s4 =	sadd.s32 $0x4000, s4;
	[sflag:s11] =	ssyncset.done $0x0  }
0x4f: {  	s7 =	simm.s32 $0x0;
	v2 =	vmov s4;
	[sflag:s11] =	ssyncadd.s32 $0xFFFFC000  }
.LBB2_3:
0x50: {  	s8 =	sshll.u32 s7, $0x4  }
0x51: {  	v3 =	vmov s8  }
0x52: {  	v3 =	vshll.u32 v3, $0x7  }
0x53: {  	v3 =	vor.u32 v1, v3  }
0x54: {  	v5 =	vor.u32 $0x7, v3;
	v16 =	vor.u32 s6, v3  }
0x55: {  	v6 =	vor.u32 $0x3, v3;
	v4 =	vor.u32 s6, v5  }
0x56: {  	v7 =	vor.u32 $0x6, v3;
	v12 =	vor.u32 s6, v6  }
0x57: {  	v8 =	vor.u32 $0x2, v3;
	v14 =	vor.u32 s6, v7  }
0x58: {  	v9 =	vor.u32 $0x4, v3;
	v15 =	vor.u32 s6, v8  }
0x59: {  	v10 =	vor.u32 $0x1, v3;
	v18 =	vor.u32 s6, v9;
	v17 =	vld.idx.msk [tilespmem:v16+s3+$0x0], $0xffff  }
0x5a: {  	v11 =	vor.u32 $0x5, v3;
	v19 =	vor.u32 s6, v10;
	v4 =	vld.idx.msk [tilespmem:v4+s3+$0x0], $0xffff  }
0x5b: {  	s4 =	simm.s32 $0x8;
	v13 =	vld.idx.msk [tilespmem:v12+s3+$0x0], $0xffff;
	v12 =	vor.u32 s6, v11  }
0x5c: {  	v22 =	vor.u32 s4, v5;
	v14 =	vld.idx.msk [tilespmem:v14+s3+$0x0], $0xffff  }
0x5d: {  	v25 =	vld.idx.msk [tilespmem:v15+s3+$0x0], $0xffff;
	v15 =	vor.u32 s4, v6  }
0x5e: {  	v21 =	vor.u32 s4, v7;
	v16 =	vld.idx.msk [tilespmem:v18+s3+$0x0], $0xffff  }
0x5f: {  	v26 =	vor.u32 s4, v8;
	v19 =	vld.idx.msk [tilespmem:v19+s3+$0x0], $0xffff  }
0x60: {  	v29 =	vor.u32 s4, v3;
	v20 =	vld.idx.msk [tilespmem:v12+s3+$0x0], $0xffff  }
0x61: {  	v23 =	vimm.f32 $-Inf;
	v24 =	vimm.f32 $-Inf;
	v28 =	vor.u32 s4, v9;
	v12 =	vld.idx.msk [tilespmem:v22+s3+$0x0], $0xffff  }
0x62: {  	s10 =	simm.s32 $0x10;
	v27 =	vor.u32 s4, v10;
	v18 =	vimm.f32 $-Inf;
	v15 =	vld.idx.msk [tilespmem:v15+s3+$0x0], $0xffff;
	v22 =	vimm.f32 $-Inf  }
.LBB2_4:
0x63: {  	v30 =	vor.u32 s10, v5;
	p1 =	sne.s32 s10, $0x78;
	v31 =	vor.u32 s4, v11;
	v32 =	vld.idx.msk [tilespmem:v21+s3+$0x0], $0xffff;
	v17 =	vmax.f32 v18, v17;
	s4 =	smov.u32 s10  }
0x64: {  	v33 =	vor.u32 s10, v6;
	v21 =	vor.u32 s10, v7;
	v34 =	vld.idx.msk [tilespmem:v26+s3+$0x0], $0xffff;
	v18 =	vmax.f32 v17, v16  }
0x65: {  	v23 =	vmax.f32 v23, v25;
	v13 =	vmax.f32 v24, v13;
	v19 =	vmax.f32 v22, v19;
	v17 =	vld.idx.msk [tilespmem:v29+s3+$0x0], $0xffff  }
.Ltmp2:
0x66: {  	v23 =	vmax.f32 v23, v14;
	v24 =	vmax.f32 v13, v4;
	v22 =	vmax.f32 v19, v20;
	v16 =	vld.idx.msk [tilespmem:v28+s3+$0x0], $0xffff;
	(pc) =	sbr.rel @p1 .LBB2_4-.Ltmp2, $4  }
0x67: {  	v26 =	vor.u32 s10, v8;
	v4 =	vmov v12;
	v19 =	vld.idx.msk [tilespmem:v27+s3+$0x0], $0xffff  }
0x68: {  	v29 =	vor.u32 s10, v3;
	v13 =	vmov v15;
	v20 =	vld.idx.msk [tilespmem:v31+s3+$0x0], $0xffff  }
0x69: {  	v28 =	vor.u32 s10, v9;
	v14 =	vmov v32;
	v12 =	vld.idx.msk [tilespmem:v30+s3+$0x0], $0xffff  }
0x6a: {  	s10 =	sadd.s32 $0x8, s10;
	v27 =	vor.u32 s4, v10;
	v25 =	vmov v34;
	v15 =	vld.idx.msk [tilespmem:v33+s3+$0x0], $0xffff  }
0x6b: {  	_ =	sdelay $0x3  }
0x6c: {  	v3 =	vor.u32 s4, v11;
	v5 =	vld.idx.msk [tilespmem:v21+s3+$0x0], $0xffff  }
0x6d: {  	v6 =	vld.idx.msk [tilespmem:v26+s3+$0x0], $0xffff  }
0x6e: {  	v7 =	vld.idx.msk [tilespmem:v29+s3+$0x0], $0xffff  }
0x6f: {  	v8 =	vld.idx.msk [tilespmem:v28+s3+$0x0], $0xffff  }
0x70: {  	v9 =	vld.idx.msk [tilespmem:v27+s3+$0x0], $0xffff  }
0x71: {  	v10 =	vmax.f32 v18, v17;
	v3 =	vld.idx.msk [tilespmem:v3+s3+$0x0], $0xffff  }
0x72: {  	v52 =	vmax.f32 v23, v25;
	v13 =	vmax.f32 v24, v13;
	v10 =	vmax.f32 v10, v16  }
0x73: {  	s7 =	sadd.s32 $0x1, s7;
	v51 =	vmax.f32 v22, v19;
	v53 =	vmax.f32 v52, v14;
	v4 =	vmax.f32 v13, v4  }
0x74: {  	p1 =	sne.s32 s7, $0x8;
	v11 =	vmax.f32 v51, v20;
	v4 =	vmax.f32 v4, v15;
	v7 =	vmax.f32 v10, v7  }
.Ltmp3:
0x75: {  	v56 =	vmax.f32 v11, v9;
	v6 =	vmax.f32 v53, v6;
	v4 =	vmax.f32 v4, v12;
	(pc) =	sbr.rel @p1 .LBB2_3-.Ltmp3, $4  }
0x76: {  	v7 =	vmax.f32 v7, v8;
	v5 =	vmax.f32 v6, v5;
	v3 =	vmax.f32 v56, v3  }
0x77: {  	v4 =	vmax.f32 v5, v4;
	v3 =	vmax.f32 v7, v3  }
0x78: {  	v3 =	vmax.f32 v3, v4  }
0x79: {  	[tilespmem:v2+s8+$0x0 ss:$0x1] =	vst.idx.msk $0xffff, v3  }
0x7a: {  	s1 =	sadd.s32 $0x1, s1  }
0x7b: {  	p1 =	sne.s32 s1, $0x30  }
.Ltmp4:
0x7c: {  	_ = 	snop;
	(pc) =	sbr.rel @p1 .LBB2_2-.Ltmp4, $1  }
0x7d: {  	_ =	sdelay $0x3  }
0x7e: {  	s4 =	simm.s32 $0x0  }
0x7f: {  	v2 =	vor.u32 s4, v43  }
0x80: {  	[tilespmem:s4], [sflag:$0x2] =	stream.linear.gather [hbm4b:s18+s4], $0x3500, $0x38;
	v3 =	vor.u32 s4, v39;
	[tilespmem:$0x1F380] =	vst v63  }
0x81: {  	v5 =	vor.u32 s4, v42;
	_ =	swait.ge [sflag:s11], $0x3500  }
0x82: {  	v6 =	vor.u32 s4, v38;
	[sflag:s11] =	ssyncset.done $0x0  }
0x83: {  	v7 =	vor.u32 s4, v1;
	[sflag:s11] =	ssyncadd.s32 $0xFFFFCB00  }
0x84: {  	v8 =	vor.u32 s4, v40;
	v2 =	vld.idx.msk [tilespmem:v2+s3+$0x0], $0xffff  }
0x85: {  	v10 =	vor.u32 s4, v37;
	v4 =	vld.idx.msk [tilespmem:v3+s3+$0x0], $0xffff  }
0x86: {  	s1 =	simm.s32 $0x8;
	v3 =	vor.u32 s4, v41;
	v5 =	vld.idx.msk [tilespmem:v5+s3+$0x0], $0xffff  }
0x87: {  	v13 =	vor.u32 s1, v43;
	v16 =	vld.idx.msk [tilespmem:v6+s3+$0x0], $0xffff  }
0x88: {  	v6 =	vor.u32 s1, v39;
	v9 =	vld.idx.msk [tilespmem:v7+s3+$0x0], $0xffff  }
0x89: {  	v7 =	vld.idx.msk [tilespmem:v8+s3+$0x0], $0xffff;
	v8 =	vor.u32 s1, v42  }
0x8a: {  	v17 =	vor.u32 s1, v38;
	v10 =	vld.idx.msk [tilespmem:v10+s3+$0x0], $0xffff  }
0x8b: {  	v20 =	vor.u32 s1, v1;
	v11 =	vld.idx.msk [tilespmem:v3+s3+$0x0], $0xffff  }
0x8c: {  	v12 =	vimm.f32 $-Inf;
	v14 =	vimm.f32 $-Inf;
	v19 =	vor.u32 s1, v40;
	v3 =	vld.idx.msk [tilespmem:v13+s3+$0x0], $0xffff  }
0x8d: {  	v15 =	vimm.f32 $-Inf;
	v18 =	vor.u32 s1, v37;
	s4 =	simm.s32 $0x10;
	v6 =	vld.idx.msk [tilespmem:v6+s3+$0x0], $0xffff;
	v13 =	vimm.f32 $-Inf  }
.LBB2_8:
0x8e: {  	v21 =	vor.u32 s4, v43;
	p1 =	sne.s32 s4, $0x78;
	v22 =	vor.u32 s1, v41;
	v23 =	vld.idx.msk [tilespmem:v8+s3+$0x0], $0xffff;
	v9 =	vmax.f32 v12, v9;
	s1 =	smov.u32 s4  }
0x8f: {  	v24 =	vor.u32 s4, v39;
	v8 =	vor.u32 s4, v42;
	v25 =	vld.idx.msk [tilespmem:v17+s3+$0x0], $0xffff;
	v12 =	vmax.f32 v9, v7  }
0x90: {  	v14 =	vmax.f32 v14, v16;
	v4 =	vmax.f32 v15, v4;
	v10 =	vmax.f32 v13, v10;
	v9 =	vld.idx.msk [tilespmem:v20+s3+$0x0], $0xffff  }
.Ltmp5:
0x91: {  	v14 =	vmax.f32 v14, v5;
	v15 =	vmax.f32 v4, v2;
	v13 =	vmax.f32 v10, v11;
	v7 =	vld.idx.msk [tilespmem:v19+s3+$0x0], $0xffff;
	(pc) =	sbr.rel @p1 .LBB2_8-.Ltmp5, $4  }
0x92: {  	v17 =	vor.u32 s4, v38;
	v2 =	vmov v3;
	v10 =	vld.idx.msk [tilespmem:v18+s3+$0x0], $0xffff  }
0x93: {  	v20 =	vor.u32 s4, v1;
	v4 =	vmov v6;
	v11 =	vld.idx.msk [tilespmem:v22+s3+$0x0], $0xffff  }
0x94: {  	v19 =	vor.u32 s4, v40;
	v5 =	vmov v23;
	v3 =	vld.idx.msk [tilespmem:v21+s3+$0x0], $0xffff  }
0x95: {  	s4 =	sadd.s32 $0x8, s4;
	v18 =	vor.u32 s1, v37;
	v16 =	vmov v25;
	v6 =	vld.idx.msk [tilespmem:v24+s3+$0x0], $0xffff  }
0x96: {  	_ =	sdelay $0x3  }
0x97: {  	v17 =	vld.idx.msk [tilespmem:v17+s3+$0x0], $0xffff  }
0x98: {  	v21 =	vor.u32 s1, v41;
	v20 =	vld.idx.msk [tilespmem:v20+s3+$0x0], $0xffff  }
0x99: {  	v19 =	vld.idx.msk [tilespmem:v19+s3+$0x0], $0xffff  }
0x9a: {  	v18 =	vld.idx.msk [tilespmem:v18+s3+$0x0], $0xffff  }
0x9b: {  	v8 =	vld.idx.msk [tilespmem:v8+s3+$0x0], $0xffff  }
0x9c: {  	v9 =	vmax.f32 v12, v9;
	v26 =	vld [tilespmem:$0x1FE50]  }
0x9d: {  	v4 =	vmax.f32 v15, v4;
	v7 =	vmax.f32 v9, v7;
	v9 =	vmax.f32 v13, v10;
	v12 =	vld.idx.msk [tilespmem:v21+s3+$0x0], $0xffff  }
0x9e: {  	v27 =	vld [tilespmem:$0x1FE60];
	v10 =	vmax.f32 v14, v16;
	v2 =	vmax.f32 v4, v2;
	v9 =	vmax.f32 v9, v11  }
0x9f: {  	v28 =	vld [tilespmem:$0x1FE70];
	v5 =	vmax.f32 v10, v5;
	v2 =	vmax.f32 v2, v6;
	v4 =	vmax.f32 v7, v20  }
0xa0: {  	s4 =	simm.s32 $0x0;
	v29 =	vld [tilespmem:$0x1FE80];
	v7 =	vmax.f32 v9, v18;
	v5 =	vmax.f32 v5, v17;
	v2 =	vmax.f32 v2, v3  }
0xa1: {  	v30 =	vld [tilespmem:$0x1FE90];
	v3 =	vor.u32 s4, v47;
	v4 =	vmax.f32 v4, v19;
	v5 =	vmax.f32 v5, v8  }
0xa2: {  	v31 =	vld [tilespmem:$0x1FEA0];
	v2 =	vmax.f32 v5, v2;
	v5 =	vor.u32 s4, v59;
	v6 =	vmax.f32 v7, v12  }
0xa3: {  	v32 =	vld [tilespmem:$0x1FEB0];
	v8 =	vor.u32 s4, v44;
	v4 =	vmax.f32 v4, v6  }
0xa4: {  	v33 =	vld [tilespmem:$0x1FEC0];
	v7 =	vor.u32 s4, v61;
	v2 =	vmax.f32 v4, v2  }
0xa5: {  	v34 =	vld [tilespmem:$0x1FED0];
	v6 =	vor.u32 s4, v46;
	[tilespmem:$0x5800] =	vst v2  }
0xa6: {  	v10 =	vor.u32 s4, v48;
	v4 =	vld.idx.msk [tilespmem:v3+s3+$0x0], $0xffff  }
0xa7: {  	v11 =	vor.u32 s4, v45;
	v5 =	vld.idx.msk [tilespmem:v5+s3+$0x0], $0xffff  }
0xa8: {  	s1 =	simm.s32 $0x8;
	v3 =	vor.u32 s4, v49;
	v9 =	vld.idx.msk [tilespmem:v8+s3+$0x0], $0xffff  }
0xa9: {  	v13 =	vor.u32 s1, v61;
	v2 =	vld.idx.msk [tilespmem:v7+s3+$0x0], $0xffff  }
0xaa: {  	v16 =	vld.idx.msk [tilespmem:v6+s3+$0x0], $0xffff;
	v6 =	vor.u32 s1, v47  }
0xab: {  	v8 =	vor.u32 s1, v59;
	v7 =	vld.idx.msk [tilespmem:v10+s3+$0x0], $0xffff  }
0xac: {  	v17 =	vor.u32 s1, v46;
	v10 =	vld.idx.msk [tilespmem:v11+s3+$0x0], $0xffff  }
0xad: {  	v20 =	vor.u32 s1, v44;
	v11 =	vld.idx.msk [tilespmem:v3+s3+$0x0], $0xffff  }
0xae: {  	v15 =	vimm.f32 $-Inf;
	v14 =	vimm.f32 $-Inf;
	v19 =	vor.u32 s1, v48;
	v3 =	vld.idx.msk [tilespmem:v13+s3+$0x0], $0xffff  }
0xaf: {  	v18 =	vor.u32 s1, v45;
	v12 =	vimm.f32 $-Inf;
	s4 =	simm.s32 $0x10;
	v13 =	vimm.f32 $-Inf;
	v6 =	vld.idx.msk [tilespmem:v6+s3+$0x0], $0xffff  }
.LBB2_10:
0xb0: {  	v21 =	vor.u32 s4, v61;
	p1 =	sne.s32 s4, $0x78;
	v22 =	vor.u32 s1, v49;
	v23 =	vld.idx.msk [tilespmem:v8+s3+$0x0], $0xffff;
	v9 =	vmax.f32 v12, v9;
	s1 =	smov.u32 s4  }
0xb1: {  	v24 =	vor.u32 s4, v47;
	v8 =	vor.u32 s4, v59;
	v25 =	vld.idx.msk [tilespmem:v17+s3+$0x0], $0xffff;
	v12 =	vmax.f32 v9, v7  }
0xb2: {  	v14 =	vmax.f32 v14, v16;
	v4 =	vmax.f32 v15, v4;
	v10 =	vmax.f32 v13, v10;
	v9 =	vld.idx.msk [tilespmem:v20+s3+$0x0], $0xffff  }
.Ltmp6:
0xb3: {  	v14 =	vmax.f32 v14, v5;
	v15 =	vmax.f32 v4, v2;
	v13 =	vmax.f32 v10, v11;
	v7 =	vld.idx.msk [tilespmem:v19+s3+$0x0], $0xffff;
	(pc) =	sbr.rel @p1 .LBB2_10-.Ltmp6, $4  }
0xb4: {  	v17 =	vor.u32 s4, v46;
	v2 =	vmov v3;
	v10 =	vld.idx.msk [tilespmem:v18+s3+$0x0], $0xffff  }
0xb5: {  	v20 =	vor.u32 s4, v44;
	v4 =	vmov v6;
	v11 =	vld.idx.msk [tilespmem:v22+s3+$0x0], $0xffff  }
0xb6: {  	v19 =	vor.u32 s4, v48;
	v5 =	vmov v23;
	v3 =	vld.idx.msk [tilespmem:v21+s3+$0x0], $0xffff  }
0xb7: {  	s4 =	sadd.s32 $0x8, s4;
	v18 =	vor.u32 s1, v45;
	v16 =	vmov v25;
	v6 =	vld.idx.msk [tilespmem:v24+s3+$0x0], $0xffff  }
0xb8: {  	_ =	sdelay $0x3  }
0xb9: {  	v21 =	vor.u32 s1, v49;
	v17 =	vld.idx.msk [tilespmem:v17+s3+$0x0], $0xffff  }
0xba: {  	v20 =	vld.idx.msk [tilespmem:v20+s3+$0x0], $0xffff  }
0xbb: {  	v19 =	vld.idx.msk [tilespmem:v19+s3+$0x0], $0xffff  }
0xbc: {  	v18 =	vld.idx.msk [tilespmem:v18+s3+$0x0], $0xffff  }
0xbd: {  	v9 =	vmax.f32 v12, v9;
	v8 =	vld.idx.msk [tilespmem:v8+s3+$0x0], $0xffff  }
0xbe: {  	v4 =	vmax.f32 v15, v4;
	v7 =	vmax.f32 v9, v7;
	v9 =	vmax.f32 v13, v10;
	v12 =	vld.idx.msk [tilespmem:v21+s3+$0x0], $0xffff  }
0xbf: {  	v10 =	vmax.f32 v14, v16;
	v2 =	vmax.f32 v4, v2;
	v9 =	vmax.f32 v9, v11  }
0xc0: {  	v5 =	vmax.f32 v10, v5;
	v2 =	vmax.f32 v2, v6;
	v4 =	vmax.f32 v7, v20  }
0xc1: {  	s4 =	simm.s32 $0x0;
	v7 =	vmax.f32 v9, v18;
	v5 =	vmax.f32 v5, v17;
	v2 =	vmax.f32 v2, v3  }
0xc2: {  	v3 =	vor.u32 s4, v27;
	v4 =	vmax.f32 v4, v19;
	v5 =	vmax.f32 v5, v8  }
0xc3: {  	v2 =	vmax.f32 v5, v2;
	v5 =	vor.u32 s4, v30;
	v6 =	vmax.f32 v7, v12  }
0xc4: {  	v8 =	vor.u32 s4, v62;
	v4 =	vmax.f32 v4, v6  }
0xc5: {  	v7 =	vor.u32 s4, v31;
	v2 =	vmax.f32 v4, v2  }
0xc6: {  	v6 =	vor.u32 s4, v26;
	[tilespmem:$0x5810] =	vst v2  }
0xc7: {  	v10 =	vor.u32 s4, v28;
	v4 =	vld.idx.msk [tilespmem:v3+s3+$0x0], $0xffff  }
0xc8: {  	v11 =	vor.u32 s4, v63;
	v5 =	vld.idx.msk [tilespmem:v5+s3+$0x0], $0xffff  }
0xc9: {  	s1 =	simm.s32 $0x8;
	v3 =	vor.u32 s4, v29;
	v9 =	vld.idx.msk [tilespmem:v8+s3+$0x0], $0xffff  }
0xca: {  	v13 =	vor.u32 s1, v31;
	v2 =	vld.idx.msk [tilespmem:v7+s3+$0x0], $0xffff  }
0xcb: {  	v16 =	vld.idx.msk [tilespmem:v6+s3+$0x0], $0xffff;
	v6 =	vor.u32 s1, v27  }
0xcc: {  	v8 =	vor.u32 s1, v30;
	v7 =	vld.idx.msk [tilespmem:v10+s3+$0x0], $0xffff  }
0xcd: {  	v17 =	vor.u32 s1, v26;
	v10 =	vld.idx.msk [tilespmem:v11+s3+$0x0], $0xffff  }
0xce: {  	v20 =	vor.u32 s1, v62;
	v11 =	vld.idx.msk [tilespmem:v3+s3+$0x0], $0xffff  }
0xcf: {  	v15 =	vimm.f32 $-Inf;
	v14 =	vimm.f32 $-Inf;
	v19 =	vor.u32 s1, v28;
	v3 =	vld.idx.msk [tilespmem:v13+s3+$0x0], $0xffff  }
0xd0: {  	v18 =	vor.u32 s1, v63;
	v12 =	vimm.f32 $-Inf;
	s4 =	simm.s32 $0x10;
	v13 =	vimm.f32 $-Inf;
	v6 =	vld.idx.msk [tilespmem:v6+s3+$0x0], $0xffff  }
.LBB2_12:
0xd1: {  	v21 =	vor.u32 s4, v31;
	p1 =	sne.s32 s4, $0x78;
	v22 =	vor.u32 s1, v29;
	v23 =	vld.idx.msk [tilespmem:v8+s3+$0x0], $0xffff;
	v9 =	vmax.f32 v12, v9;
	s1 =	smov.u32 s4  }
0xd2: {  	v24 =	vor.u32 s4, v27;
	v8 =	vor.u32 s4, v30;
	v25 =	vld.idx.msk [tilespmem:v17+s3+$0x0], $0xffff;
	v12 =	vmax.f32 v9, v7  }
0xd3: {  	v14 =	vmax.f32 v14, v16;
	v4 =	vmax.f32 v15, v4;
	v10 =	vmax.f32 v13, v10;
	v9 =	vld.idx.msk [tilespmem:v20+s3+$0x0], $0xffff  }
.Ltmp7:
0xd4: {  	v14 =	vmax.f32 v14, v5;
	v15 =	vmax.f32 v4, v2;
	v13 =	vmax.f32 v10, v11;
	v7 =	vld.idx.msk [tilespmem:v19+s3+$0x0], $0xffff;
	(pc) =	sbr.rel @p1 .LBB2_12-.Ltmp7, $4  }
0xd5: {  	v17 =	vor.u32 s4, v26;
	v2 =	vmov v3;
	v10 =	vld.idx.msk [tilespmem:v18+s3+$0x0], $0xffff  }
0xd6: {  	v20 =	vor.u32 s4, v62;
	v4 =	vmov v6;
	v11 =	vld.idx.msk [tilespmem:v22+s3+$0x0], $0xffff  }
0xd7: {  	v19 =	vor.u32 s4, v28;
	v5 =	vmov v23;
	v3 =	vld.idx.msk [tilespmem:v21+s3+$0x0], $0xffff  }
0xd8: {  	s4 =	sadd.s32 $0x8, s4;
	v18 =	vor.u32 s1, v63;
	v16 =	vmov v25;
	v6 =	vld.idx.msk [tilespmem:v24+s3+$0x0], $0xffff  }
0xd9: {  	_ =	sdelay $0x3  }
0xda: {  	v17 =	vld.idx.msk [tilespmem:v17+s3+$0x0], $0xffff  }
0xdb: {  	v21 =	vor.u32 s1, v29;
	v20 =	vld.idx.msk [tilespmem:v20+s3+$0x0], $0xffff  }
0xdc: {  	v19 =	vld.idx.msk [tilespmem:v19+s3+$0x0], $0xffff  }
0xdd: {  	v18 =	vld.idx.msk [tilespmem:v18+s3+$0x0], $0xffff  }
0xde: {  	v8 =	vld.idx.msk [tilespmem:v8+s3+$0x0], $0xffff  }
0xdf: {  	v52 =	vld [tilespmem:$0x1FEE0]  }
0xe0: {  	v9 =	vmax.f32 v12, v9;
	v4 =	vmax.f32 v15, v4;
	v12 =	vld.idx.msk [tilespmem:v21+s3+$0x0], $0xffff  }
0xe1: {  	v51 =	vld [tilespmem:$0x1FCB0];
	v7 =	vmax.f32 v9, v7;
	v9 =	vmax.f32 v13, v10;
	v10 =	vmax.f32 v14, v16  }
0xe2: {  	v2 =	vmax.f32 v4, v2;
	v9 =	vmax.f32 v9, v11;
	v5 =	vmax.f32 v10, v5  }
0xe3: {  	s4 =	simm.s32 $0x0;
	v2 =	vmax.f32 v2, v6;
	v4 =	vmax.f32 v7, v20;
	v7 =	vmax.f32 v9, v18  }
0xe4: {  	v5 =	vmax.f32 v5, v17;
	v2 =	vmax.f32 v2, v3;
	v3 =	vor.u32 s4, v52  }
0xe5: {  	v35 =	vmovc v36;
	v5 =	vmax.f32 v5, v8;
	v6 =	vmax.f32 v7, v12;
	v7 =	vor.u32 s4, v36;
	v36 =	vld [tilespmem:$0x1FEF0]  }
0xe6: {  	v4 =	vmax.f32 v4, v19;
	v2 =	vmax.f32 v5, v2;
	v5 =	vor.u32 s4, v51  }
0xe7: {  	v8 =	vor.u32 s4, v32;
	v4 =	vmax.f32 v4, v6  }
0xe8: {  	v2 =	vmax.f32 v4, v2  }
0xe9: {  	v6 =	vor.u32 s4, v34;
	[tilespmem:$0x5820] =	vst v2  }
0xea: {  	v4 =	vld.idx.msk [tilespmem:v3+s3+$0x0], $0xffff;
	v10 =	vor.u32 s4, v36  }
0xeb: {  	v11 =	vor.u32 s4, v33;
	v5 =	vld.idx.msk [tilespmem:v5+s3+$0x0], $0xffff  }
0xec: {  	s1 =	simm.s32 $0x8;
	v3 =	vor.u32 s4, v50;
	v9 =	vld.idx.msk [tilespmem:v8+s3+$0x0], $0xffff  }
0xed: {  	v13 =	vor.u32 s1, v35;
	v2 =	vld.idx.msk [tilespmem:v7+s3+$0x0], $0xffff  }
0xee: {  	v16 =	vld.idx.msk [tilespmem:v6+s3+$0x0], $0xffff;
	v6 =	vor.u32 s1, v52  }
0xef: {  	v8 =	vor.u32 s1, v51;
	v7 =	vld.idx.msk [tilespmem:v10+s3+$0x0], $0xffff  }
0xf0: {  	v17 =	vor.u32 s1, v34;
	v10 =	vld.idx.msk [tilespmem:v11+s3+$0x0], $0xffff  }
0xf1: {  	v20 =	vor.u32 s1, v32;
	v11 =	vld.idx.msk [tilespmem:v3+s3+$0x0], $0xffff  }
0xf2: {  	v15 =	vimm.f32 $-Inf;
	v14 =	vimm.f32 $-Inf;
	v19 =	vor.u32 s1, v36;
	v3 =	vld.idx.msk [tilespmem:v13+s3+$0x0], $0xffff  }
0xf3: {  	v18 =	vor.u32 s1, v33;
	v12 =	vimm.f32 $-Inf;
	s4 =	simm.s32 $0x10;
	v13 =	vimm.f32 $-Inf;
	v6 =	vld.idx.msk [tilespmem:v6+s3+$0x0], $0xffff  }
.LBB2_14:
0xf4: {  	v21 =	vor.u32 s4, v35;
	p1 =	sne.s32 s4, $0x78;
	v22 =	vor.u32 s1, v50;
	v23 =	vld.idx.msk [tilespmem:v8+s3+$0x0], $0xffff;
	v9 =	vmax.f32 v12, v9;
	s1 =	smov.u32 s4  }
0xf5: {  	v24 =	vor.u32 s4, v52;
	v8 =	vor.u32 s4, v51;
	v25 =	vld.idx.msk [tilespmem:v17+s3+$0x0], $0xffff;
	v12 =	vmax.f32 v9, v7  }
0xf6: {  	v14 =	vmax.f32 v14, v16;
	v4 =	vmax.f32 v15, v4;
	v10 =	vmax.f32 v13, v10;
	v9 =	vld.idx.msk [tilespmem:v20+s3+$0x0], $0xffff  }
.Ltmp8:
0xf7: {  	v14 =	vmax.f32 v14, v5;
	v15 =	vmax.f32 v4, v2;
	v13 =	vmax.f32 v10, v11;
	v7 =	vld.idx.msk [tilespmem:v19+s3+$0x0], $0xffff;
	(pc) =	sbr.rel @p1 .LBB2_14-.Ltmp8, $4  }
0xf8: {  	v17 =	vor.u32 s4, v34;
	v2 =	vmov v3;
	v10 =	vld.idx.msk [tilespmem:v18+s3+$0x0], $0xffff  }
0xf9: {  	v20 =	vor.u32 s4, v32;
	v4 =	vmov v6;
	v11 =	vld.idx.msk [tilespmem:v22+s3+$0x0], $0xffff  }
0xfa: {  	v19 =	vor.u32 s4, v36;
	v5 =	vmov v23;
	v3 =	vld.idx.msk [tilespmem:v21+s3+$0x0], $0xffff  }
0xfb: {  	s4 =	sadd.s32 $0x8, s4;
	v18 =	vor.u32 s1, v33;
	v16 =	vmov v25;
	v6 =	vld.idx.msk [tilespmem:v24+s3+$0x0], $0xffff  }
0xfc: {  	_ =	sdelay $0x1  }
0xfd: {  	v21 =	vor.u32 s1, v50;
	_ =	sdelay $0x1  }
0xfe: {  	v17 =	vld.idx.msk [tilespmem:v17+s3+$0x0], $0xffff  }
0xff: {  	v20 =	vld.idx.msk [tilespmem:v20+s3+$0x0], $0xffff  }
0x100: {  	v18 =	vld.idx.msk [tilespmem:v18+s3+$0x0], $0xffff  }
0x101: {  	v9 =	vmax.f32 v12, v9;
	v12 =	vld.idx.msk [tilespmem:v21+s3+$0x0], $0xffff  }
0x102: {  	v8 =	vld.idx.msk [tilespmem:v8+s3+$0x0], $0xffff;
	v4 =	vmax.f32 v15, v4  }
0x103: {  	v19 =	vld.idx.msk [tilespmem:v19+s3+$0x0], $0xffff;
	v7 =	vmax.f32 v9, v7;
	v9 =	vmax.f32 v13, v10;
	v10 =	vmax.f32 v14, v16  }
0x104: {  	v52 =	vld [tilespmem:$0x1FF00];
	v2 =	vmax.f32 v4, v2;
	v9 =	vmax.f32 v9, v11;
	v5 =	vmax.f32 v10, v5  }
0x105: {  	s4 =	simm.s32 $0x0;
	v51 =	vld [tilespmem:$0x1FCD0];
	v2 =	vmax.f32 v2, v6;
	v4 =	vmax.f32 v7, v20;
	v7 =	vmax.f32 v9, v18  }
0x106: {  	v56 =	vmovc v55;
	v5 =	vmax.f32 v5, v17;
	v6 =	vmax.f32 v7, v12;
	v7 =	vor.u32 s4, v55;
	v55 =	vld [tilespmem:$0x1FF10]  }
0x107: {  	v2 =	vmax.f32 v2, v3;
	v5 =	vmax.f32 v5, v8  }
0x108: {  	v53 =	vld [tilespmem:$0x1FF30];
	v2 =	vmax.f32 v5, v2;
	v5 =	vor.u32 s4, v54  }
0x109: {  	v36 =	vld [tilespmem:$0x1FCC0];
	v4 =	vmax.f32 v4, v19;
	v8 =	vor.u32 s4, v52  }
0x10a: {  	v4 =	vmax.f32 v4, v6;
	v6 =	vor.u32 s4, v51  }
0x10b: {  	v35 =	vmov v54;
	v54 =	vld [tilespmem:$0x1FCE0];
	v2 =	vmax.f32 v4, v2;
	v3 =	vor.u32 s4, v55  }
0x10c: {  	[tilespmem:$0x5830] =	vst v2  }
0x10d: {  	v10 =	vor.u32 s4, v53;
	v5 =	vld.idx.msk [tilespmem:v5+s3+$0x0], $0xffff  }
0x10e: {  	s1 =	simm.s32 $0x8;
	v11 =	vor.u32 s4, v36;
	v9 =	vld.idx.msk [tilespmem:v8+s3+$0x0], $0xffff  }
0x10f: {  	v16 =	vld.idx.msk [tilespmem:v6+s3+$0x0], $0xffff;
	v6 =	vor.u32 s1, v55  }
0x110: {  	v4 =	vld.idx.msk [tilespmem:v3+s3+$0x0], $0xffff;
	v3 =	vor.u32 s4, v54  }
0x111: {  	v13 =	vor.u32 s1, v56;
	v2 =	vld.idx.msk [tilespmem:v7+s3+$0x0], $0xffff  }
0x112: {  	v8 =	vor.u32 s1, v35;
	v7 =	vld.idx.msk [tilespmem:v10+s3+$0x0], $0xffff  }
0x113: {  	v17 =	vor.u32 s1, v51;
	v10 =	vld.idx.msk [tilespmem:v11+s3+$0x0], $0xffff  }
0x114: {  	v20 =	vor.u32 s1, v52;
	v6 =	vld.idx.msk [tilespmem:v6+s3+$0x0], $0xffff  }
0x115: {  	v15 =	vimm.f32 $-Inf;
	v14 =	vimm.f32 $-Inf;
	v19 =	vor.u32 s1, v53;
	v11 =	vld.idx.msk [tilespmem:v3+s3+$0x0], $0xffff  }
0x116: {  	v18 =	vor.u32 s1, v36;
	v12 =	vimm.f32 $-Inf;
	s4 =	simm.s32 $0x10;
	v3 =	vld.idx.msk [tilespmem:v13+s3+$0x0], $0xffff;
	v13 =	vimm.f32 $-Inf  }
.LBB2_16:
0x117: {  	v21 =	vor.u32 s4, v56;
	p1 =	sne.s32 s4, $0x78;
	v22 =	vor.u32 s1, v54;
	v23 =	vld.idx.msk [tilespmem:v8+s3+$0x0], $0xffff;
	v9 =	vmax.f32 v12, v9;
	s1 =	smov.u32 s4  }
0x118: {  	v24 =	vor.u32 s4, v55;
	v8 =	vor.u32 s4, v35;
	v25 =	vld.idx.msk [tilespmem:v17+s3+$0x0], $0xffff;
	v12 =	vmax.f32 v9, v7  }
0x119: {  	v14 =	vmax.f32 v14, v16;
	v4 =	vmax.f32 v15, v4;
	v10 =	vmax.f32 v13, v10;
	v9 =	vld.idx.msk [tilespmem:v20+s3+$0x0], $0xffff  }
.Ltmp9:
0x11a: {  	v14 =	vmax.f32 v14, v5;
	v15 =	vmax.f32 v4, v2;
	v13 =	vmax.f32 v10, v11;
	v7 =	vld.idx.msk [tilespmem:v19+s3+$0x0], $0xffff;
	(pc) =	sbr.rel @p1 .LBB2_16-.Ltmp9, $4  }
0x11b: {  	v17 =	vor.u32 s4, v51;
	v2 =	vmov v3;
	v10 =	vld.idx.msk [tilespmem:v18+s3+$0x0], $0xffff  }
0x11c: {  	v20 =	vor.u32 s4, v52;
	v4 =	vmov v6;
	v11 =	vld.idx.msk [tilespmem:v22+s3+$0x0], $0xffff  }
0x11d: {  	v19 =	vor.u32 s4, v53;
	v5 =	vmov v23;
	v3 =	vld.idx.msk [tilespmem:v21+s3+$0x0], $0xffff  }
0x11e: {  	s4 =	sadd.s32 $0x8, s4;
	v18 =	vor.u32 s1, v36;
	v16 =	vmov v25;
	v6 =	vld.idx.msk [tilespmem:v24+s3+$0x0], $0xffff  }
0x11f: {  	_ =	sdelay $0x3  }
0x120: {  	v17 =	vld.idx.msk [tilespmem:v17+s3+$0x0], $0xffff  }
0x121: {  	v20 =	vld.idx.msk [tilespmem:v20+s3+$0x0], $0xffff  }
0x122: {  	v21 =	vor.u32 s1, v54;
	v19 =	vld.idx.msk [tilespmem:v19+s3+$0x0], $0xffff  }
0x123: {  	v18 =	vld.idx.msk [tilespmem:v18+s3+$0x0], $0xffff  }
0x124: {  	v8 =	vld.idx.msk [tilespmem:v8+s3+$0x0], $0xffff  }
0x125: {  	v51 =	vld [tilespmem:$0x1FF60]  }
0x126: {  	v9 =	vmax.f32 v12, v9;
	v35 =	vld [tilespmem:$0x1FF80]  }
0x127: {  	v4 =	vmax.f32 v15, v4;
	v7 =	vmax.f32 v9, v7;
	v9 =	vmax.f32 v13, v10;
	v12 =	vld.idx.msk [tilespmem:v21+s3+$0x0], $0xffff  }
0x128: {  	v56 =	vld [tilespmem:$0x1FF40];
	v10 =	vmax.f32 v14, v16;
	v2 =	vmax.f32 v4, v2;
	v9 =	vmax.f32 v9, v11  }
0x129: {  	v55 =	vld [tilespmem:$0x1FFA0];
	v5 =	vmax.f32 v10, v5;
	v2 =	vmax.f32 v2, v6;
	v4 =	vmax.f32 v7, v20  }
0x12a: {  	s4 =	simm.s32 $0x0;
	v53 =	vld [tilespmem:$0x1FF50];
	v7 =	vmax.f32 v9, v18;
	v5 =	vmax.f32 v5, v17;
	v2 =	vmax.f32 v2, v3  }
0x12b: {  	v36 =	vld [tilespmem:$0x1FF70];
	v3 =	vor.u32 s4, v51;
	v4 =	vmax.f32 v4, v19;
	v5 =	vmax.f32 v5, v8  }
0x12c: {  	v54 =	vld [tilespmem:$0x1FCF0];
	v2 =	vmax.f32 v5, v2;
	v5 =	vor.u32 s4, v35;
	v6 =	vmax.f32 v7, v12  }
0x12d: {  	v8 =	vor.u32 s4, v56;
	v4 =	vmax.f32 v4, v6  }
0x12e: {  	v7 =	vor.u32 s4, v55;
	v2 =	vmax.f32 v4, v2  }
0x12f: {  	v6 =	vor.u32 s4, v53;
	[tilespmem:$0x5840] =	vst v2  }
0x130: {  	v10 =	vor.u32 s4, v36;
	v4 =	vld.idx.msk [tilespmem:v3+s3+$0x0], $0xffff  }
0x131: {  	v11 =	vor.u32 s4, v54;
	v5 =	vld.idx.msk [tilespmem:v5+s3+$0x0], $0xffff  }
0x132: {  	s1 =	simm.s32 $0x8;
	v3 =	vor.u32 s4, v57;
	v9 =	vld.idx.msk [tilespmem:v8+s3+$0x0], $0xffff  }
0x133: {  	v13 =	vor.u32 s1, v55;
	v2 =	vld.idx.msk [tilespmem:v7+s3+$0x0], $0xffff  }
0x134: {  	v16 =	vld.idx.msk [tilespmem:v6+s3+$0x0], $0xffff;
	v6 =	vor.u32 s1, v51  }
0x135: {  	v8 =	vor.u32 s1, v35;
	v7 =	vld.idx.msk [tilespmem:v10+s3+$0x0], $0xffff  }
0x136: {  	v17 =	vor.u32 s1, v53;
	v10 =	vld.idx.msk [tilespmem:v11+s3+$0x0], $0xffff  }
0x137: {  	v20 =	vor.u32 s1, v56;
	v11 =	vld.idx.msk [tilespmem:v3+s3+$0x0], $0xffff  }
0x138: {  	v15 =	vimm.f32 $-Inf;
	v14 =	vimm.f32 $-Inf;
	v19 =	vor.u32 s1, v36;
	v3 =	vld.idx.msk [tilespmem:v13+s3+$0x0], $0xffff  }
0x139: {  	v18 =	vor.u32 s1, v54;
	v12 =	vimm.f32 $-Inf;
	s4 =	simm.s32 $0x10;
	v13 =	vimm.f32 $-Inf;
	v6 =	vld.idx.msk [tilespmem:v6+s3+$0x0], $0xffff  }
.LBB2_18:
0x13a: {  	v21 =	vor.u32 s4, v55;
	p1 =	sne.s32 s4, $0x78;
	v22 =	vor.u32 s1, v57;
	v23 =	vld.idx.msk [tilespmem:v8+s3+$0x0], $0xffff;
	v9 =	vmax.f32 v12, v9;
	s1 =	smov.u32 s4  }
0x13b: {  	v24 =	vor.u32 s4, v51;
	v8 =	vor.u32 s4, v35;
	v25 =	vld.idx.msk [tilespmem:v17+s3+$0x0], $0xffff;
	v12 =	vmax.f32 v9, v7  }
0x13c: {  	v14 =	vmax.f32 v14, v16;
	v4 =	vmax.f32 v15, v4;
	v10 =	vmax.f32 v13, v10;
	v9 =	vld.idx.msk [tilespmem:v20+s3+$0x0], $0xffff  }
.Ltmp10:
0x13d: {  	v14 =	vmax.f32 v14, v5;
	v15 =	vmax.f32 v4, v2;
	v13 =	vmax.f32 v10, v11;
	v7 =	vld.idx.msk [tilespmem:v19+s3+$0x0], $0xffff;
	(pc) =	sbr.rel @p1 .LBB2_18-.Ltmp10, $4  }
0x13e: {  	v17 =	vor.u32 s4, v53;
	v2 =	vmov v3;
	v10 =	vld.idx.msk [tilespmem:v18+s3+$0x0], $0xffff  }
0x13f: {  	v20 =	vor.u32 s4, v56;
	v4 =	vmov v6;
	v11 =	vld.idx.msk [tilespmem:v22+s3+$0x0], $0xffff  }
0x140: {  	v19 =	vor.u32 s4, v36;
	v5 =	vmov v23;
	v3 =	vld.idx.msk [tilespmem:v21+s3+$0x0], $0xffff  }
0x141: {  	s4 =	sadd.s32 $0x8, s4;
	v18 =	vor.u32 s1, v54;
	v16 =	vmov v25;
	v6 =	vld.idx.msk [tilespmem:v24+s3+$0x0], $0xffff  }
0x142: {  	_ =	sdelay $0x3  }
0x143: {  	v17 =	vld.idx.msk [tilespmem:v17+s3+$0x0], $0xffff  }
0x144: {  	v21 =	vor.u32 s1, v57;
	v20 =	vld.idx.msk [tilespmem:v20+s3+$0x0], $0xffff  }
0x145: {  	v19 =	vld.idx.msk [tilespmem:v19+s3+$0x0], $0xffff  }
0x146: {  	v18 =	vld.idx.msk [tilespmem:v18+s3+$0x0], $0xffff  }
0x147: {  	v8 =	vld.idx.msk [tilespmem:v8+s3+$0x0], $0xffff  }
0x148: {  	v9 =	vmax.f32 v12, v9;
	v51 =	vld [tilespmem:$0x1FD20]  }
0x149: {  	v4 =	vmax.f32 v15, v4;
	v7 =	vmax.f32 v9, v7;
	v9 =	vmax.f32 v13, v10;
	v12 =	vld.idx.msk [tilespmem:v21+s3+$0x0], $0xffff  }
0x14a: {  	v53 =	vld [tilespmem:$0x1FFC0];
	v10 =	vmax.f32 v14, v16;
	v2 =	vmax.f32 v4, v2;
	v9 =	vmax.f32 v9, v11  }
0x14b: {  	v35 =	vld [tilespmem:$0x1FD00];
	v5 =	vmax.f32 v10, v5;
	v2 =	vmax.f32 v2, v6;
	v4 =	vmax.f32 v7, v20  }
0x14c: {  	s4 =	simm.s32 $0x0;
	v36 =	vld [tilespmem:$0x1FD10];
	v7 =	vmax.f32 v9, v18;
	v5 =	vmax.f32 v5, v17;
	v2 =	vmax.f32 v2, v3  }
0x14d: {  	v55 =	vld [tilespmem:$0x1FFE0];
	v3 =	vor.u32 s4, v51;
	v4 =	vmax.f32 v4, v19;
	v5 =	vmax.f32 v5, v8  }
0x14e: {  	v54 =	vld [tilespmem:$0x1FFD0];
	v2 =	vmax.f32 v5, v2;
	v5 =	vor.u32 s4, v0;
	v6 =	vmax.f32 v7, v12  }
0x14f: {  	v8 =	vor.u32 s4, v53;
	v4 =	vmax.f32 v4, v6  }
0x150: {  	v10 =	vor.u32 s4, v35;
	v2 =	vmax.f32 v4, v2  }
0x151: {  	v6 =	vor.u32 s4, v36;
	[tilespmem:$0x5850] =	vst v2  }
0x152: {  	v7 =	vor.u32 s4, v55;
	v4 =	vld.idx.msk [tilespmem:v3+s3+$0x0], $0xffff  }
0x153: {  	v9 =	vor.u32 s4, v54;
	v5 =	vld.idx.msk [tilespmem:v5+s3+$0x0], $0xffff  }
0x154: {  	s1 =	simm.s32 $0x8;
	v3 =	vor.u32 s4, v58;
	v8 =	vld.idx.msk [tilespmem:v8+s3+$0x0], $0xffff  }
0x155: {  	v13 =	vor.u32 s1, v55;
	v10 =	vld.idx.msk [tilespmem:v10+s3+$0x0], $0xffff  }
0x156: {  	v16 =	vld.idx.msk [tilespmem:v6+s3+$0x0], $0xffff;
	v6 =	vor.u32 s1, v51  }
0x157: {  	v12 =	vor.u32 s1, v0;
	v2 =	vld.idx.msk [tilespmem:v7+s3+$0x0], $0xffff  }
0x158: {  	v17 =	vor.u32 s1, v36;
	v7 =	vld.idx.msk [tilespmem:v9+s3+$0x0], $0xffff  }
0x159: {  	v20 =	vor.u32 s1, v53;
	v11 =	vld.idx.msk [tilespmem:v3+s3+$0x0], $0xffff  }
0x15a: {  	v15 =	vimm.f32 $-Inf;
	v14 =	vimm.f32 $-Inf;
	v19 =	vor.u32 s1, v54;
	v3 =	vld.idx.msk [tilespmem:v13+s3+$0x0], $0xffff  }
0x15b: {  	v25 =	vmovc v0;
	v18 =	vor.u32 s1, v35;
	s4 =	simm.s32 $0x10;
	v9 =	vimm.f32 $-Inf;
	v13 =	vimm.f32 $-Inf;
	v6 =	vld.idx.msk [tilespmem:v6+s3+$0x0], $0xffff  }
.LBB2_20:
0x15c: {  	v21 =	vor.u32 s4, v55;
	p1 =	sne.s32 s4, $0x78;
	v22 =	vor.u32 s1, v58;
	v23 =	vld.idx.msk [tilespmem:v12+s3+$0x0], $0xffff;
	v8 =	vmax.f32 v9, v8;
	s1 =	smov.u32 s4  }
0x15d: {  	v24 =	vor.u32 s4, v51;
	v12 =	vor.u32 s4, v25;
	v25 =	vld.idx.msk [tilespmem:v17+s3+$0x0], $0xffff;
	v9 =	vmax.f32 v8, v7  }
0x15e: {  	v14 =	vmax.f32 v14, v16;
	v4 =	vmax.f32 v15, v4;
	v10 =	vmax.f32 v13, v10;
	v8 =	vld.idx.msk [tilespmem:v20+s3+$0x0], $0xffff  }
.Ltmp11:
0x15f: {  	v14 =	vmax.f32 v14, v5;
	v15 =	vmax.f32 v4, v2;
	v13 =	vmax.f32 v10, v11;
	v7 =	vld.idx.msk [tilespmem:v19+s3+$0x0], $0xffff;
	(pc) =	sbr.rel @p1 .LBB2_20-.Ltmp11, $4  }
0x160: {  	v17 =	vor.u32 s4, v36;
	v2 =	vmov v3;
	v10 =	vld.idx.msk [tilespmem:v18+s3+$0x0], $0xffff  }
0x161: {  	v20 =	vor.u32 s4, v53;
	v4 =	vmov v6;
	v11 =	vld.idx.msk [tilespmem:v22+s3+$0x0], $0xffff  }
0x162: {  	v19 =	vor.u32 s4, v54;
	v5 =	vmov v23;
	v3 =	vld.idx.msk [tilespmem:v21+s3+$0x0], $0xffff  }
0x163: {  	s4 =	sadd.s32 $0x8, s4;
	v18 =	vor.u32 s1, v35;
	v16 =	vmov v25;
	v25 =	vmov v0;
	v6 =	vld.idx.msk [tilespmem:v24+s3+$0x0], $0xffff  }
0x164: {  	_ =	sdelay $0x3  }
0x165: {  	v21 =	vor.u32 s1, v58;
	v12 =	vld.idx.msk [tilespmem:v12+s3+$0x0], $0xffff  }
0x166: {  	v17 =	vld.idx.msk [tilespmem:v17+s3+$0x0], $0xffff  }
0x167: {  	v20 =	vld.idx.msk [tilespmem:v20+s3+$0x0], $0xffff  }
0x168: {  	v19 =	vld.idx.msk [tilespmem:v19+s3+$0x0], $0xffff  }
0x169: {  	v18 =	vld.idx.msk [tilespmem:v18+s3+$0x0], $0xffff  }
0x16a: {  	v8 =	vmax.f32 v9, v8;
	v51 =	vld.idx.msk [tilespmem:v21+s3+$0x0], $0xffff  }
0x16b: {  	v53 =	vmax.f32 v14, v16;
	v4 =	vmax.f32 v15, v4;
	v7 =	vmax.f32 v8, v7  }
0x16c: {  	v52 =	vmax.f32 v13, v10;
	v5 =	vmax.f32 v53, v5;
	v2 =	vmax.f32 v4, v2  }
0x16d: {  	v8 =	vmax.f32 v52, v11;
	v2 =	vmax.f32 v2, v6;
	v7 =	vmax.f32 v7, v20  }
0x16e: {  	v55 =	vmax.f32 v8, v18;
	v5 =	vmax.f32 v5, v17;
	v2 =	vmax.f32 v2, v3  }
0x16f: {  	v54 =	vmax.f32 v7, v19;
	v5 =	vmax.f32 v5, v12;
	v56 =	vmax.f32 v55, v51  }
0x170: {  	v2 =	vmax.f32 v5, v2;
	v3 =	vmax.f32 v54, v56  }
0x171: {  	v55 =	vimm.f32 $-Inf;
	v2 =	vmax.f32 v3, v2  }
0x172: {  	[tilespmem:$0x5870] =	vst v55;
	v2 =	vnsel vm1, $0xFF800000, v2  }
0x173: {  	[tilespmem:$0x5860] =	vst v2  }
0x174: {  	[spmem:s5] =	stream.linear.scatter [tilespmem:s0], [sflag:$0x2], $0x1880, $0x38;
	[tilespmem:$0x1F380] =	vst v63  }
.Ltmp12:
0x175: {  	_ =	swait.ge [sflag:s11], $0x1880;
	(pc) =	sbr.rel @p0 .LBB2_63-.Ltmp12, $4  }
0x176: {  	[sflag:s11] =	ssyncset.done $0x0  }
0x177: {  	[sflag:s11] =	ssyncadd.s32 $0xFFFFE780  }
0x178: {  	[bflag:$0x0] =	sbarrier.arrive $0xFFFF  }
0x179: {  	v17 =	vmov v50;
	v54 =	vlaneseq.u32  }
0x17a: {  	s4 =	simm.s32 $0x0  }
0x17b: {  	v2 =	vmul.u32 $0x10, v54;
	v3 =	vmov s4  }
0x17c: {  	v3 =	vshll.u32 v3, $0x4  }
0x17d: {  	s0 =	rddreg [dreg:$0x10];
	v3 =	vor.u32 v2, v3  }
0x17e: {  	[tilespmem:s12], [sflag:$0x2] =	stream.linear.gather [spmem:s0], $0x3100, $0x38;
	v4 =	vor.u32 $0xE, v3;
	[tilespmem:$0x1F380] =	vst v63  }
0x17f: {  	_ =	swait.ge [sflag:s11], $0x3100;
	v5 =	vor.u32 $0xC, v3  }
0x180: {  	[sflag:s11] =	ssyncset.done $0x0;
	v6 =	vor.u32 $0xA, v3  }
0x181: {  	[sflag:s11] =	ssyncadd.s32 $0xFFFFCF00;
	v7 =	vor.u32 $0x8, v3  }
0x182: {  	v8 =	vor.u32 $0x6, v3;
	v15 =	vld.idx.msk [tilespmem:v3+s12+$0x0], $0xffff  }
0x183: {  	v9 =	vor.u32 $0x4, v3;
	v4 =	vld.idx.msk [tilespmem:v4+s12+$0x0], $0xffff  }
0x184: {  	v10 =	vor.u32 $0x2, v3;
	v11 =	vld.idx.msk [tilespmem:v5+s12+$0x0], $0xffff  }
0x185: {  	v12 =	vor.u32 $0x3, v3;
	v6 =	vld.idx.msk [tilespmem:v6+s12+$0x0], $0xffff  }
0x186: {  	v5 =	vor.u32 $0x1, v3;
	v7 =	vld.idx.msk [tilespmem:v7+s12+$0x0], $0xffff  }
0x187: {  	v13 =	vor.u32 $0x5, v3;
	v8 =	vld.idx.msk [tilespmem:v8+s12+$0x0], $0xffff  }
0x188: {  	v14 =	vor.u32 $0x7, v3;
	v9 =	vld.idx.msk [tilespmem:v9+s12+$0x0], $0xffff  }
0x189: {  	v16 =	vor.u32 $0x9, v3;
	v10 =	vld.idx.msk [tilespmem:v10+s12+$0x0], $0xffff  }
0x18a: {  	v17 =	vor.u32 $0xB, v3;
	v12 =	vld.idx.msk [tilespmem:v12+s12+$0x0], $0xffff  }
0x18b: {  	v18 =	vor.u32 $0xD, v3;
	v5 =	vld.idx.msk [tilespmem:v5+s12+$0x0], $0xffff  }
0x18c: {  	v13 =	vld.idx.msk [tilespmem:v13+s12+$0x0], $0xffff;
	v3 =	vor.u32 $0xF, v3  }
0x18d: {  	v14 =	vld.idx.msk [tilespmem:v14+s12+$0x0], $0xffff  }
0x18e: {  	v16 =	vld.idx.msk [tilespmem:v16+s12+$0x0], $0xffff  }
0x18f: {  	v17 =	vld.idx.msk [tilespmem:v17+s12+$0x0], $0xffff  }
0x190: {  	s31 =	simm.s32 $0x10;
	v18 =	vld.idx.msk [tilespmem:v18+s12+$0x0], $0xffff;
	v10 =	vmax.f32 v15, v10;
	v5 =	vmax.f32 v5, v12  }
0x191: {  	v62 =	vmov s31;
	v3 =	vld.idx.msk [tilespmem:v3+s12+$0x0], $0xffff;
	v9 =	vmax.f32 v10, v9;
	v5 =	vmax.f32 v5, v13  }
0x192: {  	v10 =	vshll.u32 v62, $0x4;
	v8 =	vmax.f32 v9, v8;
	v9 =	vmax.f32 v5, v14  }
0x193: {  	v7 =	vmax.f32 v8, v7;
	v5 =	vor.u32 v2, v10;
	v8 =	vmax.f32 v9, v16  }
0x194: {  	v6 =	vmax.f32 v7, v6;
	v9 =	vor.u32 $0xE, v5;
	v7 =	vmax.f32 v8, v17  }
0x195: {  	v6 =	vmax.f32 v6, v11;
	v63 =	vor.u32 $0xC, v5;
	v7 =	vmax.f32 v7, v18  }
0x196: {  	v4 =	vmax.f32 v6, v4;
	v6 =	vor.u32 $0xA, v5;
	v3 =	vmax.f32 v7, v3  }
0x197: {  	s1 =	simm.s32 $0x8980;
	v7 =	vor.u32 $0x8, v5;
	v3 =	vmax.f32 v4, v3  }
0x198: {  	v8 =	vor.u32 $0x6, v5;
	[tilespmem:s1+$0x0] =	vst v3  }
0x199: {  	v10 =	vor.u32 $0x4, v5;
	v3 =	vld.idx.msk [tilespmem:v9+s12+$0x0], $0xffff  }
0x19a: {  	s6 =	simm.s32 $0x20;
	v9 =	vor.u32 $0x2, v5;
	v4 =	vld.idx.msk [tilespmem:v63+s12+$0x0], $0xffff  }
.LBB2_23:
0x19b: {  	p1 =	seq.s32 s6, $0x300;
	v6 =	vld.idx.msk [tilespmem:v6+s12+$0x0], $0xffff  }
0x19c: {  	v11 =	vor.u32 $0x1, v5;
	v7 =	vld.idx.msk [tilespmem:v7+s12+$0x0], $0xffff  }
0x19d: {  	v12 =	vor.u32 $0x3, v5;
	v8 =	vld.idx.msk [tilespmem:v8+s12+$0x0], $0xffff  }
0x19e: {  	v13 =	vor.u32 $0x5, v5;
	v10 =	vld.idx.msk [tilespmem:v10+s12+$0x0], $0xffff  }
0x19f: {  	v14 =	vor.u32 $0x7, v5;
	v9 =	vld.idx.msk [tilespmem:v9+s12+$0x0], $0xffff  }
0x1a0: {  	v16 =	vor.u32 $0x9, v5;
	v15 =	vld.idx.msk [tilespmem:v5+s12+$0x0], $0xffff  }
0x1a1: {  	v17 =	vor.u32 $0xB, v5;
	v11 =	vld.idx.msk [tilespmem:v11+s12+$0x0], $0xffff  }
0x1a2: {  	v18 =	vor.u32 $0xD, v5;
	v12 =	vld.idx.msk [tilespmem:v12+s12+$0x0], $0xffff  }
0x1a3: {  	v5 =	vor.u32 $0xF, v5;
	v13 =	vld.idx.msk [tilespmem:v13+s12+$0x0], $0xffff  }
0x1a4: {  	v14 =	vld.idx.msk [tilespmem:v14+s12+$0x0], $0xffff  }
0x1a5: {  	v16 =	vld.idx.msk [tilespmem:v16+s12+$0x0], $0xffff  }
0x1a6: {  	v17 =	vld.idx.msk [tilespmem:v17+s12+$0x0], $0xffff  }
0x1a7: {  	v18 =	vld.idx.msk [tilespmem:v18+s12+$0x0], $0xffff  }
0x1a8: {  	v19 =	vmov s6;
	v9 =	vmax.f32 v15, v9;
	v11 =	vmax.f32 v11, v12;
	v12 =	vld.idx.msk [tilespmem:v5+s12+$0x0], $0xffff  }
0x1a9: {  	v5 =	vmax.f32 v9, v10;
	v9 =	vmax.f32 v11, v13  }
0x1aa: {  	v10 =	vshll.u32 v19, $0x4;
	v8 =	vmax.f32 v5, v8;
	v9 =	vmax.f32 v9, v14  }
0x1ab: {  	v5 =	vor.u32 v2, v10;
	v7 =	vmax.f32 v8, v7;
	v8 =	vmax.f32 v9, v16  }
0x1ac: {  	v9 =	vor.u32 $0xE, v5;
	v6 =	vmax.f32 v7, v6;
	v7 =	vmax.f32 v8, v17  }
0x1ad: {  	v11 =	vor.u32 $0xC, v5;
	v4 =	vmax.f32 v6, v4;
	v7 =	vmax.f32 v7, v18  }
.Ltmp13:
0x1ae: {  	v6 =	vor.u32 $0xA, v5;
	v3 =	vmax.f32 v4, v3;
	v4 =	vmax.f32 v7, v12;
	(pc) =	sbr.rel @!p1 .LBB2_23-.Ltmp13, $4  }
0x1af: {  	s1 =	sadd.s32 $0x10, s1;
	v7 =	vor.u32 $0x8, v5;
	v3 =	vmax.f32 v3, v4  }
0x1b0: {  	v8 =	vor.u32 $0x6, v5;
	[tilespmem:s1+$0x0] =	vst v3  }
0x1b1: {  	v10 =	vor.u32 $0x4, v5;
	v3 =	vld.idx.msk [tilespmem:v9+s12+$0x0], $0xffff  }
0x1b2: {  	s6 =	sadd.s32 $0x10, s6;
	v9 =	vor.u32 $0x2, v5;
	v4 =	vld.idx.msk [tilespmem:v11+s12+$0x0], $0xffff  }
0x1b3: {  	_ =	sdelay $0x3  }
0x1b4: {  	v2 =	vld.idx.msk [tilespmem:v6+s12+$0x0], $0xffff  }
0x1b5: {  	v6 =	vor.u32 $0x1, v5;
	v7 =	vld.idx.msk [tilespmem:v7+s12+$0x0], $0xffff  }
0x1b6: {  	v11 =	vor.u32 $0x3, v5;
	v8 =	vld.idx.msk [tilespmem:v8+s12+$0x0], $0xffff  }
0x1b7: {  	v10 =	vld.idx.msk [tilespmem:v10+s12+$0x0], $0xffff;
	v12 =	vor.u32 $0x5, v5  }
0x1b8: {  	v9 =	vld.idx.msk [tilespmem:v9+s12+$0x0], $0xffff;
	v13 =	vor.u32 $0x7, v5  }
0x1b9: {  	v14 =	vld.idx.msk [tilespmem:v5+s12+$0x0], $0xffff;
	v15 =	vor.u32 $0x9, v5  }
0x1ba: {  	v16 =	vor.u32 $0xB, v5;
	v6 =	vld.idx.msk [tilespmem:v6+s12+$0x0], $0xffff  }
0x1bb: {  	v17 =	vor.u32 $0xD, v5;
	v11 =	vld.idx.msk [tilespmem:v11+s12+$0x0], $0xffff  }
0x1bc: {  	v5 =	vor.u32 $0xF, v5;
	v12 =	vld.idx.msk [tilespmem:v12+s12+$0x0], $0xffff  }
0x1bd: {  	v13 =	vld.idx.msk [tilespmem:v13+s12+$0x0], $0xffff  }
0x1be: {  	v15 =	vld.idx.msk [tilespmem:v15+s12+$0x0], $0xffff  }
0x1bf: {  	v16 =	vld.idx.msk [tilespmem:v16+s12+$0x0], $0xffff  }
0x1c0: {  	v17 =	vld.idx.msk [tilespmem:v17+s12+$0x0], $0xffff;
	v9 =	vmax.f32 v14, v9;
	v6 =	vmax.f32 v6, v11  }
0x1c1: {  	v5 =	vld.idx.msk [tilespmem:v5+s12+$0x0], $0xffff;
	v9 =	vmax.f32 v9, v10;
	v6 =	vmax.f32 v6, v12  }
0x1c2: {  	v8 =	vmax.f32 v9, v8;
	v6 =	vmax.f32 v6, v13  }
0x1c3: {  	v7 =	vmax.f32 v8, v7;
	v6 =	vmax.f32 v6, v15  }
0x1c4: {  	v2 =	vmax.f32 v7, v2;
	v6 =	vmax.f32 v6, v16  }
0x1c5: {  	v2 =	vmax.f32 v2, v4;
	v4 =	vmax.f32 v6, v17  }
0x1c6: {  	v2 =	vmax.f32 v2, v3;
	v3 =	vmax.f32 v4, v5  }
0x1c7: {  	s1 =	sadd.s32 $0x10, s1;
	v2 =	vmax.f32 v2, v3  }
0x1c8: {  	[tilespmem:s1+$0x0] =	vst v2  }
0x1c9: {  	v45 =	vld [tilespmem:$0x8980]  }
0x1ca: {  	v46 =	vld [tilespmem:$0x8990]  }
0x1cb: {  	v44 =	vld [tilespmem:$0x89A0]  }
0x1cc: {  	v43 =	vld [tilespmem:$0x89B0]  }
0x1cd: {  	v42 =	vld [tilespmem:$0x89C0]  }
0x1ce: {  	v41 =	vld [tilespmem:$0x89D0]  }
0x1cf: {  	v40 =	vld [tilespmem:$0x89E0]  }
0x1d0: {  	v39 =	vld [tilespmem:$0x89F0]  }
0x1d1: {  	v38 =	vld [tilespmem:$0x8A00]  }
0x1d2: {  	v37 =	vld [tilespmem:$0x8A10]  }
0x1d3: {  	v36 =	vld [tilespmem:$0x8A20]  }
0x1d4: {  	v35 =	vld [tilespmem:$0x8A30]  }
0x1d5: {  	v34 =	vld [tilespmem:$0x8A40]  }
0x1d6: {  	v33 =	vld [tilespmem:$0x8A50]  }
0x1d7: {  	v32 =	vld [tilespmem:$0x8A60]  }
0x1d8: {  	v31 =	vld [tilespmem:$0x8A70]  }
0x1d9: {  	v30 =	vld [tilespmem:$0x8A80]  }
0x1da: {  	v29 =	vld [tilespmem:$0x8A90]  }
0x1db: {  	v28 =	vld [tilespmem:$0x8AA0]  }
0x1dc: {  	v27 =	vld [tilespmem:$0x8AB0]  }
0x1dd: {  	v26 =	vld [tilespmem:$0x8AC0]  }
0x1de: {  	v25 =	vld [tilespmem:$0x8AD0]  }
0x1df: {  	v24 =	vld [tilespmem:$0x8AE0]  }
0x1e0: {  	v23 =	vld [tilespmem:$0x8AF0]  }
0x1e1: {  	v22 =	vld [tilespmem:$0x8B00]  }
0x1e2: {  	v21 =	vld [tilespmem:$0x8B10]  }
0x1e3: {  	v20 =	vld [tilespmem:$0x8B20]  }
0x1e4: {  	v19 =	vld [tilespmem:$0x8B30]  }
0x1e5: {  	v18 =	vld [tilespmem:$0x8B40]  }
0x1e6: {  	v17 =	vld [tilespmem:$0x8B50]  }
0x1e7: {  	v16 =	vld [tilespmem:$0x8B60]  }
0x1e8: {  	v15 =	vld [tilespmem:$0x8B70]  }
0x1e9: {  	v14 =	vld [tilespmem:$0x8B80]  }
0x1ea: {  	v13 =	vld [tilespmem:$0x8B90]  }
0x1eb: {  	v12 =	vld [tilespmem:$0x8BA0]  }
0x1ec: {  	v11 =	vld [tilespmem:$0x8BB0]  }
0x1ed: {  	v10 =	vld [tilespmem:$0x8BC0]  }
0x1ee: {  	v9 =	vld [tilespmem:$0x8BD0]  }
0x1ef: {  	v8 =	vld [tilespmem:$0x8BE0]  }
0x1f0: {  	v7 =	vld [tilespmem:$0x8BF0]  }
0x1f1: {  	v6 =	vld [tilespmem:$0x8C00]  }
0x1f2: {  	v5 =	vld [tilespmem:$0x8C10]  }
0x1f3: {  	v4 =	vld [tilespmem:$0x8C20]  }
0x1f4: {  	p1 =	por $0x0, $0x0;
	v62 =	vld [tilespmem:$0x8C30]  }
.Ltmp14:
0x1f5: {  	v3 =	vld [tilespmem:$0x8C40];
	(pc) =	sbr.rel @p1 .LBB2_26-.Ltmp14, $4  }
0x1f6: {  	v2 =	vld [tilespmem:$0x8C50]  }
0x1f7: {  	v63 =	vld [tilespmem:$0x8C60]  }
0x1f8: {  	s6 =	simm.s32 $0x7F800000;
	s1 =	simm.s32 $0x807FFFFF;
	v59 =	vld [tilespmem:$0x8C70]  }
0x1f9: {  	s7 =	simm.s32 $0x1F;
	v61 =	vld [tilespmem:$0x8C80];
	s4 =	sand.u32 s6, s1;
	s10 =	sxor.u32 s6, s1  }
.LBB2_25:
0x1fa: {  	s8 =	smov.u32 s6  }
0x1fb: {  	p1 =	seq.s32 s7, $0x1;
	s6 =	sshra.s32 s10, $0x1  }
0x1fc: {  	s6 =	sadd.s32 s6, s4  }
0x1fd: {  	p2 =	slt.s32 s6, $0x0;
	s4 =	sxor.u32 $0x7FFFFFFF, s6;
	s10 =	smov.u32 s6  }
0x1fe: {  	s10 =	smov.u32 @p2 s4  }
0x1ff: {  	v47 =	vmov s10  }
0x200: {  	v47 =	vbroadcast v47, $0x0;
	_ =	sdelay $0x1  }
0x201: {  	vm1 =	vge.f32 v45, v47;
	vm3 =	vge.f32 v46, v47  }
0x202: {  	v48 =	vsel vm1, $0x1, v60;
	v49 =	vsel vm3, $0x1, v60;
	vm1 =	vge.f32 v44, v47  }
0x203: {  	v48 =	vadd.s32 v48, v49;
	v49 =	vsel vm1, $0x1, v60;
	vm1 =	vge.f32 v43, v47  }
0x204: {  	v48 =	vadd.s32 v49, v48;
	v49 =	vsel vm1, $0x1, v60;
	vm1 =	vge.f32 v42, v47  }
0x205: {  	v48 =	vadd.s32 v49, v48;
	v49 =	vsel vm1, $0x1, v60;
	vm1 =	vge.f32 v41, v47  }
0x206: {  	v48 =	vadd.s32 v49, v48;
	v49 =	vsel vm1, $0x1, v60;
	vm1 =	vge.f32 v40, v47  }
0x207: {  	v48 =	vadd.s32 v49, v48;
	v49 =	vsel vm1, $0x1, v60;
	vm1 =	vge.f32 v39, v47  }
0x208: {  	v48 =	vadd.s32 v49, v48;
	v49 =	vsel vm1, $0x1, v60;
	vm1 =	vge.f32 v38, v47  }
0x209: {  	v48 =	vadd.s32 v49, v48;
	v49 =	vsel vm1, $0x1, v60;
	vm1 =	vge.f32 v37, v47  }
0x20a: {  	v48 =	vadd.s32 v49, v48;
	v49 =	vsel vm1, $0x1, v60;
	vm1 =	vge.f32 v36, v47  }
0x20b: {  	v48 =	vadd.s32 v49, v48;
	v49 =	vsel vm1, $0x1, v60;
	vm1 =	vge.f32 v35, v47  }
0x20c: {  	v48 =	vadd.s32 v49, v48;
	v49 =	vsel vm1, $0x1, v60;
	vm1 =	vge.f32 v34, v47  }
0x20d: {  	v48 =	vadd.s32 v49, v48;
	v49 =	vsel vm1, $0x1, v60;
	vm1 =	vge.f32 v33, v47  }
0x20e: {  	v48 =	vadd.s32 v49, v48;
	v49 =	vsel vm1, $0x1, v60;
	vm1 =	vge.f32 v32, v47  }
0x20f: {  	v48 =	vadd.s32 v49, v48;
	v49 =	vsel vm1, $0x1, v60;
	vm1 =	vge.f32 v31, v47  }
0x210: {  	v48 =	vadd.s32 v49, v48;
	v49 =	vsel vm1, $0x1, v60;
	vm1 =	vge.f32 v30, v47  }
0x211: {  	v48 =	vadd.s32 v49, v48;
	v49 =	vsel vm1, $0x1, v60;
	vm1 =	vge.f32 v29, v47  }
0x212: {  	v48 =	vadd.s32 v49, v48;
	v49 =	vsel vm1, $0x1, v60;
	vm1 =	vge.f32 v28, v47  }
0x213: {  	v48 =	vadd.s32 v49, v48;
	v49 =	vsel vm1, $0x1, v60;
	vm1 =	vge.f32 v27, v47  }
0x214: {  	v48 =	vadd.s32 v49, v48;
	v49 =	vsel vm1, $0x1, v60;
	vm1 =	vge.f32 v26, v47  }
0x215: {  	v48 =	vadd.s32 v49, v48;
	v49 =	vsel vm1, $0x1, v60;
	vm1 =	vge.f32 v25, v47  }
0x216: {  	v48 =	vadd.s32 v49, v48;
	v49 =	vsel vm1, $0x1, v60;
	vm1 =	vge.f32 v24, v47  }
0x217: {  	v48 =	vadd.s32 v49, v48;
	v49 =	vsel vm1, $0x1, v60;
	vm1 =	vge.f32 v23, v47  }
0x218: {  	v48 =	vadd.s32 v49, v48;
	v49 =	vsel vm1, $0x1, v60;
	vm1 =	vge.f32 v22, v47  }
0x219: {  	v48 =	vadd.s32 v49, v48;
	v49 =	vsel vm1, $0x1, v60;
	vm1 =	vge.f32 v21, v47  }
0x21a: {  	v48 =	vadd.s32 v49, v48;
	v49 =	vsel vm1, $0x1, v60;
	vm1 =	vge.f32 v20, v47  }
0x21b: {  	v48 =	vadd.s32 v49, v48;
	v49 =	vsel vm1, $0x1, v60;
	vm1 =	vge.f32 v19, v47  }
0x21c: {  	v48 =	vadd.s32 v49, v48;
	v49 =	vsel vm1, $0x1, v60;
	vm1 =	vge.f32 v18, v47  }
0x21d: {  	v48 =	vadd.s32 v49, v48;
	v49 =	vsel vm1, $0x1, v60;
	vm1 =	vge.f32 v17, v47  }
0x21e: {  	v48 =	vadd.s32 v49, v48;
	v49 =	vsel vm1, $0x1, v60;
	vm1 =	vge.f32 v16, v47  }
0x21f: {  	v48 =	vadd.s32 v49, v48;
	v49 =	vsel vm1, $0x1, v60;
	vm1 =	vge.f32 v15, v47  }
0x220: {  	v48 =	vadd.s32 v49, v48;
	v49 =	vsel vm1, $0x1, v60;
	vm1 =	vge.f32 v14, v47  }
0x221: {  	v48 =	vadd.s32 v49, v48;
	v49 =	vsel vm1, $0x1, v60;
	vm1 =	vge.f32 v13, v47  }
0x222: {  	v48 =	vadd.s32 v49, v48;
	v49 =	vsel vm1, $0x1, v60;
	vm1 =	vge.f32 v12, v47  }
0x223: {  	v48 =	vadd.s32 v49, v48;
	v49 =	vsel vm1, $0x1, v60;
	vm1 =	vge.f32 v11, v47  }
0x224: {  	v48 =	vadd.s32 v49, v48;
	v49 =	vsel vm1, $0x1, v60;
	vm1 =	vge.f32 v10, v47  }
0x225: {  	v48 =	vadd.s32 v49, v48;
	v49 =	vsel vm1, $0x1, v60;
	vm1 =	vge.f32 v9, v47  }
0x226: {  	v48 =	vadd.s32 v49, v48;
	v49 =	vsel vm1, $0x1, v60;
	vm1 =	vge.f32 v8, v47  }
0x227: {  	v48 =	vadd.s32 v49, v48;
	v49 =	vsel vm1, $0x1, v60;
	vm1 =	vge.f32 v7, v47  }
0x228: {  	v48 =	vadd.s32 v49, v48;
	v49 =	vsel vm1, $0x1, v60;
	vm1 =	vge.f32 v6, v47  }
0x229: {  	v48 =	vadd.s32 v49, v48;
	v49 =	vsel vm1, $0x1, v60;
	vm1 =	vge.f32 v5, v47  }
0x22a: {  	v48 =	vadd.s32 v49, v48;
	v49 =	vsel vm1, $0x1, v60;
	vm1 =	vge.f32 v4, v47  }
0x22b: {  	v48 =	vadd.s32 v49, v48;
	v49 =	vsel vm1, $0x1, v60;
	vm1 =	vge.f32 v62, v47  }
0x22c: {  	v48 =	vadd.s32 v49, v48;
	v49 =	vsel vm1, $0x1, v60;
	vm1 =	vge.f32 v3, v47  }
0x22d: {  	v48 =	vadd.s32 v49, v48;
	v49 =	vsel vm1, $0x1, v60;
	vm1 =	vge.f32 v2, v47  }
0x22e: {  	v48 =	vadd.s32 v49, v48;
	v49 =	vsel vm1, $0x1, v60;
	vm1 =	vge.f32 v63, v47  }
0x22f: {  	v48 =	vadd.s32 v49, v48;
	v49 =	vsel vm1, $0x1, v60;
	vm1 =	vge.f32 v59, v47  }
0x230: {  	v48 =	vadd.s32 v49, v48;
	v49 =	vsel vm1, $0x1, v60;
	vm1 =	vge.f32 v61, v47  }
0x231: {  	v47 =	vadd.s32 v49, v48;
	v48 =	vsel vm1, $0x1, v60  }
0x232: {  	v47 =	vadd.s32 v48, v47  }
0x233: {  	(xrf0) =	vadd.scan.msk.s32 $0xffff, v47;
	_ =	sdelay $0x5  }
0x234: {  	v47, _, _ =	vpop (xrf0)  }
0x235: {  	(v2sf) =	vpush v47, $0xF;
	_ =	sdelay $0xd  }
.Ltmp15:
0x236: {  	(pc) =	sbr.rel @!p1 .LBB2_25-.Ltmp15, $4  }
0x237: {  	s4 =	spop (v2sf)  }
0x238: {  	p2 =	sgt.s32 s4, $0x12B  }
0x239: {  	s1 =	smov.u32 @p2 s6;
	s6 =	smov.u32 @p2 s8  }
0x23a: {  	s7 =	sadd.s32 $0xFFFFFFFF, s7;
	s4 =	sand.u32 s6, s1;
	s10 =	sxor.u32 s6, s1  }
.LBB2_26:
0x23b: {  	s6 =	sshra.s32 s10, $0x1  }
0x23c: {  	s6 =	sadd.s32 s6, s4  }
0x23d: {  	p1 =	slt.s32 s6, $0x0;
	s4 =	sxor.u32 $0x7FFFFFFF, s6;
	s7 =	smov.u32 s6  }
0x23e: {  	s7 =	smov.u32 @p1 s4  }
0x23f: {  	v47 =	vmov s7  }
0x240: {  	v47 =	vbroadcast v47, $0x0;
	_ =	sdelay $0x1  }
0x241: {  	vm1 =	vge.f32 v45, v47;
	vm3 =	vge.f32 v46, v47  }
0x242: {  	v45 =	vsel vm1, $0x1, v60;
	v46 =	vsel vm3, $0x1, v60;
	vm1 =	vge.f32 v44, v47  }
0x243: {  	v51 =	vadd.s32 v45, v46;
	v52 =	vsel vm1, $0x1, v60;
	vm1 =	vge.f32 v43, v47  }
0x244: {  	v53 =	vadd.s32 v52, v51;
	v56 =	vsel vm1, $0x1, v60;
	vm1 =	vge.f32 v42, v47  }
0x245: {  	v46 =	vadd.s32 v56, v53;
	v48 =	vsel vm1, $0x1, v60;
	vm1 =	vge.f32 v41, v47  }
0x246: {  	v49 =	vadd.s32 v48, v46;
	v51 =	vsel vm1, $0x1, v60;
	vm1 =	vge.f32 v40, v47  }
0x247: {  	v52 =	vadd.s32 v51, v49;
	v53 =	vsel vm1, $0x1, v60;
	vm1 =	vge.f32 v39, v47  }
0x248: {  	v56 =	vadd.s32 v53, v52;
	v44 =	vsel vm1, $0x1, v60;
	vm1 =	vge.f32 v38, v47  }
0x249: {  	v45 =	vadd.s32 v44, v56;
	v46 =	vsel vm1, $0x1, v60;
	vm1 =	vge.f32 v37, v47  }
0x24a: {  	v48 =	vadd.s32 v46, v45;
	v49 =	vsel vm1, $0x1, v60;
	vm1 =	vge.f32 v36, v47  }
0x24b: {  	v51 =	vadd.s32 v49, v48;
	v52 =	vsel vm1, $0x1, v60;
	vm1 =	vge.f32 v35, v47  }
0x24c: {  	v53 =	vadd.s32 v52, v51;
	v56 =	vsel vm1, $0x1, v60;
	vm1 =	vge.f32 v34, v47  }
0x24d: {  	v39 =	vadd.s32 v56, v53;
	v40 =	vsel vm1, $0x1, v60;
	vm1 =	vge.f32 v33, v47  }
0x24e: {  	v41 =	vadd.s32 v40, v39;
	v42 =	vsel vm1, $0x1, v60;
	vm1 =	vge.f32 v32, v47  }
0x24f: {  	v43 =	vadd.s32 v42, v41;
	v44 =	vsel vm1, $0x1, v60;
	vm1 =	vge.f32 v31, v47  }
0x250: {  	v45 =	vadd.s32 v44, v43;
	v46 =	vsel vm1, $0x1, v60;
	vm1 =	vge.f32 v30, v47  }
0x251: {  	v48 =	vadd.s32 v46, v45;
	v49 =	vsel vm1, $0x1, v60;
	vm1 =	vge.f32 v29, v47  }
0x252: {  	v51 =	vadd.s32 v49, v48;
	v52 =	vsel vm1, $0x1, v60;
	vm1 =	vge.f32 v28, v47  }
0x253: {  	v53 =	vadd.s32 v52, v51;
	v56 =	vsel vm1, $0x1, v60;
	vm1 =	vge.f32 v27, v47  }
0x254: {  	v27 =	vadd.s32 v56, v53;
	v32 =	vsel vm1, $0x1, v60;
	vm1 =	vge.f32 v26, v47  }
0x255: {  	v26 =	vadd.s32 v32, v27;
	v27 =	vsel vm1, $0x1, v60;
	vm1 =	vge.f32 v25, v47  }
0x256: {  	v25 =	vadd.s32 v27, v26;
	v26 =	vsel vm1, $0x1, v60;
	vm1 =	vge.f32 v24, v47  }
0x257: {  	v24 =	vadd.s32 v26, v25;
	v25 =	vsel vm1, $0x1, v60;
	vm1 =	vge.f32 v23, v47  }
0x258: {  	v33 =	vadd.s32 v25, v24;
	v24 =	vsel vm1, $0x1, v60;
	vm1 =	vge.f32 v22, v47  }
0x259: {  	v34 =	vadd.s32 v24, v33;
	v35 =	vsel vm1, $0x1, v60;
	vm1 =	vge.f32 v21, v47  }
0x25a: {  	v36 =	vadd.s32 v35, v34;
	v37 =	vsel vm1, $0x1, v60;
	vm1 =	vge.f32 v20, v47  }
0x25b: {  	v38 =	vadd.s32 v37, v36;
	v39 =	vsel vm1, $0x1, v60;
	vm1 =	vge.f32 v19, v47  }
0x25c: {  	v19 =	vadd.s32 v39, v38;
	v40 =	vsel vm1, $0x1, v60;
	vm1 =	vge.f32 v18, v47  }
0x25d: {  	v18 =	vadd.s32 v40, v19;
	v19 =	vsel vm1, $0x1, v60;
	vm1 =	vge.f32 v17, v47  }
0x25e: {  	v17 =	vadd.s32 v19, v18;
	v18 =	vsel vm1, $0x1, v60;
	vm1 =	vge.f32 v16, v47  }
0x25f: {  	v16 =	vadd.s32 v18, v17;
	v17 =	vsel vm1, $0x1, v60;
	vm1 =	vge.f32 v15, v47  }
0x260: {  	v15 =	vadd.s32 v17, v16;
	v16 =	vsel vm1, $0x1, v60;
	vm1 =	vge.f32 v14, v47  }
0x261: {  	v41 =	vadd.s32 v16, v15;
	v15 =	vsel vm1, $0x1, v60;
	vm1 =	vge.f32 v13, v47  }
0x262: {  	v42 =	vadd.s32 v15, v41;
	v43 =	vsel vm1, $0x1, v60;
	vm1 =	vge.f32 v12, v47  }
0x263: {  	v44 =	vadd.s32 v43, v42;
	v45 =	vsel vm1, $0x1, v60;
	vm1 =	vge.f32 v11, v47  }
0x264: {  	v46 =	vadd.s32 v45, v44;
	v48 =	vsel vm1, $0x1, v60;
	vm1 =	vge.f32 v10, v47  }
0x265: {  	v49 =	vadd.s32 v48, v46;
	v51 =	vsel vm1, $0x1, v60;
	vm1 =	vge.f32 v9, v47  }
0x266: {  	v52 =	vadd.s32 v51, v49;
	v53 =	vsel vm1, $0x1, v60;
	vm1 =	vge.f32 v8, v47  }
0x267: {  	v8 =	vadd.s32 v53, v52;
	v56 =	vsel vm1, $0x1, v60;
	vm1 =	vge.f32 v7, v47  }
0x268: {  	v7 =	vadd.s32 v56, v8;
	v8 =	vsel vm1, $0x1, v60;
	vm1 =	vge.f32 v6, v47  }
0x269: {  	v6 =	vadd.s32 v8, v7;
	v7 =	vsel vm1, $0x1, v60;
	vm1 =	vge.f32 v5, v47  }
0x26a: {  	v5 =	vadd.s32 v7, v6;
	v6 =	vsel vm1, $0x1, v60;
	vm1 =	vge.f32 v4, v47  }
0x26b: {  	v4 =	vadd.s32 v6, v5;
	v5 =	vsel vm1, $0x1, v60;
	vm1 =	vge.f32 v62, v47  }
0x26c: {  	v4 =	vadd.s32 v5, v4;
	v5 =	vsel vm1, $0x1, v60;
	vm1 =	vge.f32 v3, v47  }
0x26d: {  	v3 =	vadd.s32 v5, v4;
	v4 =	vsel vm1, $0x1, v60;
	vm1 =	vge.f32 v2, v47  }
0x26e: {  	v2 =	vadd.s32 v4, v3;
	v3 =	vsel vm1, $0x1, v60;
	vm1 =	vge.f32 v63, v47  }
0x26f: {  	v2 =	vadd.s32 v3, v2;
	v3 =	vsel vm1, $0x1, v60;
	vm1 =	vge.f32 v59, v47  }
0x270: {  	v2 =	vadd.s32 v3, v2;
	v3 =	vsel vm1, $0x1, v60;
	vm1 =	vge.f32 v61, v47  }
0x271: {  	v2 =	vadd.s32 v3, v2;
	v3 =	vsel vm1, $0x1, v60  }
0x272: {  	v2 =	vadd.s32 v3, v2  }
0x273: {  	(xrf0) =	vadd.scan.msk.s32 $0xffff, v2;
	_ =	sdelay $0x5  }
0x274: {  	v2, _, _ =	vpop (xrf0)  }
0x275: {  	(v2sf) =	vpush v2, $0xF;
	_ =	sdelay $0x5  }
0x276: {  	v35 =	vld [tilespmem:$0x1FCA0]  }
0x277: {  	v37 =	vld [tilespmem:$0x1FD40]  }
0x278: {  	v38 =	vld [tilespmem:$0x1FD50]  }
0x279: {  	v39 =	vld [tilespmem:$0x1FD60]  }
0x27a: {  	v40 =	vld [tilespmem:$0x1FD70]  }
0x27b: {  	v41 =	vld [tilespmem:$0x1FD80]  }
0x27c: {  	v42 =	vld [tilespmem:$0x1FD90]  }
0x27d: {  	v43 =	vld [tilespmem:$0x1FDA0]  }
0x27e: {  	v44 =	vld [tilespmem:$0x1FDB0]  }
0x27f: {  	v45 =	vld [tilespmem:$0x1FDC0];
	s31 =	spop (v2sf)  }
0x280: {  	v46 =	vld [tilespmem:$0x1FDD0];
	p1 =	sgt.s32 s31, $0x12B  }
0x281: {  	v6 =	vld [tilespmem:$0x1FC90];
	s1 =	smov.u32 @p1 s6;
	s6 =	rddreg [dreg:$0x16]  }
0x282: {  	s4 =	simm.s32 $0x40;
	s7 =	simm.s32 $0x0;
	v25 =	vmov v0;
	v17 =	vmov v50;
	v62 =	vld [tilespmem:$0x1FE30];
	v2 =	vadd.s32 s6, v54  }
.LBB2_27:
0x283: {  	p1 =	seq.s32 s4, $0x7C0  }
0x284: {  	[tilespmem:s7+$0x8D00] =	vst v2;
	s6 =	sadd.s32 $0x10, s6;
	s7 =	smov.u32 s4;
	s4 =	sadd.s32 $0x40, s4  }
.Ltmp16:
0x285: {  	(pc) =	sbr.rel @!p1 .LBB2_27-.Ltmp16, $2  }
0x286: {  	_ =	sdelay $0x2  }
0x287: {  	v2 =	vadd.s32 s6, v54;
	s7 =	sshra.s32 s7, $0x2  }
0x288: {  	p1 =	slt.s32 s1, $0x0;
	s4 =	sxor.u32 $0x7FFFFFFF, s1  }
0x289: {  	s1 =	smov.u32 @p1 s4  }
0x28a: {  	[tilespmem:s7+$0x8D00] =	vst v2;
	s31 =	simm.s32 $0x5880;
	v2 =	vmov s1  }
0x28b: {  	v63 =	vbroadcast v2, $0x0;
	v2 =	vld [tilespmem:s31+$0x0];
	_ =	sdelay $0x4  }
0x28c: {  	vm1 =	vge.f32 v2, v63  }
0x28d: {  	v2 =	vsel vm1, $0x1, v60  }
0x28e: {  	(xrf0) =	vadd.scan.msk.s32 $0xffff, v2;
	_ =	sdelay $0x1  }
0x28f: {  	s1 =	simm.s32 $0x0  }
0x290: {  	v4 =	vor.u32 s1, v54  }
0x291: {  	v3 =	vmov s1;
	v2 =	vadd.s32 $0xFFFFFFEA, v54  }
0x292: {  	v49 =	vld [tilespmem:$0x1FE00];
	vm3 =	vlt.u32 v3, $0x1880;
	v3 =	vadd.s32 s1, v2  }
0x293: {  	v47 =	vld [tilespmem:$0x1FDE0];
	v3 =	vsel vm3, v4, v3;
	v4, _, _ =	vpop (xrf0)  }
0x294: {  	v3 =	vadd.s32 v6, v3;
	(v2sf) =	vpush v4, $0xF  }
0x295: {  	v48 =	vld [tilespmem:$0x1FDF0];
	s6 =	simm.s32 $0x5890;
	[tilespmem:s1+$0x8D00] =	vst.msk vm1, v3  }
0x296: {  	s7 =	simm.s32 $0x20;
	s4 =	simm.s32 $0x10;
	v3 =	vld [tilespmem:s6+$0x0]  }
.LBB2_29:
0x297: {  	p1 =	sne.s32 s7, $0x30F0;
	_ =	sdelay $0x3  }
0x298: {  	vm1 =	vge.f32 v3, v63  }
0x299: {  	v3 =	vsel vm1, $0x1, v60  }
0x29a: {  	(xrf0) =	vadd.scan.msk.s32 $0xffff, v3;
	_ =	sdelay $0x3  }
0x29b: {  	v3 =	vmov s4  }
.Ltmp17:
0x29c: {  	v0 =	vor.u32 s4, v54;
	vm3 =	vlt.u32 v3, $0x1880;
	v3 =	vadd.s32 s4, v2;
	s4 =	smov.u32 s7;
	(pc) =	sbr.rel @p1 .LBB2_29-.Ltmp17, $4  }
0x29d: {  	v3 =	vsel vm3, v0, v3;
	v4, _, _ =	vpop (xrf0);
	s8 =	spop (v2sf)  }
0x29e: {  	v3 =	vadd.s32 v6, v3;
	(v2sf) =	vpush v4, $0xF;
	s1 =	sadd.s32 s1, s8  }
0x29f: {  	s6 =	sadd.s32 $0x10, s6;
	[tilespmem:s1+$0x8D00] =	vst.msk vm1, v3  }
0x2a0: {  	s7 =	sadd.s32 $0x10, s7;
	v3 =	vld [tilespmem:s6+$0x0]  }
0x2a1: {  	_ =	sdelay $0x3  }
0x2a2: {  	vm1 =	vge.f32 v3, v63  }
0x2a3: {  	v3 =	vsel vm1, $0x1, v60  }
0x2a4: {  	(xrf0) =	vadd.scan.msk.s32 $0xffff, v3;
	_ =	sdelay $0x5  }
0x2a5: {  	v3, _, _ =	vpop (xrf0)  }
0x2a6: {  	(v2sf) =	vpush v3, $0xF;
	_ =	sdelay $0x8  }
0x2a7: {  	v3 =	vmov s4  }
0x2a8: {  	v4 =	vor.u32 s4, v54;
	v2 =	vadd.s32 s4, v2;
	vm3 =	vlt.u32 v3, $0x1880  }
0x2a9: {  	s23 =	spop (v2sf);
	v2 =	vsel vm3, v4, v2  }
0x2aa: {  	s1 =	sadd.s32 s1, s23;
	v2 =	vadd.s32 v6, v2  }
0x2ab: {  	s0 =	rddreg [dreg:$0x9];
	s6 =	simm.s32 $0x8D00;
	s7 =	simm.s32 $0xBE80;
	[tilespmem:s1+$0x8D00] =	vst.msk vm1, v2  }
0x2ac: {  	[tilespmem:s7], [sflag:$0x1] =	stream.indirect.gather [hbm4b:s0+s13], $0x80, s6, s13, $0xb8;
	[tilespmem:$0x1F380] =	vst v63  }
0x2ad: {  	s24 =	spop (v2sf)  }
0x2ae: {  	_ =	swait.ge [sflag:s14], $0x4000  }
0x2af: {  	[sflag:s14] =	ssyncset.done $0x0  }
0x2b0: {  	s25 =	simm.s32 $0x8D80;
	s26 =	simm.s32 $0xFE80;
	[sflag:s14] =	ssyncadd.s32 $0xFFFFC000  }
0x2b1: {  	[tilespmem:s26], [sflag:$0x1] =	stream.indirect.gather [hbm4b:s0+s13], $0x80, s25, s13, $0xb8;
	[tilespmem:$0x1F380] =	vst v63  }
0x2b2: {  	_ =	swait.ge [sflag:s14], $0x4000  }
0x2b3: {  	[sflag:s14] =	ssyncset.done $0x0  }
0x2b4: {  	s28 =	simm.s32 $0x8E00;
	s29 =	simm.s32 $0x13E80;
	[sflag:s14] =	ssyncadd.s32 $0xFFFFC000  }
0x2b5: {  	[tilespmem:s29], [sflag:$0x1] =	stream.indirect.gather [hbm4b:s0+s13], $0x80, s28, s13, $0xb8;
	[tilespmem:$0x1F380] =	vst v63  }
0x2b6: {  	_ =	swait.ge [sflag:s14], $0x4000  }
0x2b7: {  	[sflag:s14] =	ssyncset.done $0x0  }
0x2b8: {  	s30 =	simm.s32 $0x8E80;
	s31 =	simm.s32 $0x17E80;
	[sflag:s14] =	ssyncadd.s32 $0xFFFFC000  }
0x2b9: {  	[tilespmem:s31], [sflag:$0x1] =	stream.indirect.gather [hbm4b:s0+s13], $0x80, s30, s13, $0xb8;
	[tilespmem:$0x1F380] =	vst v63  }
0x2ba: {  	_ =	swait.ge [sflag:s14], $0x4000  }
0x2bb: {  	s4 =	simm.s32 $0x40;
	[sflag:s14] =	ssyncset.done $0x0  }
0x2bc: {  	s6 =	simm.s32 $0x0;
	s1 =	sadd.s32 s1, s24;
	[sflag:s14] =	ssyncadd.s32 $0xFFFFC000  }
.LBB2_31:
0x2bd: {  	p1 =	seq.s32 s4, $0xA00;
	[tilespmem:s6+$0x1BE80] =	vst v55;
	s7 =	smov.u32 s4;
	s4 =	sadd.s32 $0x40, s4  }
.Ltmp18:
0x2be: {  	[tilespmem:s6+$0x1C180] =	vst v60;
	(pc) =	sbr.rel @!p1 .LBB2_31-.Ltmp18, $2  }
0x2bf: {  	_ =	sdelay $0x2  }
0x2c0: {  	s6 =	sshra.s32 s7, $0x2  }
0x2c1: {  	p1 =	slt.s32 s1, $0x1  }
.Ltmp19:
0x2c2: {  	_ = 	snop;
	(pc) =	sbr.rel @p1 .LBB2_38-.Ltmp19, $3  }
0x2c3: {  	_ =	sdelay $0x1  }
0x2c4: {  	[tilespmem:s6+$0x1BE80] =	vst v55  }
0x2c5: {  	[tilespmem:s6+$0x1C180] =	vst v60;
	s31 =	simm.s32 $0x0;
	s4 =	simm.s32 $0x0  }
0x2c6: {  	s29 =	simm.s32 $0x0  }
0x2c7: {  	s4 =	sand.u32 $0xFFFFFFC0, s29  }
0x2c8: {  	s4 =	sshra.s32 s4, $0x2  }
0x2c9: {  	v2 =	vld [tilespmem:s4+$0x8D00]  }
0x2ca: {  	s1 =	smin.u32 s1, $0x200  }
0x2cb: {  	p2 =	sne.s32 s1, $0x1  }
.Ltmp20:
0x2cc: {  	s30 =	sand.u32 $0xF, s29;
	(pc) =	sbr.rel @!p2 .LBB2_34-.Ltmp20, $4  }
0x2cd: {  	v3 =	vmov s30  }
0x2ce: {  	vm1 =	veq.s32 v3, v54;
	v2 =	vxor.u32 $0x80000000, v2  }
0x2cf: {  	s28 =	simm.s32 $0xBEC0;
	v3 =	vnsel vm1, $0x0, v2  }
0x2d0: {  	s7 =	simm.s32 $0x1;
	p1 =	por $0x0, $0x0;
	v2 =	vld [tilespmem:s28+$0xFFFFFFC0];
	(xrf0) =	vmax.scan.msk.u32 $0xffff, v3  }
0x2d1: {  	_ =	sdelay $0x2  }
0x2d2: {  	p1 =	por $0x1, $0x1;
	vm1 =	vmmov vm8  }
0x2d3: {  	vm1 =	vmneg @p1 vm1;
	vm3 =	vge.f32 v2, v63  }
0x2d4: {  	vm1 =	vmand vm1, vm3  }
0x2d5: {  	v4, _, _ =	vpop (xrf0);
	v3 =	vsel vm1, $0x1, v60  }
0x2d6: {  	(v2sf) =	vpush v4, $0xF;
	(xrf0) =	vadd.scan.msk.s32 $0xffff, v3;
	_ =	sdelay $0x5  }
0x2d7: {  	v3, _, _ =	vpop (xrf0)  }
0x2d8: {  	(v2sf) =	vpush v3, $0xF;
	_ =	sdelay $0x7  }
0x2d9: {  	s4 =	rddreg [dreg:$0x6];
	s6 =	spop (v2sf)  }
0x2da: {  	s4 =	sadd.s32 s4, s6  }
0x2db: {  	s6 =	sshll.u32 s4, $0x7  }
0x2dc: {  	[tilespmem:s29+$0x1BE80] =	vst.msk vm1, v2;
	v3 =	vor.u32 s6, v54  }
0x2dd: {  	[tilespmem:s29+$0x1C180] =	vst.msk vm1, v3  }
0x2de: {  	v2 =	vld [tilespmem:s28+$0xFFFFFFD0];
	_ =	sdelay $0x1  }
0x2df: {  	s10 =	spop (v2sf)  }
0x2e0: {  	s4 =	sadd.s32 $0x0, s10  }
0x2e1: {  	vm1 =	vmmov vm8;
	p1 =	slt.s32 s4, $0x280  }
0x2e2: {  	vm3 =	vge.f32 v2, v63;
	vm1 =	vmneg @p1 vm1  }
0x2e3: {  	vm1 =	vmand vm3, vm1  }
0x2e4: {  	v3 =	vsel vm1, $0x1, v60  }
0x2e5: {  	(xrf0) =	vadd.scan.msk.s32 $0xffff, v3;
	_ =	sdelay $0x5  }
0x2e6: {  	v3, _, _ =	vpop (xrf0)  }
0x2e7: {  	(v2sf) =	vpush v3, $0xF;
	_ =	sdelay $0x9  }
0x2e8: {  	s8 =	sor.u32 $0x10, s6  }
0x2e9: {  	[tilespmem:s4+$0x1BE80] =	vst.msk vm1, v2;
	v3 =	vor.u32 s8, v54  }
0x2ea: {  	[tilespmem:s4+$0x1C180] =	vst.msk vm1, v3  }
0x2eb: {  	v2 =	vld [tilespmem:s28+$0xFFFFFFE0];
	_ =	sdelay $0x1  }
0x2ec: {  	s11 =	spop (v2sf)  }
0x2ed: {  	s4 =	sadd.s32 s4, s11  }
0x2ee: {  	vm1 =	vmmov vm8;
	p1 =	slt.s32 s4, $0x280  }
0x2ef: {  	vm3 =	vge.f32 v2, v63;
	vm1 =	vmneg @p1 vm1  }
0x2f0: {  	vm1 =	vmand vm3, vm1  }
0x2f1: {  	v3 =	vsel vm1, $0x1, v60  }
0x2f2: {  	(xrf0) =	vadd.scan.msk.s32 $0xffff, v3;
	_ =	sdelay $0x5  }
0x2f3: {  	v3, _, _ =	vpop (xrf0)  }
0x2f4: {  	(v2sf) =	vpush v3, $0xF;
	_ =	sdelay $0x9  }
0x2f5: {  	s12 =	sor.u32 $0x20, s6  }
0x2f6: {  	[tilespmem:s4+$0x1BE80] =	vst.msk vm1, v2;
	v3 =	vor.u32 s12, v54  }
0x2f7: {  	[tilespmem:s4+$0x1C180] =	vst.msk vm1, v3  }
0x2f8: {  	v2 =	vld [tilespmem:s28+$0xFFFFFFF0];
	_ =	sdelay $0x1  }
0x2f9: {  	s13 =	spop (v2sf)  }
0x2fa: {  	s4 =	sadd.s32 s4, s13  }
0x2fb: {  	vm1 =	vmmov vm8;
	p1 =	slt.s32 s4, $0x280  }
0x2fc: {  	vm3 =	vge.f32 v2, v63;
	vm1 =	vmneg @p1 vm1  }
0x2fd: {  	vm1 =	vmand vm3, vm1  }
0x2fe: {  	v3 =	vsel vm1, $0x1, v60  }
0x2ff: {  	(xrf0) =	vadd.scan.msk.s32 $0xffff, v3;
	_ =	sdelay $0x5  }
0x300: {  	v3, _, _ =	vpop (xrf0)  }
0x301: {  	(v2sf) =	vpush v3, $0xF;
	_ =	sdelay $0x9  }
0x302: {  	s14 =	sor.u32 $0x30, s6  }
0x303: {  	[tilespmem:s4+$0x1BE80] =	vst.msk vm1, v2;
	v3 =	vor.u32 s14, v54  }
0x304: {  	[tilespmem:s4+$0x1C180] =	vst.msk vm1, v3  }
0x305: {  	v2 =	vld [tilespmem:s28+$0x0];
	_ =	sdelay $0x1  }
0x306: {  	s15 =	spop (v2sf)  }
0x307: {  	s4 =	sadd.s32 s4, s15  }
0x308: {  	vm1 =	vmmov vm8;
	p1 =	slt.s32 s4, $0x280  }
0x309: {  	vm3 =	vge.f32 v2, v63;
	vm1 =	vmneg @p1 vm1  }
0x30a: {  	vm1 =	vmand vm3, vm1  }
0x30b: {  	v3 =	vsel vm1, $0x1, v60  }
0x30c: {  	(xrf0) =	vadd.scan.msk.s32 $0xffff, v3;
	_ =	sdelay $0x5  }
0x30d: {  	v3, _, _ =	vpop (xrf0)  }
0x30e: {  	(v2sf) =	vpush v3, $0xF;
	_ =	sdelay $0x9  }
0x30f: {  	s16 =	sor.u32 $0x40, s6  }
0x310: {  	[tilespmem:s4+$0x1BE80] =	vst.msk vm1, v2;
	v3 =	vor.u32 s16, v54  }
0x311: {  	[tilespmem:s4+$0x1C180] =	vst.msk vm1, v3  }
0x312: {  	v2 =	vld [tilespmem:s28+$0x10];
	_ =	sdelay $0x1  }
0x313: {  	s17 =	spop (v2sf)  }
0x314: {  	s4 =	sadd.s32 s4, s17  }
0x315: {  	vm1 =	vmmov vm8;
	p1 =	slt.s32 s4, $0x280  }
0x316: {  	vm3 =	vge.f32 v2, v63;
	vm1 =	vmneg @p1 vm1  }
0x317: {  	vm1 =	vmand vm3, vm1  }
0x318: {  	v3 =	vsel vm1, $0x1, v60  }
0x319: {  	(xrf0) =	vadd.scan.msk.s32 $0xffff, v3;
	_ =	sdelay $0x5  }
0x31a: {  	v3, _, _ =	vpop (xrf0)  }
0x31b: {  	(v2sf) =	vpush v3, $0xF;
	_ =	sdelay $0x9  }
0x31c: {  	s18 =	sor.u32 $0x50, s6  }
0x31d: {  	[tilespmem:s4+$0x1BE80] =	vst.msk vm1, v2;
	v3 =	vor.u32 s18, v54  }
0x31e: {  	[tilespmem:s4+$0x1C180] =	vst.msk vm1, v3  }
0x31f: {  	v2 =	vld [tilespmem:s28+$0x20];
	_ =	sdelay $0x1  }
0x320: {  	s19 =	spop (v2sf)  }
0x321: {  	s4 =	sadd.s32 s4, s19  }
0x322: {  	vm1 =	vmmov vm8;
	p1 =	slt.s32 s4, $0x280  }
0x323: {  	vm3 =	vge.f32 v2, v63;
	vm1 =	vmneg @p1 vm1  }
0x324: {  	vm1 =	vmand vm3, vm1  }
0x325: {  	v3 =	vsel vm1, $0x1, v60  }
0x326: {  	(xrf0) =	vadd.scan.msk.s32 $0xffff, v3;
	_ =	sdelay $0x5  }
0x327: {  	v3, _, _ =	vpop (xrf0)  }
0x328: {  	(v2sf) =	vpush v3, $0xF;
	_ =	sdelay $0x9  }
0x329: {  	s23 =	sor.u32 $0x60, s6  }
0x32a: {  	[tilespmem:s4+$0x1BE80] =	vst.msk vm1, v2;
	v3 =	vor.u32 s23, v54  }
0x32b: {  	[tilespmem:s4+$0x1C180] =	vst.msk vm1, v3  }
0x32c: {  	v2 =	vld [tilespmem:s28+$0x30];
	_ =	sdelay $0x1  }
0x32d: {  	s24 =	spop (v2sf)  }
0x32e: {  	s11 =	sadd.s32 s4, s24  }
0x32f: {  	vm1 =	vmmov vm8;
	p1 =	slt.s32 s11, $0x280  }
0x330: {  	vm3 =	vge.f32 v2, v63;
	vm1 =	vmneg @p1 vm1  }
0x331: {  	vm1 =	vmand vm3, vm1  }
0x332: {  	v3 =	vsel vm1, $0x1, v60  }
0x333: {  	(xrf0) =	vadd.scan.msk.s32 $0xffff, v3;
	_ =	sdelay $0x5  }
0x334: {  	v3, _, _ =	vpop (xrf0)  }
0x335: {  	(v2sf) =	vpush v3, $0xF;
	_ =	sdelay $0x4  }
0x336: {  	s25 =	sor.u32 $0x70, s6;
	s6 =	simm.s32 $0x4  }
0x337: {  	s26 =	sand.u32 $0xFFFFFFC0, s6;
	[tilespmem:s11+$0x1BE80] =	vst.msk vm1, v2;
	v3 =	vor.u32 s25, v54  }
0x338: {  	s4 =	sshra.s32 s26, $0x2;
	[tilespmem:s11+$0x1C180] =	vst.msk vm1, v3  }
0x339: {  	v2 =	vld [tilespmem:s4+$0x8D00];
	_ =	sdelay $0x1  }
0x33a: {  	p2 =	sne.s32 s1, $0x2  }
.Ltmp21:
0x33b: {  	s30 =	sand.u32 $0xF, s7;
	(pc) =	sbr.rel @!p2 .LBB2_37-.Ltmp21, $4  }
0x33c: {  	v3 =	vmov s30  }
0x33d: {  	vm1 =	veq.s32 v3, v54;
	v2 =	vxor.u32 $0x80000000, v2  }
0x33e: {  	s28 =	simm.s32 $0xBF40;
	v3 =	vnsel vm1, $0x0, v2  }
0x33f: {  	s7 =	simm.s32 $0x2;
	p1 =	por $0x1, $0x1;
	v2 =	vld [tilespmem:s28+$0xFFFFFFC0];
	(xrf0) =	vmax.scan.msk.u32 $0xffff, v3;
	s4 =	spop (v2sf)  }
.LBB2_36:
0x340: {  	_ =	sdelay $0x1  }
0x341: {  	s4 =	sadd.s32 s11, s4  }
0x342: {  	vm3 =	vmmov vm8;
	p3 =	slt.s32 s4, $0x280  }
0x343: {  	vm3 =	vmneg @p3 vm3;
	vm1 =	vge.f32 v2, v63  }
0x344: {  	vm1 =	vmand vm3, vm1  }
0x345: {  	v4, _, _ =	vpop (xrf0);
	v3 =	vsel vm1, $0x1, v60  }
0x346: {  	(v2sf) =	vpush v4, $0xF;
	(xrf0) =	vadd.scan.msk.s32 $0xffff, v3;
	_ =	sdelay $0x5  }
0x347: {  	v3, _, _ =	vpop (xrf0)  }
0x348: {  	(v2sf) =	vpush v3, $0xF;
	_ =	sdelay $0x7  }
0x349: {  	s10 =	rddreg [dreg:$0x6];
	s5 =	spop (v2sf)  }
0x34a: {  	s10 =	sadd.s32 s10, s5  }
0x34b: {  	s12 =	sshll.u32 s10, $0x7  }
0x34c: {  	[tilespmem:s4+$0x1BE80] =	vst.msk vm1, v2;
	v3 =	vor.u32 s12, v54  }
0x34d: {  	[tilespmem:s4+$0x1C180] =	vst.msk vm1, v3  }
0x34e: {  	v2 =	vld [tilespmem:s28+$0xFFFFFFD0];
	_ =	sdelay $0x1  }
0x34f: {  	s16 =	spop (v2sf)  }
0x350: {  	s4 =	sadd.s32 s4, s16  }
0x351: {  	vm3 =	vmmov vm8;
	p3 =	slt.s32 s4, $0x280  }
0x352: {  	vm1 =	vge.f32 v2, v63;
	vm3 =	vmneg @p3 vm3  }
0x353: {  	vm1 =	vmand vm1, vm3  }
0x354: {  	[tilespmem:s4+$0x1BE80] =	vst.msk vm1, v2;
	v2 =	vsel vm1, $0x1, v60  }
0x355: {  	s10 =	sor.u32 $0x20, s12;
	(xrf0) =	vadd.scan.msk.s32 $0xffff, v2  }
0x356: {  	s19 =	sor.u32 $0x30, s12;
	s9 =	sor.u32 $0x40, s12;
	s15 =	sor.u32 $0x50, s12  }
0x357: {  	s14 =	sor.u32 $0x60, s12;
	s13 =	sor.u32 $0x70, s12;
	s12 =	sor.u32 $0x10, s12  }
0x358: {  	v3 =	vor.u32 s12, v54;
	_ =	sdelay $0x2  }
0x359: {  	[tilespmem:s4+$0x1C180] =	vst.msk vm1, v3;
	v3, _, _ =	vpop (xrf0)  }
0x35a: {  	(v2sf) =	vpush v3, $0xF;
	_ =	sdelay $0xc  }
0x35b: {  	v2 =	vld [tilespmem:s28+$0xFFFFFFE0];
	_ =	sdelay $0x1  }
0x35c: {  	s17 =	spop (v2sf)  }
0x35d: {  	s4 =	sadd.s32 s4, s17  }
0x35e: {  	vm3 =	vmmov vm8;
	p3 =	slt.s32 s4, $0x280  }
0x35f: {  	vm1 =	vge.f32 v2, v63;
	vm3 =	vmneg @p3 vm3  }
0x360: {  	vm1 =	vmand vm1, vm3  }
0x361: {  	[tilespmem:s4+$0x1BE80] =	vst.msk vm1, v2;
	v2 =	vsel vm1, $0x1, v60  }
0x362: {  	(xrf0) =	vadd.scan.msk.s32 $0xffff, v2;
	_ =	sdelay $0x2  }
0x363: {  	v3 =	vor.u32 s10, v54;
	_ =	sdelay $0x2  }
0x364: {  	[tilespmem:s4+$0x1C180] =	vst.msk vm1, v3;
	v3, _, _ =	vpop (xrf0)  }
0x365: {  	(v2sf) =	vpush v3, $0xF;
	_ =	sdelay $0xc  }
0x366: {  	v2 =	vld [tilespmem:s28+$0xFFFFFFF0];
	_ =	sdelay $0x1  }
0x367: {  	s18 =	spop (v2sf)  }
0x368: {  	s4 =	sadd.s32 s4, s18  }
0x369: {  	vm3 =	vmmov vm8;
	p3 =	slt.s32 s4, $0x280  }
0x36a: {  	vm1 =	vge.f32 v2, v63;
	vm3 =	vmneg @p3 vm3  }
0x36b: {  	vm1 =	vmand vm1, vm3  }
0x36c: {  	[tilespmem:s4+$0x1BE80] =	vst.msk vm1, v2;
	v2 =	vsel vm1, $0x1, v60  }
0x36d: {  	(xrf0) =	vadd.scan.msk.s32 $0xffff, v2;
	_ =	sdelay $0x2  }
0x36e: {  	v3 =	vor.u32 s19, v54;
	_ =	sdelay $0x2  }
0x36f: {  	[tilespmem:s4+$0x1C180] =	vst.msk vm1, v3;
	v3, _, _ =	vpop (xrf0)  }
0x370: {  	(v2sf) =	vpush v3, $0xF;
	_ =	sdelay $0xc  }
0x371: {  	v2 =	vld [tilespmem:s28+$0x0];
	_ =	sdelay $0x1  }
0x372: {  	s19 =	spop (v2sf)  }
0x373: {  	s4 =	sadd.s32 s4, s19  }
0x374: {  	vm3 =	vmmov vm8;
	p3 =	slt.s32 s4, $0x280  }
0x375: {  	vm1 =	vge.f32 v2, v63;
	vm3 =	vmneg @p3 vm3  }
0x376: {  	vm1 =	vmand vm1, vm3  }
0x377: {  	[tilespmem:s4+$0x1BE80] =	vst.msk vm1, v2;
	v2 =	vsel vm1, $0x1, v60  }
0x378: {  	(xrf0) =	vadd.scan.msk.s32 $0xffff, v2;
	_ =	sdelay $0x2  }
0x379: {  	v3 =	vor.u32 s9, v54;
	_ =	sdelay $0x2  }
0x37a: {  	[tilespmem:s4+$0x1C180] =	vst.msk vm1, v3;
	v3, _, _ =	vpop (xrf0)  }
0x37b: {  	(v2sf) =	vpush v3, $0xF;
	_ =	sdelay $0xc  }
0x37c: {  	v2 =	vld [tilespmem:s28+$0x10];
	_ =	sdelay $0x1  }
0x37d: {  	s23 =	spop (v2sf)  }
0x37e: {  	s4 =	sadd.s32 s4, s23  }
0x37f: {  	vm3 =	vmmov vm8;
	p3 =	slt.s32 s4, $0x280  }
0x380: {  	vm1 =	vge.f32 v2, v63;
	vm3 =	vmneg @p3 vm3  }
0x381: {  	vm1 =	vmand vm1, vm3  }
0x382: {  	[tilespmem:s4+$0x1BE80] =	vst.msk vm1, v2;
	v2 =	vsel vm1, $0x1, v60  }
0x383: {  	(xrf0) =	vadd.scan.msk.s32 $0xffff, v2;
	_ =	sdelay $0x2  }
0x384: {  	v3 =	vor.u32 s15, v54;
	_ =	sdelay $0x2  }
0x385: {  	[tilespmem:s4+$0x1C180] =	vst.msk vm1, v3;
	v3, _, _ =	vpop (xrf0)  }
0x386: {  	(v2sf) =	vpush v3, $0xF;
	_ =	sdelay $0xc  }
0x387: {  	v2 =	vld [tilespmem:s28+$0x20];
	_ =	sdelay $0x1  }
0x388: {  	s24 =	spop (v2sf)  }
0x389: {  	s4 =	sadd.s32 s4, s24  }
0x38a: {  	vm3 =	vmmov vm8;
	p3 =	slt.s32 s4, $0x280  }
0x38b: {  	vm1 =	vge.f32 v2, v63;
	vm3 =	vmneg @p3 vm3  }
0x38c: {  	vm1 =	vmand vm1, vm3  }
0x38d: {  	[tilespmem:s4+$0x1BE80] =	vst.msk vm1, v2;
	v2 =	vsel vm1, $0x1, v60  }
0x38e: {  	(xrf0) =	vadd.scan.msk.s32 $0xffff, v2;
	_ =	sdelay $0x2  }
0x38f: {  	v3 =	vor.u32 s14, v54;
	_ =	sdelay $0x2  }
0x390: {  	[tilespmem:s4+$0x1C180] =	vst.msk vm1, v3;
	v3, _, _ =	vpop (xrf0)  }
0x391: {  	(v2sf) =	vpush v3, $0xF;
	_ =	sdelay $0xc  }
0x392: {  	v2 =	vld [tilespmem:s28+$0x30];
	_ =	sdelay $0x1  }
0x393: {  	s25 =	spop (v2sf)  }
0x394: {  	s11 =	sadd.s32 s4, s25  }
0x395: {  	vm3 =	vmmov vm8;
	p3 =	slt.s32 s11, $0x280  }
0x396: {  	vm1 =	vge.f32 v2, v63;
	vm3 =	vmneg @p3 vm3  }
0x397: {  	vm1 =	vmand vm1, vm3  }
0x398: {  	[tilespmem:s11+$0x1BE80] =	vst.msk vm1, v2;
	v2 =	vsel vm1, $0x1, v60  }
0x399: {  	(xrf0) =	vadd.scan.msk.s32 $0xffff, v2;
	_ =	sdelay $0x5  }
0x39a: {  	v2, _, _ =	vpop (xrf0)  }
0x39b: {  	(v2sf) =	vpush v2, $0xF;
	_ =	sdelay $0x4  }
0x39c: {  	s6 =	sadd.s32 $0x4, s6  }
0x39d: {  	s26 =	sand.u32 $0xFFFFFFC0, s6;
	v3 =	vor.u32 s13, v54  }
0x39e: {  	s4 =	sshra.s32 s26, $0x2;
	[tilespmem:s11+$0x1C180] =	vst.msk vm1, v3  }
0x39f: {  	v2 =	vld [tilespmem:s4+$0x8D00]  }
0x3a0: {  	s8 =	smov.u32 s7;
	s7 =	sadd.s32 $0x1, s7  }
0x3a1: {  	p2 =	sne.s32 s1, s7  }
.Ltmp22:
0x3a2: {  	s30 =	sand.u32 $0xF, s8;
	(pc) =	sbr.rel @p2 .LBB2_36-.Ltmp22, $4  }
0x3a3: {  	v3 =	vmov s30  }
0x3a4: {  	vm1 =	veq.s32 v3, v54;
	v2 =	vxor.u32 $0x80000000, v2  }
0x3a5: {  	s28 =	sadd.s32 $0x80, s28;
	v3 =	vnsel vm1, $0x0, v2  }
0x3a6: {  	v2 =	vld [tilespmem:s28+$0xFFFFFFC0];
	(xrf0) =	vmax.scan.msk.u32 $0xffff, v3;
	s4 =	spop (v2sf)  }
.LBB2_37:
0x3a7: {  	_ = 	snop  }
0x3a8: {  	s1 =	sadd.s32 @p1 s11, s4  }
0x3a9: {  	s29 =	smov.u32 @p1 s1  }
0x3aa: {  	vm1 =	vmmov vm8;
	p1 =	slt.s32 s29, $0x280  }
0x3ab: {  	vm1 =	vmneg @p1 vm1;
	vm3 =	vge.f32 v2, v63  }
0x3ac: {  	vm1 =	vmand vm1, vm3  }
0x3ad: {  	v4, _, _ =	vpop (xrf0);
	v3 =	vsel vm1, $0x1, v60  }
0x3ae: {  	(v2sf) =	vpush v4, $0xF;
	(xrf0) =	vadd.scan.msk.s32 $0xffff, v3;
	_ =	sdelay $0x5  }
0x3af: {  	v3, _, _ =	vpop (xrf0)  }
0x3b0: {  	(v2sf) =	vpush v3, $0xF;
	_ =	sdelay $0x7  }
0x3b1: {  	s11 =	rddreg [dreg:$0x6];
	s12 =	spop (v2sf)  }
0x3b2: {  	s1 =	sadd.s32 s11, s12  }
0x3b3: {  	s1 =	sshll.u32 s1, $0x7  }
0x3b4: {  	[tilespmem:s29+$0x1BE80] =	vst.msk vm1, v2;
	v3 =	vor.u32 s1, v54  }
0x3b5: {  	[tilespmem:s29+$0x1C180] =	vst.msk vm1, v3  }
0x3b6: {  	v2 =	vld [tilespmem:s28+$0xFFFFFFD0];
	_ =	sdelay $0x1  }
0x3b7: {  	s13 =	spop (v2sf)  }
0x3b8: {  	s4 =	sadd.s32 s29, s13  }
0x3b9: {  	vm1 =	vmmov vm8;
	p1 =	slt.s32 s4, $0x280  }
0x3ba: {  	vm3 =	vge.f32 v2, v63;
	vm1 =	vmneg @p1 vm1  }
0x3bb: {  	vm1 =	vmand vm3, vm1  }
0x3bc: {  	v3 =	vsel vm1, $0x1, v60  }
0x3bd: {  	(xrf0) =	vadd.scan.msk.s32 $0xffff, v3;
	_ =	sdelay $0x5  }
0x3be: {  	v3, _, _ =	vpop (xrf0)  }
0x3bf: {  	(v2sf) =	vpush v3, $0xF;
	_ =	sdelay $0x9  }
0x3c0: {  	s6 =	sor.u32 $0x10, s1  }
0x3c1: {  	[tilespmem:s4+$0x1BE80] =	vst.msk vm1, v2;
	v3 =	vor.u32 s6, v54  }
0x3c2: {  	[tilespmem:s4+$0x1C180] =	vst.msk vm1, v3  }
0x3c3: {  	v2 =	vld [tilespmem:s28+$0xFFFFFFE0];
	_ =	sdelay $0x1  }
0x3c4: {  	s14 =	spop (v2sf)  }
0x3c5: {  	s4 =	sadd.s32 s4, s14  }
0x3c6: {  	vm1 =	vmmov vm8;
	p1 =	slt.s32 s4, $0x280  }
0x3c7: {  	vm3 =	vge.f32 v2, v63;
	vm1 =	vmneg @p1 vm1  }
0x3c8: {  	vm1 =	vmand vm3, vm1  }
0x3c9: {  	v3 =	vsel vm1, $0x1, v60  }
0x3ca: {  	(xrf0) =	vadd.scan.msk.s32 $0xffff, v3;
	_ =	sdelay $0x5  }
0x3cb: {  	v3, _, _ =	vpop (xrf0)  }
0x3cc: {  	(v2sf) =	vpush v3, $0xF;
	_ =	sdelay $0x9  }
0x3cd: {  	s15 =	sor.u32 $0x20, s1  }
0x3ce: {  	[tilespmem:s4+$0x1BE80] =	vst.msk vm1, v2;
	v3 =	vor.u32 s15, v54  }
0x3cf: {  	[tilespmem:s4+$0x1C180] =	vst.msk vm1, v3  }
0x3d0: {  	v2 =	vld [tilespmem:s28+$0xFFFFFFF0];
	_ =	sdelay $0x1  }
0x3d1: {  	s16 =	spop (v2sf)  }
0x3d2: {  	s4 =	sadd.s32 s4, s16  }
0x3d3: {  	vm1 =	vmmov vm8;
	p1 =	slt.s32 s4, $0x280  }
0x3d4: {  	vm3 =	vge.f32 v2, v63;
	vm1 =	vmneg @p1 vm1  }
0x3d5: {  	vm1 =	vmand vm3, vm1  }
0x3d6: {  	v3 =	vsel vm1, $0x1, v60  }
0x3d7: {  	(xrf0) =	vadd.scan.msk.s32 $0xffff, v3;
	_ =	sdelay $0x5  }
0x3d8: {  	v3, _, _ =	vpop (xrf0)  }
0x3d9: {  	(v2sf) =	vpush v3, $0xF;
	_ =	sdelay $0x9  }
0x3da: {  	s17 =	sor.u32 $0x30, s1  }
0x3db: {  	[tilespmem:s4+$0x1BE80] =	vst.msk vm1, v2;
	v3 =	vor.u32 s17, v54  }
0x3dc: {  	[tilespmem:s4+$0x1C180] =	vst.msk vm1, v3  }
0x3dd: {  	v2 =	vld [tilespmem:s28+$0x0];
	_ =	sdelay $0x1  }
0x3de: {  	s18 =	spop (v2sf)  }
0x3df: {  	s4 =	sadd.s32 s4, s18  }
0x3e0: {  	vm1 =	vmmov vm8;
	p1 =	slt.s32 s4, $0x280  }
0x3e1: {  	vm3 =	vge.f32 v2, v63;
	vm1 =	vmneg @p1 vm1  }
0x3e2: {  	vm1 =	vmand vm3, vm1  }
0x3e3: {  	v3 =	vsel vm1, $0x1, v60  }
0x3e4: {  	(xrf0) =	vadd.scan.msk.s32 $0xffff, v3;
	_ =	sdelay $0x5  }
0x3e5: {  	v3, _, _ =	vpop (xrf0)  }
0x3e6: {  	(v2sf) =	vpush v3, $0xF;
	_ =	sdelay $0x9  }
0x3e7: {  	s19 =	sor.u32 $0x40, s1  }
0x3e8: {  	[tilespmem:s4+$0x1BE80] =	vst.msk vm1, v2;
	v3 =	vor.u32 s19, v54  }
0x3e9: {  	[tilespmem:s4+$0x1C180] =	vst.msk vm1, v3  }
0x3ea: {  	v2 =	vld [tilespmem:s28+$0x10];
	_ =	sdelay $0x1  }
0x3eb: {  	s23 =	spop (v2sf)  }
0x3ec: {  	s4 =	sadd.s32 s4, s23  }
0x3ed: {  	vm1 =	vmmov vm8;
	p1 =	slt.s32 s4, $0x280  }
0x3ee: {  	vm3 =	vge.f32 v2, v63;
	vm1 =	vmneg @p1 vm1  }
0x3ef: {  	vm1 =	vmand vm3, vm1  }
0x3f0: {  	v3 =	vsel vm1, $0x1, v60  }
0x3f1: {  	(xrf0) =	vadd.scan.msk.s32 $0xffff, v3;
	_ =	sdelay $0x5  }
0x3f2: {  	v3, _, _ =	vpop (xrf0)  }
0x3f3: {  	(v2sf) =	vpush v3, $0xF;
	_ =	sdelay $0x9  }
0x3f4: {  	s24 =	sor.u32 $0x50, s1  }
0x3f5: {  	[tilespmem:s4+$0x1BE80] =	vst.msk vm1, v2;
	v3 =	vor.u32 s24, v54  }
0x3f6: {  	[tilespmem:s4+$0x1C180] =	vst.msk vm1, v3  }
0x3f7: {  	v2 =	vld [tilespmem:s28+$0x20];
	_ =	sdelay $0x1  }
0x3f8: {  	s25 =	spop (v2sf)  }
0x3f9: {  	s4 =	sadd.s32 s4, s25  }
0x3fa: {  	vm1 =	vmmov vm8;
	p1 =	slt.s32 s4, $0x280  }
0x3fb: {  	vm3 =	vge.f32 v2, v63;
	vm1 =	vmneg @p1 vm1  }
0x3fc: {  	vm1 =	vmand vm3, vm1  }
0x3fd: {  	v3 =	vsel vm1, $0x1, v60  }
0x3fe: {  	(xrf0) =	vadd.scan.msk.s32 $0xffff, v3;
	_ =	sdelay $0x5  }
0x3ff: {  	v3, _, _ =	vpop (xrf0)  }
0x400: {  	(v2sf) =	vpush v3, $0xF;
	_ =	sdelay $0x9  }
0x401: {  	s26 =	sor.u32 $0x60, s1  }
0x402: {  	[tilespmem:s4+$0x1BE80] =	vst.msk vm1, v2;
	v3 =	vor.u32 s26, v54  }
0x403: {  	[tilespmem:s4+$0x1C180] =	vst.msk vm1, v3  }
0x404: {  	v2 =	vld [tilespmem:s28+$0x30];
	_ =	sdelay $0x1  }
0x405: {  	s29 =	spop (v2sf)  }
0x406: {  	s4 =	sadd.s32 s4, s29  }
0x407: {  	vm1 =	vmmov vm8;
	p1 =	slt.s32 s4, $0x280  }
0x408: {  	vm3 =	vge.f32 v2, v63;
	vm1 =	vmneg @p1 vm1  }
0x409: {  	vm1 =	vmand vm3, vm1  }
0x40a: {  	v3 =	vsel vm1, $0x1, v60  }
0x40b: {  	(xrf0) =	vadd.scan.msk.s32 $0xffff, v3;
	_ =	sdelay $0x5  }
0x40c: {  	v3, _, _ =	vpop (xrf0)  }
0x40d: {  	(v2sf) =	vpush v3, $0xF;
	_ =	sdelay $0xd  }
0x40e: {  	s1 =	sor.u32 $0x70, s1  }
0x40f: {  	[tilespmem:s4+$0x1BE80] =	vst.msk vm1, v2;
	v3 =	vor.u32 s1, v54;
	s30 =	spop (v2sf)  }
0x410: {  	[tilespmem:s4+$0x1C180] =	vst.msk vm1, v3;
	s4 =	sadd.s32 s4, s30  }
.LBB2_38:
0x411: {  	p1 =	slt.s32 s4, $0x280  }
0x412: {  	p2 =	slt.s32 s4, $0xFFFFFFF2;
	s4 =	simm.s32 @!p1 $0x280  }
0x413: {  	s1 =	sadd.s32 $0xF, s4  }
0x414: {  	s4 =	sand.u32 $0xF, s1  }
0x415: {  	s6 =	sshra.s32 s1, $0x1F;
	p6 =	sne.s32 s4, $0x0  }
.Ltmp23:
0x416: {  	s30 =	sshrl.u32 s6, $0x1C;
	p1 =	por !p2, !p6;
	(pc) =	sbr.rel .LBB2_39-.Ltmp23, $4  }
0x417: {  	s4 =	simm.s32 $0x1;
	s1 =	sadd.s32 s30, s1;
	p1 =	por !p1, !p1  }
0x418: {  	s1 =	sshra.s32 s1, $0x4;
	s4 =	simm.s32 @!p1 $0x0  }
0x419: {  	s6 =	ssub.s32 s1, s4  }
0x41a: {  	s7 =	simm.s32 $0x807FFFFF;
	s1 =	simm.s32 $0x7F800000;
	p1 =	slt.s32 s6, $0x1  }
.LBB2_40:
0x41b: {  	v2 =	vimm.s32 $0x0  }
.LBB2_44:
0x41c: {  	(xrf0) =	vadd.scan.msk.s32 $0xffff, v2;
	_ =	sdelay $0x5  }
0x41d: {  	v2, _, _ =	vpop (xrf0)  }
0x41e: {  	(v2sf) =	vpush v2, $0xF;
	_ =	sdelay $0xe  }
0x41f: {  	s8 =	spop (v2sf)  }
0x420: {  	s31 =	sadd.s32 $0x1, s31;
	p2 =	sgt.s32 s8, $0x12B  }
0x421: {  	s7 =	smov.u32 @p2 s4;
	s4 =	smov.u32 @p2 s1;
	p2 =	sne.s32 s31, $0x20  }
.Ltmp24:
0x422: {  	_ = 	snop;
	(pc) =	sbr.rel @!p2 .LBB2_45-.Ltmp24, $2  }
0x423: {  	_ =	sdelay $0x2  }
0x424: {  	s1 =	smov.u32 s4  }
.LBB2_39:
.Ltmp25:
0x425: {  	(pc) =	sbr.rel @p1 .LBB2_40-.Ltmp25, $4  }
0x426: {  	_ = 	snop  }
0x427: {  	s4 =	sxor.u32 s1, s7  }
0x428: {  	s8 =	sand.u32 s1, s7;
	s4 =	sshra.s32 s4, $0x1  }
0x429: {  	s4 =	sadd.s32 s4, s8  }
0x42a: {  	s8 =	simm.s32 $0x1BE80  }
0x42b: {  	p2 =	slt.s32 s4, $0x0;
	s10 =	sxor.u32 $0x7FFFFFFF, s4;
	s11 =	smov.u32 s4  }
0x42c: {  	v4 =	vld [tilespmem:s8+$0x0];
	s11 =	smov.u32 @p2 s10;
	p2 =	sne.s32 s6, $0x1  }
.Ltmp26:
0x42d: {  	_ = 	snop;
	(pc) =	sbr.rel @!p2 .LBB2_43-.Ltmp26, $3  }
0x42e: {  	v2 =	vmov s11  }
0x42f: {  	v3 =	vbroadcast v2, $0x0;
	_ =	sdelay $0x1  }
0x430: {  	s8 =	sadd.s32 $0xFFFFFFFF, s6;
	s10 =	simm.s32 $0x1BE90;
	v2 =	vimm.s32 $0x0;
	vm1 =	vge.f32 v4, v3  }
.LBB2_42:
0x431: {  	v4 =	vld [tilespmem:s10+$0x0];
	p2 =	sne.s32 s8, $0x1;
	s8 =	sadd.s32 $0xFFFFFFFF, s8;
	v5 =	vsel vm1, $0x1, v60  }
.Ltmp27:
0x432: {  	v2 =	vadd.s32 v5, v2;
	(pc) =	sbr.rel @p2 .LBB2_42-.Ltmp27, $2  }
0x433: {  	_ =	sdelay $0x2  }
0x434: {  	s10 =	sadd.s32 $0x10, s10;
	vm1 =	vge.f32 v4, v3  }
.LBB2_43:
.Ltmp28:
0x435: {  	(pc) =	sbr.rel .LBB2_44-.Ltmp28, $3  }
0x436: {  	_ =	sdelay $0x1  }
0x437: {  	v3 =	vsel vm1, $0x1, v60  }
0x438: {  	v2 =	vadd.s32 v3, v2  }
.LBB2_45:
0x439: {  	[tilespmem:$0x1C480] =	vst v55  }
0x43a: {  	[tilespmem:$0x1C600] =	vst v60  }
0x43b: {  	[tilespmem:$0x1C490] =	vst v55  }
0x43c: {  	[tilespmem:$0x1C610] =	vst v60  }
0x43d: {  	[tilespmem:$0x1C4A0] =	vst v55  }
0x43e: {  	[tilespmem:$0x1C620] =	vst v60  }
0x43f: {  	[tilespmem:$0x1C4B0] =	vst v55  }
0x440: {  	[tilespmem:$0x1C630] =	vst v60  }
0x441: {  	[tilespmem:$0x1C4C0] =	vst v55  }
0x442: {  	[tilespmem:$0x1C640] =	vst v60  }
0x443: {  	[tilespmem:$0x1C4D0] =	vst v55  }
0x444: {  	[tilespmem:$0x1C650] =	vst v60  }
0x445: {  	[tilespmem:$0x1C4E0] =	vst v55  }
0x446: {  	[tilespmem:$0x1C660] =	vst v60  }
0x447: {  	[tilespmem:$0x1C4F0] =	vst v55  }
0x448: {  	[tilespmem:$0x1C670] =	vst v60  }
0x449: {  	[tilespmem:$0x1C500] =	vst v55  }
0x44a: {  	[tilespmem:$0x1C680] =	vst v60  }
0x44b: {  	[tilespmem:$0x1C510] =	vst v55  }
0x44c: {  	[tilespmem:$0x1C690] =	vst v60  }
0x44d: {  	[tilespmem:$0x1C520] =	vst v55  }
0x44e: {  	[tilespmem:$0x1C6A0] =	vst v60  }
0x44f: {  	[tilespmem:$0x1C530] =	vst v55  }
0x450: {  	[tilespmem:$0x1C6B0] =	vst v60  }
0x451: {  	[tilespmem:$0x1C540] =	vst v55  }
0x452: {  	[tilespmem:$0x1C6C0] =	vst v60  }
0x453: {  	[tilespmem:$0x1C550] =	vst v55  }
0x454: {  	[tilespmem:$0x1C6D0] =	vst v60  }
0x455: {  	[tilespmem:$0x1C560] =	vst v55  }
0x456: {  	[tilespmem:$0x1C6E0] =	vst v60  }
0x457: {  	[tilespmem:$0x1C570] =	vst v55  }
0x458: {  	[tilespmem:$0x1C6F0] =	vst v60  }
0x459: {  	[tilespmem:$0x1C580] =	vst v55  }
0x45a: {  	[tilespmem:$0x1C700] =	vst v60  }
0x45b: {  	[tilespmem:$0x1C590] =	vst v55  }
0x45c: {  	[tilespmem:$0x1C710] =	vst v60  }
0x45d: {  	[tilespmem:$0x1C5A0] =	vst v55  }
.Ltmp29:
0x45e: {  	[tilespmem:$0x1C720] =	vst v60;
	(pc) =	sbr.rel @p1 .LBB2_52-.Ltmp29, $4  }
0x45f: {  	[tilespmem:$0x1C5B0] =	vst v55  }
0x460: {  	[tilespmem:$0x1C730] =	vst v60  }
0x461: {  	[tilespmem:$0x1C5C0] =	vst v55  }
0x462: {  	[tilespmem:$0x1C740] =	vst v60;
	s1 =	simm.s32 $0x0;
	s4 =	simm.s32 $0x0  }
0x463: {  	p2 =	sne.s32 s6, $0x1  }
.Ltmp30:
0x464: {  	_ = 	snop;
	(pc) =	sbr.rel @!p2 .LBB2_47-.Ltmp30, $4  }
0x465: {  	p1 =	slt.s32 s7, $0x0;
	s4 =	sxor.u32 $0x7FFFFFFF, s7  }
0x466: {  	s31 =	simm.s32 $0x1C180;
	s7 =	smov.u32 @p1 s4  }
0x467: {  	s8 =	simm.s32 $0x1BE80;
	v2 =	vld [tilespmem:s31+$0x0];
	v3 =	vmov s7  }
0x468: {  	s6 =	sadd.s32 $0xFFFFFFFF, s6;
	v4 =	vld [tilespmem:s8+$0x0];
	p1 =	por $0x0, $0x0;
	s7 =	simm.s32 $0x0;
	v3 =	vbroadcast v3, $0x0  }
0x469: {  	_ =	sdelay $0x2  }
0x46a: {  	p1 =	por $0x1, $0x1;
	vm1 =	vmmov vm8  }
0x46b: {  	vm1 =	vmneg @p1 vm1;
	vm3 =	vge.f32 v4, v3  }
0x46c: {  	vm1 =	vmand vm1, vm3  }
0x46d: {  	v5 =	vsel vm1, $0x1, v60  }
0x46e: {  	(xrf0) =	vadd.scan.msk.s32 $0xffff, v5;
	_ =	sdelay $0x5  }
0x46f: {  	v5, _, _ =	vpop (xrf0)  }
0x470: {  	(v2sf) =	vpush v5, $0xF;
	_ =	sdelay $0x9  }
0x471: {  	p2 =	sne.s32 s6, $0x1  }
.Ltmp31:
0x472: {  	[tilespmem:s7+$0x1C480] =	vst.msk vm1, v4;
	(pc) =	sbr.rel @!p2 .LBB2_49-.Ltmp31, $4  }
0x473: {  	s10 =	simm.s32 $0x1BE90;
	[tilespmem:s7+$0x1C600] =	vst.msk vm1, v2  }
0x474: {  	v4 =	vld [tilespmem:s10+$0x0]  }
0x475: {  	s4 =	simm.s32 $0x1C190;
	s6 =	sadd.s32 $0xFFFFFFFF, s6  }
0x476: {  	s8 =	simm.s32 $0x0;
	p1 =	por $0x1, $0x1;
	v2 =	vld [tilespmem:s4+$0x0];
	s11 =	spop (v2sf)  }
.LBB2_50:
0x477: {  	p2 =	sne.s32 s6, $0x1;
	s6 =	sadd.s32 $0xFFFFFFFF, s6;
	s8 =	sadd.s32 s8, s11  }
0x478: {  	vm3 =	vmmov vm8;
	p3 =	slt.s32 s8, $0x140  }
0x479: {  	vm1 =	vge.f32 v4, v3;
	vm3 =	vmneg @p3 vm3  }
0x47a: {  	vm1 =	vmand vm3, vm1  }
0x47b: {  	[tilespmem:s8+$0x1C480] =	vst.msk vm1, v4;
	v4 =	vsel vm1, $0x1, v60  }
0x47c: {  	s4 =	sadd.s32 $0x10, s4;
	[tilespmem:s8+$0x1C600] =	vst.msk vm1, v2;
	(xrf0) =	vadd.scan.msk.s32 $0xffff, v4  }
0x47d: {  	v2 =	vld [tilespmem:s4+$0x0];
	_ =	sdelay $0x4  }
0x47e: {  	v4, _, _ =	vpop (xrf0)  }
0x47f: {  	(v2sf) =	vpush v4, $0xF;
	_ =	sdelay $0xa  }
.Ltmp32:
0x480: {  	(pc) =	sbr.rel @p2 .LBB2_50-.Ltmp32, $3  }
0x481: {  	s10 =	sadd.s32 $0x10, s10  }
0x482: {  	v4 =	vld [tilespmem:s10+$0x0];
	_ =	sdelay $0x1  }
0x483: {  	s11 =	spop (v2sf)  }
.LBB2_51:
0x484: {  	s4 =	sadd.s32 @p1 s8, s11  }
0x485: {  	s7 =	smov.u32 @p1 s4  }
0x486: {  	vm1 =	vmmov vm8;
	p1 =	slt.s32 s7, $0x140  }
0x487: {  	vm3 =	vge.f32 v4, v3;
	vm1 =	vmneg @p1 vm1  }
0x488: {  	vm1 =	vmand vm1, vm3  }
0x489: {  	v3 =	vsel vm1, $0x1, v60  }
0x48a: {  	(xrf0) =	vadd.scan.msk.s32 $0xffff, v3;
	_ =	sdelay $0x5  }
0x48b: {  	v3, _, _ =	vpop (xrf0)  }
0x48c: {  	(v2sf) =	vpush v3, $0xF;
	_ =	sdelay $0xe  }
0x48d: {  	[tilespmem:s7+$0x1C480] =	vst.msk vm1, v4;
	s31 =	spop (v2sf)  }
0x48e: {  	[tilespmem:s7+$0x1C600] =	vst.msk vm1, v2;
	s4 =	sadd.s32 s7, s31  }
.LBB2_52:
0x48f: {  	[tilespmem:$0x1C900] =	vst v60  }
0x490: {  	[tilespmem:$0x1C910] =	vst v60  }
0x491: {  	[tilespmem:$0x1C920] =	vst v60  }
0x492: {  	[tilespmem:$0x1C930] =	vst v60  }
0x493: {  	[tilespmem:$0x1C940] =	vst v60  }
0x494: {  	[tilespmem:$0x1C950] =	vst v60  }
0x495: {  	[tilespmem:$0x1C960] =	vst v60  }
0x496: {  	[tilespmem:$0x1C970] =	vst v60  }
0x497: {  	[tilespmem:$0x1C980] =	vst v60  }
0x498: {  	[tilespmem:$0x1C990] =	vst v60  }
0x499: {  	[tilespmem:$0x1C9A0] =	vst v60  }
0x49a: {  	[tilespmem:$0x1C9B0] =	vst v60  }
0x49b: {  	[tilespmem:$0x1C9C0] =	vst v60  }
0x49c: {  	[tilespmem:$0x1C9D0] =	vst v60  }
0x49d: {  	[tilespmem:$0x1C9E0] =	vst v60  }
0x49e: {  	[tilespmem:$0x1C9F0] =	vst v60  }
0x49f: {  	[tilespmem:$0x1CA00] =	vst v60  }
0x4a0: {  	[tilespmem:$0x1CA10] =	vst v60  }
0x4a1: {  	[tilespmem:$0x1CA20] =	vst v60  }
0x4a2: {  	[tilespmem:$0x1CA30] =	vst v60  }
0x4a3: {  	[tilespmem:$0x1CA40] =	vst v60  }
0x4a4: {  	[tilespmem:$0x1CA50] =	vst v60  }
0x4a5: {  	[tilespmem:$0x1CA60] =	vst v60  }
0x4a6: {  	v0 =	vimm.f32 $0.0e+00;
	[tilespmem:$0x1CA70] =	vst v60  }
0x4a7: {  	[tilespmem:$0x1C780] =	vst v0  }
0x4a8: {  	[tilespmem:$0x1C790] =	vst v0  }
0x4a9: {  	[tilespmem:$0x1C7A0] =	vst v0  }
0x4aa: {  	[tilespmem:$0x1C7B0] =	vst v0  }
0x4ab: {  	[tilespmem:$0x1C7C0] =	vst v0  }
0x4ac: {  	[tilespmem:$0x1C7D0] =	vst v0  }
0x4ad: {  	[tilespmem:$0x1C7E0] =	vst v0  }
0x4ae: {  	[tilespmem:$0x1C7F0] =	vst v0  }
0x4af: {  	[tilespmem:$0x1C800] =	vst v0  }
0x4b0: {  	p1 =	slt.s32 s4, $0x140;
	[tilespmem:$0x1C810] =	vst v0  }
0x4b1: {  	p2 =	slt.s32 s4, $0xFFFFFFF2;
	[tilespmem:$0x1C820] =	vst v0;
	s4 =	simm.s32 @!p1 $0x140  }
0x4b2: {  	[tilespmem:$0x1C830] =	vst v0;
	s4 =	sadd.s32 $0xF, s4  }
0x4b3: {  	[tilespmem:$0x1C840] =	vst v0;
	s6 =	sand.u32 $0xF, s4  }
0x4b4: {  	[tilespmem:$0x1C850] =	vst v0;
	s31 =	sshra.s32 s4, $0x1F;
	p6 =	sne.s32 s6, $0x0  }
0x4b5: {  	[tilespmem:$0x1C860] =	vst v0;
	s6 =	sshrl.u32 s31, $0x1C;
	p1 =	por !p2, !p6  }
0x4b6: {  	[tilespmem:$0x1C870] =	vst v0;
	s4 =	sadd.s32 s6, s4;
	s6 =	simm.s32 $0x1;
	p1 =	por !p1, !p1  }
0x4b7: {  	[tilespmem:$0x1C880] =	vst v0;
	s4 =	sshra.s32 s4, $0x4;
	s6 =	simm.s32 @!p1 $0x0  }
0x4b8: {  	[tilespmem:$0x1C890] =	vst v0;
	s6 =	ssub.s32 s4, s6  }
0x4b9: {  	[tilespmem:$0x1C8A0] =	vst v0;
	p1 =	slt.s32 s6, $0x1  }
.Ltmp33:
0x4ba: {  	[tilespmem:$0x1C8B0] =	vst v0;
	(pc) =	sbr.rel @p1 .LBB2_58-.Ltmp33, $4  }
0x4bb: {  	[tilespmem:$0x1C8C0] =	vst v0  }
0x4bc: {  	[tilespmem:$0x1C8D0] =	vst v0  }
0x4bd: {  	[tilespmem:$0x1C8E0] =	vst v0  }
0x4be: {  	[tilespmem:$0x1C8F0] =	vst v0;
	v0 =	vld [tilespmem:$0x1FD30]  }
.LBB2_53:
0x4bf: {  	s4 =	sshll.u32 s1, $0x4  }
0x4c0: {  	v3 =	vld [tilespmem:s4+$0x1C600];
	_ =	sdelay $0x4  }
0x4c1: {  	s7 =	simm.s32 $0x0;
	v2 =	vld [tilespmem:s4+$0x1C480];
	v3 =	vxor.u32 $0x80000000, v3  }
.LBB2_54:
0x4c2: {  	_ =	sdelay $0x1  }
0x4c3: {  	v4 =	vmov s7  }
0x4c4: {  	vm1 =	veq.s32 v4, v54  }
0x4c5: {  	v4 =	vnsel vm1, $0xFF800000, v2  }
0x4c6: {  	(xrf0) =	vmax.scan.msk.f32 $0xffff, v4;
	v4 =	vnsel vm1, $0x0, v3  }
0x4c7: {  	(xrf0) =	vmax.scan.msk.u32 $0xffff, v4;
	_ =	sdelay $0x4  }
0x4c8: {  	v4, _, _ =	vpop (xrf0)  }
0x4c9: {  	v5, _, _ =	vpop (xrf0)  }
0x4ca: {  	(v2sf) =	vpush v5, $0xF;
	_ =	sdelay $0xe  }
0x4cb: {  	s8 =	simm.s32 $0x1C480;
	s4 =	spop (v2sf)  }
0x4cc: {  	p1 =	sne.s32 s6, $0x1;
	v9 =	vld [tilespmem:s8+$0x0];
	s10 =	sxor.u32 $0x80000000, s4;
	s4 =	simm.s32 $0x1C600  }
.Ltmp34:
0x4cd: {  	v8 =	vld [tilespmem:s4+$0x0];
	(pc) =	sbr.rel @!p1 .LBB2_56-.Ltmp34, $3  }
0x4ce: {  	_ =	sdelay $0x1  }
0x4cf: {  	v7 =	vbroadcast v4, $0xF  }
0x4d0: {  	v6 =	vimm.s32 $0x0;
	s8 =	sadd.s32 $0xFFFFFFFF, s6;
	v5 =	vmov s10;
	s10 =	simm.s32 $0x1C490  }
.LBB2_55:
0x4d1: {  	v10 =	vld [tilespmem:s10+$0x0];
	vm3 =	veq.f32 v9, v7;
	vm5 =	vlt.s32 v8, v5;
	s4 =	sadd.s32 $0x10, s4;
	p1 =	sne.s32 s8, $0x1  }
.Ltmp35:
0x4d2: {  	s8 =	sadd.s32 $0xFFFFFFFF, s8;
	vm7 =	vgt.f32 v9, v7;
	v8 =	vld [tilespmem:s4+$0x0];
	vm3 =	vmand vm3, vm5;
	(pc) =	sbr.rel @p1 .LBB2_55-.Ltmp35, $4  }
0x4d3: {  	vm3 =	vmor vm7, vm3  }
0x4d4: {  	v11 =	vsel vm3, $0x1, v60  }
0x4d5: {  	v6 =	vadd.s32 v11, v6  }
0x4d6: {  	s10 =	sadd.s32 $0x10, s10;
	v9 =	vmov v10  }
.LBB2_56:
0x4d7: {  	vm3 =	veq.f32 v9, v7;
	vm5 =	vlt.s32 v8, v5  }
0x4d8: {  	vm7 =	vgt.f32 v9, v7;
	vm3 =	vmand vm3, vm5  }
0x4d9: {  	vm3 =	vmor vm7, vm3  }
0x4da: {  	v63 =	vsel vm3, $0x1, v60  }
0x4db: {  	v6 =	vadd.s32 v63, v6  }
0x4dc: {  	(xrf0) =	vadd.scan.msk.s32 $0xffff, v6;
	_ =	sdelay $0x5  }
0x4dd: {  	(v2sf) =	vpush v4, $0xF;
	v6, _, _ =	vpop (xrf0)  }
0x4de: {  	(v2sf) =	vpush v6, $0xF;
	_ =	sdelay $0xd  }
0x4df: {  	s4 =	spop (v2sf)  }
0x4e0: {  	p1 =	sgt.f32 s4, $-Inf;
	s8 =	spop (v2sf)  }
0x4e1: {  	p2 =	slt.s32 s8, $0x12C  }
0x4e2: {  	p1 =	por !p1, !p2  }
0x4e3: {  	vm3 =	vmmov vm8;
	p1 =	por !p1, !p1  }
0x4e4: {  	vm3 =	vmneg @p1 vm3  }
0x4e5: {  	v6 =	vbroadcast v6, $0xF;
	vm1 =	vmand vm1, vm3  }
0x4e6: {  	s7 =	sadd.s32 $0x1, s7  }
0x4e7: {  	v4 =	vadd.f32 $0.0e+00, v4;
	p1 =	sne.s32 s7, $0x10  }
.Ltmp36:
0x4e8: {  	_ = 	snop;
	(pc) =	sbr.rel @p1 .LBB2_54-.Ltmp36, $3  }
0x4e9: {  	v4 =	vbroadcast v4, $0xF;
	_ =	sdelay $0x1  }
0x4ea: {  	[tilespmem:v6+s20+$0x0] =	vst.idx.msk vm1, v4  }
0x4eb: {  	[tilespmem:v6+s21+$0x0] =	vst.idx.msk vm1, v5  }
0x4ec: {  	s1 =	sadd.s32 $0x1, s1  }
0x4ed: {  	p1 =	sne.s32 s1, s6  }
.Ltmp37:
0x4ee: {  	_ = 	snop;
	(pc) =	sbr.rel @p1 .LBB2_53-.Ltmp37, $1  }
0x4ef: {  	_ =	sdelay $0x3  }
.LBB2_58:
0x4f0: {  	s24 =	simm.s32 $0x0  }
0x4f1: {  	v63 =	vld [tilespmem:s24+$0x1C900];
	_ =	sdelay $0x4  }
0x4f2: {  	(v2sf) =	vpush v63, $0x7;
	_ =	sdelay $0x1  }
0x4f3: {  	(v2sf) =	vpush v63, $0x0  }
0x4f4: {  	(v2sf) =	vpush v63, $0x1  }
0x4f5: {  	(v2sf) =	vpush v63, $0x2;
	_ =	sdelay $0x2  }
0x4f6: {  	(v2sf) =	vpush v63, $0x3  }
0x4f7: {  	(v2sf) =	vpush v63, $0x4;
	_ =	sdelay $0x1  }
0x4f8: {  	(v2sf) =	vpush v63, $0xC  }
0x4f9: {  	(v2sf) =	vpush v63, $0x8;
	_ =	sdelay $0x2  }
0x4fa: {  	(v2sf) =	vpush v63, $0xD  }
0x4fb: {  	s1 =	spop (v2sf)  }
0x4fc: {  	[dreg:$0x17] =	wrdreg s22;
	(v2sf) =	vpush v63, $0xE;
	s4 =	smulhi.u32 $0x66666667, s1;
	s1 =	sshra.s32 s1, $0x1F  }
0x4fd: {  	s6 =	spop (v2sf);
	s1 =	smul.u32 $0x66666667, s1  }
0x4fe: {  	(v2sf) =	vpush v63, $0x9;
	s7 =	spop (v2sf);
	s14 =	smulhi.u32 $0x66666667, s6  }
0x4ff: {  	v2 =	vld [tilespmem:s24+$0x1C780];
	s8 =	spop (v2sf);
	s10 =	smulhi.u32 $0x66666667, s7  }
0x500: {  	s13 =	simm.s32 $0x80;
	s7 =	sshra.s32 s7, $0x1F;
	s11 =	smulhi.u32 $0x66666667, s8  }
0x501: {  	s29 =	simm.s32 $0x10;
	s8 =	sshra.s32 s8, $0x1F;
	s7 =	smul.u32 $0x66666667, s7  }
0x502: {  	(v2sf) =	vpush v63, $0xF;
	s19 =	sshra.s32 s6, $0x1F;
	s12 =	spop (v2sf);
	s16 =	smul.u32 $0x66666667, s8  }
0x503: {  	(v2sf) =	vpush v63, $0xB;
	s28 =	sadd.s32 s1, s4;
	s15 =	spop (v2sf);
	s17 =	smulhi.u32 $0x66666667, s12  }
0x504: {  	v2 =	vsub.f32 $0.0e+00, v2;
	s4 =	sshra.s32 s12, $0x1F;
	s0 =	sshra.s32 s15, $0x1F;
	s15 =	smulhi.u32 $0x66666667, s15  }
0x505: {  	s26 =	sshra.s32 s28, $0x1F;
	s21 =	spop (v2sf);
	s18 =	smul.u32 $0x66666667, s4  }
0x506: {  	v2 =	vmul.f32 $1.442695020e+00, v2;
	s8 =	sadd.s32 s7, s10;
	s22 =	smul.u32 $0x66666667, s0;
	s2 =	spop (v2sf)  }
0x507: {  	s9 =	sshra.s32 s21, $0x1F;
	s12 =	sshra.s32 s8, $0x1F;
	s21 =	smulhi.u32 $0x66666667, s21  }
0x508: {  	(erf) = vpow2.f32 v2;
	s16 =	sadd.s32 s16, s11;
	s23 =	smulhi.u32 $0x66666667, s2;
	s1 =	sshra.s32 s2, $0x1F  }
0x509: {  	s10 =	smul.u32 $0x66666667, s9;
	s31 =	spop (v2sf);
	s2 =	sshra.s32 s8, $0x5  }
0x50a: {  	s20 =	sshra.s32 s16, $0x5;
	s25 =	sshrl.u32 s16, $0x1F;
	s1 =	smul.u32 $0x66666667, s1  }
0x50b: {  	(v2sf) =	vpush v63, $0xA;
	s0 =	spop (v2sf);
	s11 =	smulhi.u32 $0x66666667, s31;
	s21 =	sadd.s32 s10, s21  }
0x50c: {  	s10 =	sshra.s32 s16, $0x1F;
	s16 =	sshra.s32 s31, $0x1F;
	s31 =	smul.u32 $0x66666667, s19  }
0x50d: {  	(v2sf) =	vpush v63, $0x5;
	s5 =	spop (v2sf);
	s19 =	sshra.s32 s0, $0x1F;
	s0 =	smulhi.u32 $0x66666667, s0  }
0x50e: {  	s7 =	sadd.s32 s18, s17;
	s8 =	sshrl.u32 s8, $0x1F;
	s30 =	smulhi.u32 $0x66666667, s5  }
0x50f: {  	v61 =	vld [tilespmem:s29+$0x1C900];
	s6 =	sadd.s32 s22, s15;
	s22 =	sadd.s32 s1, s23;
	s17 =	smul.u32 $0x66666667, s19  }
0x510: {  	s5 =	sshra.s32 s5, $0x1F;
	s18 =	sshrl.u32 s21, $0x1F;
	s16 =	smul.u32 $0x66666667, s16  }
0x511: {  	v2 =	vpop (erf);
	s19 =	sshra.s32 s21, $0x5;
	s1 =	smul.u32 $0x66666667, s5;
	s9 =	spop (v2sf)  }
0x512: {  	vm7 =	vcmask $0x704;
	v2 =	vadd.f32 $1.000000000e+00, v2;
	s14 =	sadd.s32 s31, s14;
	s4 =	spop (v2sf);
	s23 =	smulhi.u32 $0x66666667, s9  }
0x513: {  	vm1 =	vcmask $0xF0C;
	v3 =	vmov s26;
	(v2sf) =	vpush v63, $0x6;
	s26 =	sshra.s32 s14, $0x5;
	s9 =	sshra.s32 s9, $0x1F;
	s15 =	smulhi.u32 $0x66666667, s4  }
0x514: {  	vm8 =	vcmask $0x1F1C;
	(erf) = vrcp.f32 v2;
	s11 =	sadd.s32 s16, s11;
	(v2sf) =	vpush v61, $0x7;
	s31 =	smul.u32 $0x66666667, s9;
	s9 =	sadd.s32 s1, s30  }
0x515: {  	v2 =	vmov s18;
	v6 =	vmov s19;
	s1 =	sshrl.u32 s22, $0x1F;
	s30 =	sshra.s32 s22, $0x5;
	s4 =	sshra.s32 s4, $0x1F;
	(v2sf) =	vpush v61, $0x0  }
0x516: {  	v3 =	vsel vm0, s26, v3;
	v4 =	vmov s1;
	s1 =	sshra.s32 s9, $0x5;
	s4 =	smul.u32 $0x66666667, s4;
	s9 =	sshrl.u32 s9, $0x1F;
	(v2sf) =	vpush v61, $0x1  }
0x517: {  	v5 =	vmov s30;
	s5 =	sadd.s32 s31, s23;
	s31 =	sshra.s32 s14, $0x1F;
	v4 =	vsel vm11, s9, v4;
	s23 =	sshra.s32 s11, $0x5;
	(v2sf) =	vpush v61, $0x2  }
0x518: {  	s0 =	sadd.s32 s17, s0;
	s26 =	sshra.s32 s7, $0x5;
	s11 =	sshrl.u32 s11, $0x1F;
	v7 =	vsel vm7, s31, v3;
	v3 =	vsel vm11, s1, v5;
	v6 =	vsel vm11, s23, v6  }
0x519: {  	s30 =	sshra.s32 s0, $0x5;
	s14 =	sshrl.u32 s14, $0x1F;
	s4 =	sadd.s32 s4, s15;
	v2 =	vsel vm11, s11, v2;
	(v2sf) =	vpush v61, $0x3;
	v5 =	vsel vm11, s2, v7  }
0x51a: {  	s15 =	sshrl.u32 s5, $0x1F;
	s31 =	sshra.s32 s7, $0x1F;
	vm7 =	vcmask $0x3B38;
	s18 =	spop (v2sf);
	v7 =	vmov s14;
	v5 =	vsel vm1, s12, v5  }
0x51b: {  	s11 =	sshra.s32 s5, $0x5;
	s19 =	sshra.s32 s18, $0x1F;
	v7 =	vnsel vm0, $0x0, v7;
	s17 =	smulhi.u32 $0x66666667, s18;
	vm1 =	vcmask $0x1714;
	v8 =	vsel vm4, s20, v5  }
0x51c: {  	s14 =	sshra.s32 s4, $0x5;
	(v2sf) =	vpush v61, $0x4;
	s21 =	spop (v2sf);
	s12 =	smul.u32 $0x66666667, s19;
	v7 =	vsel vm11, s8, v7;
	v8 =	vsel vm1, s10, v8  }
0x51d: {  	v9 =	vpop (erf);
	v6 =	vsel vm4, s30, v6;
	s22 =	smulhi.u32 $0x66666667, s21;
	s9 =	sshra.s32 s21, $0x1F;
	v5 =	vsel vm4, s25, v7;
	s25 =	sshrl.u32 s0, $0x1F;
	v8 =	vsel vm6, s26, v8  }
0x51e: {  	(v2sf) =	vpush v61, $0xC;
	s10 =	smul.u32 $0x66666667, s9;
	s19 =	sadd.s32 s12, s17;
	v7 =	vsel vm4, s25, v2;
	v2 =	vld [tilespmem:s29+$0x1C780];
	[tilespmem:s24+$0x1CC00] =	vst v9;
	s26 =	sshrl.u32 s4, $0x1F;
	v8 =	vsel vm8, s31, v8  }
.LBB2_59:
0x51f: {  	_ =	sdelay $0x1  }
0x520: {  	s4 =	sshrl.u32 s19, $0x1F;
	s5 =	sshra.s32 s19, $0x5;
	s0 =	smov.u32 s13  }
0x521: {  	s19 =	smov.u32 s24;
	s21 =	smov.u32 s29;
	s23 =	sshra.s32 s6, $0x5  }
0x522: {  	(v2sf) =	vpush v61, $0x8;
	s7 =	sshrl.u32 s7, $0x1F;
	s24 =	sshra.s32 s6, $0x1F;
	s25 =	sshrl.u32 s6, $0x1F  }
0x523: {  	s2 =	sshrl.u32 s28, $0x1F;
	p1 =	sne.s32 s13, $0x5C0;
	[dreg:$0x8] =	wrdreg s0  }
0x524: {  	[dreg:$0x7] =	wrdreg s21;
	v4 =	vsel vm4, s4, v4;
	s1 =	sadd.s32 s10, s22;
	s8 =	spop (v2sf)  }
0x525: {  	s0 =	sshra.s32 s28, $0x5;
	v4 =	vsel vm6, s26, v4;
	s22 =	sshra.s32 s8, $0x1F;
	s26 =	smulhi.u32 $0x66666667, s8  }
0x526: {  	v3 =	vsel vm4, s5, v3;
	s30 =	sshra.s32 s1, $0x5;
	s10 =	spop (v2sf);
	s4 =	smul.u32 $0x66666667, s22  }
0x527: {  	v3 =	vsel vm6, s14, v3;
	s31 =	sshrl.u32 s1, $0x1F;
	s14 =	smulhi.u32 $0x66666667, s10;
	s12 =	spop (v2sf)  }
0x528: {  	v8 =	vsel vm12, s23, v8;
	v5 =	vsel vm6, s7, v5;
	(v2sf) =	vpush v61, $0xD;
	s7 =	sshra.s32 s12, $0x1F;
	s17 =	spop (v2sf);
	s12 =	smulhi.u32 $0x66666667, s12  }
0x529: {  	v2 =	vsub.f32 $0.0e+00, v2;
	v7 =	vsel vm6, s15, v7;
	v8 =	vsel vm10, s24, v8;
	s1 =	sshra.s32 s1, $0x1F;
	s20 =	spop (v2sf);
	s21 =	smulhi.u32 $0x66666667, s17  }
0x52a: {  	v6 =	vsel vm6, s11, v6;
	v8 =	vsel vm13, s30, v8;
	(v2sf) =	vpush v61, $0xE;
	s4 =	sadd.s32 s4, s26;
	s18 =	sshra.s32 s17, $0x1F;
	s23 =	smulhi.u32 $0x66666667, s20  }
0x52b: {  	v3 =	vcombine.low v3, v6;
	v6 =	vsel vm2, s1, v8;
	(v2sf) =	vpush v61, $0x9;
	s16 =	sshra.s32 s10, $0x1F;
	s11 =	sshra.s32 s4, $0x5;
	s30 =	smul.u32 $0x66666667, s18  }
0x52c: {  	v59 =	vmul.u32 $0x2, v54;
	v2 =	vmul.f32 $1.442695020e+00, v2;
	s8 =	sadd.s32 $0x40, s13;
	s26 =	spop (v2sf);
	v6 =	vsel vm15, s11, v6;
	s11 =	smul.u32 $0x66666667, s16  }
0x52d: {  	v5 =	vsel vm12, s25, v5;
	v4 =	vcombine.low v4, v7;
	(v2sf) =	vpush v61, $0xF;
	s9 =	sshra.s32 s4, $0x1F;
	s22 =	sshra.s32 s20, $0x1F;
	s10 =	smulhi.u32 $0x66666667, s26  }
0x52e: {  	v5 =	vsel vm13, s31, v5;
	(v2sf) =	vpush v61, $0xB;
	s4 =	sshrl.u32 s4, $0x1F;
	s18 =	spop (v2sf);
	v6 =	vsel vm9, s9, v6;
	s9 =	smul.u32 $0x66666667, s22  }
0x52f: {  	(erf) = vpow2.f32 v2;
	v4 =	vperm.xlane v4, v0;
	v5 =	vsel vm15, s4, v5;
	s31 =	sshra.s32 s26, $0x1F;
	s24 =	sshra.s32 s18, $0x1F;
	s18 =	smulhi.u32 $0x66666667, s18  }
0x530: {  	v3 =	vperm.xlane v3, v0;
	v2 =	vsel vm7, s2, v5;
	s25 =	spop (v2sf);
	s31 =	smul.u32 $0x66666667, s31;
	v5 =	vsel vm7, s0, v6;
	s28 =	sadd.s32 s11, s14  }
0x531: {  	v2 =	vperm.xlane v2, v59;
	s14 =	sadd.s32 s30, s21;
	s6 =	smul.u32 $0x66666667, s24;
	s26 =	spop (v2sf);
	v5 =	vperm.xlane v5, v59  }
0x532: {  	vm1 =	vmmov $0xff;
	(v2sf) =	vpush v61, $0xA;
	s16 =	sshra.s32 s25, $0x1F;
	s4 =	smulhi.u32 $0x66666667, s25;
	s15 =	sshra.s32 s28, $0x1F  }
0x533: {  	s13 =	sshra.s32 s14, $0x1F;
	s5 =	sadd.s32 s9, s23;
	s24 =	smul.u32 $0x66666667, s16;
	v2 =	vsel vm1, v2, v4;
	v3 =	vsel vm1, v5, v3  }
0x534: {  	s9 =	smulhi.u32 $0x66666667, s26;
	s11 =	sshra.s32 s26, $0x1F;
	s26 =	sshra.s32 s5, $0x5;
	v2 =	vadd.s32 v2, v3  }
0x535: {  	s30 =	smul.u32 $0x66666667, s11;
	s22 =	sshrl.u32 s5, $0x1F;
	s24 =	sadd.s32 s24, s4;
	v5 =	vmul.u32 $0xFFFFFFB0, v2  }
0x536: {  	v4 =	vsub.s32 $0x0, v63;
	s6 =	sadd.s32 s6, s18;
	s18 =	sshrl.u32 s24, $0x1F;
	s24 =	sshra.s32 s24, $0x5  }
0x537: {  	vm3 =	vlt.s32 v63, $0x1;
	s9 =	sadd.s32 s30, s9;
	s30 =	smul.u32 $0x66666667, s7;
	s17 =	spop (v2sf);
	vm5 =	vne.s32 v5, v4  }
0x538: {  	v7 =	vmov s24;
	s24 =	rddreg [dreg:$0x7];
	v3 =	vpop (erf);
	(v2sf) =	vpush v61, $0x5;
	vm3 =	vmand vm3, vm5;
	s21 =	sshra.s32 s17, $0x1F;
	s17 =	smulhi.u32 $0x66666667, s17  }
0x539: {  	s11 =	sshra.s32 s5, $0x1F;
	v3 =	vadd.f32 $1.000000000e+00, v3;
	s16 =	spop (v2sf);
	v4 =	vsel vm3, $0xFFFFFFFF, v60;
	s21 =	smul.u32 $0x66666667, s21  }
0x53a: {  	s12 =	sadd.s32 s30, s12;
	s2 =	spop (v2sf);
	s30 =	smulhi.u32 $0x66666667, s16;
	v2 =	vadd.s32 v4, v2  }
0x53b: {  	s5 =	sshra.s32 s16, $0x1F;
	(erf) = vrcp.f32 v3;
	s0 =	sshra.s32 s2, $0x1F;
	s2 =	smulhi.u32 $0x66666667, s2;
	v3 =	vmul.u32 $0xFFFFFFB0, v2  }
0x53c: {  	s23 =	sshra.s32 s14, $0x5;
	s25 =	spop (v2sf);
	s5 =	smul.u32 $0x66666667, s5;
	v2 =	vadd.s32 v35, v2  }
0x53d: {  	s14 =	sshrl.u32 s14, $0x1F;
	v6 =	vmov s18;
	s1 =	spop (v2sf);
	s18 =	smulhi.u32 $0x66666667, s25;
	[tilespmem:s19+$0x1CD80] =	vst v2;
	v2 =	vadd.s32 v63, v3  }
0x53e: {  	s7 =	sadd.s32 s31, s10;
	s0 =	smul.u32 $0x66666667, s0;
	[tilespmem:s19+$0x1CA80] =	vst v2;
	s19 =	rddreg [dreg:$0x8]  }
0x53f: {  	s20 =	sshra.s32 s25, $0x1F;
	s4 =	smulhi.u32 $0x66666667, s1;
	s29 =	sshra.s32 s19, $0x2  }
0x540: {  	s25 =	sshra.s32 s12, $0x5;
	s20 =	smul.u32 $0x66666667, s20;
	s1 =	sshra.s32 s1, $0x1F;
	v63 =	vmov v61;
	v61 =	vld [tilespmem:s29+$0x1C900]  }
0x541: {  	vm5 =	vcmask $0x704;
	s10 =	spop (v2sf);
	v3 =	vmov s15;
	s0 =	sadd.s32 s0, s2;
	s1 =	smul.u32 $0x66666667, s1  }
0x542: {  	vm3 =	vcmask $0x1714;
	s15 =	sshra.s32 s12, $0x1F;
	(v2sf) =	vpush v63, $0x6;
	v3 =	vsel vm0, s25, v3;
	s19 =	sshrl.u32 s9, $0x1F;
	s9 =	sshra.s32 s9, $0x5  }
0x543: {  	s12 =	sshrl.u32 s12, $0x1F;
	s2 =	sadd.s32 s5, s30;
	s25 =	sshra.s32 s0, $0x5;
	v9 =	vsel vm5, s15, v3;
	vm5 =	vcmask $0xF0C;
	v5 =	vmov s9  }
0x544: {  	s18 =	sadd.s32 s20, s18;
	v4 =	vmov s19;
	s19 =	sshra.s32 s10, $0x1F;
	s9 =	sadd.s32 s21, s17;
	v3 =	vsel vm11, s25, v5;
	v5 =	vsel vm11, s23, v9;
	v8 =	vpop (erf)  }
0x545: {  	s0 =	sshrl.u32 s0, $0x1F;
	v2 =	vld [tilespmem:s29+$0x1C780];
	s19 =	smul.u32 $0x66666667, s19;
	s23 =	sshrl.u32 s9, $0x1F;
	v5 =	vsel vm5, s13, v5;
	[tilespmem:s24+$0x1CC00] =	vst v8;
	v8 =	vmov s12;
	(v2sf) =	vpush v61, $0x7  }
0x546: {  	s20 =	sshrl.u32 s2, $0x1F;
	s2 =	sshra.s32 s2, $0x5;
	s25 =	smulhi.u32 $0x66666667, s10;
	v6 =	vsel vm11, s23, v6;
	v8 =	vnsel vm0, $0x0, v8;
	(v2sf) =	vpush v61, $0x0  }
.Ltmp38:
0x547: {  	s15 =	sshrl.u32 s18, $0x1F;
	v9 =	vsel vm4, s26, v5;
	v8 =	vsel vm11, s14, v8;
	s31 =	spop (v2sf);
	(v2sf) =	vpush v61, $0x1;
	(pc) =	sbr.rel @p1 .LBB2_59-.Ltmp38, $4  }
0x548: {  	s1 =	sadd.s32 s1, s4;
	s21 =	sshra.s32 s9, $0x5;
	s13 =	smov.u32 s8;
	v9 =	vsel vm3, s11, v9;
	v5 =	vsel vm4, s22, v8;
	(v2sf) =	vpush v61, $0x2  }
0x549: {  	s26 =	sshra.s32 s7, $0x5;
	s19 =	sadd.s32 s19, s25;
	s11 =	sshra.s32 s18, $0x5;
	v8 =	vsel vm11, s21, v7;
	v7 =	vsel vm4, s20, v6;
	(v2sf) =	vpush v61, $0x3  }
0x54a: {  	s22 =	smulhi.u32 $0x66666667, s31;
	s30 =	sshra.s32 s31, $0x1F;
	v6 =	vsel vm4, s2, v8;
	v8 =	vsel vm6, s26, v9;
	s31 =	sshra.s32 s7, $0x1F;
	(v2sf) =	vpush v61, $0x4  }
0x54b: {  	v4 =	vsel vm11, s0, v4;
	s14 =	sshra.s32 s1, $0x5;
	s26 =	sshrl.u32 s1, $0x1F;
	s10 =	smul.u32 $0x66666667, s30;
	v8 =	vsel vm8, s31, v8;
	(v2sf) =	vpush v61, $0xC  }
0x54c: {  	_ =	sdelay $0x3  }
0x54d: {  	(v2sf) =	vpush v61, $0x8;
	_ =	sdelay $0x1  }
0x54e: {  	s0 =	spop (v2sf)  }
0x54f: {  	s1 =	sshra.s32 s0, $0x1F;
	s0 =	smulhi.u32 $0x66666667, s0  }
0x550: {  	s1 =	smul.u32 $0x66666667, s1;
	s2 =	spop (v2sf)  }
0x551: {  	s4 =	smulhi.u32 $0x66666667, s2;
	s2 =	sshra.s32 s2, $0x1F;
	s5 =	spop (v2sf)  }
0x552: {  	s8 =	spop (v2sf);
	s2 =	smul.u32 $0x66666667, s2  }
0x553: {  	(v2sf) =	vpush v61, $0xD;
	s9 =	spop (v2sf);
	s12 =	smulhi.u32 $0x66666667, s8  }
0x554: {  	(v2sf) =	vpush v61, $0xE;
	s8 =	sshra.s32 s8, $0x1F;
	s13 =	smulhi.u32 $0x66666667, s9  }
0x555: {  	(v2sf) =	vpush v61, $0x9;
	s16 =	spop (v2sf);
	s9 =	sshra.s32 s9, $0x1F;
	s18 =	smul.u32 $0x66666667, s8  }
0x556: {  	(v2sf) =	vpush v61, $0xF;
	s17 =	spop (v2sf);
	s9 =	smul.u32 $0x66666667, s9  }
0x557: {  	s1 =	sadd.s32 s1, s0;
	s30 =	sshra.s32 s17, $0x1F;
	s0 =	smulhi.u32 $0x66666667, s17  }
0x558: {  	s20 =	spop (v2sf);
	s21 =	smul.u32 $0x66666667, s30  }
0x559: {  	(v2sf) =	vpush v61, $0xB;
	s23 =	sshra.s32 s20, $0x1F;
	s20 =	smulhi.u32 $0x66666667, s20  }
0x55a: {  	s30 =	sadd.s32 s10, s22;
	s10 =	smulhi.u32 $0x66666667, s16  }
0x55b: {  	s31 =	spop (v2sf);
	s22 =	sadd.s32 s2, s4;
	s4 =	smulhi.u32 $0x66666667, s5  }
0x55c: {  	s24 =	smulhi.u32 $0x66666667, s31  }
0x55d: {  	s5 =	sshra.s32 s5, $0x1F;
	s9 =	sadd.s32 s9, s13;
	s23 =	smul.u32 $0x66666667, s23  }
0x55e: {  	s8 =	sshra.s32 s31, $0x1F;
	[dreg:$0x1a] =	wrdreg s22;
	s5 =	smul.u32 $0x66666667, s5  }
0x55f: {  	s31 =	sshra.s32 s16, $0x1F;
	s22 =	sadd.s32 s18, s12;
	s25 =	smul.u32 $0x66666667, s8  }
0x560: {  	s2 =	smul.u32 $0x66666667, s31;
	s0 =	sadd.s32 s21, s0;
	s20 =	sadd.s32 s23, s20  }
0x561: {  	[dreg:$0x18] =	wrdreg s0;
	s4 =	sadd.s32 s5, s4;
	s5 =	sshrl.u32 s19, $0x1F  }
0x562: {  	s0 =	sshra.s32 s1, $0x5;
	s21 =	sadd.s32 s25, s24;
	s16 =	spop (v2sf)  }
0x563: {  	s24 =	sshra.s32 s6, $0x1F;
	s25 =	sshrl.u32 s6, $0x1F;
	s17 =	spop (v2sf)  }
0x564: {  	v7 =	vsel vm6, s15, v7;
	v4 =	vsel vm4, s5, v4;
	s5 =	sshra.s32 s20, $0x5;
	s15 =	smulhi.u32 $0x66666667, s16;
	s8 =	spop (v2sf)  }
0x565: {  	v4 =	vsel vm6, s26, v4;
	s26 =	sshrl.u32 s22, $0x1F;
	s13 =	spop (v2sf);
	s31 =	smulhi.u32 $0x66666667, s8  }
0x566: {  	s12 =	sshra.s32 s8, $0x1F;
	s23 =	smulhi.u32 $0x66666667, s13;
	s18 =	sshra.s32 s13, $0x1F  }
0x567: {  	s12 =	smul.u32 $0x66666667, s12;
	s13 =	sadd.s32 s2, s10;
	s2 =	sshra.s32 s16, $0x1F  }
0x568: {  	s16 =	spop (v2sf);
	s8 =	smul.u32 $0x66666667, s18;
	s18 =	sshra.s32 s19, $0x5  }
0x569: {  	s19 =	sshra.s32 s6, $0x5;
	s6 =	sshra.s32 s30, $0x5;
	s2 =	smul.u32 $0x66666667, s2  }
0x56a: {  	(v2sf) =	vpush v61, $0xA;
	s10 =	sadd.s32 s12, s31;
	s31 =	sshra.s32 s28, $0x5;
	s28 =	sshrl.u32 s28, $0x1F  }
0x56b: {  	(v2sf) =	vpush v61, $0x5;
	v8 =	vsel vm12, s19, v8;
	s19 =	sshrl.u32 s9, $0x1F;
	v3 =	vsel vm4, s18, v3;
	s18 =	sshra.s32 s21, $0x5;
	s12 =	sadd.s32 s8, s23  }
0x56c: {  	v2 =	vsub.f32 $0.0e+00, v2;
	s23 =	sshrl.u32 s7, $0x1F;
	s7 =	sshrl.u32 s30, $0x1F;
	s8 =	sshra.s32 s1, $0x1F  }
0x56d: {  	(v2sf) =	vpush v61, $0x6;
	s1 =	sshrl.u32 s1, $0x1F;
	v8 =	vsel vm10, s24, v8;
	s24 =	sshrl.u32 s20, $0x1F;
	s20 =	smulhi.u32 $0x66666667, s16  }
0x56e: {  	v6 =	vsel vm6, s11, v6;
	v2 =	vmul.f32 $1.442695020e+00, v2;
	s16 =	sshra.s32 s16, $0x1F;
	[dreg:$0x19] =	wrdreg s12;
	s12 =	sshra.s32 s30, $0x1F  }
0x56f: {  	vm14 =	vmmov vm5;
	vm5 =	vcmask $0x704;
	s30 =	sshra.s32 s9, $0x5;
	s9 =	sshra.s32 s9, $0x1F;
	v5 =	vsel vm6, s23, v5;
	s23 =	sshra.s32 s17, $0x1F  }
0x570: {  	(erf) = vpow2.f32 v2;
	v8 =	vsel vm13, s6, v8;
	v5 =	vsel vm12, s25, v5;
	s6 =	smul.u32 $0x66666667, s23;
	s23 =	sshrl.u32 s21, $0x1F;
	s21 =	rddreg [dreg:$0x1a]  }
0x571: {  	v9 =	vmov s24;
	s24 =	sadd.s32 s2, s15;
	v8 =	vsel vm2, s12, v8;
	s15 =	rddreg [dreg:$0x19];
	v5 =	vsel vm13, s7, v5;
	s7 =	smul.u32 $0x66666667, s16  }
0x572: {  	v12 =	vmov s5;
	v8 =	vsel vm15, s0, v8;
	s25 =	sshra.s32 s21, $0x1F;
	v10 =	vmov s23;
	s16 =	sshra.s32 s4, $0x1F;
	s23 =	smulhi.u32 $0x66666667, s17  }
0x573: {  	v4 =	vcombine.low v4, v7;
	v3 =	vsel vm6, s14, v3;
	s12 =	sshrl.u32 s15, $0x1F;
	s17 =	sshra.s32 s24, $0x5;
	s0 =	sshrl.u32 s24, $0x1F;
	v8 =	vsel vm9, s8, v8  }
0x574: {  	v3 =	vcombine.low v3, v6;
	s24 =	sshra.s32 s13, $0x5;
	v11 =	vmov s25;
	v8 =	vsel vm7, s31, v8;
	s31 =	sshra.s32 s4, $0x5;
	s4 =	sshrl.u32 s4, $0x1F  }
0x575: {  	v5 =	vsel vm15, s1, v5;
	s1 =	sshra.s32 s22, $0x1F;
	s8 =	sshra.s32 s22, $0x5;
	s25 =	sshra.s32 s10, $0x5;
	v11 =	vsel vm0, s31, v11;
	v14 =	vmov s4  }
0x576: {  	s10 =	sshrl.u32 s10, $0x1F;
	v5 =	vsel vm7, s28, v5;
	s28 =	sadd.s32 s6, s23;
	s7 =	sadd.s32 s7, s20;
	v11 =	vsel vm5, s16, v11;
	v14 =	vnsel vm0, $0x0, v14  }
0x577: {  	v10 =	vsel vm11, s10, v10;
	s10 =	sshrl.u32 s13, $0x1F;
	s22 =	sshra.s32 s28, $0x5;
	s16 =	sshrl.u32 s28, $0x1F;
	v11 =	vsel vm11, s8, v11;
	v14 =	vsel vm11, s26, v14  }
0x578: {  	v4 =	vperm.xlane v4, v0;
	s26 =	sshra.s32 s13, $0x1F;
	s8 =	rddreg [dreg:$0x18];
	v11 =	vsel vm14, s1, v11;
	v14 =	vsel vm4, s19, v14;
	s19 =	sshra.s32 s7, $0x5  }
0x579: {  	v13 =	vmov s18;
	v3 =	vperm.xlane v3, v0;
	s13 =	sshrl.u32 s8, $0x1F;
	s14 =	spop (v2sf);
	v11 =	vsel vm4, s30, v11;
	s30 =	sshrl.u32 s7, $0x1F  }
0x57a: {  	v12 =	vsel vm11, s17, v12;
	v9 =	vsel vm11, s0, v9;
	v5 =	vperm.xlane v5, v59;
	s11 =	sshra.s32 s14, $0x1F;
	s31 =	spop (v2sf);
	s18 =	smulhi.u32 $0x66666667, s14  }
0x57b: {  	v13 =	vsel vm11, s25, v13;
	v8 =	vperm.xlane v8, v59;
	v11 =	vsel vm3, s9, v11;
	s9 =	sshra.s32 s8, $0x5;
	s14 =	sshra.s32 s15, $0x5;
	s11 =	smul.u32 $0x66666667, s11  }
0x57c: {  	v36 =	vsel vm4, s22, v12;
	v2 =	vsel vm4, s16, v9;
	v4 =	vsel vm1, v5, v4;
	s20 =	smulhi.u32 $0x66666667, s31;
	s25 =	sshra.s32 s31, $0x1F;
	s31 =	spop (v2sf)  }
0x57d: {  	v3 =	vsel vm1, v8, v3;
	v2 =	vsel vm6, s12, v2;
	v34 =	vsel vm6, s24, v11;
	s1 =	smul.u32 $0x66666667, s25;
	s7 =	sshra.s32 s31, $0x1F;
	s23 =	sadd.s32 s11, s18  }
0x57e: {  	v3 =	vadd.s32 v4, v3;
	v51 =	vsel vm6, s10, v14;
	v9 =	vsel vm8, s26, v34;
	s4 =	smulhi.u32 $0x66666667, s31;
	s11 =	sshra.s32 s8, $0x1F;
	s2 =	sshrl.u32 s23, $0x1F  }
0x57f: {  	v6 =	vsel vm12, s13, v51;
	v9 =	vsel vm12, s9, v9;
	s28 =	sshra.s32 s23, $0x5;
	s1 =	sadd.s32 s1, s20;
	v10 =	vsel vm4, s2, v10;
	s2 =	smul.u32 $0x66666667, s7  }
0x580: {  	v52 =	vsel vm6, s14, v36;
	v9 =	vsel vm10, s11, v9;
	v50 =	vsel vm4, s28, v13;
	s15 =	sshra.s32 s1, $0x5  }
0x581: {  	s17 =	sshrl.u32 s1, $0x1F;
	s1 =	sshra.s32 s1, $0x1F;
	v12 =	vsel vm6, s19, v50;
	v7 =	vsel vm6, s30, v10;
	v9 =	vsel vm13, s15, v9;
	s16 =	sadd.s32 s2, s4  }
0x582: {  	v6 =	vsel vm13, s17, v6;
	v9 =	vsel vm2, s1, v9;
	v2 =	vcombine.low v7, v2;
	s18 =	sshra.s32 s16, $0x5;
	s19 =	sshrl.u32 s16, $0x1F  }
0x583: {  	s20 =	sshrl.u32 s21, $0x1F;
	v53 =	vcombine.low v12, v52;
	s0 =	sshra.s32 s16, $0x1F;
	v5 =	vsel vm15, s18, v9;
	v6 =	vsel vm15, s19, v6  }
0x584: {  	s21 =	sshra.s32 s21, $0x5;
	v7 =	vpop (erf);
	v2 =	vperm.xlane v2, v0;
	v5 =	vsel vm9, s0, v5;
	v6 =	vsel vm7, s20, v6  }
0x585: {  	v7 =	vadd.f32 $1.000000000e+00, v7;
	v5 =	vsel vm7, s21, v5;
	v6 =	vperm.xlane v6, v59  }
0x586: {  	v55 =	vmul.u32 $0xFFFFFFB0, v3;
	v4 =	vperm.xlane v53, v0;
	v5 =	vperm.xlane v5, v59  }
0x587: {  	(erf) = vrcp.f32 v7;
	v7 =	vsub.s32 $0x0, v63;
	v2 =	vsel vm1, v6, v2  }
0x588: {  	vm3 =	vne.s32 v55, v7;
	v4 =	vsel vm1, v5, v4;
	vm1 =	vlt.s32 v63, $0x1  }
0x589: {  	v2 =	vadd.s32 v2, v4;
	vm1 =	vmand vm1, vm3  }
0x58a: {  	v4 =	vmul.u32 $0xFFFFFFB0, v2;
	v5 =	vsel vm1, $0xFFFFFFFF, v60  }
0x58b: {  	v6 =	vsub.s32 $0x0, v61;
	v3 =	vadd.s32 v5, v3  }
0x58c: {  	vm1 =	vlt.s32 v61, $0x1;
	vm3 =	vne.s32 v4, v6;
	v4 =	vmul.u32 $0xFFFFFFB0, v3  }
0x58d: {  	s22 =	rddreg [dreg:$0x7];
	v3 =	vadd.s32 v35, v3;
	vm1 =	vmand vm1, vm3  }
0x58e: {  	[tilespmem:s22+$0x1CD80] =	vst v3;
	v5 =	vsel vm1, $0xFFFFFFFF, v60;
	v3 =	vadd.s32 v63, v4  }
0x58f: {  	v2 =	vadd.s32 v5, v2  }
0x590: {  	[tilespmem:s22+$0x1CA80] =	vst v3;
	v4 =	vmul.u32 $0xFFFFFFB0, v2;
	v2 =	vadd.s32 v35, v2  }
0x591: {  	v3 =	vpop (erf);
	[tilespmem:s29+$0x1CD80] =	vst v2  }
0x592: {  	s24 =	simm.s32 $0x180;
	s14 =	simm.s32 $0x1;
	[tilespmem:s29+$0x1CC00] =	vst v3;
	v2 =	vadd.s32 v61, v4  }
0x593: {  	s25 =	simm.s32 $0x1CD80;
	s23 =	rddreg [dreg:$0x0];
	s1 =	simm.s32 $0x1CF00;
	[tilespmem:s29+$0x1CA80] =	vst v2  }
0x594: {  	[tilespmem:s1], [sflag:$0x1] =	stream.indirect.gather [hbm4b:s23+s24], $0x1, s25, s24, $0xb8;
	[tilespmem:$0x1F380] =	vst v63  }
0x595: {  	_ =	swait.ge [sflag:s14], $0x180  }
0x596: {  	[sflag:s14] =	ssyncset.done $0x0  }
0x597: {  	s6 =	simm.s32 $0x1D080;
	s26 =	rddreg [dreg:$0xb];
	[sflag:s14] =	ssyncadd.s32 $0xFFFFFE80  }
0x598: {  	[tilespmem:s6], [sflag:$0x1] =	stream.indirect.gather [hbm4b:s26+s24], $0x1, s25, s24, $0xb8;
	[tilespmem:$0x1F380] =	vst v63  }
0x599: {  	_ =	swait.ge [sflag:s14], $0x180  }
0x59a: {  	[sflag:s14] =	ssyncset.done $0x0  }
0x59b: {  	s7 =	simm.s32 $0x1D200;
	s28 =	rddreg [dreg:$0xc];
	[sflag:s14] =	ssyncadd.s32 $0xFFFFFE80  }
0x59c: {  	[tilespmem:s7], [sflag:$0x1] =	stream.indirect.gather [hbm4b:s28+s24], $0x1, s25, s24, $0xb8;
	[tilespmem:$0x1F380] =	vst v63  }
0x59d: {  	_ =	swait.ge [sflag:s14], $0x180  }
0x59e: {  	[sflag:s14] =	ssyncset.done $0x0  }
0x59f: {  	s29 =	simm.s32 $0x1D380;
	s30 =	rddreg [dreg:$0xd];
	[sflag:s14] =	ssyncadd.s32 $0xFFFFFE80  }
0x5a0: {  	[tilespmem:s29], [sflag:$0x1] =	stream.indirect.gather [hbm4b:s30+s24], $0x1, s25, s24, $0xb8;
	[tilespmem:$0x1F380] =	vst v63  }
0x5a1: {  	_ =	swait.ge [sflag:s14], $0x180  }
0x5a2: {  	[sflag:s14] =	ssyncset.done $0x0  }
0x5a3: {  	[sflag:s14] =	ssyncadd.s32 $0xFFFFFE80  }
0x5a4: {  	v3 =	vld [tilespmem:s7+$0x0]  }
0x5a5: {  	v4 =	vld [tilespmem:s29+$0x0]  }
0x5a6: {  	v5 =	vld [tilespmem:s1+$0x0]  }
0x5a7: {  	s31 =	simm.s32 $0x0;
	v6 =	vld [tilespmem:s6+$0x0]  }
0x5a8: {  	v7 =	vmov s31;
	v2 =	vmul.u32 $0x4, v54  }
0x5a9: {  	v7 =	vshll.u32 v7, $0x2;
	v3 =	vmul.f32 $6.400000000e+02, v3  }
0x5aa: {  	v7 =	vor.u32 v2, v7;
	v4 =	vmul.f32 $6.400000000e+02, v4  }
0x5ab: {  	v56 =	vor.u32 $0x1, v7;
	v5 =	vmul.f32 $6.400000000e+02, v5;
	v3 =	vmul.f32 $5.000000000e-01, v3  }
0x5ac: {  	v59 =	vor.u32 $0x2, v7;
	v6 =	vmul.f32 $6.400000000e+02, v6;
	v4 =	vmul.f32 $5.000000000e-01, v4  }
0x5ad: {  	v61 =	vsub.f32 v5, v3;
	v5 =	vadd.f32 v3, v5;
	v3 =	vor.u32 $0x3, v7  }
0x5ae: {  	s2 =	simm.s32 $0x1D500;
	v63 =	vsub.f32 v6, v4  }
0x5af: {  	[tilespmem:v7+s2+$0x0] =	vst.idx.msk $0xffff, v61  }
0x5b0: {  	v4 =	vadd.f32 v4, v6;
	[tilespmem:v56+s2+$0x0] =	vst.idx.msk $0xffff, v63  }
0x5b1: {  	vm14 =	vmmov vm11;
	s8 =	simm.s32 $0x1D390;
	s4 =	simm.s32 $0x10;
	[tilespmem:v59+s2+$0x0] =	vst.idx.msk $0xffff, v5  }
.LBB2_61:
0x5b2: {  	[tilespmem:v3+s2+$0x0] =	vst.idx.msk $0xffff, v4;
	s1 =	sadd.s32 $0x10, s1;
	s6 =	sadd.s32 $0x10, s6;
	s7 =	sadd.s32 $0x10, s7  }
0x5b3: {  	p1 =	sne.s32 s4, $0x170;
	s0 =	smov.u32 s4;
	s4 =	sadd.s32 $0x10, s4;
	v3 =	vld [tilespmem:s7+$0x0]  }
0x5b4: {  	v4 =	vld [tilespmem:s8+$0x0]  }
0x5b5: {  	v5 =	vld [tilespmem:s1+$0x0]  }
0x5b6: {  	v6 =	vld [tilespmem:s6+$0x0]  }
0x5b7: {  	v7 =	vmov s0  }
0x5b8: {  	v7 =	vshll.u32 v7, $0x2;
	v3 =	vmul.f32 $6.400000000e+02, v3  }
0x5b9: {  	v7 =	vor.u32 v2, v7;
	v4 =	vmul.f32 $6.400000000e+02, v4  }
0x5ba: {  	v8 =	vor.u32 $0x1, v7;
	v5 =	vmul.f32 $6.400000000e+02, v5;
	v3 =	vmul.f32 $5.000000000e-01, v3  }
0x5bb: {  	v9 =	vor.u32 $0x2, v7;
	v6 =	vmul.f32 $6.400000000e+02, v6;
	v4 =	vmul.f32 $5.000000000e-01, v4  }
.Ltmp39:
0x5bc: {  	v10 =	vsub.f32 v5, v3;
	v5 =	vadd.f32 v3, v5;
	v3 =	vor.u32 $0x3, v7;
	(pc) =	sbr.rel @p1 .LBB2_61-.Ltmp39, $4  }
0x5bd: {  	v11 =	vsub.f32 v6, v4  }
0x5be: {  	[tilespmem:v7+s2+$0x0] =	vst.idx.msk $0xffff, v10  }
0x5bf: {  	v4 =	vadd.f32 v4, v6;
	[tilespmem:v8+s2+$0x0] =	vst.idx.msk $0xffff, v11  }
0x5c0: {  	s8 =	sadd.s32 $0x10, s8;
	[tilespmem:v9+s2+$0x0] =	vst.idx.msk $0xffff, v5  }
0x5c1: {  	_ =	sdelay $0x2  }
0x5c2: {  	s0 =	rddreg [dreg:$0x12];
	s13 =	simm.s32 $0x80  }
0x5c3: {  	[tilespmem:v3+s2+$0x0] =	vst.idx.msk $0xffff, v4;
	s1 =	simm.s32 $0x400;
	s4 =	simm.s32 $0x1CA80;
	s11 =	simm.s32 $0x2  }
0x5c4: {  	[hbm4b:s0+s13] =	stream.strided.scatter [tilespmem:s4], [sflag:$0x2], $0x180, s1, s13, $0x38;
	[tilespmem:$0x1F380] =	vst v63  }
0x5c5: {  	_ =	swait.ge [sflag:s11], $0x180  }
0x5c6: {  	[sflag:s11] =	ssyncset.done $0x0  }
0x5c7: {  	s29 =	rddreg [dreg:$0x13];
	[sflag:s11] =	ssyncadd.s32 $0xFFFFFE80  }
0x5c8: {  	[hbm4b:s29+s13] =	stream.strided.scatter [tilespmem:s2], [sflag:$0x2], $0x600, s1, s13, $0x38;
	[tilespmem:$0x1F380] =	vst v63  }
0x5c9: {  	_ =	swait.ge [sflag:s11], $0x600  }
0x5ca: {  	[sflag:s11] =	ssyncset.done $0x0  }
0x5cb: {  	s31 =	simm.s32 $0x1CC00;
	s30 =	rddreg [dreg:$0x14];
	[sflag:s11] =	ssyncadd.s32 $0xFFFFFA00  }
0x5cc: {  	[hbm4b:s30+s13] =	stream.strided.scatter [tilespmem:s31], [sflag:$0x2], $0x180, s1, s13, $0x38;
	[tilespmem:$0x1F380] =	vst v63  }
0x5cd: {  	_ =	swait.ge [sflag:s11], $0x180  }
0x5ce: {  	s17 =	rddreg [dreg:$0xa];
	v0 =	vld [tilespmem:$0x1FFF0]  }
.Ltmp40:
0x5cf: {  	v61 =	vld [tilespmem:$0x1FE20];
	s9 =	rddreg [dreg:$0xe];
	(pc) =	sbr.rel .LBB2_63-.Ltmp40, $4  }
0x5d0: {  	v59 =	vld [tilespmem:$0x1FE10];
	s18 =	rddreg [dreg:$0xf]  }
0x5d1: {  	s12 =	simm.s32 $0x5880;
	s20 =	simm.s32 $0x1C780;
	s5 =	rddreg [dreg:$0x11]  }
0x5d2: {  	s21 =	simm.s32 $0x1C900;
	vm0 =	vcmask $0x300;
	[sflag:s11] =	ssyncset.done $0x0;
	s2 =	rddreg [dreg:$0x15]  }
0x5d3: {  	vm11 =	vmmov vm14;
	vm8 =	vmxor vm8, vm8;
	s0 =	simm.s32 $0x4000;
	v63 =	vld [tilespmem:$0x1FE40];
	s22 =	rddreg [dreg:$0x17];
	[sflag:s11] =	ssyncadd.s32 $0xFFFFFE80;
	vm1 =	vnez.u8 v0  }
.LBB2_34:
.Ltmp41:
0x5d4: {  	(pc) =	sbr.rel .LBB2_37-.Ltmp41, $2  }
0x5d5: {  	_ =	sdelay $0x2  }
0x5d6: {  	_ = 	snop  }
.LBB2_47:
.Ltmp42:
0x5d7: {  	(pc) =	sbr.rel .LBB2_51-.Ltmp42, $2  }
0x5d8: {  	_ =	sdelay $0x2  }
0x5d9: {  	s8 =	simm.s32 $0x0  }
.LBB2_49:
.Ltmp43:
0x5da: {  	(pc) =	sbr.rel .LBB2_51-.Ltmp43, $2  }
0x5db: {  	_ =	sdelay $0x2  }
0x5dc: {  	s8 =	simm.s32 $0x0  }
.LBB2_64:
0x5dd: {  	_ =	sfence.sel $0x180000  }
0x5de: {  	[bflag:$0x0] =	sbarrier.arrive $0xFFFF  }
0x5df: {  	_ =	strace $0x90000047  }
0x5e0: {  	s0 =	stileid.u32;
	[bflag:$0x2] =	sbarrier.arrive $0xFFFF  }
0x5e1: {  	p0 =	sne.s32 s0, $0x0;
	s0 =	rddreg [dreg:$0x5]  }
0x5e2: {  	s0 =	sadd.s32 @!p0 $0x100000, s0  }
0x5e3: {  	[sflag:s0] =	ssyncadd.tile.s32 @!p0 $0x1;
	_ =	shalt  }
.Lfunc_end2:
_tile_overlayer_lowered:
.L_overlay_start_2:
0x5e4: {  	(tag) =	ssettag $0x2  }
0x5e5: {  	s0 =	rddreg [dreg:$0x0];
	s2 =	stileid.u32  }
0x5e6: {  	s1 =	rddreg [dreg:$0x1];
	p0 =	sne.s32 s2, $0x0  }
0x5e7: {  	s3 =	rddreg [dreg:$0x2];
	[bflag:$0x3] =	sbarrier.arrive $0xFFFF;
	s2 =	simm.s32 @!p0 $0x1C02  }
0x5e8: {  	[timem:s3], [sflag:s2] =	dma.local @!p0 [hbm:s0], s1  }
0x5e9: {  	s0 =	simm.s32 @!p0 $0x2  }
0x5ea: {  	_ =	swait.ge @!p0 [sflag:s0], s1  }
0x5eb: {  	s1 =	ssub.s32 @!p0 $0x0, s1;
	[sflag:s0] =	ssyncset.done @!p0 $0x0  }
0x5ec: {  	[sflag:s0] =	ssyncadd.s32 @!p0 s1  }
0x5ed: {  	[bflag:$0x3] =	sbarrier.arrive $0xFFFF  }
0x5ee: {  	_ =	shalt  }

</sc_bundles>
